<compile_context>
chip_gen: v7x
topology: tpu7x:2x2x1
jax: 0.10.2.dev20260603
libtpu: 0.0.44.dev20260713+nightly
codegen_flags: <defaults>
</compile_context>

<pallas_src>
import jax
import jax.numpy as jnp
from jax import lax
from jax.experimental import pallas as pl
from jax.experimental.pallas import tpu as pltpu
from jax.experimental.pallas import tpu_sc as plsc

N = 10000
E = 320000
P = 100000
D_IN = 128
D_H = 128
D_OUT = 64

NC = 2
NS = 16
NW = NC * NS

NP = 10240
ROWS_PER_SUB = NP // NS
ZFILL = 40

NCH_E = 100
CE = 100

PP = 102400
NCH_D = 80
CD = 80

_HIGH = lax.Precision.HIGHEST

_sc_mesh = plsc.VectorSubcoreMesh(
    core_axis_name="c", subcore_axis_name="s", num_cores=NC, num_subcores=NS
)


def _dot(a, b):
    return lax.dot_general(a, b, (((1,), (0,)), ((), ())), precision=_HIGH)



def _mm_body(x_ref, w_ref, o_ref):
    o_ref[...] = _dot(x_ref[...], w_ref[...])


def _matmul(x, w, block_rows=2000):
    n, k = x.shape
    m = w.shape[1]
    return pl.pallas_call(
        _mm_body,
        grid=(n // block_rows,),
        in_specs=[
            pl.BlockSpec((block_rows, k), lambda i: (i, 0)),
            pl.BlockSpec((k, m), lambda i: (0, 0)),
        ],
        out_specs=pl.BlockSpec((block_rows, m), lambda i: (i, 0)),
        out_shape=jax.ShapeDtypeStruct((n, m), x.dtype),
    )(x, w)


def _l1_post_body(s1p_ref, cntp_ref, xr_ref, bl1_ref, h_ref, invc_ref):
    s = s1p_ref[0] + s1p_ref[1]
    cnt = cntp_ref[0, :, 0:1] + cntp_ref[1, :, 0:1]
    inv = 1.0 / jnp.maximum(cnt, 1.0)
    h_ref[...] = jnp.maximum(s * inv + bl1_ref[...] + xr_ref[...], 0.0)
    invc_ref[...] = jnp.broadcast_to(inv, invc_ref.shape)


def _l1_post(s1p, cntp, xr, bl1, block_rows=2000):
    return pl.pallas_call(
        _l1_post_body,
        grid=(N // block_rows,),
        in_specs=[
            pl.BlockSpec((2, block_rows, D_H), lambda i: (0, i, 0)),
            pl.BlockSpec((2, block_rows, D_H), lambda i: (0, i, 0)),
            pl.BlockSpec((block_rows, D_H), lambda i: (i, 0)),
            pl.BlockSpec((1, D_H), lambda i: (0, 0)),
        ],
        out_specs=[
            pl.BlockSpec((block_rows, D_H), lambda i: (i, 0)),
            pl.BlockSpec((block_rows, 16), lambda i: (i, 0)),
        ],
        out_shape=[
            jax.ShapeDtypeStruct((N, D_H), jnp.float32),
            jax.ShapeDtypeStruct((N, 16), jnp.float32),
        ],
    )(s1p, cntp, xr, bl1)


def _l2_post_body(s2p_ref, invc_ref, h_ref, wl2_ref, wr2_ref, bl2_ref, z_ref):
    mean = (s2p_ref[0] + s2p_ref[1]) * invc_ref[:, 0:1]
    z64 = _dot(mean, wl2_ref[...]) + bl2_ref[...] + _dot(
        h_ref[...], wr2_ref[...])
    z_ref[...] = jnp.concatenate(
        [z64, jnp.zeros_like(z64)], axis=1)


def _l2_post(s2p, invc, h, wl2, wr2, bl2, block_rows=2000):
    return pl.pallas_call(
        _l2_post_body,
        grid=(N // block_rows,),
        in_specs=[
            pl.BlockSpec((2, block_rows, D_H), lambda i: (0, i, 0)),
            pl.BlockSpec((block_rows, 16), lambda i: (i, 0)),
            pl.BlockSpec((block_rows, D_H), lambda i: (i, 0)),
            pl.BlockSpec((D_H, D_OUT), lambda i: (0, 0)),
            pl.BlockSpec((D_H, D_OUT), lambda i: (0, 0)),
            pl.BlockSpec((1, D_OUT), lambda i: (0, 0)),
        ],
        out_specs=pl.BlockSpec((block_rows, D_H), lambda i: (i, 0)),
        out_shape=jax.ShapeDtypeStruct((N, D_H), jnp.float32),
    )(s2p, invc, h, wl2, wr2, bl2)


def _rowdot_body(a_ref, b_ref, o_ref):
    o_ref[...] = jnp.sum(a_ref[...] * b_ref[...], axis=1, keepdims=True)


def _rowdot(a, b, block_rows=2048):
    n = a.shape[0]
    return pl.pallas_call(
        _rowdot_body,
        grid=(n // block_rows,),
        in_specs=[
            pl.BlockSpec((block_rows, D_H), lambda i: (i, 0)),
            pl.BlockSpec((block_rows, D_H), lambda i: (i, 0)),
        ],
        out_specs=pl.BlockSpec((block_rows, 1), lambda i: (i, 0)),
        out_shape=jax.ShapeDtypeStruct((n, 1), jnp.float32),
    )(a, b)



def _zero_vmem(ref, rows, width):
    zero = jnp.zeros((16,), jnp.float32)

    @pl.loop(0, rows)
    def _(r):
        @pl.loop(0, width, step=16)
        def _(c):
            ref[r, pl.ds(c, 16)] = zero


def _one_vmem(ref, rows, width):
    one = jnp.ones((16,), jnp.float32)

    @pl.loop(0, rows)
    def _(r):
        @pl.loop(0, width, step=16)
        def _(c):
            ref[r, pl.ds(c, 16)] = one


def _fill_stripe(acc, zbuf):
    sid = lax.axis_index("s")
    base = sid * ROWS_PER_SUB
    for k in range(ROWS_PER_SUB // ZFILL):
        pltpu.sync_copy(zbuf.at[pl.ds(0, ZFILL)],
                        acc.at[pl.ds(base + k * ZFILL, ZFILL)])


def _stage_table(tab_h, tab_sh):
    sid = lax.axis_index("s")

    @pl.when(sid < NS - 1)
    def _():
        sl = pl.ds(sid * ROWS_PER_SUB, ROWS_PER_SUB)
        pltpu.sync_copy(tab_h.at[sl], tab_sh.at[sl])

    @pl.when(sid == NS - 1)
    def _():
        last = (NS - 1) * ROWS_PER_SUB
        sl = pl.ds(last, N - last)
        pltpu.sync_copy(tab_h.at[sl], tab_sh.at[sl])



def _segsum128_body(table_h, edges_h, out_h, acc, src2, dst2, rows0, rows1,
                    sem0, sem1):
    src_h = edges_h.at[0]
    dst_h = edges_h.at[1]
    cid = lax.axis_index("c")
    sid = lax.axis_index("s")
    wid = cid * NS + sid

    _zero_vmem(rows0, ZFILL, D_H)
    _fill_stripe(acc, rows0)
    plsc.subcore_barrier()

    @pl.loop(0, NCH_E // 2)
    def _(j):
        pltpu.sync_copy(src_h.at[wid].at[j], src2)
        pltpu.sync_copy(dst_h.at[wid].at[j], dst2)
        g0 = pltpu.async_copy(table_h.at[src2.at[0]], rows0, sem0)
        g1 = pltpu.async_copy(table_h.at[src2.at[1]], rows1, sem1)
        g0.wait()
        pltpu.sync_copy(rows0, acc.at[dst2.at[0]], add=True)
        g1.wait()
        pltpu.sync_copy(rows1, acc.at[dst2.at[1]], add=True)

    plsc.subcore_barrier()
    stripe = pl.ds(sid * ROWS_PER_SUB, ROWS_PER_SUB)
    pltpu.sync_copy(acc.at[stripe], out_h.at[cid].at[stripe])


_segsum128 = pl.kernel(
    _segsum128_body,
    out_type=jax.ShapeDtypeStruct((NC, NP, D_H), jnp.float32),
    mesh=_sc_mesh,
    scratch_types=[
        pltpu.VMEM_SHARED((NP, D_H), jnp.float32),
        pltpu.VMEM((2, CE), jnp.int32),
        pltpu.VMEM((2, CE), jnp.int32),
        pltpu.VMEM((CE, D_H), jnp.float32),
        pltpu.VMEM((CE, D_H), jnp.float32),
        pltpu.SemaphoreType.DMA,
        pltpu.SemaphoreType.DMA,
    ],
)


def _count_body(edges_h, cnt_h, acc, dst2, ones_v):
    dst_h = edges_h.at[1]
    cid = lax.axis_index("c")
    sid = lax.axis_index("s")
    wid = cid * NS + sid

    _zero_vmem(ones_v, ZFILL, D_H)
    _fill_stripe(acc, ones_v)
    _one_vmem(ones_v, CE, D_H)
    plsc.subcore_barrier()

    @pl.loop(0, NCH_E // 2)
    def _(j):
        pltpu.sync_copy(dst_h.at[wid].at[j], dst2)
        pltpu.sync_copy(ones_v, acc.at[dst2.at[0]], add=True)
        pltpu.sync_copy(ones_v, acc.at[dst2.at[1]], add=True)

    plsc.subcore_barrier()
    stripe = pl.ds(sid * ROWS_PER_SUB, ROWS_PER_SUB)
    pltpu.sync_copy(acc.at[stripe], cnt_h.at[cid].at[stripe])


_count_edges = pl.kernel(
    _count_body,
    out_type=jax.ShapeDtypeStruct((NC, NP, D_H), jnp.float32),
    mesh=_sc_mesh,
    scratch_types=[
        pltpu.VMEM_SHARED((NP, D_H), jnp.float32),
        pltpu.VMEM((2, CE), jnp.int32),
        pltpu.VMEM((CE, D_H), jnp.float32),
    ],
)


def _decode_gather_body(z_h, ab_h, zab_h, ai2, bi2, ra0, rb0, ra1, rb1,
                        sa0, sb0, sa1, sb1):
    ai_h = ab_h.at[0]
    bi_h = ab_h.at[1]
    za_h = zab_h.at[0]
    zb_h = zab_h.at[1]
    cid = lax.axis_index("c")
    sid = lax.axis_index("s")
    wid = cid * NS + sid

    @pl.loop(0, NCH_D // 2)
    def _(j):
        pltpu.sync_copy(ai_h.at[wid].at[j], ai2)
        pltpu.sync_copy(bi_h.at[wid].at[j], bi2)
        ga0 = pltpu.async_copy(z_h.at[ai2.at[0]], ra0, sa0)
        gb0 = pltpu.async_copy(z_h.at[bi2.at[0]], rb0, sb0)
        ga1 = pltpu.async_copy(z_h.at[ai2.at[1]], ra1, sa1)
        gb1 = pltpu.async_copy(z_h.at[bi2.at[1]], rb1, sb1)
        ga0.wait()
        gb0.wait()
        out0 = pl.ds(wid * (NCH_D * CD) + j * (2 * CD), CD)
        oa0 = pltpu.async_copy(ra0, za_h.at[out0], sa0)
        ob0 = pltpu.async_copy(rb0, zb_h.at[out0], sb0)
        ga1.wait()
        gb1.wait()
        out1 = pl.ds(wid * (NCH_D * CD) + j * (2 * CD) + CD, CD)
        oa1 = pltpu.async_copy(ra1, za_h.at[out1], sa1)
        ob1 = pltpu.async_copy(rb1, zb_h.at[out1], sb1)
        oa0.wait()
        ob0.wait()
        oa1.wait()
        ob1.wait()


_decode_gather = pl.kernel(
    _decode_gather_body,
    out_type=jax.ShapeDtypeStruct((2, 2 * PP, D_H), jnp.float32),
    mesh=_sc_mesh,
    scratch_types=[
        pltpu.VMEM((2, CD), jnp.int32),
        pltpu.VMEM((2, CD), jnp.int32),
        pltpu.VMEM((CD, D_H), jnp.float32),
        pltpu.VMEM((CD, D_H), jnp.float32),
        pltpu.VMEM((CD, D_H), jnp.float32),
        pltpu.VMEM((CD, D_H), jnp.float32),
        pltpu.SemaphoreType.DMA,
        pltpu.SemaphoreType.DMA,
        pltpu.SemaphoreType.DMA,
        pltpu.SemaphoreType.DMA,
    ],
)



def kernel(x, edge_index, pos_edge_index, neg_edge_index, Wl1, bl1, Wr1, Wl2,
           bl2, Wr2):
    edges = edge_index.reshape(2, NW, NCH_E // 2, 2, CE)

    pad = PP - P
    pe = jnp.pad(pos_edge_index, ((0, 0), (0, pad)))
    ne = jnp.pad(neg_edge_index, ((0, 0), (0, pad)))
    ab = jnp.concatenate([pe, ne], axis=1).reshape(2, NW, NCH_D // 2, 2, CD)

    xW1 = _matmul(x, Wl1)
    cntp = _count_edges(edges)
    s1p = _segsum128(xW1, edges)
    xr1 = _matmul(x, Wr1)
    h, invc = _l1_post(s1p, cntp, xr1, bl1.reshape(1, D_H))
    s2p = _segsum128(h, edges)
    z = _l2_post(s2p, invc, h, Wl2, Wr2, bl2.reshape(1, D_OUT))
    zab = _decode_gather(z, ab)
    dots = _rowdot(zab[0], zab[1])[:, 0]
    pos_scores = dots[:P]
    neg_scores = dots[PP:PP + P]
    return (pos_scores, neg_scores)

# --- scband reference (transcript-rebuilt; emitter-appended) ---
"""Pipeline reference for scband-link-prediction-model-69234872812250 (READ-ONLY COPY).

The authoritative reference and input builder live on the scoring server;
editing this copy changes nothing except your own understanding.
"""

import jax, jax.numpy as jnp
import numpy as np

N = 10000
E = 320000
P = 100000
D_IN = 128
D_H = 128
D_OUT = 64


def setup_inputs(seed: int = 0) -> dict:
    key = jax.random.key(seed)
    ks = jax.random.split(key, 12)
    x = jax.random.normal(ks[0], (N, D_IN), dtype=jnp.float32)
    edge_index = jax.random.randint(ks[1], (2, E), 0, N, dtype=jnp.int32)
    pos_edge_index = jax.random.randint(ks[2], (2, P), 0, N, dtype=jnp.int32)
    neg_edge_index = jax.random.randint(ks[3], (2, P), 0, N, dtype=jnp.int32)
    # SAGEConv layer 1: lin_l (applied to mean-aggregated neighbors, with bias), lin_r (applied to self, no bias)
    Wl1 = jax.random.normal(ks[4], (D_IN, D_H), dtype=jnp.float32) * 0.05
    bl1 = jnp.zeros((D_H,), dtype=jnp.float32)
    Wr1 = jax.random.normal(ks[5], (D_IN, D_H), dtype=jnp.float32) * 0.05
    # SAGEConv layer 2
    Wl2 = jax.random.normal(ks[6], (D_H, D_OUT), dtype=jnp.float32) * 0.05
    bl2 = jnp.zeros((D_OUT,), dtype=jnp.float32)
    Wr2 = jax.random.normal(ks[7], (D_H, D_OUT), dtype=jnp.float32) * 0.05
    return {
        "x": x,
        "edge_index": edge_index,
        "pos_edge_index": pos_edge_index,
        "neg_edge_index": neg_edge_index,
        "Wl1": Wl1, "bl1": bl1, "Wr1": Wr1,
        "Wl2": Wl2, "bl2": bl2, "Wr2": Wr2,
    }


def _sage_conv(x, src, dst, Wl, bl, Wr):
    # mean aggregation of source-node features at destination nodes
    msgs = jnp.take(x, src, axis=0)
    s = jax.ops.segment_sum(msgs, dst, num_segments=N)
    cnt = jax.ops.segment_sum(jnp.ones((src.shape[0], 1), dtype=x.dtype), dst, num_segments=N)
    mean = s / jnp.clip(cnt, 1.0, None)
    return mean @ Wl + bl + x @ Wr


def reference(x, edge_index, pos_edge_index, neg_edge_index, Wl1, bl1, Wr1, Wl2, bl2, Wr2):
    src, dst = edge_index[0], edge_index[1]
    # SAGE encoder (eval mode: dropout is identity)
    h = jax.nn.relu(_sage_conv(x, src, dst, Wl1, bl1, Wr1))
    z = _sage_conv(h, src, dst, Wl2, bl2, Wr2)
    # dot-product link decoder
    pos_scores = jnp.sum(jnp.take(z, pos_edge_index[0], axis=0) * jnp.take(z, pos_edge_index[1], axis=0), axis=1)
    neg_scores = jnp.sum(jnp.take(z, neg_edge_index[0], axis=0) * jnp.take(z, neg_edge_index[1], axis=0), axis=1)
    return (pos_scores, neg_scores)

if __name__ == "__main__":
    import jax
    _d = setup_inputs()
    print(jax.jit(kernel)(*tuple(_d.values())))

</pallas_src>

<mosaic_0001>
#map = affine_map<(d0, d1) -> (0, 0)>
#map1 = affine_map<(d0, d1) -> (0, 0, 0, 0, 0)>
#map2 = affine_map<(d0, d1) -> (0, 0, 0)>
module attributes {stable_mosaic.version = 14 : i64} {
  func.func @_segsum128_body(%arg0: i32, %arg1: i32, %arg2: memref<10000x128xf32, #tpu.memory_space<hbm>>, %arg3: memref<2x32x50x2x100xi32, #tpu.memory_space<hbm>>, %arg4: memref<2x10240x128xf32, #tpu.memory_space<hbm>>, %arg5: memref<10240x128xf32, #tpu.memory_space<vmem_shared>>, %arg6: memref<2x100xi32, #tpu.memory_space<vmem>>, %arg7: memref<2x100xi32, #tpu.memory_space<vmem>>, %arg8: memref<100x128xf32, #tpu.memory_space<vmem>>, %arg9: memref<100x128xf32, #tpu.memory_space<vmem>>, %arg10: memref<!tpu.dma_semaphore, #tpu.memory_space<semaphore_mem>>, %arg11: memref<!tpu.dma_semaphore, #tpu.memory_space<semaphore_mem>>) attributes {dimension_semantics = [#tpu.dimension_semantics<core_parallel>, #tpu.dimension_semantics<subcore_parallel>], iteration_bounds = array<i64: 2, 16>, scalar_prefetch = 0 : i64, scratch_operands = 7 : i64, tpu.core_type = #tpu.core_type<sc_vector_subcore>, window_params = [{transform_indices = #map}, {transform_indices = #map1}, {transform_indices = #map2}]} {
    %mul3A = arith.constant 16 : i32
    %mul3A_0 = arith.muli %arg0, %mul3A : i32
    %add3A = arith.addi %mul3A_0, %arg1 : i32
    %broadcast_in_dim3A = arith.constant 0.000000e+00 : f32
    %broadcast_in_dim3A_1 = vector.broadcast %broadcast_in_dim3A : f32 to vector<16xf32>
    %scan3A = arith.constant 0 : i32
    %scan3A_2 = arith.constant 40 : i32
    %scan3A_3 = arith.addi %scan3A, %scan3A_2 : i32
    %scan3A_4 = arith.constant 1 : i32
    scf.for %scan3A_50 = %scan3A to %scan3A_3 step %scan3A_4  : i32 {
      %mul3A_51 = arith.constant 1 : i32
      %mul3A_52 = arith.muli %scan3A_50, %mul3A_51 : i32
      %add3A_53 = arith.constant 0 : i32
      %add3A_54 = arith.addi %add3A_53, %mul3A_52 : i32
      %scan3A_55 = arith.constant 0 : i32
      %scan3A_56 = arith.constant 8 : i32
      %scan3A_57 = arith.addi %scan3A_55, %scan3A_56 : i32
      %scan3A_58 = arith.constant 1 : i32
      scf.for %scan3A_60 = %scan3A_55 to %scan3A_57 step %scan3A_58  : i32 {
        %mul3A_61 = arith.constant 16 : i32
        %mul3A_62 = arith.muli %scan3A_60, %mul3A_61 : i32
        %add3A_63 = arith.constant 0 : i32
        %add3A_64 = arith.addi %add3A_63, %mul3A_62 : i32
        %swap3A = arith.index_cast %add3A_54 : i32 to index
        %swap3A_65 = arith.index_cast %add3A_64 : i32 to index
        %swap3A_66 = tpu.vector_load %arg8[%swap3A, %swap3A_65] {strides = array<i32>} : memref<100x128xf32, #tpu.memory_space<vmem>>, vector<1x16xf32>,
        %swap3A_67 = vector.shape_cast %swap3A_66 : vector<1x16xf32> to vector<16xf32>
        %swap3A_68 = vector.shape_cast %broadcast_in_dim3A_1 : vector<16xf32> to vector<1x16xf32>
        tpu.vector_store %arg8[%swap3A, %swap3A_65], %swap3A_68 {strides = array<i32>} : memref<100x128xf32, #tpu.memory_space<vmem>>, vector<1x16xf32>,
      }
      %scan3A_59 = arith.constant 8 : i32
    }
    %scan3A_5 = arith.constant 40 : i32
    %mul3A_6 = arith.constant 640 : i32
    %mul3A_7 = arith.muli %arg1, %mul3A_6 : i32
    %add3A_8 = arith.constant 0 : i32
    %add3A_9 = arith.addi %mul3A_7, %add3A_8 : i32
    "tpu.region"() ({
      %run_scoped3A = tpu.sem_alloc : memref<!tpu.dma_semaphore, #tpu.memory_space<semaphore_mem>>
      %dma_start3A = arith.constant 0 : i32
      %dma_start3A_50 = arith.constant 0 : i32
      %dma_start3A_51 = tpu.memref_slice %arg8[%dma_start3A, %dma_start3A_50] : memref<100x128xf32, #tpu.memory_space<vmem>> -> memref<40x128xf32, #tpu.memory_space<vmem>>
      %dma_start3A_52 = arith.constant 0 : i32
      %dma_start3A_53 = tpu.memref_slice %arg5[%add3A_9, %dma_start3A_52] : memref<10240x128xf32, #tpu.memory_space<vmem_shared>> -> memref<40x128xf32, #tpu.memory_space<vmem_shared>>
      %dma_start3A_54 = arith.constant 0 : i32
      %dma_start3A_55 = tpu.memref_slice %arg5[%add3A_9, %dma_start3A_54] : memref<10240x128xf32, #tpu.memory_space<vmem_shared>> -> memref<40x128xf32, #tpu.memory_space<vmem_shared>>
      %dma_start3A_56 = arith.constant 0 : i32
      %dma_start3A_57 = arith.constant 0 : i32
      %dma_start3A_58 = tpu.memref_slice %arg8[%dma_start3A_56, %dma_start3A_57] : memref<100x128xf32, #tpu.memory_space<vmem>> -> memref<40x128xf32, #tpu.memory_space<vmem>>
      tpu.enqueue_dma source(%dma_start3A_58 : memref<40x128xf32, #tpu.memory_space<vmem>>) target(%dma_start3A_55 : memref<40x128xf32, #tpu.memory_space<vmem_shared>>) target_semaphore(%run_scoped3A : memref<!tpu.dma_semaphore, #tpu.memory_space<semaphore_mem>>)
      %dma_wait3A = arith.constant 0 : i32
      %dma_wait3A_59 = arith.constant 0 : i32
      %dma_wait3A_60 = tpu.memref_slice %arg8[%dma_wait3A, %dma_wait3A_59] : memref<100x128xf32, #tpu.memory_space<vmem>> -> memref<40x128xf32, #tpu.memory_space<vmem>>
      %dma_wait3A_61 = arith.constant 0 : i32
      %dma_wait3A_62 = tpu.memref_slice %arg5[%add3A_9, %dma_wait3A_61] : memref<10240x128xf32, #tpu.memory_space<vmem_shared>> -> memref<40x128xf32, #tpu.memory_space<vmem_shared>>
      %dma_wait3A_63 = arith.constant 0 : i32
      %dma_wait3A_64 = tpu.memref_slice %arg5[%add3A_9, %dma_wait3A_63] : memref<10240x128xf32, #tpu.memory_space<vmem_shared>> -> memref<40x128xf32, #tpu.memory_space<vmem_shared>>
      %dma_wait3A_65 = arith.constant 0 : i32
      %dma_wait3A_66 = arith.constant 0 : i32
      %dma_wait3A_67 = tpu.memref_slice %arg8[%dma_wait3A_65, %dma_wait3A_66] : memref<100x128xf32, #tpu.memory_space<vmem>> -> memref<40x128xf32, #tpu.memory_space<vmem>>
      tpu.wait_dma2 semaphore(%run_scoped3A : memref<!tpu.dma_semaphore, #tpu.memory_space<semaphore_mem>>) src(%dma_wait3A_67 : memref<40x128xf32, #tpu.memory_space<vmem>>) dst(%dma_wait3A_64 : memref<40x128xf32, #tpu.memory_space<vmem_shared>>)
      tpu.yield
    }) : () -> ()
    %add3A_10 = arith.constant 40 : i32
    %add3A_11 = arith.addi %mul3A_7, %add3A_10 : i32
    "tpu.region"() ({
      %run_scoped3A = tpu.sem_alloc : memref<!tpu.dma_semaphore, #tpu.memory_space<semaphore_mem>>
      %dma_start3A = arith.constant 0 : i32
      %dma_start3A_50 = arith.constant 0 : i32
      %dma_start3A_51 = tpu.memref_slice %arg8[%dma_start3A, %dma_start3A_50] : memref<100x128xf32, #tpu.memory_space<vmem>> -> memref<40x128xf32, #tpu.memory_space<vmem>>
      %dma_start3A_52 = arith.constant 0 : i32
      %dma_start3A_53 = tpu.memref_slice %arg5[%add3A_11, %dma_start3A_52] : memref<10240x128xf32, #tpu.memory_space<vmem_shared>> -> memref<40x128xf32, #tpu.memory_space<vmem_shared>>
      %dma_start3A_54 = arith.constant 0 : i32
      %dma_start3A_55 = tpu.memref_slice %arg5[%add3A_11, %dma_start3A_54] : memref<10240x128xf32, #tpu.memory_space<vmem_shared>> -> memref<40x128xf32, #tpu.memory_space<vmem_shared>>
      %dma_start3A_56 = arith.constant 0 : i32
      %dma_start3A_57 = arith.constant 0 : i32
      %dma_start3A_58 = tpu.memref_slice %arg8[%dma_start3A_56, %dma_start3A_57] : memref<100x128xf32, #tpu.memory_space<vmem>> -> memref<40x128xf32, #tpu.memory_space<vmem>>
      tpu.enqueue_dma source(%dma_start3A_58 : memref<40x128xf32, #tpu.memory_space<vmem>>) target(%dma_start3A_55 : memref<40x128xf32, #tpu.memory_space<vmem_shared>>) target_semaphore(%run_scoped3A : memref<!tpu.dma_semaphore, #tpu.memory_space<semaphore_mem>>)
      %dma_wait3A = arith.constant 0 : i32
      %dma_wait3A_59 = arith.constant 0 : i32
      %dma_wait3A_60 = tpu.memref_slice %arg8[%dma_wait3A, %dma_wait3A_59] : memref<100x128xf32, #tpu.memory_space<vmem>> -> memref<40x128xf32, #tpu.memory_space<vmem>>
      %dma_wait3A_61 = arith.constant 0 : i32
      %dma_wait3A_62 = tpu.memref_slice %arg5[%add3A_11, %dma_wait3A_61] : memref<10240x128xf32, #tpu.memory_space<vmem_shared>> -> memref<40x128xf32, #tpu.memory_space<vmem_shared>>
      %dma_wait3A_63 = arith.constant 0 : i32
      %dma_wait3A_64 = tpu.memref_slice %arg5[%add3A_11, %dma_wait3A_63] : memref<10240x128xf32, #tpu.memory_space<vmem_shared>> -> memref<40x128xf32, #tpu.memory_space<vmem_shared>>
      %dma_wait3A_65 = arith.constant 0 : i32
      %dma_wait3A_66 = arith.constant 0 : i32
      %dma_wait3A_67 = tpu.memref_slice %arg8[%dma_wait3A_65, %dma_wait3A_66] : memref<100x128xf32, #tpu.memory_space<vmem>> -> memref<40x128xf32, #tpu.memory_space<vmem>>
      tpu.wait_dma2 semaphore(%run_scoped3A : memref<!tpu.dma_semaphore, #tpu.memory_space<semaphore_mem>>) src(%dma_wait3A_67 : memref<40x128xf32, #tpu.memory_space<vmem>>) dst(%dma_wait3A_64 : memref<40x128xf32, #tpu.memory_space<vmem_shared>>)
      tpu.yield
    }) : () -> ()
    %add3A_12 = arith.constant 80 : i32
    %add3A_13 = arith.addi %mul3A_7, %add3A_12 : i32
    "tpu.region"() ({
      %run_scoped3A = tpu.sem_alloc : memref<!tpu.dma_semaphore, #tpu.memory_space<semaphore_mem>>
      %dma_start3A = arith.constant 0 : i32
      %dma_start3A_50 = arith.constant 0 : i32
      %dma_start3A_51 = tpu.memref_slice %arg8[%dma_start3A, %dma_start3A_50] : memref<100x128xf32, #tpu.memory_space<vmem>> -> memref<40x128xf32, #tpu.memory_space<vmem>>
      %dma_start3A_52 = arith.constant 0 : i32
      %dma_start3A_53 = tpu.memref_slice %arg5[%add3A_13, %dma_start3A_52] : memref<10240x128xf32, #tpu.memory_space<vmem_shared>> -> memref<40x128xf32, #tpu.memory_space<vmem_shared>>
      %dma_start3A_54 = arith.constant 0 : i32
      %dma_start3A_55 = tpu.memref_slice %arg5[%add3A_13, %dma_start3A_54] : memref<10240x128xf32, #tpu.memory_space<vmem_shared>> -> memref<40x128xf32, #tpu.memory_space<vmem_shared>>
      %dma_start3A_56 = arith.constant 0 : i32
      %dma_start3A_57 = arith.constant 0 : i32
      %dma_start3A_58 = tpu.memref_slice %arg8[%dma_start3A_56, %dma_start3A_57] : memref<100x128xf32, #tpu.memory_space<vmem>> -> memref<40x128xf32, #tpu.memory_space<vmem>>
      tpu.enqueue_dma source(%dma_start3A_58 : memref<40x128xf32, #tpu.memory_space<vmem>>) target(%dma_start3A_55 : memref<40x128xf32, #tpu.memory_space<vmem_shared>>) target_semaphore(%run_scoped3A : memref<!tpu.dma_semaphore, #tpu.memory_space<semaphore_mem>>)
      %dma_wait3A = arith.constant 0 : i32
      %dma_wait3A_59 = arith.constant 0 : i32
      %dma_wait3A_60 = tpu.memref_slice %arg8[%dma_wait3A, %dma_wait3A_59] : memref<100x128xf32, #tpu.memory_space<vmem>> -> memref<40x128xf32, #tpu.memory_space<vmem>>
      %dma_wait3A_61 = arith.constant 0 : i32
      %dma_wait3A_62 = tpu.memref_slice %arg5[%add3A_13, %dma_wait3A_61] : memref<10240x128xf32, #tpu.memory_space<vmem_shared>> -> memref<40x128xf32, #tpu.memory_space<vmem_shared>>
      %dma_wait3A_63 = arith.constant 0 : i32
      %dma_wait3A_64 = tpu.memref_slice %arg5[%add3A_13, %dma_wait3A_63] : memref<10240x128xf32, #tpu.memory_space<vmem_shared>> -> memref<40x128xf32, #tpu.memory_space<vmem_shared>>
      %dma_wait3A_65 = arith.constant 0 : i32
      %dma_wait3A_66 = arith.constant 0 : i32
      %dma_wait3A_67 = tpu.memref_slice %arg8[%dma_wait3A_65, %dma_wait3A_66] : memref<100x128xf32, #tpu.memory_space<vmem>> -> memref<40x128xf32, #tpu.memory_space<vmem>>
      tpu.wait_dma2 semaphore(%run_scoped3A : memref<!tpu.dma_semaphore, #tpu.memory_space<semaphore_mem>>) src(%dma_wait3A_67 : memref<40x128xf32, #tpu.memory_space<vmem>>) dst(%dma_wait3A_64 : memref<40x128xf32, #tpu.memory_space<vmem_shared>>)
      tpu.yield
    }) : () -> ()
    %add3A_14 = arith.constant 120 : i32
    %add3A_15 = arith.addi %mul3A_7, %add3A_14 : i32
    "tpu.region"() ({
      %run_scoped3A = tpu.sem_alloc : memref<!tpu.dma_semaphore, #tpu.memory_space<semaphore_mem>>
      %dma_start3A = arith.constant 0 : i32
      %dma_start3A_50 = arith.constant 0 : i32
      %dma_start3A_51 = tpu.memref_slice %arg8[%dma_start3A, %dma_start3A_50] : memref<100x128xf32, #tpu.memory_space<vmem>> -> memref<40x128xf32, #tpu.memory_space<vmem>>
      %dma_start3A_52 = arith.constant 0 : i32
      %dma_start3A_53 = tpu.memref_slice %arg5[%add3A_15, %dma_start3A_52] : memref<10240x128xf32, #tpu.memory_space<vmem_shared>> -> memref<40x128xf32, #tpu.memory_space<vmem_shared>>
      %dma_start3A_54 = arith.constant 0 : i32
      %dma_start3A_55 = tpu.memref_slice %arg5[%add3A_15, %dma_start3A_54] : memref<10240x128xf32, #tpu.memory_space<vmem_shared>> -> memref<40x128xf32, #tpu.memory_space<vmem_shared>>
      %dma_start3A_56 = arith.constant 0 : i32
      %dma_start3A_57 = arith.constant 0 : i32
      %dma_start3A_58 = tpu.memref_slice %arg8[%dma_start3A_56, %dma_start3A_57] : memref<100x128xf32, #tpu.memory_space<vmem>> -> memref<40x128xf32, #tpu.memory_space<vmem>>
      tpu.enqueue_dma source(%dma_start3A_58 : memref<40x128xf32, #tpu.memory_space<vmem>>) target(%dma_start3A_55 : memref<40x128xf32, #tpu.memory_space<vmem_shared>>) target_semaphore(%run_scoped3A : memref<!tpu.dma_semaphore, #tpu.memory_space<semaphore_mem>>)
      %dma_wait3A = arith.constant 0 : i32
      %dma_wait3A_59 = arith.constant 0 : i32
      %dma_wait3A_60 = tpu.memref_slice %arg8[%dma_wait3A, %dma_wait3A_59] : memref<100x128xf32, #tpu.memory_space<vmem>> -> memref<40x128xf32, #tpu.memory_space<vmem>>
      %dma_wait3A_61 = arith.constant 0 : i32
      %dma_wait3A_62 = tpu.memref_slice %arg5[%add3A_15, %dma_wait3A_61] : memref<10240x128xf32, #tpu.memory_space<vmem_shared>> -> memref<40x128xf32, #tpu.memory_space<vmem_shared>>
      %dma_wait3A_63 = arith.constant 0 : i32
      %dma_wait3A_64 = tpu.memref_slice %arg5[%add3A_15, %dma_wait3A_63] : memref<10240x128xf32, #tpu.memory_space<vmem_shared>> -> memref<40x128xf32, #tpu.memory_space<vmem_shared>>
      %dma_wait3A_65 = arith.constant 0 : i32
      %dma_wait3A_66 = arith.constant 0 : i32
      %dma_wait3A_67 = tpu.memref_slice %arg8[%dma_wait3A_65, %dma_wait3A_66] : memref<100x128xf32, #tpu.memory_space<vmem>> -> memref<40x128xf32, #tpu.memory_space<vmem>>
      tpu.wait_dma2 semaphore(%run_scoped3A : memref<!tpu.dma_semaphore, #tpu.memory_space<semaphore_mem>>) src(%dma_wait3A_67 : memref<40x128xf32, #tpu.memory_space<vmem>>) dst(%dma_wait3A_64 : memref<40x128xf32, #tpu.memory_space<vmem_shared>>)
      tpu.yield
    }) : () -> ()
    %add3A_16 = arith.constant 160 : i32
    %add3A_17 = arith.addi %mul3A_7, %add3A_16 : i32
    "tpu.region"() ({
      %run_scoped3A = tpu.sem_alloc : memref<!tpu.dma_semaphore, #tpu.memory_space<semaphore_mem>>
      %dma_start3A = arith.constant 0 : i32
      %dma_start3A_50 = arith.constant 0 : i32
      %dma_start3A_51 = tpu.memref_slice %arg8[%dma_start3A, %dma_start3A_50] : memref<100x128xf32, #tpu.memory_space<vmem>> -> memref<40x128xf32, #tpu.memory_space<vmem>>
      %dma_start3A_52 = arith.constant 0 : i32
      %dma_start3A_53 = tpu.memref_slice %arg5[%add3A_17, %dma_start3A_52] : memref<10240x128xf32, #tpu.memory_space<vmem_shared>> -> memref<40x128xf32, #tpu.memory_space<vmem_shared>>
      %dma_start3A_54 = arith.constant 0 : i32
      %dma_start3A_55 = tpu.memref_slice %arg5[%add3A_17, %dma_start3A_54] : memref<10240x128xf32, #tpu.memory_space<vmem_shared>> -> memref<40x128xf32, #tpu.memory_space<vmem_shared>>
      %dma_start3A_56 = arith.constant 0 : i32
      %dma_start3A_57 = arith.constant 0 : i32
      %dma_start3A_58 = tpu.memref_slice %arg8[%dma_start3A_56, %dma_start3A_57] : memref<100x128xf32, #tpu.memory_space<vmem>> -> memref<40x128xf32, #tpu.memory_space<vmem>>
      tpu.enqueue_dma source(%dma_start3A_58 : memref<40x128xf32, #tpu.memory_space<vmem>>) target(%dma_start3A_55 : memref<40x128xf32, #tpu.memory_space<vmem_shared>>) target_semaphore(%run_scoped3A : memref<!tpu.dma_semaphore, #tpu.memory_space<semaphore_mem>>)
      %dma_wait3A = arith.constant 0 : i32
      %dma_wait3A_59 = arith.constant 0 : i32
      %dma_wait3A_60 = tpu.memref_slice %arg8[%dma_wait3A, %dma_wait3A_59] : memref<100x128xf32, #tpu.memory_space<vmem>> -> memref<40x128xf32, #tpu.memory_space<vmem>>
      %dma_wait3A_61 = arith.constant 0 : i32
      %dma_wait3A_62 = tpu.memref_slice %arg5[%add3A_17, %dma_wait3A_61] : memref<10240x128xf32, #tpu.memory_space<vmem_shared>> -> memref<40x128xf32, #tpu.memory_space<vmem_shared>>
      %dma_wait3A_63 = arith.constant 0 : i32
      %dma_wait3A_64 = tpu.memref_slice %arg5[%add3A_17, %dma_wait3A_63] : memref<10240x128xf32, #tpu.memory_space<vmem_shared>> -> memref<40x128xf32, #tpu.memory_space<vmem_shared>>
      %dma_wait3A_65 = arith.constant 0 : i32
      %dma_wait3A_66 = arith.constant 0 : i32
      %dma_wait3A_67 = tpu.memref_slice %arg8[%dma_wait3A_65, %dma_wait3A_66] : memref<100x128xf32, #tpu.memory_space<vmem>> -> memref<40x128xf32, #tpu.memory_space<vmem>>
      tpu.wait_dma2 semaphore(%run_scoped3A : memref<!tpu.dma_semaphore, #tpu.memory_space<semaphore_mem>>) src(%dma_wait3A_67 : memref<40x128xf32, #tpu.memory_space<vmem>>) dst(%dma_wait3A_64 : memref<40x128xf32, #tpu.memory_space<vmem_shared>>)
      tpu.yield
    }) : () -> ()
    %add3A_18 = arith.constant 200 : i32
    %add3A_19 = arith.addi %mul3A_7, %add3A_18 : i32
    "tpu.region"() ({
      %run_scoped3A = tpu.sem_alloc : memref<!tpu.dma_semaphore, #tpu.memory_space<semaphore_mem>>
      %dma_start3A = arith.constant 0 : i32
      %dma_start3A_50 = arith.constant 0 : i32
      %dma_start3A_51 = tpu.memref_slice %arg8[%dma_start3A, %dma_start3A_50] : memref<100x128xf32, #tpu.memory_space<vmem>> -> memref<40x128xf32, #tpu.memory_space<vmem>>
      %dma_start3A_52 = arith.constant 0 : i32
      %dma_start3A_53 = tpu.memref_slice %arg5[%add3A_19, %dma_start3A_52] : memref<10240x128xf32, #tpu.memory_space<vmem_shared>> -> memref<40x128xf32, #tpu.memory_space<vmem_shared>>
      %dma_start3A_54 = arith.constant 0 : i32
      %dma_start3A_55 = tpu.memref_slice %arg5[%add3A_19, %dma_start3A_54] : memref<10240x128xf32, #tpu.memory_space<vmem_shared>> -> memref<40x128xf32, #tpu.memory_space<vmem_shared>>
      %dma_start3A_56 = arith.constant 0 : i32
      %dma_start3A_57 = arith.constant 0 : i32
      %dma_start3A_58 = tpu.memref_slice %arg8[%dma_start3A_56, %dma_start3A_57] : memref<100x128xf32, #tpu.memory_space<vmem>> -> memref<40x128xf32, #tpu.memory_space<vmem>>
      tpu.enqueue_dma source(%dma_start3A_58 : memref<40x128xf32, #tpu.memory_space<vmem>>) target(%dma_start3A_55 : memref<40x128xf32, #tpu.memory_space<vmem_shared>>) target_semaphore(%run_scoped3A : memref<!tpu.dma_semaphore, #tpu.memory_space<semaphore_mem>>)
      %dma_wait3A = arith.constant 0 : i32
      %dma_wait3A_59 = arith.constant 0 : i32
      %dma_wait3A_60 = tpu.memref_slice %arg8[%dma_wait3A, %dma_wait3A_59] : memref<100x128xf32, #tpu.memory_space<vmem>> -> memref<40x128xf32, #tpu.memory_space<vmem>>
      %dma_wait3A_61 = arith.constant 0 : i32
      %dma_wait3A_62 = tpu.memref_slice %arg5[%add3A_19, %dma_wait3A_61] : memref<10240x128xf32, #tpu.memory_space<vmem_shared>> -> memref<40x128xf32, #tpu.memory_space<vmem_shared>>
      %dma_wait3A_63 = arith.constant 0 : i32
      %dma_wait3A_64 = tpu.memref_slice %arg5[%add3A_19, %dma_wait3A_63] : memref<10240x128xf32, #tpu.memory_space<vmem_shared>> -> memref<40x128xf32, #tpu.memory_space<vmem_shared>>
      %dma_wait3A_65 = arith.constant 0 : i32
      %dma_wait3A_66 = arith.constant 0 : i32
      %dma_wait3A_67 = tpu.memref_slice %arg8[%dma_wait3A_65, %dma_wait3A_66] : memref<100x128xf32, #tpu.memory_space<vmem>> -> memref<40x128xf32, #tpu.memory_space<vmem>>
      tpu.wait_dma2 semaphore(%run_scoped3A : memref<!tpu.dma_semaphore, #tpu.memory_space<semaphore_mem>>) src(%dma_wait3A_67 : memref<40x128xf32, #tpu.memory_space<vmem>>) dst(%dma_wait3A_64 : memref<40x128xf32, #tpu.memory_space<vmem_shared>>)
      tpu.yield
    }) : () -> ()
    %add3A_20 = arith.constant 240 : i32
    %add3A_21 = arith.addi %mul3A_7, %add3A_20 : i32
    "tpu.region"() ({
      %run_scoped3A = tpu.sem_alloc : memref<!tpu.dma_semaphore, #tpu.memory_space<semaphore_mem>>
      %dma_start3A = arith.constant 0 : i32
      %dma_start3A_50 = arith.constant 0 : i32
      %dma_start3A_51 = tpu.memref_slice %arg8[%dma_start3A, %dma_start3A_50] : memref<100x128xf32, #tpu.memory_space<vmem>> -> memref<40x128xf32, #tpu.memory_space<vmem>>
      %dma_start3A_52 = arith.constant 0 : i32
      %dma_start3A_53 = tpu.memref_slice %arg5[%add3A_21, %dma_start3A_52] : memref<10240x128xf32, #tpu.memory_space<vmem_shared>> -> memref<40x128xf32, #tpu.memory_space<vmem_shared>>
      %dma_start3A_54 = arith.constant 0 : i32
      %dma_start3A_55 = tpu.memref_slice %arg5[%add3A_21, %dma_start3A_54] : memref<10240x128xf32, #tpu.memory_space<vmem_shared>> -> memref<40x128xf32, #tpu.memory_space<vmem_shared>>
      %dma_start3A_56 = arith.constant 0 : i32
      %dma_start3A_57 = arith.constant 0 : i32
      %dma_start3A_58 = tpu.memref_slice %arg8[%dma_start3A_56, %dma_start3A_57] : memref<100x128xf32, #tpu.memory_space<vmem>> -> memref<40x128xf32, #tpu.memory_space<vmem>>
      tpu.enqueue_dma source(%dma_start3A_58 : memref<40x128xf32, #tpu.memory_space<vmem>>) target(%dma_start3A_55 : memref<40x128xf32, #tpu.memory_space<vmem_shared>>) target_semaphore(%run_scoped3A : memref<!tpu.dma_semaphore, #tpu.memory_space<semaphore_mem>>)
      %dma_wait3A = arith.constant 0 : i32
      %dma_wait3A_59 = arith.constant 0 : i32
      %dma_wait3A_60 = tpu.memref_slice %arg8[%dma_wait3A, %dma_wait3A_59] : memref<100x128xf32, #tpu.memory_space<vmem>> -> memref<40x128xf32, #tpu.memory_space<vmem>>
      %dma_wait3A_61 = arith.constant 0 : i32
      %dma_wait3A_62 = tpu.memref_slice %arg5[%add3A_21, %dma_wait3A_61] : memref<10240x128xf32, #tpu.memory_space<vmem_shared>> -> memref<40x128xf32, #tpu.memory_space<vmem_shared>>
      %dma_wait3A_63 = arith.constant 0 : i32
      %dma_wait3A_64 = tpu.memref_slice %arg5[%add3A_21, %dma_wait3A_63] : memref<10240x128xf32, #tpu.memory_space<vmem_shared>> -> memref<40x128xf32, #tpu.memory_space<vmem_shared>>
      %dma_wait3A_65 = arith.constant 0 : i32
      %dma_wait3A_66 = arith.constant 0 : i32
      %dma_wait3A_67 = tpu.memref_slice %arg8[%dma_wait3A_65, %dma_wait3A_66] : memref<100x128xf32, #tpu.memory_space<vmem>> -> memref<40x128xf32, #tpu.memory_space<vmem>>
      tpu.wait_dma2 semaphore(%run_scoped3A : memref<!tpu.dma_semaphore, #tpu.memory_space<semaphore_mem>>) src(%dma_wait3A_67 : memref<40x128xf32, #tpu.memory_space<vmem>>) dst(%dma_wait3A_64 : memref<40x128xf32, #tpu.memory_space<vmem_shared>>)
      tpu.yield
    }) : () -> ()
    %add3A_22 = arith.constant 280 : i32
    %add3A_23 = arith.addi %mul3A_7, %add3A_22 : i32
    "tpu.region"() ({
      %run_scoped3A = tpu.sem_alloc : memref<!tpu.dma_semaphore, #tpu.memory_space<semaphore_mem>>
      %dma_start3A = arith.constant 0 : i32
      %dma_start3A_50 = arith.constant 0 : i32
      %dma_start3A_51 = tpu.memref_slice %arg8[%dma_start3A, %dma_start3A_50] : memref<100x128xf32, #tpu.memory_space<vmem>> -> memref<40x128xf32, #tpu.memory_space<vmem>>
      %dma_start3A_52 = arith.constant 0 : i32
      %dma_start3A_53 = tpu.memref_slice %arg5[%add3A_23, %dma_start3A_52] : memref<10240x128xf32, #tpu.memory_space<vmem_shared>> -> memref<40x128xf32, #tpu.memory_space<vmem_shared>>
      %dma_start3A_54 = arith.constant 0 : i32
      %dma_start3A_55 = tpu.memref_slice %arg5[%add3A_23, %dma_start3A_54] : memref<10240x128xf32, #tpu.memory_space<vmem_shared>> -> memref<40x128xf32, #tpu.memory_space<vmem_shared>>
      %dma_start3A_56 = arith.constant 0 : i32
      %dma_start3A_57 = arith.constant 0 : i32
      %dma_start3A_58 = tpu.memref_slice %arg8[%dma_start3A_56, %dma_start3A_57] : memref<100x128xf32, #tpu.memory_space<vmem>> -> memref<40x128xf32, #tpu.memory_space<vmem>>
      tpu.enqueue_dma source(%dma_start3A_58 : memref<40x128xf32, #tpu.memory_space<vmem>>) target(%dma_start3A_55 : memref<40x128xf32, #tpu.memory_space<vmem_shared>>) target_semaphore(%run_scoped3A : memref<!tpu.dma_semaphore, #tpu.memory_space<semaphore_mem>>)
      %dma_wait3A = arith.constant 0 : i32
      %dma_wait3A_59 = arith.constant 0 : i32
      %dma_wait3A_60 = tpu.memref_slice %arg8[%dma_wait3A, %dma_wait3A_59] : memref<100x128xf32, #tpu.memory_space<vmem>> -> memref<40x128xf32, #tpu.memory_space<vmem>>
      %dma_wait3A_61 = arith.constant 0 : i32
      %dma_wait3A_62 = tpu.memref_slice %arg5[%add3A_23, %dma_wait3A_61] : memref<10240x128xf32, #tpu.memory_space<vmem_shared>> -> memref<40x128xf32, #tpu.memory_space<vmem_shared>>
      %dma_wait3A_63 = arith.constant 0 : i32
      %dma_wait3A_64 = tpu.memref_slice %arg5[%add3A_23, %dma_wait3A_63] : memref<10240x128xf32, #tpu.memory_space<vmem_shared>> -> memref<40x128xf32, #tpu.memory_space<vmem_shared>>
      %dma_wait3A_65 = arith.constant 0 : i32
      %dma_wait3A_66 = arith.constant 0 : i32
      %dma_wait3A_67 = tpu.memref_slice %arg8[%dma_wait3A_65, %dma_wait3A_66] : memref<100x128xf32, #tpu.memory_space<vmem>> -> memref<40x128xf32, #tpu.memory_space<vmem>>
      tpu.wait_dma2 semaphore(%run_scoped3A : memref<!tpu.dma_semaphore, #tpu.memory_space<semaphore_mem>>) src(%dma_wait3A_67 : memref<40x128xf32, #tpu.memory_space<vmem>>) dst(%dma_wait3A_64 : memref<40x128xf32, #tpu.memory_space<vmem_shared>>)
      tpu.yield
    }) : () -> ()
    %add3A_24 = arith.constant 320 : i32
    %add3A_25 = arith.addi %mul3A_7, %add3A_24 : i32
    "tpu.region"() ({
      %run_scoped3A = tpu.sem_alloc : memref<!tpu.dma_semaphore, #tpu.memory_space<semaphore_mem>>
      %dma_start3A = arith.constant 0 : i32
      %dma_start3A_50 = arith.constant 0 : i32
      %dma_start3A_51 = tpu.memref_slice %arg8[%dma_start3A, %dma_start3A_50] : memref<100x128xf32, #tpu.memory_space<vmem>> -> memref<40x128xf32, #tpu.memory_space<vmem>>
      %dma_start3A_52 = arith.constant 0 : i32
      %dma_start3A_53 = tpu.memref_slice %arg5[%add3A_25, %dma_start3A_52] : memref<10240x128xf32, #tpu.memory_space<vmem_shared>> -> memref<40x128xf32, #tpu.memory_space<vmem_shared>>
      %dma_start3A_54 = arith.constant 0 : i32
      %dma_start3A_55 = tpu.memref_slice %arg5[%add3A_25, %dma_start3A_54] : memref<10240x128xf32, #tpu.memory_space<vmem_shared>> -> memref<40x128xf32, #tpu.memory_space<vmem_shared>>
      %dma_start3A_56 = arith.constant 0 : i32
      %dma_start3A_57 = arith.constant 0 : i32
      %dma_start3A_58 = tpu.memref_slice %arg8[%dma_start3A_56, %dma_start3A_57] : memref<100x128xf32, #tpu.memory_space<vmem>> -> memref<40x128xf32, #tpu.memory_space<vmem>>
      tpu.enqueue_dma source(%dma_start3A_58 : memref<40x128xf32, #tpu.memory_space<vmem>>) target(%dma_start3A_55 : memref<40x128xf32, #tpu.memory_space<vmem_shared>>) target_semaphore(%run_scoped3A : memref<!tpu.dma_semaphore, #tpu.memory_space<semaphore_mem>>)
      %dma_wait3A = arith.constant 0 : i32
      %dma_wait3A_59 = arith.constant 0 : i32
      %dma_wait3A_60 = tpu.memref_slice %arg8[%dma_wait3A, %dma_wait3A_59] : memref<100x128xf32, #tpu.memory_space<vmem>> -> memref<40x128xf32, #tpu.memory_space<vmem>>
      %dma_wait3A_61 = arith.constant 0 : i32
      %dma_wait3A_62 = tpu.memref_slice %arg5[%add3A_25, %dma_wait3A_61] : memref<10240x128xf32, #tpu.memory_space<vmem_shared>> -> memref<40x128xf32, #tpu.memory_space<vmem_shared>>
      %dma_wait3A_63 = arith.constant 0 : i32
      %dma_wait3A_64 = tpu.memref_slice %arg5[%add3A_25, %dma_wait3A_63] : memref<10240x128xf32, #tpu.memory_space<vmem_shared>> -> memref<40x128xf32, #tpu.memory_space<vmem_shared>>
      %dma_wait3A_65 = arith.constant 0 : i32
      %dma_wait3A_66 = arith.constant 0 : i32
      %dma_wait3A_67 = tpu.memref_slice %arg8[%dma_wait3A_65, %dma_wait3A_66] : memref<100x128xf32, #tpu.memory_space<vmem>> -> memref<40x128xf32, #tpu.memory_space<vmem>>
      tpu.wait_dma2 semaphore(%run_scoped3A : memref<!tpu.dma_semaphore, #tpu.memory_space<semaphore_mem>>) src(%dma_wait3A_67 : memref<40x128xf32, #tpu.memory_space<vmem>>) dst(%dma_wait3A_64 : memref<40x128xf32, #tpu.memory_space<vmem_shared>>)
      tpu.yield
    }) : () -> ()
    %add3A_26 = arith.constant 360 : i32
    %add3A_27 = arith.addi %mul3A_7, %add3A_26 : i32
    "tpu.region"() ({
      %run_scoped3A = tpu.sem_alloc : memref<!tpu.dma_semaphore, #tpu.memory_space<semaphore_mem>>
      %dma_start3A = arith.constant 0 : i32
      %dma_start3A_50 = arith.constant 0 : i32
      %dma_start3A_51 = tpu.memref_slice %arg8[%dma_start3A, %dma_start3A_50] : memref<100x128xf32, #tpu.memory_space<vmem>> -> memref<40x128xf32, #tpu.memory_space<vmem>>
      %dma_start3A_52 = arith.constant 0 : i32
      %dma_start3A_53 = tpu.memref_slice %arg5[%add3A_27, %dma_start3A_52] : memref<10240x128xf32, #tpu.memory_space<vmem_shared>> -> memref<40x128xf32, #tpu.memory_space<vmem_shared>>
      %dma_start3A_54 = arith.constant 0 : i32
      %dma_start3A_55 = tpu.memref_slice %arg5[%add3A_27, %dma_start3A_54] : memref<10240x128xf32, #tpu.memory_space<vmem_shared>> -> memref<40x128xf32, #tpu.memory_space<vmem_shared>>
      %dma_start3A_56 = arith.constant 0 : i32
      %dma_start3A_57 = arith.constant 0 : i32
      %dma_start3A_58 = tpu.memref_slice %arg8[%dma_start3A_56, %dma_start3A_57] : memref<100x128xf32, #tpu.memory_space<vmem>> -> memref<40x128xf32, #tpu.memory_space<vmem>>
      tpu.enqueue_dma source(%dma_start3A_58 : memref<40x128xf32, #tpu.memory_space<vmem>>) target(%dma_start3A_55 : memref<40x128xf32, #tpu.memory_space<vmem_shared>>) target_semaphore(%run_scoped3A : memref<!tpu.dma_semaphore, #tpu.memory_space<semaphore_mem>>)
      %dma_wait3A = arith.constant 0 : i32
      %dma_wait3A_59 = arith.constant 0 : i32
      %dma_wait3A_60 = tpu.memref_slice %arg8[%dma_wait3A, %dma_wait3A_59] : memref<100x128xf32, #tpu.memory_space<vmem>> -> memref<40x128xf32, #tpu.memory_space<vmem>>
      %dma_wait3A_61 = arith.constant 0 : i32
      %dma_wait3A_62 = tpu.memref_slice %arg5[%add3A_27, %dma_wait3A_61] : memref<10240x128xf32, #tpu.memory_space<vmem_shared>> -> memref<40x128xf32, #tpu.memory_space<vmem_shared>>
      %dma_wait3A_63 = arith.constant 0 : i32
      %dma_wait3A_64 = tpu.memref_slice %arg5[%add3A_27, %dma_wait3A_63] : memref<10240x128xf32, #tpu.memory_space<vmem_shared>> -> memref<40x128xf32, #tpu.memory_space<vmem_shared>>
      %dma_wait3A_65 = arith.constant 0 : i32
      %dma_wait3A_66 = arith.constant 0 : i32
      %dma_wait3A_67 = tpu.memref_slice %arg8[%dma_wait3A_65, %dma_wait3A_66] : memref<100x128xf32, #tpu.memory_space<vmem>> -> memref<40x128xf32, #tpu.memory_space<vmem>>
      tpu.wait_dma2 semaphore(%run_scoped3A : memref<!tpu.dma_semaphore, #tpu.memory_space<semaphore_mem>>) src(%dma_wait3A_67 : memref<40x128xf32, #tpu.memory_space<vmem>>) dst(%dma_wait3A_64 : memref<40x128xf32, #tpu.memory_space<vmem_shared>>)
      tpu.yield
    }) : () -> ()
    %add3A_28 = arith.constant 400 : i32
    %add3A_29 = arith.addi %mul3A_7, %add3A_28 : i32
    "tpu.region"() ({
      %run_scoped3A = tpu.sem_alloc : memref<!tpu.dma_semaphore, #tpu.memory_space<semaphore_mem>>
      %dma_start3A = arith.constant 0 : i32
      %dma_start3A_50 = arith.constant 0 : i32
      %dma_start3A_51 = tpu.memref_slice %arg8[%dma_start3A, %dma_start3A_50] : memref<100x128xf32, #tpu.memory_space<vmem>> -> memref<40x128xf32, #tpu.memory_space<vmem>>
      %dma_start3A_52 = arith.constant 0 : i32
      %dma_start3A_53 = tpu.memref_slice %arg5[%add3A_29, %dma_start3A_52] : memref<10240x128xf32, #tpu.memory_space<vmem_shared>> -> memref<40x128xf32, #tpu.memory_space<vmem_shared>>
      %dma_start3A_54 = arith.constant 0 : i32
      %dma_start3A_55 = tpu.memref_slice %arg5[%add3A_29, %dma_start3A_54] : memref<10240x128xf32, #tpu.memory_space<vmem_shared>> -> memref<40x128xf32, #tpu.memory_space<vmem_shared>>
      %dma_start3A_56 = arith.constant 0 : i32
      %dma_start3A_57 = arith.constant 0 : i32
      %dma_start3A_58 = tpu.memref_slice %arg8[%dma_start3A_56, %dma_start3A_57] : memref<100x128xf32, #tpu.memory_space<vmem>> -> memref<40x128xf32, #tpu.memory_space<vmem>>
      tpu.enqueue_dma source(%dma_start3A_58 : memref<40x128xf32, #tpu.memory_space<vmem>>) target(%dma_start3A_55 : memref<40x128xf32, #tpu.memory_space<vmem_shared>>) target_semaphore(%run_scoped3A : memref<!tpu.dma_semaphore, #tpu.memory_space<semaphore_mem>>)
      %dma_wait3A = arith.constant 0 : i32
      %dma_wait3A_59 = arith.constant 0 : i32
      %dma_wait3A_60 = tpu.memref_slice %arg8[%dma_wait3A, %dma_wait3A_59] : memref<100x128xf32, #tpu.memory_space<vmem>> -> memref<40x128xf32, #tpu.memory_space<vmem>>
      %dma_wait3A_61 = arith.constant 0 : i32
      %dma_wait3A_62 = tpu.memref_slice %arg5[%add3A_29, %dma_wait3A_61] : memref<10240x128xf32, #tpu.memory_space<vmem_shared>> -> memref<40x128xf32, #tpu.memory_space<vmem_shared>>
      %dma_wait3A_63 = arith.constant 0 : i32
      %dma_wait3A_64 = tpu.memref_slice %arg5[%add3A_29, %dma_wait3A_63] : memref<10240x128xf32, #tpu.memory_space<vmem_shared>> -> memref<40x128xf32, #tpu.memory_space<vmem_shared>>
      %dma_wait3A_65 = arith.constant 0 : i32
      %dma_wait3A_66 = arith.constant 0 : i32
      %dma_wait3A_67 = tpu.memref_slice %arg8[%dma_wait3A_65, %dma_wait3A_66] : memref<100x128xf32, #tpu.memory_space<vmem>> -> memref<40x128xf32, #tpu.memory_space<vmem>>
      tpu.wait_dma2 semaphore(%run_scoped3A : memref<!tpu.dma_semaphore, #tpu.memory_space<semaphore_mem>>) src(%dma_wait3A_67 : memref<40x128xf32, #tpu.memory_space<vmem>>) dst(%dma_wait3A_64 : memref<40x128xf32, #tpu.memory_space<vmem_shared>>)
      tpu.yield
    }) : () -> ()
    %add3A_30 = arith.constant 440 : i32
    %add3A_31 = arith.addi %mul3A_7, %add3A_30 : i32
    "tpu.region"() ({
      %run_scoped3A = tpu.sem_alloc : memref<!tpu.dma_semaphore, #tpu.memory_space<semaphore_mem>>
      %dma_start3A = arith.constant 0 : i32
      %dma_start3A_50 = arith.constant 0 : i32
      %dma_start3A_51 = tpu.memref_slice %arg8[%dma_start3A, %dma_start3A_50] : memref<100x128xf32, #tpu.memory_space<vmem>> -> memref<40x128xf32, #tpu.memory_space<vmem>>
      %dma_start3A_52 = arith.constant 0 : i32
      %dma_start3A_53 = tpu.memref_slice %arg5[%add3A_31, %dma_start3A_52] : memref<10240x128xf32, #tpu.memory_space<vmem_shared>> -> memref<40x128xf32, #tpu.memory_space<vmem_shared>>
      %dma_start3A_54 = arith.constant 0 : i32
      %dma_start3A_55 = tpu.memref_slice %arg5[%add3A_31, %dma_start3A_54] : memref<10240x128xf32, #tpu.memory_space<vmem_shared>> -> memref<40x128xf32, #tpu.memory_space<vmem_shared>>
      %dma_start3A_56 = arith.constant 0 : i32
      %dma_start3A_57 = arith.constant 0 : i32
      %dma_start3A_58 = tpu.memref_slice %arg8[%dma_start3A_56, %dma_start3A_57] : memref<100x128xf32, #tpu.memory_space<vmem>> -> memref<40x128xf32, #tpu.memory_space<vmem>>
      tpu.enqueue_dma source(%dma_start3A_58 : memref<40x128xf32, #tpu.memory_space<vmem>>) target(%dma_start3A_55 : memref<40x128xf32, #tpu.memory_space<vmem_shared>>) target_semaphore(%run_scoped3A : memref<!tpu.dma_semaphore, #tpu.memory_space<semaphore_mem>>)
      %dma_wait3A = arith.constant 0 : i32
      %dma_wait3A_59 = arith.constant 0 : i32
      %dma_wait3A_60 = tpu.memref_slice %arg8[%dma_wait3A, %dma_wait3A_59] : memref<100x128xf32, #tpu.memory_space<vmem>> -> memref<40x128xf32, #tpu.memory_space<vmem>>
      %dma_wait3A_61 = arith.constant 0 : i32
      %dma_wait3A_62 = tpu.memref_slice %arg5[%add3A_31, %dma_wait3A_61] : memref<10240x128xf32, #tpu.memory_space<vmem_shared>> -> memref<40x128xf32, #tpu.memory_space<vmem_shared>>
      %dma_wait3A_63 = arith.constant 0 : i32
      %dma_wait3A_64 = tpu.memref_slice %arg5[%add3A_31, %dma_wait3A_63] : memref<10240x128xf32, #tpu.memory_space<vmem_shared>> -> memref<40x128xf32, #tpu.memory_space<vmem_shared>>
      %dma_wait3A_65 = arith.constant 0 : i32
      %dma_wait3A_66 = arith.constant 0 : i32
      %dma_wait3A_67 = tpu.memref_slice %arg8[%dma_wait3A_65, %dma_wait3A_66] : memref<100x128xf32, #tpu.memory_space<vmem>> -> memref<40x128xf32, #tpu.memory_space<vmem>>
      tpu.wait_dma2 semaphore(%run_scoped3A : memref<!tpu.dma_semaphore, #tpu.memory_space<semaphore_mem>>) src(%dma_wait3A_67 : memref<40x128xf32, #tpu.memory_space<vmem>>) dst(%dma_wait3A_64 : memref<40x128xf32, #tpu.memory_space<vmem_shared>>)
      tpu.yield
    }) : () -> ()
    %add3A_32 = arith.constant 480 : i32
    %add3A_33 = arith.addi %mul3A_7, %add3A_32 : i32
    "tpu.region"() ({
      %run_scoped3A = tpu.sem_alloc : memref<!tpu.dma_semaphore, #tpu.memory_space<semaphore_mem>>
      %dma_start3A = arith.constant 0 : i32
      %dma_start3A_50 = arith.constant 0 : i32
      %dma_start3A_51 = tpu.memref_slice %arg8[%dma_start3A, %dma_start3A_50] : memref<100x128xf32, #tpu.memory_space<vmem>> -> memref<40x128xf32, #tpu.memory_space<vmem>>
      %dma_start3A_52 = arith.constant 0 : i32
      %dma_start3A_53 = tpu.memref_slice %arg5[%add3A_33, %dma_start3A_52] : memref<10240x128xf32, #tpu.memory_space<vmem_shared>> -> memref<40x128xf32, #tpu.memory_space<vmem_shared>>
      %dma_start3A_54 = arith.constant 0 : i32
      %dma_start3A_55 = tpu.memref_slice %arg5[%add3A_33, %dma_start3A_54] : memref<10240x128xf32, #tpu.memory_space<vmem_shared>> -> memref<40x128xf32, #tpu.memory_space<vmem_shared>>
      %dma_start3A_56 = arith.constant 0 : i32
      %dma_start3A_57 = arith.constant 0 : i32
      %dma_start3A_58 = tpu.memref_slice %arg8[%dma_start3A_56, %dma_start3A_57] : memref<100x128xf32, #tpu.memory_space<vmem>> -> memref<40x128xf32, #tpu.memory_space<vmem>>
      tpu.enqueue_dma source(%dma_start3A_58 : memref<40x128xf32, #tpu.memory_space<vmem>>) target(%dma_start3A_55 : memref<40x128xf32, #tpu.memory_space<vmem_shared>>) target_semaphore(%run_scoped3A : memref<!tpu.dma_semaphore, #tpu.memory_space<semaphore_mem>>)
      %dma_wait3A = arith.constant 0 : i32
      %dma_wait3A_59 = arith.constant 0 : i32
      %dma_wait3A_60 = tpu.memref_slice %arg8[%dma_wait3A, %dma_wait3A_59] : memref<100x128xf32, #tpu.memory_space<vmem>> -> memref<40x128xf32, #tpu.memory_space<vmem>>
      %dma_wait3A_61 = arith.constant 0 : i32
      %dma_wait3A_62 = tpu.memref_slice %arg5[%add3A_33, %dma_wait3A_61] : memref<10240x128xf32, #tpu.memory_space<vmem_shared>> -> memref<40x128xf32, #tpu.memory_space<vmem_shared>>
      %dma_wait3A_63 = arith.constant 0 : i32
      %dma_wait3A_64 = tpu.memref_slice %arg5[%add3A_33, %dma_wait3A_63] : memref<10240x128xf32, #tpu.memory_space<vmem_shared>> -> memref<40x128xf32, #tpu.memory_space<vmem_shared>>
      %dma_wait3A_65 = arith.constant 0 : i32
      %dma_wait3A_66 = arith.constant 0 : i32
      %dma_wait3A_67 = tpu.memref_slice %arg8[%dma_wait3A_65, %dma_wait3A_66] : memref<100x128xf32, #tpu.memory_space<vmem>> -> memref<40x128xf32, #tpu.memory_space<vmem>>
      tpu.wait_dma2 semaphore(%run_scoped3A : memref<!tpu.dma_semaphore, #tpu.memory_space<semaphore_mem>>) src(%dma_wait3A_67 : memref<40x128xf32, #tpu.memory_space<vmem>>) dst(%dma_wait3A_64 : memref<40x128xf32, #tpu.memory_space<vmem_shared>>)
      tpu.yield
    }) : () -> ()
    %add3A_34 = arith.constant 520 : i32
    %add3A_35 = arith.addi %mul3A_7, %add3A_34 : i32
    "tpu.region"() ({
      %run_scoped3A = tpu.sem_alloc : memref<!tpu.dma_semaphore, #tpu.memory_space<semaphore_mem>>
      %dma_start3A = arith.constant 0 : i32
      %dma_start3A_50 = arith.constant 0 : i32
      %dma_start3A_51 = tpu.memref_slice %arg8[%dma_start3A, %dma_start3A_50] : memref<100x128xf32, #tpu.memory_space<vmem>> -> memref<40x128xf32, #tpu.memory_space<vmem>>
      %dma_start3A_52 = arith.constant 0 : i32
      %dma_start3A_53 = tpu.memref_slice %arg5[%add3A_35, %dma_start3A_52] : memref<10240x128xf32, #tpu.memory_space<vmem_shared>> -> memref<40x128xf32, #tpu.memory_space<vmem_shared>>
      %dma_start3A_54 = arith.constant 0 : i32
      %dma_start3A_55 = tpu.memref_slice %arg5[%add3A_35, %dma_start3A_54] : memref<10240x128xf32, #tpu.memory_space<vmem_shared>> -> memref<40x128xf32, #tpu.memory_space<vmem_shared>>
      %dma_start3A_56 = arith.constant 0 : i32
      %dma_start3A_57 = arith.constant 0 : i32
      %dma_start3A_58 = tpu.memref_slice %arg8[%dma_start3A_56, %dma_start3A_57] : memref<100x128xf32, #tpu.memory_space<vmem>> -> memref<40x128xf32, #tpu.memory_space<vmem>>
      tpu.enqueue_dma source(%dma_start3A_58 : memref<40x128xf32, #tpu.memory_space<vmem>>) target(%dma_start3A_55 : memref<40x128xf32, #tpu.memory_space<vmem_shared>>) target_semaphore(%run_scoped3A : memref<!tpu.dma_semaphore, #tpu.memory_space<semaphore_mem>>)
      %dma_wait3A = arith.constant 0 : i32
      %dma_wait3A_59 = arith.constant 0 : i32
      %dma_wait3A_60 = tpu.memref_slice %arg8[%dma_wait3A, %dma_wait3A_59] : memref<100x128xf32, #tpu.memory_space<vmem>> -> memref<40x128xf32, #tpu.memory_space<vmem>>
      %dma_wait3A_61 = arith.constant 0 : i32
      %dma_wait3A_62 = tpu.memref_slice %arg5[%add3A_35, %dma_wait3A_61] : memref<10240x128xf32, #tpu.memory_space<vmem_shared>> -> memref<40x128xf32, #tpu.memory_space<vmem_shared>>
      %dma_wait3A_63 = arith.constant 0 : i32
      %dma_wait3A_64 = tpu.memref_slice %arg5[%add3A_35, %dma_wait3A_63] : memref<10240x128xf32, #tpu.memory_space<vmem_shared>> -> memref<40x128xf32, #tpu.memory_space<vmem_shared>>
      %dma_wait3A_65 = arith.constant 0 : i32
      %dma_wait3A_66 = arith.constant 0 : i32
      %dma_wait3A_67 = tpu.memref_slice %arg8[%dma_wait3A_65, %dma_wait3A_66] : memref<100x128xf32, #tpu.memory_space<vmem>> -> memref<40x128xf32, #tpu.memory_space<vmem>>
      tpu.wait_dma2 semaphore(%run_scoped3A : memref<!tpu.dma_semaphore, #tpu.memory_space<semaphore_mem>>) src(%dma_wait3A_67 : memref<40x128xf32, #tpu.memory_space<vmem>>) dst(%dma_wait3A_64 : memref<40x128xf32, #tpu.memory_space<vmem_shared>>)
      tpu.yield
    }) : () -> ()
    %add3A_36 = arith.constant 560 : i32
    %add3A_37 = arith.addi %mul3A_7, %add3A_36 : i32
    "tpu.region"() ({
      %run_scoped3A = tpu.sem_alloc : memref<!tpu.dma_semaphore, #tpu.memory_space<semaphore_mem>>
      %dma_start3A = arith.constant 0 : i32
      %dma_start3A_50 = arith.constant 0 : i32
      %dma_start3A_51 = tpu.memref_slice %arg8[%dma_start3A, %dma_start3A_50] : memref<100x128xf32, #tpu.memory_space<vmem>> -> memref<40x128xf32, #tpu.memory_space<vmem>>
      %dma_start3A_52 = arith.constant 0 : i32
      %dma_start3A_53 = tpu.memref_slice %arg5[%add3A_37, %dma_start3A_52] : memref<10240x128xf32, #tpu.memory_space<vmem_shared>> -> memref<40x128xf32, #tpu.memory_space<vmem_shared>>
      %dma_start3A_54 = arith.constant 0 : i32
      %dma_start3A_55 = tpu.memref_slice %arg5[%add3A_37, %dma_start3A_54] : memref<10240x128xf32, #tpu.memory_space<vmem_shared>> -> memref<40x128xf32, #tpu.memory_space<vmem_shared>>
      %dma_start3A_56 = arith.constant 0 : i32
      %dma_start3A_57 = arith.constant 0 : i32
      %dma_start3A_58 = tpu.memref_slice %arg8[%dma_start3A_56, %dma_start3A_57] : memref<100x128xf32, #tpu.memory_space<vmem>> -> memref<40x128xf32, #tpu.memory_space<vmem>>
      tpu.enqueue_dma source(%dma_start3A_58 : memref<40x128xf32, #tpu.memory_space<vmem>>) target(%dma_start3A_55 : memref<40x128xf32, #tpu.memory_space<vmem_shared>>) target_semaphore(%run_scoped3A : memref<!tpu.dma_semaphore, #tpu.memory_space<semaphore_mem>>)
      %dma_wait3A = arith.constant 0 : i32
      %dma_wait3A_59 = arith.constant 0 : i32
      %dma_wait3A_60 = tpu.memref_slice %arg8[%dma_wait3A, %dma_wait3A_59] : memref<100x128xf32, #tpu.memory_space<vmem>> -> memref<40x128xf32, #tpu.memory_space<vmem>>
      %dma_wait3A_61 = arith.constant 0 : i32
      %dma_wait3A_62 = tpu.memref_slice %arg5[%add3A_37, %dma_wait3A_61] : memref<10240x128xf32, #tpu.memory_space<vmem_shared>> -> memref<40x128xf32, #tpu.memory_space<vmem_shared>>
      %dma_wait3A_63 = arith.constant 0 : i32
      %dma_wait3A_64 = tpu.memref_slice %arg5[%add3A_37, %dma_wait3A_63] : memref<10240x128xf32, #tpu.memory_space<vmem_shared>> -> memref<40x128xf32, #tpu.memory_space<vmem_shared>>
      %dma_wait3A_65 = arith.constant 0 : i32
      %dma_wait3A_66 = arith.constant 0 : i32
      %dma_wait3A_67 = tpu.memref_slice %arg8[%dma_wait3A_65, %dma_wait3A_66] : memref<100x128xf32, #tpu.memory_space<vmem>> -> memref<40x128xf32, #tpu.memory_space<vmem>>
      tpu.wait_dma2 semaphore(%run_scoped3A : memref<!tpu.dma_semaphore, #tpu.memory_space<semaphore_mem>>) src(%dma_wait3A_67 : memref<40x128xf32, #tpu.memory_space<vmem>>) dst(%dma_wait3A_64 : memref<40x128xf32, #tpu.memory_space<vmem_shared>>)
      tpu.yield
    }) : () -> ()
    %add3A_38 = arith.constant 600 : i32
    %add3A_39 = arith.addi %mul3A_7, %add3A_38 : i32
    "tpu.region"() ({
      %run_scoped3A = tpu.sem_alloc : memref<!tpu.dma_semaphore, #tpu.memory_space<semaphore_mem>>
      %dma_start3A = arith.constant 0 : i32
      %dma_start3A_50 = arith.constant 0 : i32
      %dma_start3A_51 = tpu.memref_slice %arg8[%dma_start3A, %dma_start3A_50] : memref<100x128xf32, #tpu.memory_space<vmem>> -> memref<40x128xf32, #tpu.memory_space<vmem>>
      %dma_start3A_52 = arith.constant 0 : i32
      %dma_start3A_53 = tpu.memref_slice %arg5[%add3A_39, %dma_start3A_52] : memref<10240x128xf32, #tpu.memory_space<vmem_shared>> -> memref<40x128xf32, #tpu.memory_space<vmem_shared>>
      %dma_start3A_54 = arith.constant 0 : i32
      %dma_start3A_55 = tpu.memref_slice %arg5[%add3A_39, %dma_start3A_54] : memref<10240x128xf32, #tpu.memory_space<vmem_shared>> -> memref<40x128xf32, #tpu.memory_space<vmem_shared>>
      %dma_start3A_56 = arith.constant 0 : i32
      %dma_start3A_57 = arith.constant 0 : i32
      %dma_start3A_58 = tpu.memref_slice %arg8[%dma_start3A_56, %dma_start3A_57] : memref<100x128xf32, #tpu.memory_space<vmem>> -> memref<40x128xf32, #tpu.memory_space<vmem>>
      tpu.enqueue_dma source(%dma_start3A_58 : memref<40x128xf32, #tpu.memory_space<vmem>>) target(%dma_start3A_55 : memref<40x128xf32, #tpu.memory_space<vmem_shared>>) target_semaphore(%run_scoped3A : memref<!tpu.dma_semaphore, #tpu.memory_space<semaphore_mem>>)
      %dma_wait3A = arith.constant 0 : i32
      %dma_wait3A_59 = arith.constant 0 : i32
      %dma_wait3A_60 = tpu.memref_slice %arg8[%dma_wait3A, %dma_wait3A_59] : memref<100x128xf32, #tpu.memory_space<vmem>> -> memref<40x128xf32, #tpu.memory_space<vmem>>
      %dma_wait3A_61 = arith.constant 0 : i32
      %dma_wait3A_62 = tpu.memref_slice %arg5[%add3A_39, %dma_wait3A_61] : memref<10240x128xf32, #tpu.memory_space<vmem_shared>> -> memref<40x128xf32, #tpu.memory_space<vmem_shared>>
      %dma_wait3A_63 = arith.constant 0 : i32
      %dma_wait3A_64 = tpu.memref_slice %arg5[%add3A_39, %dma_wait3A_63] : memref<10240x128xf32, #tpu.memory_space<vmem_shared>> -> memref<40x128xf32, #tpu.memory_space<vmem_shared>>
      %dma_wait3A_65 = arith.constant 0 : i32
      %dma_wait3A_66 = arith.constant 0 : i32
      %dma_wait3A_67 = tpu.memref_slice %arg8[%dma_wait3A_65, %dma_wait3A_66] : memref<100x128xf32, #tpu.memory_space<vmem>> -> memref<40x128xf32, #tpu.memory_space<vmem>>
      tpu.wait_dma2 semaphore(%run_scoped3A : memref<!tpu.dma_semaphore, #tpu.memory_space<semaphore_mem>>) src(%dma_wait3A_67 : memref<40x128xf32, #tpu.memory_space<vmem>>) dst(%dma_wait3A_64 : memref<40x128xf32, #tpu.memory_space<vmem_shared>>)
      tpu.yield
    }) : () -> ()
    %barrier3A = arith.constant 0 : index
    tpu.barrier barrier_id(%barrier3A)
    %scan3A_40 = arith.constant 0 : i32
    %scan3A_41 = arith.constant 1 : i32
    %scan3A_42 = arith.constant 0 : i32
    %scan3A_43 = arith.constant 50 : i32
    %scan3A_44 = arith.addi %scan3A_42, %scan3A_43 : i32
    %scan3A_45 = arith.constant 1 : i32
    scf.for %scan3A_50 = %scan3A_42 to %scan3A_44 step %scan3A_45  : i32 {
      %mul3A_51 = arith.constant 1 : i32
      %mul3A_52 = arith.muli %scan3A_50, %mul3A_51 : i32
      %add3A_53 = arith.constant 0 : i32
      %add3A_54 = arith.addi %add3A_53, %mul3A_52 : i32
      "tpu.region"() ({
        %run_scoped3A_82 = tpu.sem_alloc : memref<!tpu.dma_semaphore, #tpu.memory_space<semaphore_mem>>
        %dma_start3A_83 = arith.constant 0 : i32
        %dma_start3A_84 = arith.constant 0 : i32
        %dma_start3A_85 = arith.constant 0 : i32
        %dma_start3A_86 = arith.constant 0 : i32
        %dma_start3A_87 = tpu.memref_slice %arg3[%scan3A_40, %dma_start3A_83, %dma_start3A_84, %dma_start3A_85, %dma_start3A_86] : memref<2x32x50x2x100xi32, #tpu.memory_space<hbm>> -> memref<1x32x50x2x100xi32, #tpu.memory_space<hbm>>
        %dma_start3A_88 = tpu.memref_squeeze %dma_start3A_87 : memref<1x32x50x2x100xi32, #tpu.memory_space<hbm>> -> memref<32x50x2x100xi32, #tpu.memory_space<hbm>>
        %dma_start3A_89 = arith.constant 0 : i32
        %dma_start3A_90 = arith.constant 0 : i32
        %dma_start3A_91 = arith.constant 0 : i32
        %dma_start3A_92 = tpu.memref_slice %dma_start3A_88[%add3A, %dma_start3A_89, %dma_start3A_90, %dma_start3A_91] : memref<32x50x2x100xi32, #tpu.memory_space<hbm>> -> memref<1x50x2x100xi32, #tpu.memory_space<hbm>>
        %dma_start3A_93 = tpu.memref_squeeze %dma_start3A_92 : memref<1x50x2x100xi32, #tpu.memory_space<hbm>> -> memref<50x2x100xi32, #tpu.memory_space<hbm>>
        %dma_start3A_94 = arith.constant 0 : i32
        %dma_start3A_95 = arith.constant 0 : i32
        %dma_start3A_96 = tpu.memref_slice %dma_start3A_93[%add3A_54, %dma_start3A_94, %dma_start3A_95] : memref<50x2x100xi32, #tpu.memory_space<hbm>> -> memref<1x2x100xi32, #tpu.memory_space<hbm>>
        %dma_start3A_97 = tpu.memref_squeeze %dma_start3A_96 : memref<1x2x100xi32, #tpu.memory_space<hbm>> -> memref<2x100xi32, #tpu.memory_space<hbm>>
        %dma_start3A_98 = arith.constant 0 : i32
        %dma_start3A_99 = arith.constant 0 : i32
        %dma_start3A_100 = arith.constant 0 : i32
        %dma_start3A_101 = arith.constant 0 : i32
        %dma_start3A_102 = tpu.memref_slice %arg3[%scan3A_40, %dma_start3A_98, %dma_start3A_99, %dma_start3A_100, %dma_start3A_101] : memref<2x32x50x2x100xi32, #tpu.memory_space<hbm>> -> memref<1x32x50x2x100xi32, #tpu.memory_space<hbm>>
        %dma_start3A_103 = tpu.memref_squeeze %dma_start3A_102 : memref<1x32x50x2x100xi32, #tpu.memory_space<hbm>> -> memref<32x50x2x100xi32, #tpu.memory_space<hbm>>
        %dma_start3A_104 = arith.constant 0 : i32
        %dma_start3A_105 = arith.constant 0 : i32
        %dma_start3A_106 = arith.constant 0 : i32
        %dma_start3A_107 = tpu.memref_slice %dma_start3A_103[%add3A, %dma_start3A_104, %dma_start3A_105, %dma_start3A_106] : memref<32x50x2x100xi32, #tpu.memory_space<hbm>> -> memref<1x50x2x100xi32, #tpu.memory_space<hbm>>
        %dma_start3A_108 = tpu.memref_squeeze %dma_start3A_107 : memref<1x50x2x100xi32, #tpu.memory_space<hbm>> -> memref<50x2x100xi32, #tpu.memory_space<hbm>>
        %dma_start3A_109 = arith.constant 0 : i32
        %dma_start3A_110 = arith.constant 0 : i32
        %dma_start3A_111 = tpu.memref_slice %dma_start3A_108[%add3A_54, %dma_start3A_109, %dma_start3A_110] : memref<50x2x100xi32, #tpu.memory_space<hbm>> -> memref<1x2x100xi32, #tpu.memory_space<hbm>>
        %dma_start3A_112 = tpu.memref_squeeze %dma_start3A_111 : memref<1x2x100xi32, #tpu.memory_space<hbm>> -> memref<2x100xi32, #tpu.memory_space<hbm>>
        tpu.enqueue_dma source(%dma_start3A_112 : memref<2x100xi32, #tpu.memory_space<hbm>>) target(%arg6 : memref<2x100xi32, #tpu.memory_space<vmem>>) target_semaphore(%run_scoped3A_82 : memref<!tpu.dma_semaphore, #tpu.memory_space<semaphore_mem>>)
        %dma_wait3A_113 = arith.constant 0 : i32
        %dma_wait3A_114 = arith.constant 0 : i32
        %dma_wait3A_115 = arith.constant 0 : i32
        %dma_wait3A_116 = arith.constant 0 : i32
        %dma_wait3A_117 = tpu.memref_slice %arg3[%scan3A_40, %dma_wait3A_113, %dma_wait3A_114, %dma_wait3A_115, %dma_wait3A_116] : memref<2x32x50x2x100xi32, #tpu.memory_space<hbm>> -> memref<1x32x50x2x100xi32, #tpu.memory_space<hbm>>
        %dma_wait3A_118 = tpu.memref_squeeze %dma_wait3A_117 : memref<1x32x50x2x100xi32, #tpu.memory_space<hbm>> -> memref<32x50x2x100xi32, #tpu.memory_space<hbm>>
        %dma_wait3A_119 = arith.constant 0 : i32
        %dma_wait3A_120 = arith.constant 0 : i32
        %dma_wait3A_121 = arith.constant 0 : i32
        %dma_wait3A_122 = tpu.memref_slice %dma_wait3A_118[%add3A, %dma_wait3A_119, %dma_wait3A_120, %dma_wait3A_121] : memref<32x50x2x100xi32, #tpu.memory_space<hbm>> -> memref<1x50x2x100xi32, #tpu.memory_space<hbm>>
        %dma_wait3A_123 = tpu.memref_squeeze %dma_wait3A_122 : memref<1x50x2x100xi32, #tpu.memory_space<hbm>> -> memref<50x2x100xi32, #tpu.memory_space<hbm>>
        %dma_wait3A_124 = arith.constant 0 : i32
        %dma_wait3A_125 = arith.constant 0 : i32
        %dma_wait3A_126 = tpu.memref_slice %dma_wait3A_123[%add3A_54, %dma_wait3A_124, %dma_wait3A_125] : memref<50x2x100xi32, #tpu.memory_space<hbm>> -> memref<1x2x100xi32, #tpu.memory_space<hbm>>
        %dma_wait3A_127 = tpu.memref_squeeze %dma_wait3A_126 : memref<1x2x100xi32, #tpu.memory_space<hbm>> -> memref<2x100xi32, #tpu.memory_space<hbm>>
        %dma_wait3A_128 = arith.constant 0 : i32
        %dma_wait3A_129 = arith.constant 0 : i32
        %dma_wait3A_130 = arith.constant 0 : i32
        %dma_wait3A_131 = arith.constant 0 : i32
        %dma_wait3A_132 = tpu.memref_slice %arg3[%scan3A_40, %dma_wait3A_128, %dma_wait3A_129, %dma_wait3A_130, %dma_wait3A_131] : memref<2x32x50x2x100xi32, #tpu.memory_space<hbm>> -> memref<1x32x50x2x100xi32, #tpu.memory_space<hbm>>
        %dma_wait3A_133 = tpu.memref_squeeze %dma_wait3A_132 : memref<1x32x50x2x100xi32, #tpu.memory_space<hbm>> -> memref<32x50x2x100xi32, #tpu.memory_space<hbm>>
        %dma_wait3A_134 = arith.constant 0 : i32
        %dma_wait3A_135 = arith.constant 0 : i32
        %dma_wait3A_136 = arith.constant 0 : i32
        %dma_wait3A_137 = tpu.memref_slice %dma_wait3A_133[%add3A, %dma_wait3A_134, %dma_wait3A_135, %dma_wait3A_136] : memref<32x50x2x100xi32, #tpu.memory_space<hbm>> -> memref<1x50x2x100xi32, #tpu.memory_space<hbm>>
        %dma_wait3A_138 = tpu.memref_squeeze %dma_wait3A_137 : memref<1x50x2x100xi32, #tpu.memory_space<hbm>> -> memref<50x2x100xi32, #tpu.memory_space<hbm>>
        %dma_wait3A_139 = arith.constant 0 : i32
        %dma_wait3A_140 = arith.constant 0 : i32
        %dma_wait3A_141 = tpu.memref_slice %dma_wait3A_138[%add3A_54, %dma_wait3A_139, %dma_wait3A_140] : memref<50x2x100xi32, #tpu.memory_space<hbm>> -> memref<1x2x100xi32, #tpu.memory_space<hbm>>
        %dma_wait3A_142 = tpu.memref_squeeze %dma_wait3A_141 : memref<1x2x100xi32, #tpu.memory_space<hbm>> -> memref<2x100xi32, #tpu.memory_space<hbm>>
        tpu.wait_dma2 semaphore(%run_scoped3A_82 : memref<!tpu.dma_semaphore, #tpu.memory_space<semaphore_mem>>) src(%dma_wait3A_142 : memref<2x100xi32, #tpu.memory_space<hbm>>) dst(%arg6 : memref<2x100xi32, #tpu.memory_space<vmem>>)
        tpu.yield
      }) : () -> ()
      "tpu.region"() ({
        %run_scoped3A_82 = tpu.sem_alloc : memref<!tpu.dma_semaphore, #tpu.memory_space<semaphore_mem>>
        %dma_start3A_83 = arith.constant 0 : i32
        %dma_start3A_84 = arith.constant 0 : i32
        %dma_start3A_85 = arith.constant 0 : i32
        %dma_start3A_86 = arith.constant 0 : i32
        %dma_start3A_87 = tpu.memref_slice %arg3[%scan3A_41, %dma_start3A_83, %dma_start3A_84, %dma_start3A_85, %dma_start3A_86] : memref<2x32x50x2x100xi32, #tpu.memory_space<hbm>> -> memref<1x32x50x2x100xi32, #tpu.memory_space<hbm>>
        %dma_start3A_88 = tpu.memref_squeeze %dma_start3A_87 : memref<1x32x50x2x100xi32, #tpu.memory_space<hbm>> -> memref<32x50x2x100xi32, #tpu.memory_space<hbm>>
        %dma_start3A_89 = arith.constant 0 : i32
        %dma_start3A_90 = arith.constant 0 : i32
        %dma_start3A_91 = arith.constant 0 : i32
        %dma_start3A_92 = tpu.memref_slice %dma_start3A_88[%add3A, %dma_start3A_89, %dma_start3A_90, %dma_start3A_91] : memref<32x50x2x100xi32, #tpu.memory_space<hbm>> -> memref<1x50x2x100xi32, #tpu.memory_space<hbm>>
        %dma_start3A_93 = tpu.memref_squeeze %dma_start3A_92 : memref<1x50x2x100xi32, #tpu.memory_space<hbm>> -> memref<50x2x100xi32, #tpu.memory_space<hbm>>
        %dma_start3A_94 = arith.constant 0 : i32
        %dma_start3A_95 = arith.constant 0 : i32
        %dma_start3A_96 = tpu.memref_slice %dma_start3A_93[%add3A_54, %dma_start3A_94, %dma_start3A_95] : memref<50x2x100xi32, #tpu.memory_space<hbm>> -> memref<1x2x100xi32, #tpu.memory_space<hbm>>
        %dma_start3A_97 = tpu.memref_squeeze %dma_start3A_96 : memref<1x2x100xi32, #tpu.memory_space<hbm>> -> memref<2x100xi32, #tpu.memory_space<hbm>>
        %dma_start3A_98 = arith.constant 0 : i32
        %dma_start3A_99 = arith.constant 0 : i32
        %dma_start3A_100 = arith.constant 0 : i32
        %dma_start3A_101 = arith.constant 0 : i32
        %dma_start3A_102 = tpu.memref_slice %arg3[%scan3A_41, %dma_start3A_98, %dma_start3A_99, %dma_start3A_100, %dma_start3A_101] : memref<2x32x50x2x100xi32, #tpu.memory_space<hbm>> -> memref<1x32x50x2x100xi32, #tpu.memory_space<hbm>>
        %dma_start3A_103 = tpu.memref_squeeze %dma_start3A_102 : memref<1x32x50x2x100xi32, #tpu.memory_space<hbm>> -> memref<32x50x2x100xi32, #tpu.memory_space<hbm>>
        %dma_start3A_104 = arith.constant 0 : i32
        %dma_start3A_105 = arith.constant 0 : i32
        %dma_start3A_106 = arith.constant 0 : i32
        %dma_start3A_107 = tpu.memref_slice %dma_start3A_103[%add3A, %dma_start3A_104, %dma_start3A_105, %dma_start3A_106] : memref<32x50x2x100xi32, #tpu.memory_space<hbm>> -> memref<1x50x2x100xi32, #tpu.memory_space<hbm>>
        %dma_start3A_108 = tpu.memref_squeeze %dma_start3A_107 : memref<1x50x2x100xi32, #tpu.memory_space<hbm>> -> memref<50x2x100xi32, #tpu.memory_space<hbm>>
        %dma_start3A_109 = arith.constant 0 : i32
        %dma_start3A_110 = arith.constant 0 : i32
        %dma_start3A_111 = tpu.memref_slice %dma_start3A_108[%add3A_54, %dma_start3A_109, %dma_start3A_110] : memref<50x2x100xi32, #tpu.memory_space<hbm>> -> memref<1x2x100xi32, #tpu.memory_space<hbm>>
        %dma_start3A_112 = tpu.memref_squeeze %dma_start3A_111 : memref<1x2x100xi32, #tpu.memory_space<hbm>> -> memref<2x100xi32, #tpu.memory_space<hbm>>
        tpu.enqueue_dma source(%dma_start3A_112 : memref<2x100xi32, #tpu.memory_space<hbm>>) target(%arg7 : memref<2x100xi32, #tpu.memory_space<vmem>>) target_semaphore(%run_scoped3A_82 : memref<!tpu.dma_semaphore, #tpu.memory_space<semaphore_mem>>)
        %dma_wait3A_113 = arith.constant 0 : i32
        %dma_wait3A_114 = arith.constant 0 : i32
        %dma_wait3A_115 = arith.constant 0 : i32
        %dma_wait3A_116 = arith.constant 0 : i32
        %dma_wait3A_117 = tpu.memref_slice %arg3[%scan3A_41, %dma_wait3A_113, %dma_wait3A_114, %dma_wait3A_115, %dma_wait3A_116] : memref<2x32x50x2x100xi32, #tpu.memory_space<hbm>> -> memref<1x32x50x2x100xi32, #tpu.memory_space<hbm>>
        %dma_wait3A_118 = tpu.memref_squeeze %dma_wait3A_117 : memref<1x32x50x2x100xi32, #tpu.memory_space<hbm>> -> memref<32x50x2x100xi32, #tpu.memory_space<hbm>>
        %dma_wait3A_119 = arith.constant 0 : i32
        %dma_wait3A_120 = arith.constant 0 : i32
        %dma_wait3A_121 = arith.constant 0 : i32
        %dma_wait3A_122 = tpu.memref_slice %dma_wait3A_118[%add3A, %dma_wait3A_119, %dma_wait3A_120, %dma_wait3A_121] : memref<32x50x2x100xi32, #tpu.memory_space<hbm>> -> memref<1x50x2x100xi32, #tpu.memory_space<hbm>>
        %dma_wait3A_123 = tpu.memref_squeeze %dma_wait3A_122 : memref<1x50x2x100xi32, #tpu.memory_space<hbm>> -> memref<50x2x100xi32, #tpu.memory_space<hbm>>
        %dma_wait3A_124 = arith.constant 0 : i32
        %dma_wait3A_125 = arith.constant 0 : i32
        %dma_wait3A_126 = tpu.memref_slice %dma_wait3A_123[%add3A_54, %dma_wait3A_124, %dma_wait3A_125] : memref<50x2x100xi32, #tpu.memory_space<hbm>> -> memref<1x2x100xi32, #tpu.memory_space<hbm>>
        %dma_wait3A_127 = tpu.memref_squeeze %dma_wait3A_126 : memref<1x2x100xi32, #tpu.memory_space<hbm>> -> memref<2x100xi32, #tpu.memory_space<hbm>>
        %dma_wait3A_128 = arith.constant 0 : i32
        %dma_wait3A_129 = arith.constant 0 : i32
        %dma_wait3A_130 = arith.constant 0 : i32
        %dma_wait3A_131 = arith.constant 0 : i32
        %dma_wait3A_132 = tpu.memref_slice %arg3[%scan3A_41, %dma_wait3A_128, %dma_wait3A_129, %dma_wait3A_130, %dma_wait3A_131] : memref<2x32x50x2x100xi32, #tpu.memory_space<hbm>> -> memref<1x32x50x2x100xi32, #tpu.memory_space<hbm>>
        %dma_wait3A_133 = tpu.memref_squeeze %dma_wait3A_132 : memref<1x32x50x2x100xi32, #tpu.memory_space<hbm>> -> memref<32x50x2x100xi32, #tpu.memory_space<hbm>>
        %dma_wait3A_134 = arith.constant 0 : i32
        %dma_wait3A_135 = arith.constant 0 : i32
        %dma_wait3A_136 = arith.constant 0 : i32
        %dma_wait3A_137 = tpu.memref_slice %dma_wait3A_133[%add3A, %dma_wait3A_134, %dma_wait3A_135, %dma_wait3A_136] : memref<32x50x2x100xi32, #tpu.memory_space<hbm>> -> memref<1x50x2x100xi32, #tpu.memory_space<hbm>>
        %dma_wait3A_138 = tpu.memref_squeeze %dma_wait3A_137 : memref<1x50x2x100xi32, #tpu.memory_space<hbm>> -> memref<50x2x100xi32, #tpu.memory_space<hbm>>
        %dma_wait3A_139 = arith.constant 0 : i32
        %dma_wait3A_140 = arith.constant 0 : i32
        %dma_wait3A_141 = tpu.memref_slice %dma_wait3A_138[%add3A_54, %dma_wait3A_139, %dma_wait3A_140] : memref<50x2x100xi32, #tpu.memory_space<hbm>> -> memref<1x2x100xi32, #tpu.memory_space<hbm>>
        %dma_wait3A_142 = tpu.memref_squeeze %dma_wait3A_141 : memref<1x2x100xi32, #tpu.memory_space<hbm>> -> memref<2x100xi32, #tpu.memory_space<hbm>>
        tpu.wait_dma2 semaphore(%run_scoped3A_82 : memref<!tpu.dma_semaphore, #tpu.memory_space<semaphore_mem>>) src(%dma_wait3A_142 : memref<2x100xi32, #tpu.memory_space<hbm>>) dst(%arg7 : memref<2x100xi32, #tpu.memory_space<vmem>>)
        tpu.yield
      }) : () -> ()
      %dma_start3A = arith.constant 0 : i32
      %dma_start3A_55 = arith.constant 0 : i32
      %dma_start3A_56 = tpu.memref_slice %arg6[%dma_start3A, %dma_start3A_55] : memref<2x100xi32, #tpu.memory_space<vmem>> -> memref<1x100xi32, #tpu.memory_space<vmem>>
      %dma_start3A_57 = tpu.memref_squeeze %dma_start3A_56 : memref<1x100xi32, #tpu.memory_space<vmem>> -> memref<100xi32, #tpu.memory_space<vmem>>
      %dma_start3A_58 = arith.constant 0 : i32
      %dma_start3A_59 = arith.constant 0 : i32
      %dma_start3A_60 = tpu.memref_slice %arg2[%dma_start3A_58, %dma_start3A_59] : memref<10000x128xf32, #tpu.memory_space<hbm>> -> memref<10000x128xf32, #tpu.memory_space<hbm>>
      tpu.enqueue_indirect_dma source(%dma_start3A_60 : memref<10000x128xf32, #tpu.memory_space<hbm>>) target(%arg8 : memref<100x128xf32, #tpu.memory_space<vmem>>) offsets(%dma_start3A_57 : memref<100xi32, #tpu.memory_space<vmem>>) semaphore(%arg10 : memref<!tpu.dma_semaphore, #tpu.memory_space<semaphore_mem>>)
      %dma_start3A_61 = arith.constant 1 : i32
      %dma_start3A_62 = arith.constant 0 : i32
      %dma_start3A_63 = tpu.memref_slice %arg6[%dma_start3A_61, %dma_start3A_62] : memref<2x100xi32, #tpu.memory_space<vmem>> -> memref<1x100xi32, #tpu.memory_space<vmem>>
      %dma_start3A_64 = tpu.memref_squeeze %dma_start3A_63 : memref<1x100xi32, #tpu.memory_space<vmem>> -> memref<100xi32, #tpu.memory_space<vmem>>
      %dma_start3A_65 = arith.constant 0 : i32
      %dma_start3A_66 = arith.constant 0 : i32
      %dma_start3A_67 = tpu.memref_slice %arg2[%dma_start3A_65, %dma_start3A_66] : memref<10000x128xf32, #tpu.memory_space<hbm>> -> memref<10000x128xf32, #tpu.memory_space<hbm>>
      tpu.enqueue_indirect_dma source(%dma_start3A_67 : memref<10000x128xf32, #tpu.memory_space<hbm>>) target(%arg9 : memref<100x128xf32, #tpu.memory_space<vmem>>) offsets(%dma_start3A_64 : memref<100xi32, #tpu.memory_space<vmem>>) semaphore(%arg11 : memref<!tpu.dma_semaphore, #tpu.memory_space<semaphore_mem>>)
      %dma_wait3A = arith.constant 0 : i32
      %dma_wait3A_68 = arith.constant 0 : i32
      %dma_wait3A_69 = tpu.memref_slice %arg6[%dma_wait3A, %dma_wait3A_68] : memref<2x100xi32, #tpu.memory_space<vmem>> -> memref<1x100xi32, #tpu.memory_space<vmem>>
      %dma_wait3A_70 = tpu.memref_squeeze %dma_wait3A_69 : memref<1x100xi32, #tpu.memory_space<vmem>> -> memref<100xi32, #tpu.memory_space<vmem>>
      %dma_wait3A_71 = arith.constant 0 : i32
      %dma_wait3A_72 = arith.constant 0 : i32
      %dma_wait3A_73 = tpu.memref_slice %arg2[%dma_wait3A_71, %dma_wait3A_72] : memref<10000x128xf32, #tpu.memory_space<hbm>> -> memref<10000x128xf32, #tpu.memory_space<hbm>>
      tpu.wait_indirect_dma semaphore(%arg10 : memref<!tpu.dma_semaphore, #tpu.memory_space<semaphore_mem>>) src(%dma_wait3A_73 : memref<10000x128xf32, #tpu.memory_space<hbm>>) dst(%arg8 : memref<100x128xf32, #tpu.memory_space<vmem>>)
      %run_scoped3A = arith.constant 0 : i32
      "tpu.region"() ({
        %run_scoped3A_82 = tpu.sem_alloc : memref<!tpu.dma_semaphore, #tpu.memory_space<semaphore_mem>>
        %dma_start3A_83 = arith.constant 0 : i32
        %dma_start3A_84 = tpu.memref_slice %arg7[%run_scoped3A, %dma_start3A_83] : memref<2x100xi32, #tpu.memory_space<vmem>> -> memref<1x100xi32, #tpu.memory_space<vmem>>
        %dma_start3A_85 = tpu.memref_squeeze %dma_start3A_84 : memref<1x100xi32, #tpu.memory_space<vmem>> -> memref<100xi32, #tpu.memory_space<vmem>>
        %dma_start3A_86 = arith.constant 0 : i32
        %dma_start3A_87 = arith.constant 0 : i32
        %dma_start3A_88 = tpu.memref_slice %arg5[%dma_start3A_86, %dma_start3A_87] : memref<10240x128xf32, #tpu.memory_space<vmem_shared>> -> memref<10240x128xf32, #tpu.memory_space<vmem_shared>>
        tpu.enqueue_indirect_dma source(%arg8 : memref<100x128xf32, #tpu.memory_space<vmem>>) target(%dma_start3A_88 : memref<10240x128xf32, #tpu.memory_space<vmem_shared>>) offsets(%dma_start3A_85 : memref<100xi32, #tpu.memory_space<vmem>>) semaphore(%run_scoped3A_82 : memref<!tpu.dma_semaphore, #tpu.memory_space<semaphore_mem>>) {add = true}
        %dma_wait3A_89 = arith.constant 0 : i32
        %dma_wait3A_90 = tpu.memref_slice %arg7[%run_scoped3A, %dma_wait3A_89] : memref<2x100xi32, #tpu.memory_space<vmem>> -> memref<1x100xi32, #tpu.memory_space<vmem>>
        %dma_wait3A_91 = tpu.memref_squeeze %dma_wait3A_90 : memref<1x100xi32, #tpu.memory_space<vmem>> -> memref<100xi32, #tpu.memory_space<vmem>>
        %dma_wait3A_92 = arith.constant 0 : i32
        %dma_wait3A_93 = arith.constant 0 : i32
        %dma_wait3A_94 = tpu.memref_slice %arg5[%dma_wait3A_92, %dma_wait3A_93] : memref<10240x128xf32, #tpu.memory_space<vmem_shared>> -> memref<10240x128xf32, #tpu.memory_space<vmem_shared>>
        tpu.wait_indirect_dma semaphore(%run_scoped3A_82 : memref<!tpu.dma_semaphore, #tpu.memory_space<semaphore_mem>>) src(%arg8 : memref<100x128xf32, #tpu.memory_space<vmem>>) dst(%dma_wait3A_94 : memref<10240x128xf32, #tpu.memory_space<vmem_shared>>)
        tpu.yield
      }) : () -> ()
      %dma_wait3A_74 = arith.constant 1 : i32
      %dma_wait3A_75 = arith.constant 0 : i32
      %dma_wait3A_76 = tpu.memref_slice %arg6[%dma_wait3A_74, %dma_wait3A_75] : memref<2x100xi32, #tpu.memory_space<vmem>> -> memref<1x100xi32, #tpu.memory_space<vmem>>
      %dma_wait3A_77 = tpu.memref_squeeze %dma_wait3A_76 : memref<1x100xi32, #tpu.memory_space<vmem>> -> memref<100xi32, #tpu.memory_space<vmem>>
      %dma_wait3A_78 = arith.constant 0 : i32
      %dma_wait3A_79 = arith.constant 0 : i32
      %dma_wait3A_80 = tpu.memref_slice %arg2[%dma_wait3A_78, %dma_wait3A_79] : memref<10000x128xf32, #tpu.memory_space<hbm>> -> memref<10000x128xf32, #tpu.memory_space<hbm>>
      tpu.wait_indirect_dma semaphore(%arg11 : memref<!tpu.dma_semaphore, #tpu.memory_space<semaphore_mem>>) src(%dma_wait3A_80 : memref<10000x128xf32, #tpu.memory_space<hbm>>) dst(%arg9 : memref<100x128xf32, #tpu.memory_space<vmem>>)
      %run_scoped3A_81 = arith.constant 1 : i32
      "tpu.region"() ({
        %run_scoped3A_82 = tpu.sem_alloc : memref<!tpu.dma_semaphore, #tpu.memory_space<semaphore_mem>>
        %dma_start3A_83 = arith.constant 0 : i32
        %dma_start3A_84 = tpu.memref_slice %arg7[%run_scoped3A_81, %dma_start3A_83] : memref<2x100xi32, #tpu.memory_space<vmem>> -> memref<1x100xi32, #tpu.memory_space<vmem>>
        %dma_start3A_85 = tpu.memref_squeeze %dma_start3A_84 : memref<1x100xi32, #tpu.memory_space<vmem>> -> memref<100xi32, #tpu.memory_space<vmem>>
        %dma_start3A_86 = arith.constant 0 : i32
        %dma_start3A_87 = arith.constant 0 : i32
        %dma_start3A_88 = tpu.memref_slice %arg5[%dma_start3A_86, %dma_start3A_87] : memref<10240x128xf32, #tpu.memory_space<vmem_shared>> -> memref<10240x128xf32, #tpu.memory_space<vmem_shared>>
        tpu.enqueue_indirect_dma source(%arg9 : memref<100x128xf32, #tpu.memory_space<vmem>>) target(%dma_start3A_88 : memref<10240x128xf32, #tpu.memory_space<vmem_shared>>) offsets(%dma_start3A_85 : memref<100xi32, #tpu.memory_space<vmem>>) semaphore(%run_scoped3A_82 : memref<!tpu.dma_semaphore, #tpu.memory_space<semaphore_mem>>) {add = true}
        %dma_wait3A_89 = arith.constant 0 : i32
        %dma_wait3A_90 = tpu.memref_slice %arg7[%run_scoped3A_81, %dma_wait3A_89] : memref<2x100xi32, #tpu.memory_space<vmem>> -> memref<1x100xi32, #tpu.memory_space<vmem>>
        %dma_wait3A_91 = tpu.memref_squeeze %dma_wait3A_90 : memref<1x100xi32, #tpu.memory_space<vmem>> -> memref<100xi32, #tpu.memory_space<vmem>>
        %dma_wait3A_92 = arith.constant 0 : i32
        %dma_wait3A_93 = arith.constant 0 : i32
        %dma_wait3A_94 = tpu.memref_slice %arg5[%dma_wait3A_92, %dma_wait3A_93] : memref<10240x128xf32, #tpu.memory_space<vmem_shared>> -> memref<10240x128xf32, #tpu.memory_space<vmem_shared>>
        tpu.wait_indirect_dma semaphore(%run_scoped3A_82 : memref<!tpu.dma_semaphore, #tpu.memory_space<semaphore_mem>>) src(%arg9 : memref<100x128xf32, #tpu.memory_space<vmem>>) dst(%dma_wait3A_94 : memref<10240x128xf32, #tpu.memory_space<vmem_shared>>)
        tpu.yield
      }) : () -> ()
    }
    %scan3A_46 = arith.constant 50 : i32
    %barrier3A_47 = arith.constant 0 : index
    tpu.barrier barrier_id(%barrier3A_47)
    %mul3A_48 = arith.constant 640 : i32
    %mul3A_49 = arith.muli %arg1, %mul3A_48 : i32
    "tpu.region"() ({
      %run_scoped3A = tpu.sem_alloc : memref<!tpu.dma_semaphore, #tpu.memory_space<semaphore_mem>>
      %dma_start3A = arith.constant 0 : i32
      %dma_start3A_50 = arith.constant 0 : i32
      %dma_start3A_51 = tpu.memref_slice %arg4[%arg0, %dma_start3A, %dma_start3A_50] : memref<2x10240x128xf32, #tpu.memory_space<hbm>> -> memref<1x10240x128xf32, #tpu.memory_space<hbm>>
      %dma_start3A_52 = tpu.memref_squeeze %dma_start3A_51 : memref<1x10240x128xf32, #tpu.memory_space<hbm>> -> memref<10240x128xf32, #tpu.memory_space<hbm>>
      %dma_start3A_53 = arith.constant 0 : i32
      %dma_start3A_54 = tpu.memref_slice %dma_start3A_52[%mul3A_49, %dma_start3A_53] : memref<10240x128xf32, #tpu.memory_space<hbm>> -> memref<640x128xf32, #tpu.memory_space<hbm>>
      %dma_start3A_55 = arith.constant 0 : i32
      %dma_start3A_56 = tpu.memref_slice %arg5[%mul3A_49, %dma_start3A_55] : memref<10240x128xf32, #tpu.memory_space<vmem_shared>> -> memref<640x128xf32, #tpu.memory_space<vmem_shared>>
      tpu.enqueue_dma source(%dma_start3A_56 : memref<640x128xf32, #tpu.memory_space<vmem_shared>>) target(%dma_start3A_54 : memref<640x128xf32, #tpu.memory_space<hbm>>) target_semaphore(%run_scoped3A : memref<!tpu.dma_semaphore, #tpu.memory_space<semaphore_mem>>)
      %dma_wait3A = arith.constant 0 : i32
      %dma_wait3A_57 = arith.constant 0 : i32
      %dma_wait3A_58 = tpu.memref_slice %arg4[%arg0, %dma_wait3A, %dma_wait3A_57] : memref<2x10240x128xf32, #tpu.memory_space<hbm>> -> memref<1x10240x128xf32, #tpu.memory_space<hbm>>
      %dma_wait3A_59 = tpu.memref_squeeze %dma_wait3A_58 : memref<1x10240x128xf32, #tpu.memory_space<hbm>> -> memref<10240x128xf32, #tpu.memory_space<hbm>>
      %dma_wait3A_60 = arith.constant 0 : i32
      %dma_wait3A_61 = tpu.memref_slice %dma_wait3A_59[%mul3A_49, %dma_wait3A_60] : memref<10240x128xf32, #tpu.memory_space<hbm>> -> memref<640x128xf32, #tpu.memory_space<hbm>>
      %dma_wait3A_62 = arith.constant 0 : i32
      %dma_wait3A_63 = tpu.memref_slice %arg5[%mul3A_49, %dma_wait3A_62] : memref<10240x128xf32, #tpu.memory_space<vmem_shared>> -> memref<640x128xf32, #tpu.memory_space<vmem_shared>>
      tpu.wait_dma2 semaphore(%run_scoped3A : memref<!tpu.dma_semaphore, #tpu.memory_space<semaphore_mem>>) src(%dma_wait3A_63 : memref<640x128xf32, #tpu.memory_space<vmem_shared>>) dst(%dma_wait3A_61 : memref<640x128xf32, #tpu.memory_space<hbm>>)
      tpu.yield
    }) : () -> ()
    return
  }
}

#map = affine_map<(d0, d1) -> (0, 0)>
#map1 = affine_map<(d0, d1) -> (0, 0, 0, 0, 0)>
#map2 = affine_map<(d0, d1) -> (0, 0, 0)>
module attributes {stable_mosaic.version = 14 : i64} {
  func.func @_decode_gather_body(%arg0: i32, %arg1: i32, %arg2: memref<10000x128xf32, #tpu.memory_space<hbm>>, %arg3: memref<2x32x40x2x80xi32, #tpu.memory_space<hbm>>, %arg4: memref<2x204800x128xf32, #tpu.memory_space<hbm>>, %arg5: memref<2x80xi32, #tpu.memory_space<vmem>>, %arg6: memref<2x80xi32, #tpu.memory_space<vmem>>, %arg7: memref<80x128xf32, #tpu.memory_space<vmem>>, %arg8: memref<80x128xf32, #tpu.memory_space<vmem>>, %arg9: memref<80x128xf32, #tpu.memory_space<vmem>>, %arg10: memref<80x128xf32, #tpu.memory_space<vmem>>, %arg11: memref<!tpu.dma_semaphore, #tpu.memory_space<semaphore_mem>>, %arg12: memref<!tpu.dma_semaphore, #tpu.memory_space<semaphore_mem>>, %arg13: memref<!tpu.dma_semaphore, #tpu.memory_space<semaphore_mem>>, %arg14: memref<!tpu.dma_semaphore, #tpu.memory_space<semaphore_mem>>) attributes {dimension_semantics = [#tpu.dimension_semantics<core_parallel>, #tpu.dimension_semantics<subcore_parallel>], iteration_bounds = array<i64: 2, 16>, scalar_prefetch = 0 : i64, scratch_operands = 10 : i64, tpu.core_type = #tpu.core_type<sc_vector_subcore>, window_params = [{transform_indices = #map}, {transform_indices = #map1}, {transform_indices = #map2}]} {
    %mul3A = arith.constant 16 : i32
    %mul3A_0 = arith.muli %arg0, %mul3A : i32
    %add3A = arith.addi %mul3A_0, %arg1 : i32
    %scan3A = arith.constant 0 : i32
    %scan3A_1 = arith.constant 1 : i32
    %scan3A_2 = arith.constant 0 : i32
    %scan3A_3 = arith.constant 1 : i32
    %scan3A_4 = arith.constant 0 : i32
    %scan3A_5 = arith.constant 40 : i32
    %scan3A_6 = arith.addi %scan3A_4, %scan3A_5 : i32
    %scan3A_7 = arith.constant 1 : i32
    scf.for %scan3A_9 = %scan3A_4 to %scan3A_6 step %scan3A_7  : i32 {
      %mul3A_10 = arith.constant 1 : i32
      %mul3A_11 = arith.muli %scan3A_9, %mul3A_10 : i32
      %add3A_12 = arith.constant 0 : i32
      %add3A_13 = arith.addi %add3A_12, %mul3A_11 : i32
      "tpu.region"() ({
        %run_scoped3A = tpu.sem_alloc : memref<!tpu.dma_semaphore, #tpu.memory_space<semaphore_mem>>
        %dma_start3A_176 = arith.constant 0 : i32
        %dma_start3A_177 = arith.constant 0 : i32
        %dma_start3A_178 = arith.constant 0 : i32
        %dma_start3A_179 = arith.constant 0 : i32
        %dma_start3A_180 = tpu.memref_slice %arg3[%scan3A, %dma_start3A_176, %dma_start3A_177, %dma_start3A_178, %dma_start3A_179] : memref<2x32x40x2x80xi32, #tpu.memory_space<hbm>> -> memref<1x32x40x2x80xi32, #tpu.memory_space<hbm>>
        %dma_start3A_181 = tpu.memref_squeeze %dma_start3A_180 : memref<1x32x40x2x80xi32, #tpu.memory_space<hbm>> -> memref<32x40x2x80xi32, #tpu.memory_space<hbm>>
        %dma_start3A_182 = arith.constant 0 : i32
        %dma_start3A_183 = arith.constant 0 : i32
        %dma_start3A_184 = arith.constant 0 : i32
        %dma_start3A_185 = tpu.memref_slice %dma_start3A_181[%add3A, %dma_start3A_182, %dma_start3A_183, %dma_start3A_184] : memref<32x40x2x80xi32, #tpu.memory_space<hbm>> -> memref<1x40x2x80xi32, #tpu.memory_space<hbm>>
        %dma_start3A_186 = tpu.memref_squeeze %dma_start3A_185 : memref<1x40x2x80xi32, #tpu.memory_space<hbm>> -> memref<40x2x80xi32, #tpu.memory_space<hbm>>
        %dma_start3A_187 = arith.constant 0 : i32
        %dma_start3A_188 = arith.constant 0 : i32
        %dma_start3A_189 = tpu.memref_slice %dma_start3A_186[%add3A_13, %dma_start3A_187, %dma_start3A_188] : memref<40x2x80xi32, #tpu.memory_space<hbm>> -> memref<1x2x80xi32, #tpu.memory_space<hbm>>
        %dma_start3A_190 = tpu.memref_squeeze %dma_start3A_189 : memref<1x2x80xi32, #tpu.memory_space<hbm>> -> memref<2x80xi32, #tpu.memory_space<hbm>>
        %dma_start3A_191 = arith.constant 0 : i32
        %dma_start3A_192 = arith.constant 0 : i32
        %dma_start3A_193 = arith.constant 0 : i32
        %dma_start3A_194 = arith.constant 0 : i32
        %dma_start3A_195 = tpu.memref_slice %arg3[%scan3A, %dma_start3A_191, %dma_start3A_192, %dma_start3A_193, %dma_start3A_194] : memref<2x32x40x2x80xi32, #tpu.memory_space<hbm>> -> memref<1x32x40x2x80xi32, #tpu.memory_space<hbm>>
        %dma_start3A_196 = tpu.memref_squeeze %dma_start3A_195 : memref<1x32x40x2x80xi32, #tpu.memory_space<hbm>> -> memref<32x40x2x80xi32, #tpu.memory_space<hbm>>
        %dma_start3A_197 = arith.constant 0 : i32
        %dma_start3A_198 = arith.constant 0 : i32
        %dma_start3A_199 = arith.constant 0 : i32
        %dma_start3A_200 = tpu.memref_slice %dma_start3A_196[%add3A, %dma_start3A_197, %dma_start3A_198, %dma_start3A_199] : memref<32x40x2x80xi32, #tpu.memory_space<hbm>> -> memref<1x40x2x80xi32, #tpu.memory_space<hbm>>
        %dma_start3A_201 = tpu.memref_squeeze %dma_start3A_200 : memref<1x40x2x80xi32, #tpu.memory_space<hbm>> -> memref<40x2x80xi32, #tpu.memory_space<hbm>>
        %dma_start3A_202 = arith.constant 0 : i32
        %dma_start3A_203 = arith.constant 0 : i32
        %dma_start3A_204 = tpu.memref_slice %dma_start3A_201[%add3A_13, %dma_start3A_202, %dma_start3A_203] : memref<40x2x80xi32, #tpu.memory_space<hbm>> -> memref<1x2x80xi32, #tpu.memory_space<hbm>>
        %dma_start3A_205 = tpu.memref_squeeze %dma_start3A_204 : memref<1x2x80xi32, #tpu.memory_space<hbm>> -> memref<2x80xi32, #tpu.memory_space<hbm>>
        tpu.enqueue_dma source(%dma_start3A_205 : memref<2x80xi32, #tpu.memory_space<hbm>>) target(%arg5 : memref<2x80xi32, #tpu.memory_space<vmem>>) target_semaphore(%run_scoped3A : memref<!tpu.dma_semaphore, #tpu.memory_space<semaphore_mem>>)
        %dma_wait3A_206 = arith.constant 0 : i32
        %dma_wait3A_207 = arith.constant 0 : i32
        %dma_wait3A_208 = arith.constant 0 : i32
        %dma_wait3A_209 = arith.constant 0 : i32
        %dma_wait3A_210 = tpu.memref_slice %arg3[%scan3A, %dma_wait3A_206, %dma_wait3A_207, %dma_wait3A_208, %dma_wait3A_209] : memref<2x32x40x2x80xi32, #tpu.memory_space<hbm>> -> memref<1x32x40x2x80xi32, #tpu.memory_space<hbm>>
        %dma_wait3A_211 = tpu.memref_squeeze %dma_wait3A_210 : memref<1x32x40x2x80xi32, #tpu.memory_space<hbm>> -> memref<32x40x2x80xi32, #tpu.memory_space<hbm>>
        %dma_wait3A_212 = arith.constant 0 : i32
        %dma_wait3A_213 = arith.constant 0 : i32
        %dma_wait3A_214 = arith.constant 0 : i32
        %dma_wait3A_215 = tpu.memref_slice %dma_wait3A_211[%add3A, %dma_wait3A_212, %dma_wait3A_213, %dma_wait3A_214] : memref<32x40x2x80xi32, #tpu.memory_space<hbm>> -> memref<1x40x2x80xi32, #tpu.memory_space<hbm>>
        %dma_wait3A_216 = tpu.memref_squeeze %dma_wait3A_215 : memref<1x40x2x80xi32, #tpu.memory_space<hbm>> -> memref<40x2x80xi32, #tpu.memory_space<hbm>>
        %dma_wait3A_217 = arith.constant 0 : i32
        %dma_wait3A_218 = arith.constant 0 : i32
        %dma_wait3A_219 = tpu.memref_slice %dma_wait3A_216[%add3A_13, %dma_wait3A_217, %dma_wait3A_218] : memref<40x2x80xi32, #tpu.memory_space<hbm>> -> memref<1x2x80xi32, #tpu.memory_space<hbm>>
        %dma_wait3A_220 = tpu.memref_squeeze %dma_wait3A_219 : memref<1x2x80xi32, #tpu.memory_space<hbm>> -> memref<2x80xi32, #tpu.memory_space<hbm>>
        %dma_wait3A_221 = arith.constant 0 : i32
        %dma_wait3A_222 = arith.constant 0 : i32
        %dma_wait3A_223 = arith.constant 0 : i32
        %dma_wait3A_224 = arith.constant 0 : i32
        %dma_wait3A_225 = tpu.memref_slice %arg3[%scan3A, %dma_wait3A_221, %dma_wait3A_222, %dma_wait3A_223, %dma_wait3A_224] : memref<2x32x40x2x80xi32, #tpu.memory_space<hbm>> -> memref<1x32x40x2x80xi32, #tpu.memory_space<hbm>>
        %dma_wait3A_226 = tpu.memref_squeeze %dma_wait3A_225 : memref<1x32x40x2x80xi32, #tpu.memory_space<hbm>> -> memref<32x40x2x80xi32, #tpu.memory_space<hbm>>
        %dma_wait3A_227 = arith.constant 0 : i32
        %dma_wait3A_228 = arith.constant 0 : i32
        %dma_wait3A_229 = arith.constant 0 : i32
        %dma_wait3A_230 = tpu.memref_slice %dma_wait3A_226[%add3A, %dma_wait3A_227, %dma_wait3A_228, %dma_wait3A_229] : memref<32x40x2x80xi32, #tpu.memory_space<hbm>> -> memref<1x40x2x80xi32, #tpu.memory_space<hbm>>
        %dma_wait3A_231 = tpu.memref_squeeze %dma_wait3A_230 : memref<1x40x2x80xi32, #tpu.memory_space<hbm>> -> memref<40x2x80xi32, #tpu.memory_space<hbm>>
        %dma_wait3A_232 = arith.constant 0 : i32
        %dma_wait3A_233 = arith.constant 0 : i32
        %dma_wait3A_234 = tpu.memref_slice %dma_wait3A_231[%add3A_13, %dma_wait3A_232, %dma_wait3A_233] : memref<40x2x80xi32, #tpu.memory_space<hbm>> -> memref<1x2x80xi32, #tpu.memory_space<hbm>>
        %dma_wait3A_235 = tpu.memref_squeeze %dma_wait3A_234 : memref<1x2x80xi32, #tpu.memory_space<hbm>> -> memref<2x80xi32, #tpu.memory_space<hbm>>
        tpu.wait_dma2 semaphore(%run_scoped3A : memref<!tpu.dma_semaphore, #tpu.memory_space<semaphore_mem>>) src(%dma_wait3A_235 : memref<2x80xi32, #tpu.memory_space<hbm>>) dst(%arg5 : memref<2x80xi32, #tpu.memory_space<vmem>>)
        tpu.yield
      }) : () -> ()
      "tpu.region"() ({
        %run_scoped3A = tpu.sem_alloc : memref<!tpu.dma_semaphore, #tpu.memory_space<semaphore_mem>>
        %dma_start3A_176 = arith.constant 0 : i32
        %dma_start3A_177 = arith.constant 0 : i32
        %dma_start3A_178 = arith.constant 0 : i32
        %dma_start3A_179 = arith.constant 0 : i32
        %dma_start3A_180 = tpu.memref_slice %arg3[%scan3A_1, %dma_start3A_176, %dma_start3A_177, %dma_start3A_178, %dma_start3A_179] : memref<2x32x40x2x80xi32, #tpu.memory_space<hbm>> -> memref<1x32x40x2x80xi32, #tpu.memory_space<hbm>>
        %dma_start3A_181 = tpu.memref_squeeze %dma_start3A_180 : memref<1x32x40x2x80xi32, #tpu.memory_space<hbm>> -> memref<32x40x2x80xi32, #tpu.memory_space<hbm>>
        %dma_start3A_182 = arith.constant 0 : i32
        %dma_start3A_183 = arith.constant 0 : i32
        %dma_start3A_184 = arith.constant 0 : i32
        %dma_start3A_185 = tpu.memref_slice %dma_start3A_181[%add3A, %dma_start3A_182, %dma_start3A_183, %dma_start3A_184] : memref<32x40x2x80xi32, #tpu.memory_space<hbm>> -> memref<1x40x2x80xi32, #tpu.memory_space<hbm>>
        %dma_start3A_186 = tpu.memref_squeeze %dma_start3A_185 : memref<1x40x2x80xi32, #tpu.memory_space<hbm>> -> memref<40x2x80xi32, #tpu.memory_space<hbm>>
        %dma_start3A_187 = arith.constant 0 : i32
        %dma_start3A_188 = arith.constant 0 : i32
        %dma_start3A_189 = tpu.memref_slice %dma_start3A_186[%add3A_13, %dma_start3A_187, %dma_start3A_188] : memref<40x2x80xi32, #tpu.memory_space<hbm>> -> memref<1x2x80xi32, #tpu.memory_space<hbm>>
        %dma_start3A_190 = tpu.memref_squeeze %dma_start3A_189 : memref<1x2x80xi32, #tpu.memory_space<hbm>> -> memref<2x80xi32, #tpu.memory_space<hbm>>
        %dma_start3A_191 = arith.constant 0 : i32
        %dma_start3A_192 = arith.constant 0 : i32
        %dma_start3A_193 = arith.constant 0 : i32
        %dma_start3A_194 = arith.constant 0 : i32
        %dma_start3A_195 = tpu.memref_slice %arg3[%scan3A_1, %dma_start3A_191, %dma_start3A_192, %dma_start3A_193, %dma_start3A_194] : memref<2x32x40x2x80xi32, #tpu.memory_space<hbm>> -> memref<1x32x40x2x80xi32, #tpu.memory_space<hbm>>
        %dma_start3A_196 = tpu.memref_squeeze %dma_start3A_195 : memref<1x32x40x2x80xi32, #tpu.memory_space<hbm>> -> memref<32x40x2x80xi32, #tpu.memory_space<hbm>>
        %dma_start3A_197 = arith.constant 0 : i32
        %dma_start3A_198 = arith.constant 0 : i32
        %dma_start3A_199 = arith.constant 0 : i32
        %dma_start3A_200 = tpu.memref_slice %dma_start3A_196[%add3A, %dma_start3A_197, %dma_start3A_198, %dma_start3A_199] : memref<32x40x2x80xi32, #tpu.memory_space<hbm>> -> memref<1x40x2x80xi32, #tpu.memory_space<hbm>>
        %dma_start3A_201 = tpu.memref_squeeze %dma_start3A_200 : memref<1x40x2x80xi32, #tpu.memory_space<hbm>> -> memref<40x2x80xi32, #tpu.memory_space<hbm>>
        %dma_start3A_202 = arith.constant 0 : i32
        %dma_start3A_203 = arith.constant 0 : i32
        %dma_start3A_204 = tpu.memref_slice %dma_start3A_201[%add3A_13, %dma_start3A_202, %dma_start3A_203] : memref<40x2x80xi32, #tpu.memory_space<hbm>> -> memref<1x2x80xi32, #tpu.memory_space<hbm>>
        %dma_start3A_205 = tpu.memref_squeeze %dma_start3A_204 : memref<1x2x80xi32, #tpu.memory_space<hbm>> -> memref<2x80xi32, #tpu.memory_space<hbm>>
        tpu.enqueue_dma source(%dma_start3A_205 : memref<2x80xi32, #tpu.memory_space<hbm>>) target(%arg6 : memref<2x80xi32, #tpu.memory_space<vmem>>) target_semaphore(%run_scoped3A : memref<!tpu.dma_semaphore, #tpu.memory_space<semaphore_mem>>)
        %dma_wait3A_206 = arith.constant 0 : i32
        %dma_wait3A_207 = arith.constant 0 : i32
        %dma_wait3A_208 = arith.constant 0 : i32
        %dma_wait3A_209 = arith.constant 0 : i32
        %dma_wait3A_210 = tpu.memref_slice %arg3[%scan3A_1, %dma_wait3A_206, %dma_wait3A_207, %dma_wait3A_208, %dma_wait3A_209] : memref<2x32x40x2x80xi32, #tpu.memory_space<hbm>> -> memref<1x32x40x2x80xi32, #tpu.memory_space<hbm>>
        %dma_wait3A_211 = tpu.memref_squeeze %dma_wait3A_210 : memref<1x32x40x2x80xi32, #tpu.memory_space<hbm>> -> memref<32x40x2x80xi32, #tpu.memory_space<hbm>>
        %dma_wait3A_212 = arith.constant 0 : i32
        %dma_wait3A_213 = arith.constant 0 : i32
        %dma_wait3A_214 = arith.constant 0 : i32
        %dma_wait3A_215 = tpu.memref_slice %dma_wait3A_211[%add3A, %dma_wait3A_212, %dma_wait3A_213, %dma_wait3A_214] : memref<32x40x2x80xi32, #tpu.memory_space<hbm>> -> memref<1x40x2x80xi32, #tpu.memory_space<hbm>>
        %dma_wait3A_216 = tpu.memref_squeeze %dma_wait3A_215 : memref<1x40x2x80xi32, #tpu.memory_space<hbm>> -> memref<40x2x80xi32, #tpu.memory_space<hbm>>
        %dma_wait3A_217 = arith.constant 0 : i32
        %dma_wait3A_218 = arith.constant 0 : i32
        %dma_wait3A_219 = tpu.memref_slice %dma_wait3A_216[%add3A_13, %dma_wait3A_217, %dma_wait3A_218] : memref<40x2x80xi32, #tpu.memory_space<hbm>> -> memref<1x2x80xi32, #tpu.memory_space<hbm>>
        %dma_wait3A_220 = tpu.memref_squeeze %dma_wait3A_219 : memref<1x2x80xi32, #tpu.memory_space<hbm>> -> memref<2x80xi32, #tpu.memory_space<hbm>>
        %dma_wait3A_221 = arith.constant 0 : i32
        %dma_wait3A_222 = arith.constant 0 : i32
        %dma_wait3A_223 = arith.constant 0 : i32
        %dma_wait3A_224 = arith.constant 0 : i32
        %dma_wait3A_225 = tpu.memref_slice %arg3[%scan3A_1, %dma_wait3A_221, %dma_wait3A_222, %dma_wait3A_223, %dma_wait3A_224] : memref<2x32x40x2x80xi32, #tpu.memory_space<hbm>> -> memref<1x32x40x2x80xi32, #tpu.memory_space<hbm>>
        %dma_wait3A_226 = tpu.memref_squeeze %dma_wait3A_225 : memref<1x32x40x2x80xi32, #tpu.memory_space<hbm>> -> memref<32x40x2x80xi32, #tpu.memory_space<hbm>>
        %dma_wait3A_227 = arith.constant 0 : i32
        %dma_wait3A_228 = arith.constant 0 : i32
        %dma_wait3A_229 = arith.constant 0 : i32
        %dma_wait3A_230 = tpu.memref_slice %dma_wait3A_226[%add3A, %dma_wait3A_227, %dma_wait3A_228, %dma_wait3A_229] : memref<32x40x2x80xi32, #tpu.memory_space<hbm>> -> memref<1x40x2x80xi32, #tpu.memory_space<hbm>>
        %dma_wait3A_231 = tpu.memref_squeeze %dma_wait3A_230 : memref<1x40x2x80xi32, #tpu.memory_space<hbm>> -> memref<40x2x80xi32, #tpu.memory_space<hbm>>
        %dma_wait3A_232 = arith.constant 0 : i32
        %dma_wait3A_233 = arith.constant 0 : i32
        %dma_wait3A_234 = tpu.memref_slice %dma_wait3A_231[%add3A_13, %dma_wait3A_232, %dma_wait3A_233] : memref<40x2x80xi32, #tpu.memory_space<hbm>> -> memref<1x2x80xi32, #tpu.memory_space<hbm>>
        %dma_wait3A_235 = tpu.memref_squeeze %dma_wait3A_234 : memref<1x2x80xi32, #tpu.memory_space<hbm>> -> memref<2x80xi32, #tpu.memory_space<hbm>>
        tpu.wait_dma2 semaphore(%run_scoped3A : memref<!tpu.dma_semaphore, #tpu.memory_space<semaphore_mem>>) src(%dma_wait3A_235 : memref<2x80xi32, #tpu.memory_space<hbm>>) dst(%arg6 : memref<2x80xi32, #tpu.memory_space<vmem>>)
        tpu.yield
      }) : () -> ()
      %dma_start3A = arith.constant 0 : i32
      %dma_start3A_14 = arith.constant 0 : i32
      %dma_start3A_15 = tpu.memref_slice %arg5[%dma_start3A, %dma_start3A_14] : memref<2x80xi32, #tpu.memory_space<vmem>> -> memref<1x80xi32, #tpu.memory_space<vmem>>
      %dma_start3A_16 = tpu.memref_squeeze %dma_start3A_15 : memref<1x80xi32, #tpu.memory_space<vmem>> -> memref<80xi32, #tpu.memory_space<vmem>>
      %dma_start3A_17 = arith.constant 0 : i32
      %dma_start3A_18 = arith.constant 0 : i32
      %dma_start3A_19 = tpu.memref_slice %arg2[%dma_start3A_17, %dma_start3A_18] : memref<10000x128xf32, #tpu.memory_space<hbm>> -> memref<10000x128xf32, #tpu.memory_space<hbm>>
      tpu.enqueue_indirect_dma source(%dma_start3A_19 : memref<10000x128xf32, #tpu.memory_space<hbm>>) target(%arg7 : memref<80x128xf32, #tpu.memory_space<vmem>>) offsets(%dma_start3A_16 : memref<80xi32, #tpu.memory_space<vmem>>) semaphore(%arg11 : memref<!tpu.dma_semaphore, #tpu.memory_space<semaphore_mem>>)
      %dma_start3A_20 = arith.constant 0 : i32
      %dma_start3A_21 = arith.constant 0 : i32
      %dma_start3A_22 = tpu.memref_slice %arg6[%dma_start3A_20, %dma_start3A_21] : memref<2x80xi32, #tpu.memory_space<vmem>> -> memref<1x80xi32, #tpu.memory_space<vmem>>
      %dma_start3A_23 = tpu.memref_squeeze %dma_start3A_22 : memref<1x80xi32, #tpu.memory_space<vmem>> -> memref<80xi32, #tpu.memory_space<vmem>>
      %dma_start3A_24 = arith.constant 0 : i32
      %dma_start3A_25 = arith.constant 0 : i32
      %dma_start3A_26 = tpu.memref_slice %arg2[%dma_start3A_24, %dma_start3A_25] : memref<10000x128xf32, #tpu.memory_space<hbm>> -> memref<10000x128xf32, #tpu.memory_space<hbm>>
      tpu.enqueue_indirect_dma source(%dma_start3A_26 : memref<10000x128xf32, #tpu.memory_space<hbm>>) target(%arg8 : memref<80x128xf32, #tpu.memory_space<vmem>>) offsets(%dma_start3A_23 : memref<80xi32, #tpu.memory_space<vmem>>) semaphore(%arg12 : memref<!tpu.dma_semaphore, #tpu.memory_space<semaphore_mem>>)
      %dma_start3A_27 = arith.constant 1 : i32
      %dma_start3A_28 = arith.constant 0 : i32
      %dma_start3A_29 = tpu.memref_slice %arg5[%dma_start3A_27, %dma_start3A_28] : memref<2x80xi32, #tpu.memory_space<vmem>> -> memref<1x80xi32, #tpu.memory_space<vmem>>
      %dma_start3A_30 = tpu.memref_squeeze %dma_start3A_29 : memref<1x80xi32, #tpu.memory_space<vmem>> -> memref<80xi32, #tpu.memory_space<vmem>>
      %dma_start3A_31 = arith.constant 0 : i32
      %dma_start3A_32 = arith.constant 0 : i32
      %dma_start3A_33 = tpu.memref_slice %arg2[%dma_start3A_31, %dma_start3A_32] : memref<10000x128xf32, #tpu.memory_space<hbm>> -> memref<10000x128xf32, #tpu.memory_space<hbm>>
      tpu.enqueue_indirect_dma source(%dma_start3A_33 : memref<10000x128xf32, #tpu.memory_space<hbm>>) target(%arg9 : memref<80x128xf32, #tpu.memory_space<vmem>>) offsets(%dma_start3A_30 : memref<80xi32, #tpu.memory_space<vmem>>) semaphore(%arg13 : memref<!tpu.dma_semaphore, #tpu.memory_space<semaphore_mem>>)
      %dma_start3A_34 = arith.constant 1 : i32
      %dma_start3A_35 = arith.constant 0 : i32
      %dma_start3A_36 = tpu.memref_slice %arg6[%dma_start3A_34, %dma_start3A_35] : memref<2x80xi32, #tpu.memory_space<vmem>> -> memref<1x80xi32, #tpu.memory_space<vmem>>
      %dma_start3A_37 = tpu.memref_squeeze %dma_start3A_36 : memref<1x80xi32, #tpu.memory_space<vmem>> -> memref<80xi32, #tpu.memory_space<vmem>>
      %dma_start3A_38 = arith.constant 0 : i32
      %dma_start3A_39 = arith.constant 0 : i32
      %dma_start3A_40 = tpu.memref_slice %arg2[%dma_start3A_38, %dma_start3A_39] : memref<10000x128xf32, #tpu.memory_space<hbm>> -> memref<10000x128xf32, #tpu.memory_space<hbm>>
      tpu.enqueue_indirect_dma source(%dma_start3A_40 : memref<10000x128xf32, #tpu.memory_space<hbm>>) target(%arg10 : memref<80x128xf32, #tpu.memory_space<vmem>>) offsets(%dma_start3A_37 : memref<80xi32, #tpu.memory_space<vmem>>) semaphore(%arg14 : memref<!tpu.dma_semaphore, #tpu.memory_space<semaphore_mem>>)
      %dma_wait3A = arith.constant 0 : i32
      %dma_wait3A_41 = arith.constant 0 : i32
      %dma_wait3A_42 = tpu.memref_slice %arg5[%dma_wait3A, %dma_wait3A_41] : memref<2x80xi32, #tpu.memory_space<vmem>> -> memref<1x80xi32, #tpu.memory_space<vmem>>
      %dma_wait3A_43 = tpu.memref_squeeze %dma_wait3A_42 : memref<1x80xi32, #tpu.memory_space<vmem>> -> memref<80xi32, #tpu.memory_space<vmem>>
      %dma_wait3A_44 = arith.constant 0 : i32
      %dma_wait3A_45 = arith.constant 0 : i32
      %dma_wait3A_46 = tpu.memref_slice %arg2[%dma_wait3A_44, %dma_wait3A_45] : memref<10000x128xf32, #tpu.memory_space<hbm>> -> memref<10000x128xf32, #tpu.memory_space<hbm>>
      tpu.wait_indirect_dma semaphore(%arg11 : memref<!tpu.dma_semaphore, #tpu.memory_space<semaphore_mem>>) src(%dma_wait3A_46 : memref<10000x128xf32, #tpu.memory_space<hbm>>) dst(%arg7 : memref<80x128xf32, #tpu.memory_space<vmem>>)
      %dma_wait3A_47 = arith.constant 0 : i32
      %dma_wait3A_48 = arith.constant 0 : i32
      %dma_wait3A_49 = tpu.memref_slice %arg6[%dma_wait3A_47, %dma_wait3A_48] : memref<2x80xi32, #tpu.memory_space<vmem>> -> memref<1x80xi32, #tpu.memory_space<vmem>>
      %dma_wait3A_50 = tpu.memref_squeeze %dma_wait3A_49 : memref<1x80xi32, #tpu.memory_space<vmem>> -> memref<80xi32, #tpu.memory_space<vmem>>
      %dma_wait3A_51 = arith.constant 0 : i32
      %dma_wait3A_52 = arith.constant 0 : i32
      %dma_wait3A_53 = tpu.memref_slice %arg2[%dma_wait3A_51, %dma_wait3A_52] : memref<10000x128xf32, #tpu.memory_space<hbm>> -> memref<10000x128xf32, #tpu.memory_space<hbm>>
      tpu.wait_indirect_dma semaphore(%arg12 : memref<!tpu.dma_semaphore, #tpu.memory_space<semaphore_mem>>) src(%dma_wait3A_53 : memref<10000x128xf32, #tpu.memory_space<hbm>>) dst(%arg8 : memref<80x128xf32, #tpu.memory_space<vmem>>)
      %mul3A_54 = arith.constant 6400 : i32
      %mul3A_55 = arith.muli %add3A, %mul3A_54 : i32
      %mul3A_56 = arith.constant 160 : i32
      %mul3A_57 = arith.muli %add3A_13, %mul3A_56 : i32
      %add3A_58 = arith.addi %mul3A_55, %mul3A_57 : i32
      %dma_start3A_59 = arith.constant 0 : i32
      %dma_start3A_60 = arith.constant 0 : i32
      %dma_start3A_61 = tpu.memref_slice %arg4[%scan3A_2, %dma_start3A_59, %dma_start3A_60] : memref<2x204800x128xf32, #tpu.memory_space<hbm>> -> memref<1x204800x128xf32, #tpu.memory_space<hbm>>
      %dma_start3A_62 = tpu.memref_squeeze %dma_start3A_61 : memref<1x204800x128xf32, #tpu.memory_space<hbm>> -> memref<204800x128xf32, #tpu.memory_space<hbm>>
      %dma_start3A_63 = arith.constant 0 : i32
      %dma_start3A_64 = tpu.memref_slice %dma_start3A_62[%add3A_58, %dma_start3A_63] : memref<204800x128xf32, #tpu.memory_space<hbm>> -> memref<80x128xf32, #tpu.memory_space<hbm>>
      %dma_start3A_65 = arith.constant 0 : i32
      %dma_start3A_66 = arith.constant 0 : i32
      %dma_start3A_67 = tpu.memref_slice %arg4[%scan3A_2, %dma_start3A_65, %dma_start3A_66] : memref<2x204800x128xf32, #tpu.memory_space<hbm>> -> memref<1x204800x128xf32, #tpu.memory_space<hbm>>
      %dma_start3A_68 = tpu.memref_squeeze %dma_start3A_67 : memref<1x204800x128xf32, #tpu.memory_space<hbm>> -> memref<204800x128xf32, #tpu.memory_space<hbm>>
      %dma_start3A_69 = arith.constant 0 : i32
      %dma_start3A_70 = tpu.memref_slice %dma_start3A_68[%add3A_58, %dma_start3A_69] : memref<204800x128xf32, #tpu.memory_space<hbm>> -> memref<80x128xf32, #tpu.memory_space<hbm>>
      tpu.enqueue_dma source(%arg7 : memref<80x128xf32, #tpu.memory_space<vmem>>) target(%dma_start3A_70 : memref<80x128xf32, #tpu.memory_space<hbm>>) target_semaphore(%arg11 : memref<!tpu.dma_semaphore, #tpu.memory_space<semaphore_mem>>)
      %dma_start3A_71 = arith.constant 0 : i32
      %dma_start3A_72 = arith.constant 0 : i32
      %dma_start3A_73 = tpu.memref_slice %arg4[%scan3A_3, %dma_start3A_71, %dma_start3A_72] : memref<2x204800x128xf32, #tpu.memory_space<hbm>> -> memref<1x204800x128xf32, #tpu.memory_space<hbm>>
      %dma_start3A_74 = tpu.memref_squeeze %dma_start3A_73 : memref<1x204800x128xf32, #tpu.memory_space<hbm>> -> memref<204800x128xf32, #tpu.memory_space<hbm>>
      %dma_start3A_75 = arith.constant 0 : i32
      %dma_start3A_76 = tpu.memref_slice %dma_start3A_74[%add3A_58, %dma_start3A_75] : memref<204800x128xf32, #tpu.memory_space<hbm>> -> memref<80x128xf32, #tpu.memory_space<hbm>>
      %dma_start3A_77 = arith.constant 0 : i32
      %dma_start3A_78 = arith.constant 0 : i32
      %dma_start3A_79 = tpu.memref_slice %arg4[%scan3A_3, %dma_start3A_77, %dma_start3A_78] : memref<2x204800x128xf32, #tpu.memory_space<hbm>> -> memref<1x204800x128xf32, #tpu.memory_space<hbm>>
      %dma_start3A_80 = tpu.memref_squeeze %dma_start3A_79 : memref<1x204800x128xf32, #tpu.memory_space<hbm>> -> memref<204800x128xf32, #tpu.memory_space<hbm>>
      %dma_start3A_81 = arith.constant 0 : i32
      %dma_start3A_82 = tpu.memref_slice %dma_start3A_80[%add3A_58, %dma_start3A_81] : memref<204800x128xf32, #tpu.memory_space<hbm>> -> memref<80x128xf32, #tpu.memory_space<hbm>>
      tpu.enqueue_dma source(%arg8 : memref<80x128xf32, #tpu.memory_space<vmem>>) target(%dma_start3A_82 : memref<80x128xf32, #tpu.memory_space<hbm>>) target_semaphore(%arg12 : memref<!tpu.dma_semaphore, #tpu.memory_space<semaphore_mem>>)
      %dma_wait3A_83 = arith.constant 1 : i32
      %dma_wait3A_84 = arith.constant 0 : i32
      %dma_wait3A_85 = tpu.memref_slice %arg5[%dma_wait3A_83, %dma_wait3A_84] : memref<2x80xi32, #tpu.memory_space<vmem>> -> memref<1x80xi32, #tpu.memory_space<vmem>>
      %dma_wait3A_86 = tpu.memref_squeeze %dma_wait3A_85 : memref<1x80xi32, #tpu.memory_space<vmem>> -> memref<80xi32, #tpu.memory_space<vmem>>
      %dma_wait3A_87 = arith.constant 0 : i32
      %dma_wait3A_88 = arith.constant 0 : i32
      %dma_wait3A_89 = tpu.memref_slice %arg2[%dma_wait3A_87, %dma_wait3A_88] : memref<10000x128xf32, #tpu.memory_space<hbm>> -> memref<10000x128xf32, #tpu.memory_space<hbm>>
      tpu.wait_indirect_dma semaphore(%arg13 : memref<!tpu.dma_semaphore, #tpu.memory_space<semaphore_mem>>) src(%dma_wait3A_89 : memref<10000x128xf32, #tpu.memory_space<hbm>>) dst(%arg9 : memref<80x128xf32, #tpu.memory_space<vmem>>)
      %dma_wait3A_90 = arith.constant 1 : i32
      %dma_wait3A_91 = arith.constant 0 : i32
      %dma_wait3A_92 = tpu.memref_slice %arg6[%dma_wait3A_90, %dma_wait3A_91] : memref<2x80xi32, #tpu.memory_space<vmem>> -> memref<1x80xi32, #tpu.memory_space<vmem>>
      %dma_wait3A_93 = tpu.memref_squeeze %dma_wait3A_92 : memref<1x80xi32, #tpu.memory_space<vmem>> -> memref<80xi32, #tpu.memory_space<vmem>>
      %dma_wait3A_94 = arith.constant 0 : i32
      %dma_wait3A_95 = arith.constant 0 : i32
      %dma_wait3A_96 = tpu.memref_slice %arg2[%dma_wait3A_94, %dma_wait3A_95] : memref<10000x128xf32, #tpu.memory_space<hbm>> -> memref<10000x128xf32, #tpu.memory_space<hbm>>
      tpu.wait_indirect_dma semaphore(%arg14 : memref<!tpu.dma_semaphore, #tpu.memory_space<semaphore_mem>>) src(%dma_wait3A_96 : memref<10000x128xf32, #tpu.memory_space<hbm>>) dst(%arg10 : memref<80x128xf32, #tpu.memory_space<vmem>>)
      %mul3A_97 = arith.constant 6400 : i32
      %mul3A_98 = arith.muli %add3A, %mul3A_97 : i32
      %mul3A_99 = arith.constant 160 : i32
      %mul3A_100 = arith.muli %add3A_13, %mul3A_99 : i32
      %add3A_101 = arith.addi %mul3A_98, %mul3A_100 : i32
      %add3A_102 = arith.constant 80 : i32
      %add3A_103 = arith.addi %add3A_101, %add3A_102 : i32
      %dma_start3A_104 = arith.constant 0 : i32
      %dma_start3A_105 = arith.constant 0 : i32
      %dma_start3A_106 = tpu.memref_slice %arg4[%scan3A_2, %dma_start3A_104, %dma_start3A_105] : memref<2x204800x128xf32, #tpu.memory_space<hbm>> -> memref<1x204800x128xf32, #tpu.memory_space<hbm>>
      %dma_start3A_107 = tpu.memref_squeeze %dma_start3A_106 : memref<1x204800x128xf32, #tpu.memory_space<hbm>> -> memref<204800x128xf32, #tpu.memory_space<hbm>>
      %dma_start3A_108 = arith.constant 0 : i32
      %dma_start3A_109 = tpu.memref_slice %dma_start3A_107[%add3A_103, %dma_start3A_108] : memref<204800x128xf32, #tpu.memory_space<hbm>> -> memref<80x128xf32, #tpu.memory_space<hbm>>
      %dma_start3A_110 = arith.constant 0 : i32
      %dma_start3A_111 = arith.constant 0 : i32
      %dma_start3A_112 = tpu.memref_slice %arg4[%scan3A_2, %dma_start3A_110, %dma_start3A_111] : memref<2x204800x128xf32, #tpu.memory_space<hbm>> -> memref<1x204800x128xf32, #tpu.memory_space<hbm>>
      %dma_start3A_113 = tpu.memref_squeeze %dma_start3A_112 : memref<1x204800x128xf32, #tpu.memory_space<hbm>> -> memref<204800x128xf32, #tpu.memory_space<hbm>>
      %dma_start3A_114 = arith.constant 0 : i32
      %dma_start3A_115 = tpu.memref_slice %dma_start3A_113[%add3A_103, %dma_start3A_114] : memref<204800x128xf32, #tpu.memory_space<hbm>> -> memref<80x128xf32, #tpu.memory_space<hbm>>
      tpu.enqueue_dma source(%arg9 : memref<80x128xf32, #tpu.memory_space<vmem>>) target(%dma_start3A_115 : memref<80x128xf32, #tpu.memory_space<hbm>>) target_semaphore(%arg13 : memref<!tpu.dma_semaphore, #tpu.memory_space<semaphore_mem>>)
      %dma_start3A_116 = arith.constant 0 : i32
      %dma_start3A_117 = arith.constant 0 : i32
      %dma_start3A_118 = tpu.memref_slice %arg4[%scan3A_3, %dma_start3A_116, %dma_start3A_117] : memref<2x204800x128xf32, #tpu.memory_space<hbm>> -> memref<1x204800x128xf32, #tpu.memory_space<hbm>>
      %dma_start3A_119 = tpu.memref_squeeze %dma_start3A_118 : memref<1x204800x128xf32, #tpu.memory_space<hbm>> -> memref<204800x128xf32, #tpu.memory_space<hbm>>
      %dma_start3A_120 = arith.constant 0 : i32
      %dma_start3A_121 = tpu.memref_slice %dma_start3A_119[%add3A_103, %dma_start3A_120] : memref<204800x128xf32, #tpu.memory_space<hbm>> -> memref<80x128xf32, #tpu.memory_space<hbm>>
      %dma_start3A_122 = arith.constant 0 : i32
      %dma_start3A_123 = arith.constant 0 : i32
      %dma_start3A_124 = tpu.memref_slice %arg4[%scan3A_3, %dma_start3A_122, %dma_start3A_123] : memref<2x204800x128xf32, #tpu.memory_space<hbm>> -> memref<1x204800x128xf32, #tpu.memory_space<hbm>>
      %dma_start3A_125 = tpu.memref_squeeze %dma_start3A_124 : memref<1x204800x128xf32, #tpu.memory_space<hbm>> -> memref<204800x128xf32, #tpu.memory_space<hbm>>
      %dma_start3A_126 = arith.constant 0 : i32
      %dma_start3A_127 = tpu.memref_slice %dma_start3A_125[%add3A_103, %dma_start3A_126] : memref<204800x128xf32, #tpu.memory_space<hbm>> -> memref<80x128xf32, #tpu.memory_space<hbm>>
      tpu.enqueue_dma source(%arg10 : memref<80x128xf32, #tpu.memory_space<vmem>>) target(%dma_start3A_127 : memref<80x128xf32, #tpu.memory_space<hbm>>) target_semaphore(%arg14 : memref<!tpu.dma_semaphore, #tpu.memory_space<semaphore_mem>>)
      %dma_wait3A_128 = arith.constant 0 : i32
      %dma_wait3A_129 = arith.constant 0 : i32
      %dma_wait3A_130 = tpu.memref_slice %arg4[%scan3A_2, %dma_wait3A_128, %dma_wait3A_129] : memref<2x204800x128xf32, #tpu.memory_space<hbm>> -> memref<1x204800x128xf32, #tpu.memory_space<hbm>>
      %dma_wait3A_131 = tpu.memref_squeeze %dma_wait3A_130 : memref<1x204800x128xf32, #tpu.memory_space<hbm>> -> memref<204800x128xf32, #tpu.memory_space<hbm>>
      %dma_wait3A_132 = arith.constant 0 : i32
      %dma_wait3A_133 = tpu.memref_slice %dma_wait3A_131[%add3A_58, %dma_wait3A_132] : memref<204800x128xf32, #tpu.memory_space<hbm>> -> memref<80x128xf32, #tpu.memory_space<hbm>>
      %dma_wait3A_134 = arith.constant 0 : i32
      %dma_wait3A_135 = arith.constant 0 : i32
      %dma_wait3A_136 = tpu.memref_slice %arg4[%scan3A_2, %dma_wait3A_134, %dma_wait3A_135] : memref<2x204800x128xf32, #tpu.memory_space<hbm>> -> memref<1x204800x128xf32, #tpu.memory_space<hbm>>
      %dma_wait3A_137 = tpu.memref_squeeze %dma_wait3A_136 : memref<1x204800x128xf32, #tpu.memory_space<hbm>> -> memref<204800x128xf32, #tpu.memory_space<hbm>>
      %dma_wait3A_138 = arith.constant 0 : i32
      %dma_wait3A_139 = tpu.memref_slice %dma_wait3A_137[%add3A_58, %dma_wait3A_138] : memref<204800x128xf32, #tpu.memory_space<hbm>> -> memref<80x128xf32, #tpu.memory_space<hbm>>
      tpu.wait_dma2 semaphore(%arg11 : memref<!tpu.dma_semaphore, #tpu.memory_space<semaphore_mem>>) src(%arg7 : memref<80x128xf32, #tpu.memory_space<vmem>>) dst(%dma_wait3A_139 : memref<80x128xf32, #tpu.memory_space<hbm>>)
      %dma_wait3A_140 = arith.constant 0 : i32
      %dma_wait3A_141 = arith.constant 0 : i32
      %dma_wait3A_142 = tpu.memref_slice %arg4[%scan3A_3, %dma_wait3A_140, %dma_wait3A_141] : memref<2x204800x128xf32, #tpu.memory_space<hbm>> -> memref<1x204800x128xf32, #tpu.memory_space<hbm>>
      %dma_wait3A_143 = tpu.memref_squeeze %dma_wait3A_142 : memref<1x204800x128xf32, #tpu.memory_space<hbm>> -> memref<204800x128xf32, #tpu.memory_space<hbm>>
      %dma_wait3A_144 = arith.constant 0 : i32
      %dma_wait3A_145 = tpu.memref_slice %dma_wait3A_143[%add3A_58, %dma_wait3A_144] : memref<204800x128xf32, #tpu.memory_space<hbm>> -> memref<80x128xf32, #tpu.memory_space<hbm>>
      %dma_wait3A_146 = arith.constant 0 : i32
      %dma_wait3A_147 = arith.constant 0 : i32
      %dma_wait3A_148 = tpu.memref_slice %arg4[%scan3A_3, %dma_wait3A_146, %dma_wait3A_147] : memref<2x204800x128xf32, #tpu.memory_space<hbm>> -> memref<1x204800x128xf32, #tpu.memory_space<hbm>>
      %dma_wait3A_149 = tpu.memref_squeeze %dma_wait3A_148 : memref<1x204800x128xf32, #tpu.memory_space<hbm>> -> memref<204800x128xf32, #tpu.memory_space<hbm>>
      %dma_wait3A_150 = arith.constant 0 : i32
      %dma_wait3A_151 = tpu.memref_slice %dma_wait3A_149[%add3A_58, %dma_wait3A_150] : memref<204800x128xf32, #tpu.memory_space<hbm>> -> memref<80x128xf32, #tpu.memory_space<hbm>>
      tpu.wait_dma2 semaphore(%arg12 : memref<!tpu.dma_semaphore, #tpu.memory_space<semaphore_mem>>) src(%arg8 : memref<80x128xf32, #tpu.memory_space<vmem>>) dst(%dma_wait3A_151 : memref<80x128xf32, #tpu.memory_space<hbm>>)
      %dma_wait3A_152 = arith.constant 0 : i32
      %dma_wait3A_153 = arith.constant 0 : i32
      %dma_wait3A_154 = tpu.memref_slice %arg4[%scan3A_2, %dma_wait3A_152, %dma_wait3A_153] : memref<2x204800x128xf32, #tpu.memory_space<hbm>> -> memref<1x204800x128xf32, #tpu.memory_space<hbm>>
      %dma_wait3A_155 = tpu.memref_squeeze %dma_wait3A_154 : memref<1x204800x128xf32, #tpu.memory_space<hbm>> -> memref<204800x128xf32, #tpu.memory_space<hbm>>
      %dma_wait3A_156 = arith.constant 0 : i32
      %dma_wait3A_157 = tpu.memref_slice %dma_wait3A_155[%add3A_103, %dma_wait3A_156] : memref<204800x128xf32, #tpu.memory_space<hbm>> -> memref<80x128xf32, #tpu.memory_space<hbm>>
      %dma_wait3A_158 = arith.constant 0 : i32
      %dma_wait3A_159 = arith.constant 0 : i32
      %dma_wait3A_160 = tpu.memref_slice %arg4[%scan3A_2, %dma_wait3A_158, %dma_wait3A_159] : memref<2x204800x128xf32, #tpu.memory_space<hbm>> -> memref<1x204800x128xf32, #tpu.memory_space<hbm>>
      %dma_wait3A_161 = tpu.memref_squeeze %dma_wait3A_160 : memref<1x204800x128xf32, #tpu.memory_space<hbm>> -> memref<204800x128xf32, #tpu.memory_space<hbm>>
      %dma_wait3A_162 = arith.constant 0 : i32
      %dma_wait3A_163 = tpu.memref_slice %dma_wait3A_161[%add3A_103, %dma_wait3A_162] : memref<204800x128xf32, #tpu.memory_space<hbm>> -> memref<80x128xf32, #tpu.memory_space<hbm>>
      tpu.wait_dma2 semaphore(%arg13 : memref<!tpu.dma_semaphore, #tpu.memory_space<semaphore_mem>>) src(%arg9 : memref<80x128xf32, #tpu.memory_space<vmem>>) dst(%dma_wait3A_163 : memref<80x128xf32, #tpu.memory_space<hbm>>)
      %dma_wait3A_164 = arith.constant 0 : i32
      %dma_wait3A_165 = arith.constant 0 : i32
      %dma_wait3A_166 = tpu.memref_slice %arg4[%scan3A_3, %dma_wait3A_164, %dma_wait3A_165] : memref<2x204800x128xf32, #tpu.memory_space<hbm>> -> memref<1x204800x128xf32, #tpu.memory_space<hbm>>
      %dma_wait3A_167 = tpu.memref_squeeze %dma_wait3A_166 : memref<1x204800x128xf32, #tpu.memory_space<hbm>> -> memref<204800x128xf32, #tpu.memory_space<hbm>>
      %dma_wait3A_168 = arith.constant 0 : i32
      %dma_wait3A_169 = tpu.memref_slice %dma_wait3A_167[%add3A_103, %dma_wait3A_168] : memref<204800x128xf32, #tpu.memory_space<hbm>> -> memref<80x128xf32, #tpu.memory_space<hbm>>
      %dma_wait3A_170 = arith.constant 0 : i32
      %dma_wait3A_171 = arith.constant 0 : i32
      %dma_wait3A_172 = tpu.memref_slice %arg4[%scan3A_3, %dma_wait3A_170, %dma_wait3A_171] : memref<2x204800x128xf32, #tpu.memory_space<hbm>> -> memref<1x204800x128xf32, #tpu.memory_space<hbm>>
      %dma_wait3A_173 = tpu.memref_squeeze %dma_wait3A_172 : memref<1x204800x128xf32, #tpu.memory_space<hbm>> -> memref<204800x128xf32, #tpu.memory_space<hbm>>
      %dma_wait3A_174 = arith.constant 0 : i32
      %dma_wait3A_175 = tpu.memref_slice %dma_wait3A_173[%add3A_103, %dma_wait3A_174] : memref<204800x128xf32, #tpu.memory_space<hbm>> -> memref<80x128xf32, #tpu.memory_space<hbm>>
      tpu.wait_dma2 semaphore(%arg14 : memref<!tpu.dma_semaphore, #tpu.memory_space<semaphore_mem>>) src(%arg10 : memref<80x128xf32, #tpu.memory_space<vmem>>) dst(%dma_wait3A_175 : memref<80x128xf32, #tpu.memory_space<hbm>>)
    }
    %scan3A_8 = arith.constant 40 : i32
    return
  }
}

#map = affine_map<(d0, d1) -> (0, 0)>
#map1 = affine_map<(d0, d1) -> (0, 0, 0, 0, 0)>
#map2 = affine_map<(d0, d1) -> (0, 0, 0)>
module attributes {stable_mosaic.version = 14 : i64} {
  func.func @_segsum128_body(%arg0: i32, %arg1: i32, %arg2: memref<10000x128xf32, #tpu.memory_space<hbm>>, %arg3: memref<2x32x50x2x100xi32, #tpu.memory_space<hbm>>, %arg4: memref<2x10240x128xf32, #tpu.memory_space<hbm>>, %arg5: memref<10240x128xf32, #tpu.memory_space<vmem_shared>>, %arg6: memref<2x100xi32, #tpu.memory_space<vmem>>, %arg7: memref<2x100xi32, #tpu.memory_space<vmem>>, %arg8: memref<100x128xf32, #tpu.memory_space<vmem>>, %arg9: memref<100x128xf32, #tpu.memory_space<vmem>>, %arg10: memref<!tpu.dma_semaphore, #tpu.memory_space<semaphore_mem>>, %arg11: memref<!tpu.dma_semaphore, #tpu.memory_space<semaphore_mem>>) attributes {dimension_semantics = [#tpu.dimension_semantics<core_parallel>, #tpu.dimension_semantics<subcore_parallel>], iteration_bounds = array<i64: 2, 16>, scalar_prefetch = 0 : i64, scratch_operands = 7 : i64, tpu.core_type = #tpu.core_type<sc_vector_subcore>, window_params = [{transform_indices = #map}, {transform_indices = #map1}, {transform_indices = #map2}]} {
    %mul3A = arith.constant 16 : i32
    %mul3A_0 = arith.muli %arg0, %mul3A : i32
    %add3A = arith.addi %mul3A_0, %arg1 : i32
    %broadcast_in_dim3A = arith.constant 0.000000e+00 : f32
    %broadcast_in_dim3A_1 = vector.broadcast %broadcast_in_dim3A : f32 to vector<16xf32>
    %scan3A = arith.constant 0 : i32
    %scan3A_2 = arith.constant 40 : i32
    %scan3A_3 = arith.addi %scan3A, %scan3A_2 : i32
    %scan3A_4 = arith.constant 1 : i32
    scf.for %scan3A_50 = %scan3A to %scan3A_3 step %scan3A_4  : i32 {
      %mul3A_51 = arith.constant 1 : i32
      %mul3A_52 = arith.muli %scan3A_50, %mul3A_51 : i32
      %add3A_53 = arith.constant 0 : i32
      %add3A_54 = arith.addi %add3A_53, %mul3A_52 : i32
      %scan3A_55 = arith.constant 0 : i32
      %scan3A_56 = arith.constant 8 : i32
      %scan3A_57 = arith.addi %scan3A_55, %scan3A_56 : i32
      %scan3A_58 = arith.constant 1 : i32
      scf.for %scan3A_60 = %scan3A_55 to %scan3A_57 step %scan3A_58  : i32 {
        %mul3A_61 = arith.constant 16 : i32
        %mul3A_62 = arith.muli %scan3A_60, %mul3A_61 : i32
        %add3A_63 = arith.constant 0 : i32
        %add3A_64 = arith.addi %add3A_63, %mul3A_62 : i32
        %swap3A = arith.index_cast %add3A_54 : i32 to index
        %swap3A_65 = arith.index_cast %add3A_64 : i32 to index
        %swap3A_66 = tpu.vector_load %arg8[%swap3A, %swap3A_65] {strides = array<i32>} : memref<100x128xf32, #tpu.memory_space<vmem>>, vector<1x16xf32>,
        %swap3A_67 = vector.shape_cast %swap3A_66 : vector<1x16xf32> to vector<16xf32>
        %swap3A_68 = vector.shape_cast %broadcast_in_dim3A_1 : vector<16xf32> to vector<1x16xf32>
        tpu.vector_store %arg8[%swap3A, %swap3A_65], %swap3A_68 {strides = array<i32>} : memref<100x128xf32, #tpu.memory_space<vmem>>, vector<1x16xf32>,
      }
      %scan3A_59 = arith.constant 8 : i32
    }
    %scan3A_5 = arith.constant 40 : i32
    %mul3A_6 = arith.constant 640 : i32
    %mul3A_7 = arith.muli %arg1, %mul3A_6 : i32
    %add3A_8 = arith.constant 0 : i32
    %add3A_9 = arith.addi %mul3A_7, %add3A_8 : i32
    "tpu.region"() ({
      %run_scoped3A = tpu.sem_alloc : memref<!tpu.dma_semaphore, #tpu.memory_space<semaphore_mem>>
      %dma_start3A = arith.constant 0 : i32
      %dma_start3A_50 = arith.constant 0 : i32
      %dma_start3A_51 = tpu.memref_slice %arg8[%dma_start3A, %dma_start3A_50] : memref<100x128xf32, #tpu.memory_space<vmem>> -> memref<40x128xf32, #tpu.memory_space<vmem>>
      %dma_start3A_52 = arith.constant 0 : i32
      %dma_start3A_53 = tpu.memref_slice %arg5[%add3A_9, %dma_start3A_52] : memref<10240x128xf32, #tpu.memory_space<vmem_shared>> -> memref<40x128xf32, #tpu.memory_space<vmem_shared>>
      %dma_start3A_54 = arith.constant 0 : i32
      %dma_start3A_55 = tpu.memref_slice %arg5[%add3A_9, %dma_start3A_54] : memref<10240x128xf32, #tpu.memory_space<vmem_shared>> -> memref<40x128xf32, #tpu.memory_space<vmem_shared>>
      %dma_start3A_56 = arith.constant 0 : i32
      %dma_start3A_57 = arith.constant 0 : i32
      %dma_start3A_58 = tpu.memref_slice %arg8[%dma_start3A_56, %dma_start3A_57] : memref<100x128xf32, #tpu.memory_space<vmem>> -> memref<40x128xf32, #tpu.memory_space<vmem>>
      tpu.enqueue_dma source(%dma_start3A_58 : memref<40x128xf32, #tpu.memory_space<vmem>>) target(%dma_start3A_55 : memref<40x128xf32, #tpu.memory_space<vmem_shared>>) target_semaphore(%run_scoped3A : memref<!tpu.dma_semaphore, #tpu.memory_space<semaphore_mem>>)
      %dma_wait3A = arith.constant 0 : i32
      %dma_wait3A_59 = arith.constant 0 : i32
      %dma_wait3A_60 = tpu.memref_slice %arg8[%dma_wait3A, %dma_wait3A_59] : memref<100x128xf32, #tpu.memory_space<vmem>> -> memref<40x128xf32, #tpu.memory_space<vmem>>
      %dma_wait3A_61 = arith.constant 0 : i32
      %dma_wait3A_62 = tpu.memref_slice %arg5[%add3A_9, %dma_wait3A_61] : memref<10240x128xf32, #tpu.memory_space<vmem_shared>> -> memref<40x128xf32, #tpu.memory_space<vmem_shared>>
      %dma_wait3A_63 = arith.constant 0 : i32
      %dma_wait3A_64 = tpu.memref_slice %arg5[%add3A_9, %dma_wait3A_63] : memref<10240x128xf32, #tpu.memory_space<vmem_shared>> -> memref<40x128xf32, #tpu.memory_space<vmem_shared>>
      %dma_wait3A_65 = arith.constant 0 : i32
      %dma_wait3A_66 = arith.constant 0 : i32
      %dma_wait3A_67 = tpu.memref_slice %arg8[%dma_wait3A_65, %dma_wait3A_66] : memref<100x128xf32, #tpu.memory_space<vmem>> -> memref<40x128xf32, #tpu.memory_space<vmem>>
      tpu.wait_dma2 semaphore(%run_scoped3A : memref<!tpu.dma_semaphore, #tpu.memory_space<semaphore_mem>>) src(%dma_wait3A_67 : memref<40x128xf32, #tpu.memory_space<vmem>>) dst(%dma_wait3A_64 : memref<40x128xf32, #tpu.memory_space<vmem_shared>>)
      tpu.yield
    }) : () -> ()
    %add3A_10 = arith.constant 40 : i32
    %add3A_11 = arith.addi %mul3A_7, %add3A_10 : i32
    "tpu.region"() ({
      %run_scoped3A = tpu.sem_alloc : memref<!tpu.dma_semaphore, #tpu.memory_space<semaphore_mem>>
      %dma_start3A = arith.constant 0 : i32
      %dma_start3A_50 = arith.constant 0 : i32
      %dma_start3A_51 = tpu.memref_slice %arg8[%dma_start3A, %dma_start3A_50] : memref<100x128xf32, #tpu.memory_space<vmem>> -> memref<40x128xf32, #tpu.memory_space<vmem>>
      %dma_start3A_52 = arith.constant 0 : i32
      %dma_start3A_53 = tpu.memref_slice %arg5[%add3A_11, %dma_start3A_52] : memref<10240x128xf32, #tpu.memory_space<vmem_shared>> -> memref<40x128xf32, #tpu.memory_space<vmem_shared>>
      %dma_start3A_54 = arith.constant 0 : i32
      %dma_start3A_55 = tpu.memref_slice %arg5[%add3A_11, %dma_start3A_54] : memref<10240x128xf32, #tpu.memory_space<vmem_shared>> -> memref<40x128xf32, #tpu.memory_space<vmem_shared>>
      %dma_start3A_56 = arith.constant 0 : i32
      %dma_start3A_57 = arith.constant 0 : i32
      %dma_start3A_58 = tpu.memref_slice %arg8[%dma_start3A_56, %dma_start3A_57] : memref<100x128xf32, #tpu.memory_space<vmem>> -> memref<40x128xf32, #tpu.memory_space<vmem>>
      tpu.enqueue_dma source(%dma_start3A_58 : memref<40x128xf32, #tpu.memory_space<vmem>>) target(%dma_start3A_55 : memref<40x128xf32, #tpu.memory_space<vmem_shared>>) target_semaphore(%run_scoped3A : memref<!tpu.dma_semaphore, #tpu.memory_space<semaphore_mem>>)
      %dma_wait3A = arith.constant 0 : i32
      %dma_wait3A_59 = arith.constant 0 : i32
      %dma_wait3A_60 = tpu.memref_slice %arg8[%dma_wait3A, %dma_wait3A_59] : memref<100x128xf32, #tpu.memory_space<vmem>> -> memref<40x128xf32, #tpu.memory_space<vmem>>
      %dma_wait3A_61 = arith.constant 0 : i32
      %dma_wait3A_62 = tpu.memref_slice %arg5[%add3A_11, %dma_wait3A_61] : memref<10240x128xf32, #tpu.memory_space<vmem_shared>> -> memref<40x128xf32, #tpu.memory_space<vmem_shared>>
      %dma_wait3A_63 = arith.constant 0 : i32
      %dma_wait3A_64 = tpu.memref_slice %arg5[%add3A_11, %dma_wait3A_63] : memref<10240x128xf32, #tpu.memory_space<vmem_shared>> -> memref<40x128xf32, #tpu.memory_space<vmem_shared>>
      %dma_wait3A_65 = arith.constant 0 : i32
      %dma_wait3A_66 = arith.constant 0 : i32
      %dma_wait3A_67 = tpu.memref_slice %arg8[%dma_wait3A_65, %dma_wait3A_66] : memref<100x128xf32, #tpu.memory_space<vmem>> -> memref<40x128xf32, #tpu.memory_space<vmem>>
      tpu.wait_dma2 semaphore(%run_scoped3A : memref<!tpu.dma_semaphore, #tpu.memory_space<semaphore_mem>>) src(%dma_wait3A_67 : memref<40x128xf32, #tpu.memory_space<vmem>>) dst(%dma_wait3A_64 : memref<40x128xf32, #tpu.memory_space<vmem_shared>>)
      tpu.yield
    }) : () -> ()
    %add3A_12 = arith.constant 80 : i32
    %add3A_13 = arith.addi %mul3A_7, %add3A_12 : i32
    "tpu.region"() ({
      %run_scoped3A = tpu.sem_alloc : memref<!tpu.dma_semaphore, #tpu.memory_space<semaphore_mem>>
      %dma_start3A = arith.constant 0 : i32
      %dma_start3A_50 = arith.constant 0 : i32
      %dma_start3A_51 = tpu.memref_slice %arg8[%dma_start3A, %dma_start3A_50] : memref<100x128xf32, #tpu.memory_space<vmem>> -> memref<40x128xf32, #tpu.memory_space<vmem>>
      %dma_start3A_52 = arith.constant 0 : i32
      %dma_start3A_53 = tpu.memref_slice %arg5[%add3A_13, %dma_start3A_52] : memref<10240x128xf32, #tpu.memory_space<vmem_shared>> -> memref<40x128xf32, #tpu.memory_space<vmem_shared>>
      %dma_start3A_54 = arith.constant 0 : i32
      %dma_start3A_55 = tpu.memref_slice %arg5[%add3A_13, %dma_start3A_54] : memref<10240x128xf32, #tpu.memory_space<vmem_shared>> -> memref<40x128xf32, #tpu.memory_space<vmem_shared>>
      %dma_start3A_56 = arith.constant 0 : i32
      %dma_start3A_57 = arith.constant 0 : i32
      %dma_start3A_58 = tpu.memref_slice %arg8[%dma_start3A_56, %dma_start3A_57] : memref<100x128xf32, #tpu.memory_space<vmem>> -> memref<40x128xf32, #tpu.memory_space<vmem>>
      tpu.enqueue_dma source(%dma_start3A_58 : memref<40x128xf32, #tpu.memory_space<vmem>>) target(%dma_start3A_55 : memref<40x128xf32, #tpu.memory_space<vmem_shared>>) target_semaphore(%run_scoped3A : memref<!tpu.dma_semaphore, #tpu.memory_space<semaphore_mem>>)
      %dma_wait3A = arith.constant 0 : i32
      %dma_wait3A_59 = arith.constant 0 : i32
      %dma_wait3A_60 = tpu.memref_slice %arg8[%dma_wait3A, %dma_wait3A_59] : memref<100x128xf32, #tpu.memory_space<vmem>> -> memref<40x128xf32, #tpu.memory_space<vmem>>
      %dma_wait3A_61 = arith.constant 0 : i32
      %dma_wait3A_62 = tpu.memref_slice %arg5[%add3A_13, %dma_wait3A_61] : memref<10240x128xf32, #tpu.memory_space<vmem_shared>> -> memref<40x128xf32, #tpu.memory_space<vmem_shared>>
      %dma_wait3A_63 = arith.constant 0 : i32
      %dma_wait3A_64 = tpu.memref_slice %arg5[%add3A_13, %dma_wait3A_63] : memref<10240x128xf32, #tpu.memory_space<vmem_shared>> -> memref<40x128xf32, #tpu.memory_space<vmem_shared>>
      %dma_wait3A_65 = arith.constant 0 : i32
      %dma_wait3A_66 = arith.constant 0 : i32
      %dma_wait3A_67 = tpu.memref_slice %arg8[%dma_wait3A_65, %dma_wait3A_66] : memref<100x128xf32, #tpu.memory_space<vmem>> -> memref<40x128xf32, #tpu.memory_space<vmem>>
      tpu.wait_dma2 semaphore(%run_scoped3A : memref<!tpu.dma_semaphore, #tpu.memory_space<semaphore_mem>>) src(%dma_wait3A_67 : memref<40x128xf32, #tpu.memory_space<vmem>>) dst(%dma_wait3A_64 : memref<40x128xf32, #tpu.memory_space<vmem_shared>>)
      tpu.yield
    }) : () -> ()
    %add3A_14 = arith.constant 120 : i32
    %add3A_15 = arith.addi %mul3A_7, %add3A_14 : i32
    "tpu.region"() ({
      %run_scoped3A = tpu.sem_alloc : memref<!tpu.dma_semaphore, #tpu.memory_space<semaphore_mem>>
      %dma_start3A = arith.constant 0 : i32
      %dma_start3A_50 = arith.constant 0 : i32
      %dma_start3A_51 = tpu.memref_slice %arg8[%dma_start3A, %dma_start3A_50] : memref<100x128xf32, #tpu.memory_space<vmem>> -> memref<40x128xf32, #tpu.memory_space<vmem>>
      %dma_start3A_52 = arith.constant 0 : i32
      %dma_start3A_53 = tpu.memref_slice %arg5[%add3A_15, %dma_start3A_52] : memref<10240x128xf32, #tpu.memory_space<vmem_shared>> -> memref<40x128xf32, #tpu.memory_space<vmem_shared>>
      %dma_start3A_54 = arith.constant 0 : i32
      %dma_start3A_55 = tpu.memref_slice %arg5[%add3A_15, %dma_start3A_54] : memref<10240x128xf32, #tpu.memory_space<vmem_shared>> -> memref<40x128xf32, #tpu.memory_space<vmem_shared>>
      %dma_start3A_56 = arith.constant 0 : i32
      %dma_start3A_57 = arith.constant 0 : i32
      %dma_start3A_58 = tpu.memref_slice %arg8[%dma_start3A_56, %dma_start3A_57] : memref<100x128xf32, #tpu.memory_space<vmem>> -> memref<40x128xf32, #tpu.memory_space<vmem>>
      tpu.enqueue_dma source(%dma_start3A_58 : memref<40x128xf32, #tpu.memory_space<vmem>>) target(%dma_start3A_55 : memref<40x128xf32, #tpu.memory_space<vmem_shared>>) target_semaphore(%run_scoped3A : memref<!tpu.dma_semaphore, #tpu.memory_space<semaphore_mem>>)
      %dma_wait3A = arith.constant 0 : i32
      %dma_wait3A_59 = arith.constant 0 : i32
      %dma_wait3A_60 = tpu.memref_slice %arg8[%dma_wait3A, %dma_wait3A_59] : memref<100x128xf32, #tpu.memory_space<vmem>> -> memref<40x128xf32, #tpu.memory_space<vmem>>
      %dma_wait3A_61 = arith.constant 0 : i32
      %dma_wait3A_62 = tpu.memref_slice %arg5[%add3A_15, %dma_wait3A_61] : memref<10240x128xf32, #tpu.memory_space<vmem_shared>> -> memref<40x128xf32, #tpu.memory_space<vmem_shared>>
      %dma_wait3A_63 = arith.constant 0 : i32
      %dma_wait3A_64 = tpu.memref_slice %arg5[%add3A_15, %dma_wait3A_63] : memref<10240x128xf32, #tpu.memory_space<vmem_shared>> -> memref<40x128xf32, #tpu.memory_space<vmem_shared>>
      %dma_wait3A_65 = arith.constant 0 : i32
      %dma_wait3A_66 = arith.constant 0 : i32
      %dma_wait3A_67 = tpu.memref_slice %arg8[%dma_wait3A_65, %dma_wait3A_66] : memref<100x128xf32, #tpu.memory_space<vmem>> -> memref<40x128xf32, #tpu.memory_space<vmem>>
      tpu.wait_dma2 semaphore(%run_scoped3A : memref<!tpu.dma_semaphore, #tpu.memory_space<semaphore_mem>>) src(%dma_wait3A_67 : memref<40x128xf32, #tpu.memory_space<vmem>>) dst(%dma_wait3A_64 : memref<40x128xf32, #tpu.memory_space<vmem_shared>>)
      tpu.yield
    }) : () -> ()
    %add3A_16 = arith.constant 160 : i32
    %add3A_17 = arith.addi %mul3A_7, %add3A_16 : i32
    "tpu.region"() ({
      %run_scoped3A = tpu.sem_alloc : memref<!tpu.dma_semaphore, #tpu.memory_space<semaphore_mem>>
      %dma_start3A = arith.constant 0 : i32
      %dma_start3A_50 = arith.constant 0 : i32
      %dma_start3A_51 = tpu.memref_slice %arg8[%dma_start3A, %dma_start3A_50] : memref<100x128xf32, #tpu.memory_space<vmem>> -> memref<40x128xf32, #tpu.memory_space<vmem>>
      %dma_start3A_52 = arith.constant 0 : i32
      %dma_start3A_53 = tpu.memref_slice %arg5[%add3A_17, %dma_start3A_52] : memref<10240x128xf32, #tpu.memory_space<vmem_shared>> -> memref<40x128xf32, #tpu.memory_space<vmem_shared>>
      %dma_start3A_54 = arith.constant 0 : i32
      %dma_start3A_55 = tpu.memref_slice %arg5[%add3A_17, %dma_start3A_54] : memref<10240x128xf32, #tpu.memory_space<vmem_shared>> -> memref<40x128xf32, #tpu.memory_space<vmem_shared>>
      %dma_start3A_56 = arith.constant 0 : i32
      %dma_start3A_57 = arith.constant 0 : i32
      %dma_start3A_58 = tpu.memref_slice %arg8[%dma_start3A_56, %dma_start3A_57] : memref<100x128xf32, #tpu.memory_space<vmem>> -> memref<40x128xf32, #tpu.memory_space<vmem>>
      tpu.enqueue_dma source(%dma_start3A_58 : memref<40x128xf32, #tpu.memory_space<vmem>>) target(%dma_start3A_55 : memref<40x128xf32, #tpu.memory_space<vmem_shared>>) target_semaphore(%run_scoped3A : memref<!tpu.dma_semaphore, #tpu.memory_space<semaphore_mem>>)
      %dma_wait3A = arith.constant 0 : i32
      %dma_wait3A_59 = arith.constant 0 : i32
      %dma_wait3A_60 = tpu.memref_slice %arg8[%dma_wait3A, %dma_wait3A_59] : memref<100x128xf32, #tpu.memory_space<vmem>> -> memref<40x128xf32, #tpu.memory_space<vmem>>
      %dma_wait3A_61 = arith.constant 0 : i32
      %dma_wait3A_62 = tpu.memref_slice %arg5[%add3A_17, %dma_wait3A_61] : memref<10240x128xf32, #tpu.memory_space<vmem_shared>> -> memref<40x128xf32, #tpu.memory_space<vmem_shared>>
      %dma_wait3A_63 = arith.constant 0 : i32
      %dma_wait3A_64 = tpu.memref_slice %arg5[%add3A_17, %dma_wait3A_63] : memref<10240x128xf32, #tpu.memory_space<vmem_shared>> -> memref<40x128xf32, #tpu.memory_space<vmem_shared>>
      %dma_wait3A_65 = arith.constant 0 : i32
      %dma_wait3A_66 = arith.constant 0 : i32
      %dma_wait3A_67 = tpu.memref_slice %arg8[%dma_wait3A_65, %dma_wait3A_66] : memref<100x128xf32, #tpu.memory_space<vmem>> -> memref<40x128xf32, #tpu.memory_space<vmem>>
      tpu.wait_dma2 semaphore(%run_scoped3A : memref<!tpu.dma_semaphore, #tpu.memory_space<semaphore_mem>>) src(%dma_wait3A_67 : memref<40x128xf32, #tpu.memory_space<vmem>>) dst(%dma_wait3A_64 : memref<40x128xf32, #tpu.memory_space<vmem_shared>>)
      tpu.yield
    }) : () -> ()
    %add3A_18 = arith.constant 200 : i32
    %add3A_19 = arith.addi %mul3A_7, %add3A_18 : i32
    "tpu.region"() ({
      %run_scoped3A = tpu.sem_alloc : memref<!tpu.dma_semaphore, #tpu.memory_space<semaphore_mem>>
      %dma_start3A = arith.constant 0 : i32
      %dma_start3A_50 = arith.constant 0 : i32
      %dma_start3A_51 = tpu.memref_slice %arg8[%dma_start3A, %dma_start3A_50] : memref<100x128xf32, #tpu.memory_space<vmem>> -> memref<40x128xf32, #tpu.memory_space<vmem>>
      %dma_start3A_52 = arith.constant 0 : i32
      %dma_start3A_53 = tpu.memref_slice %arg5[%add3A_19, %dma_start3A_52] : memref<10240x128xf32, #tpu.memory_space<vmem_shared>> -> memref<40x128xf32, #tpu.memory_space<vmem_shared>>
      %dma_start3A_54 = arith.constant 0 : i32
      %dma_start3A_55 = tpu.memref_slice %arg5[%add3A_19, %dma_start3A_54] : memref<10240x128xf32, #tpu.memory_space<vmem_shared>> -> memref<40x128xf32, #tpu.memory_space<vmem_shared>>
      %dma_start3A_56 = arith.constant 0 : i32
      %dma_start3A_57 = arith.constant 0 : i32
      %dma_start3A_58 = tpu.memref_slice %arg8[%dma_start3A_56, %dma_start3A_57] : memref<100x128xf32, #tpu.memory_space<vmem>> -> memref<40x128xf32, #tpu.memory_space<vmem>>
      tpu.enqueue_dma source(%dma_start3A_58 : memref<40x128xf32, #tpu.memory_space<vmem>>) target(%dma_start3A_55 : memref<40x128xf32, #tpu.memory_space<vmem_shared>>) target_semaphore(%run_scoped3A : memref<!tpu.dma_semaphore, #tpu.memory_space<semaphore_mem>>)
      %dma_wait3A = arith.constant 0 : i32
      %dma_wait3A_59 = arith.constant 0 : i32
      %dma_wait3A_60 = tpu.memref_slice %arg8[%dma_wait3A, %dma_wait3A_59] : memref<100x128xf32, #tpu.memory_space<vmem>> -> memref<40x128xf32, #tpu.memory_space<vmem>>
      %dma_wait3A_61 = arith.constant 0 : i32
      %dma_wait3A_62 = tpu.memref_slice %arg5[%add3A_19, %dma_wait3A_61] : memref<10240x128xf32, #tpu.memory_space<vmem_shared>> -> memref<40x128xf32, #tpu.memory_space<vmem_shared>>
      %dma_wait3A_63 = arith.constant 0 : i32
      %dma_wait3A_64 = tpu.memref_slice %arg5[%add3A_19, %dma_wait3A_63] : memref<10240x128xf32, #tpu.memory_space<vmem_shared>> -> memref<40x128xf32, #tpu.memory_space<vmem_shared>>
      %dma_wait3A_65 = arith.constant 0 : i32
      %dma_wait3A_66 = arith.constant 0 : i32
      %dma_wait3A_67 = tpu.memref_slice %arg8[%dma_wait3A_65, %dma_wait3A_66] : memref<100x128xf32, #tpu.memory_space<vmem>> -> memref<40x128xf32, #tpu.memory_space<vmem>>
      tpu.wait_dma2 semaphore(%run_scoped3A : memref<!tpu.dma_semaphore, #tpu.memory_space<semaphore_mem>>) src(%dma_wait3A_67 : memref<40x128xf32, #tpu.memory_space<vmem>>) dst(%dma_wait3A_64 : memref<40x128xf32, #tpu.memory_space<vmem_shared>>)
      tpu.yield
    }) : () -> ()
    %add3A_20 = arith.constant 240 : i32
    %add3A_21 = arith.addi %mul3A_7, %add3A_20 : i32
    "tpu.region"() ({
      %run_scoped3A = tpu.sem_alloc : memref<!tpu.dma_semaphore, #tpu.memory_space<semaphore_mem>>
      %dma_start3A = arith.constant 0 : i32
      %dma_start3A_50 = arith.constant 0 : i32
      %dma_start3A_51 = tpu.memref_slice %arg8[%dma_start3A, %dma_start3A_50] : memref<100x128xf32, #tpu.memory_space<vmem>> -> memref<40x128xf32, #tpu.memory_space<vmem>>
      %dma_start3A_52 = arith.constant 0 : i32
      %dma_start3A_53 = tpu.memref_slice %arg5[%add3A_21, %dma_start3A_52] : memref<10240x128xf32, #tpu.memory_space<vmem_shared>> -> memref<40x128xf32, #tpu.memory_space<vmem_shared>>
      %dma_start3A_54 = arith.constant 0 : i32
      %dma_start3A_55 = tpu.memref_slice %arg5[%add3A_21, %dma_start3A_54] : memref<10240x128xf32, #tpu.memory_space<vmem_shared>> -> memref<40x128xf32, #tpu.memory_space<vmem_shared>>
      %dma_start3A_56 = arith.constant 0 : i32
      %dma_start3A_57 = arith.constant 0 : i32
      %dma_start3A_58 = tpu.memref_slice %arg8[%dma_start3A_56, %dma_start3A_57] : memref<100x128xf32, #tpu.memory_space<vmem>> -> memref<40x128xf32, #tpu.memory_space<vmem>>
      tpu.enqueue_dma source(%dma_start3A_58 : memref<40x128xf32, #tpu.memory_space<vmem>>) target(%dma_start3A_55 : memref<40x128xf32, #tpu.memory_space<vmem_shared>>) target_semaphore(%run_scoped3A : memref<!tpu.dma_semaphore, #tpu.memory_space<semaphore_mem>>)
      %dma_wait3A = arith.constant 0 : i32
      %dma_wait3A_59 = arith.constant 0 : i32
      %dma_wait3A_60 = tpu.memref_slice %arg8[%dma_wait3A, %dma_wait3A_59] : memref<100x128xf32, #tpu.memory_space<vmem>> -> memref<40x128xf32, #tpu.memory_space<vmem>>
      %dma_wait3A_61 = arith.constant 0 : i32
      %dma_wait3A_62 = tpu.memref_slice %arg5[%add3A_21, %dma_wait3A_61] : memref<10240x128xf32, #tpu.memory_space<vmem_shared>> -> memref<40x128xf32, #tpu.memory_space<vmem_shared>>
      %dma_wait3A_63 = arith.constant 0 : i32
      %dma_wait3A_64 = tpu.memref_slice %arg5[%add3A_21, %dma_wait3A_63] : memref<10240x128xf32, #tpu.memory_space<vmem_shared>> -> memref<40x128xf32, #tpu.memory_space<vmem_shared>>
      %dma_wait3A_65 = arith.constant 0 : i32
      %dma_wait3A_66 = arith.constant 0 : i32
      %dma_wait3A_67 = tpu.memref_slice %arg8[%dma_wait3A_65, %dma_wait3A_66] : memref<100x128xf32, #tpu.memory_space<vmem>> -> memref<40x128xf32, #tpu.memory_space<vmem>>
      tpu.wait_dma2 semaphore(%run_scoped3A : memref<!tpu.dma_semaphore, #tpu.memory_space<semaphore_mem>>) src(%dma_wait3A_67 : memref<40x128xf32, #tpu.memory_space<vmem>>) dst(%dma_wait3A_64 : memref<40x128xf32, #tpu.memory_space<vmem_shared>>)
      tpu.yield
    }) : () -> ()
    %add3A_22 = arith.constant 280 : i32
    %add3A_23 = arith.addi %mul3A_7, %add3A_22 : i32
    "tpu.region"() ({
      %run_scoped3A = tpu.sem_alloc : memref<!tpu.dma_semaphore, #tpu.memory_space<semaphore_mem>>
      %dma_start3A = arith.constant 0 : i32
      %dma_start3A_50 = arith.constant 0 : i32
      %dma_start3A_51 = tpu.memref_slice %arg8[%dma_start3A, %dma_start3A_50] : memref<100x128xf32, #tpu.memory_space<vmem>> -> memref<40x128xf32, #tpu.memory_space<vmem>>
      %dma_start3A_52 = arith.constant 0 : i32
      %dma_start3A_53 = tpu.memref_slice %arg5[%add3A_23, %dma_start3A_52] : memref<10240x128xf32, #tpu.memory_space<vmem_shared>> -> memref<40x128xf32, #tpu.memory_space<vmem_shared>>
      %dma_start3A_54 = arith.constant 0 : i32
      %dma_start3A_55 = tpu.memref_slice %arg5[%add3A_23, %dma_start3A_54] : memref<10240x128xf32, #tpu.memory_space<vmem_shared>> -> memref<40x128xf32, #tpu.memory_space<vmem_shared>>
      %dma_start3A_56 = arith.constant 0 : i32
      %dma_start3A_57 = arith.constant 0 : i32
      %dma_start3A_58 = tpu.memref_slice %arg8[%dma_start3A_56, %dma_start3A_57] : memref<100x128xf32, #tpu.memory_space<vmem>> -> memref<40x128xf32, #tpu.memory_space<vmem>>
      tpu.enqueue_dma source(%dma_start3A_58 : memref<40x128xf32, #tpu.memory_space<vmem>>) target(%dma_start3A_55 : memref<40x128xf32, #tpu.memory_space<vmem_shared>>) target_semaphore(%run_scoped3A : memref<!tpu.dma_semaphore, #tpu.memory_space<semaphore_mem>>)
      %dma_wait3A = arith.constant 0 : i32
      %dma_wait3A_59 = arith.constant 0 : i32
      %dma_wait3A_60 = tpu.memref_slice %arg8[%dma_wait3A, %dma_wait3A_59] : memref<100x128xf32, #tpu.memory_space<vmem>> -> memref<40x128xf32, #tpu.memory_space<vmem>>
      %dma_wait3A_61 = arith.constant 0 : i32
      %dma_wait3A_62 = tpu.memref_slice %arg5[%add3A_23, %dma_wait3A_61] : memref<10240x128xf32, #tpu.memory_space<vmem_shared>> -> memref<40x128xf32, #tpu.memory_space<vmem_shared>>
      %dma_wait3A_63 = arith.constant 0 : i32
      %dma_wait3A_64 = tpu.memref_slice %arg5[%add3A_23, %dma_wait3A_63] : memref<10240x128xf32, #tpu.memory_space<vmem_shared>> -> memref<40x128xf32, #tpu.memory_space<vmem_shared>>
      %dma_wait3A_65 = arith.constant 0 : i32
      %dma_wait3A_66 = arith.constant 0 : i32
      %dma_wait3A_67 = tpu.memref_slice %arg8[%dma_wait3A_65, %dma_wait3A_66] : memref<100x128xf32, #tpu.memory_space<vmem>> -> memref<40x128xf32, #tpu.memory_space<vmem>>
      tpu.wait_dma2 semaphore(%run_scoped3A : memref<!tpu.dma_semaphore, #tpu.memory_space<semaphore_mem>>) src(%dma_wait3A_67 : memref<40x128xf32, #tpu.memory_space<vmem>>) dst(%dma_wait3A_64 : memref<40x128xf32, #tpu.memory_space<vmem_shared>>)
      tpu.yield
    }) : () -> ()
    %add3A_24 = arith.constant 320 : i32
    %add3A_25 = arith.addi %mul3A_7, %add3A_24 : i32
    "tpu.region"() ({
      %run_scoped3A = tpu.sem_alloc : memref<!tpu.dma_semaphore, #tpu.memory_space<semaphore_mem>>
      %dma_start3A = arith.constant 0 : i32
      %dma_start3A_50 = arith.constant 0 : i32
      %dma_start3A_51 = tpu.memref_slice %arg8[%dma_start3A, %dma_start3A_50] : memref<100x128xf32, #tpu.memory_space<vmem>> -> memref<40x128xf32, #tpu.memory_space<vmem>>
      %dma_start3A_52 = arith.constant 0 : i32
      %dma_start3A_53 = tpu.memref_slice %arg5[%add3A_25, %dma_start3A_52] : memref<10240x128xf32, #tpu.memory_space<vmem_shared>> -> memref<40x128xf32, #tpu.memory_space<vmem_shared>>
      %dma_start3A_54 = arith.constant 0 : i32
      %dma_start3A_55 = tpu.memref_slice %arg5[%add3A_25, %dma_start3A_54] : memref<10240x128xf32, #tpu.memory_space<vmem_shared>> -> memref<40x128xf32, #tpu.memory_space<vmem_shared>>
      %dma_start3A_56 = arith.constant 0 : i32
      %dma_start3A_57 = arith.constant 0 : i32
      %dma_start3A_58 = tpu.memref_slice %arg8[%dma_start3A_56, %dma_start3A_57] : memref<100x128xf32, #tpu.memory_space<vmem>> -> memref<40x128xf32, #tpu.memory_space<vmem>>
      tpu.enqueue_dma source(%dma_start3A_58 : memref<40x128xf32, #tpu.memory_space<vmem>>) target(%dma_start3A_55 : memref<40x128xf32, #tpu.memory_space<vmem_shared>>) target_semaphore(%run_scoped3A : memref<!tpu.dma_semaphore, #tpu.memory_space<semaphore_mem>>)
      %dma_wait3A = arith.constant 0 : i32
      %dma_wait3A_59 = arith.constant 0 : i32
      %dma_wait3A_60 = tpu.memref_slice %arg8[%dma_wait3A, %dma_wait3A_59] : memref<100x128xf32, #tpu.memory_space<vmem>> -> memref<40x128xf32, #tpu.memory_space<vmem>>
      %dma_wait3A_61 = arith.constant 0 : i32
      %dma_wait3A_62 = tpu.memref_slice %arg5[%add3A_25, %dma_wait3A_61] : memref<10240x128xf32, #tpu.memory_space<vmem_shared>> -> memref<40x128xf32, #tpu.memory_space<vmem_shared>>
      %dma_wait3A_63 = arith.constant 0 : i32
      %dma_wait3A_64 = tpu.memref_slice %arg5[%add3A_25, %dma_wait3A_63] : memref<10240x128xf32, #tpu.memory_space<vmem_shared>> -> memref<40x128xf32, #tpu.memory_space<vmem_shared>>
      %dma_wait3A_65 = arith.constant 0 : i32
      %dma_wait3A_66 = arith.constant 0 : i32
      %dma_wait3A_67 = tpu.memref_slice %arg8[%dma_wait3A_65, %dma_wait3A_66] : memref<100x128xf32, #tpu.memory_space<vmem>> -> memref<40x128xf32, #tpu.memory_space<vmem>>
      tpu.wait_dma2 semaphore(%run_scoped3A : memref<!tpu.dma_semaphore, #tpu.memory_space<semaphore_mem>>) src(%dma_wait3A_67 : memref<40x128xf32, #tpu.memory_space<vmem>>) dst(%dma_wait3A_64 : memref<40x128xf32, #tpu.memory_space<vmem_shared>>)
      tpu.yield
    }) : () -> ()
    %add3A_26 = arith.constant 360 : i32
    %add3A_27 = arith.addi %mul3A_7, %add3A_26 : i32
    "tpu.region"() ({
      %run_scoped3A = tpu.sem_alloc : memref<!tpu.dma_semaphore, #tpu.memory_space<semaphore_mem>>
      %dma_start3A = arith.constant 0 : i32
      %dma_start3A_50 = arith.constant 0 : i32
      %dma_start3A_51 = tpu.memref_slice %arg8[%dma_start3A, %dma_start3A_50] : memref<100x128xf32, #tpu.memory_space<vmem>> -> memref<40x128xf32, #tpu.memory_space<vmem>>
      %dma_start3A_52 = arith.constant 0 : i32
      %dma_start3A_53 = tpu.memref_slice %arg5[%add3A_27, %dma_start3A_52] : memref<10240x128xf32, #tpu.memory_space<vmem_shared>> -> memref<40x128xf32, #tpu.memory_space<vmem_shared>>
      %dma_start3A_54 = arith.constant 0 : i32
      %dma_start3A_55 = tpu.memref_slice %arg5[%add3A_27, %dma_start3A_54] : memref<10240x128xf32, #tpu.memory_space<vmem_shared>> -> memref<40x128xf32, #tpu.memory_space<vmem_shared>>
      %dma_start3A_56 = arith.constant 0 : i32
      %dma_start3A_57 = arith.constant 0 : i32
      %dma_start3A_58 = tpu.memref_slice %arg8[%dma_start3A_56, %dma_start3A_57] : memref<100x128xf32, #tpu.memory_space<vmem>> -> memref<40x128xf32, #tpu.memory_space<vmem>>
      tpu.enqueue_dma source(%dma_start3A_58 : memref<40x128xf32, #tpu.memory_space<vmem>>) target(%dma_start3A_55 : memref<40x128xf32, #tpu.memory_space<vmem_shared>>) target_semaphore(%run_scoped3A : memref<!tpu.dma_semaphore, #tpu.memory_space<semaphore_mem>>)
      %dma_wait3A = arith.constant 0 : i32
      %dma_wait3A_59 = arith.constant 0 : i32
      %dma_wait3A_60 = tpu.memref_slice %arg8[%dma_wait3A, %dma_wait3A_59] : memref<100x128xf32, #tpu.memory_space<vmem>> -> memref<40x128xf32, #tpu.memory_space<vmem>>
      %dma_wait3A_61 = arith.constant 0 : i32
      %dma_wait3A_62 = tpu.memref_slice %arg5[%add3A_27, %dma_wait3A_61] : memref<10240x128xf32, #tpu.memory_space<vmem_shared>> -> memref<40x128xf32, #tpu.memory_space<vmem_shared>>
      %dma_wait3A_63 = arith.constant 0 : i32
      %dma_wait3A_64 = tpu.memref_slice %arg5[%add3A_27, %dma_wait3A_63] : memref<10240x128xf32, #tpu.memory_space<vmem_shared>> -> memref<40x128xf32, #tpu.memory_space<vmem_shared>>
      %dma_wait3A_65 = arith.constant 0 : i32
      %dma_wait3A_66 = arith.constant 0 : i32
      %dma_wait3A_67 = tpu.memref_slice %arg8[%dma_wait3A_65, %dma_wait3A_66] : memref<100x128xf32, #tpu.memory_space<vmem>> -> memref<40x128xf32, #tpu.memory_space<vmem>>
      tpu.wait_dma2 semaphore(%run_scoped3A : memref<!tpu.dma_semaphore, #tpu.memory_space<semaphore_mem>>) src(%dma_wait3A_67 : memref<40x128xf32, #tpu.memory_space<vmem>>) dst(%dma_wait3A_64 : memref<40x128xf32, #tpu.memory_space<vmem_shared>>)
      tpu.yield
    }) : () -> ()
    %add3A_28 = arith.constant 400 : i32
    %add3A_29 = arith.addi %mul3A_7, %add3A_28 : i32
    "tpu.region"() ({
      %run_scoped3A = tpu.sem_alloc : memref<!tpu.dma_semaphore, #tpu.memory_space<semaphore_mem>>
      %dma_start3A = arith.constant 0 : i32
      %dma_start3A_50 = arith.constant 0 : i32
      %dma_start3A_51 = tpu.memref_slice %arg8[%dma_start3A, %dma_start3A_50] : memref<100x128xf32, #tpu.memory_space<vmem>> -> memref<40x128xf32, #tpu.memory_space<vmem>>
      %dma_start3A_52 = arith.constant 0 : i32
      %dma_start3A_53 = tpu.memref_slice %arg5[%add3A_29, %dma_start3A_52] : memref<10240x128xf32, #tpu.memory_space<vmem_shared>> -> memref<40x128xf32, #tpu.memory_space<vmem_shared>>
      %dma_start3A_54 = arith.constant 0 : i32
      %dma_start3A_55 = tpu.memref_slice %arg5[%add3A_29, %dma_start3A_54] : memref<10240x128xf32, #tpu.memory_space<vmem_shared>> -> memref<40x128xf32, #tpu.memory_space<vmem_shared>>
      %dma_start3A_56 = arith.constant 0 : i32
      %dma_start3A_57 = arith.constant 0 : i32
      %dma_start3A_58 = tpu.memref_slice %arg8[%dma_start3A_56, %dma_start3A_57] : memref<100x128xf32, #tpu.memory_space<vmem>> -> memref<40x128xf32, #tpu.memory_space<vmem>>
      tpu.enqueue_dma source(%dma_start3A_58 : memref<40x128xf32, #tpu.memory_space<vmem>>) target(%dma_start3A_55 : memref<40x128xf32, #tpu.memory_space<vmem_shared>>) target_semaphore(%run_scoped3A : memref<!tpu.dma_semaphore, #tpu.memory_space<semaphore_mem>>)
      %dma_wait3A = arith.constant 0 : i32
      %dma_wait3A_59 = arith.constant 0 : i32
      %dma_wait3A_60 = tpu.memref_slice %arg8[%dma_wait3A, %dma_wait3A_59] : memref<100x128xf32, #tpu.memory_space<vmem>> -> memref<40x128xf32, #tpu.memory_space<vmem>>
      %dma_wait3A_61 = arith.constant 0 : i32
      %dma_wait3A_62 = tpu.memref_slice %arg5[%add3A_29, %dma_wait3A_61] : memref<10240x128xf32, #tpu.memory_space<vmem_shared>> -> memref<40x128xf32, #tpu.memory_space<vmem_shared>>
      %dma_wait3A_63 = arith.constant 0 : i32
      %dma_wait3A_64 = tpu.memref_slice %arg5[%add3A_29, %dma_wait3A_63] : memref<10240x128xf32, #tpu.memory_space<vmem_shared>> -> memref<40x128xf32, #tpu.memory_space<vmem_shared>>
      %dma_wait3A_65 = arith.constant 0 : i32
      %dma_wait3A_66 = arith.constant 0 : i32
      %dma_wait3A_67 = tpu.memref_slice %arg8[%dma_wait3A_65, %dma_wait3A_66] : memref<100x128xf32, #tpu.memory_space<vmem>> -> memref<40x128xf32, #tpu.memory_space<vmem>>
      tpu.wait_dma2 semaphore(%run_scoped3A : memref<!tpu.dma_semaphore, #tpu.memory_space<semaphore_mem>>) src(%dma_wait3A_67 : memref<40x128xf32, #tpu.memory_space<vmem>>) dst(%dma_wait3A_64 : memref<40x128xf32, #tpu.memory_space<vmem_shared>>)
      tpu.yield
    }) : () -> ()
    %add3A_30 = arith.constant 440 : i32
    %add3A_31 = arith.addi %mul3A_7, %add3A_30 : i32
    "tpu.region"() ({
      %run_scoped3A = tpu.sem_alloc : memref<!tpu.dma_semaphore, #tpu.memory_space<semaphore_mem>>
      %dma_start3A = arith.constant 0 : i32
      %dma_start3A_50 = arith.constant 0 : i32
      %dma_start3A_51 = tpu.memref_slice %arg8[%dma_start3A, %dma_start3A_50] : memref<100x128xf32, #tpu.memory_space<vmem>> -> memref<40x128xf32, #tpu.memory_space<vmem>>
      %dma_start3A_52 = arith.constant 0 : i32
      %dma_start3A_53 = tpu.memref_slice %arg5[%add3A_31, %dma_start3A_52] : memref<10240x128xf32, #tpu.memory_space<vmem_shared>> -> memref<40x128xf32, #tpu.memory_space<vmem_shared>>
      %dma_start3A_54 = arith.constant 0 : i32
      %dma_start3A_55 = tpu.memref_slice %arg5[%add3A_31, %dma_start3A_54] : memref<10240x128xf32, #tpu.memory_space<vmem_shared>> -> memref<40x128xf32, #tpu.memory_space<vmem_shared>>
      %dma_start3A_56 = arith.constant 0 : i32
      %dma_start3A_57 = arith.constant 0 : i32
      %dma_start3A_58 = tpu.memref_slice %arg8[%dma_start3A_56, %dma_start3A_57] : memref<100x128xf32, #tpu.memory_space<vmem>> -> memref<40x128xf32, #tpu.memory_space<vmem>>
      tpu.enqueue_dma source(%dma_start3A_58 : memref<40x128xf32, #tpu.memory_space<vmem>>) target(%dma_start3A_55 : memref<40x128xf32, #tpu.memory_space<vmem_shared>>) target_semaphore(%run_scoped3A : memref<!tpu.dma_semaphore, #tpu.memory_space<semaphore_mem>>)
      %dma_wait3A = arith.constant 0 : i32
      %dma_wait3A_59 = arith.constant 0 : i32
      %dma_wait3A_60 = tpu.memref_slice %arg8[%dma_wait3A, %dma_wait3A_59] : memref<100x128xf32, #tpu.memory_space<vmem>> -> memref<40x128xf32, #tpu.memory_space<vmem>>
      %dma_wait3A_61 = arith.constant 0 : i32
      %dma_wait3A_62 = tpu.memref_slice %arg5[%add3A_31, %dma_wait3A_61] : memref<10240x128xf32, #tpu.memory_space<vmem_shared>> -> memref<40x128xf32, #tpu.memory_space<vmem_shared>>
      %dma_wait3A_63 = arith.constant 0 : i32
      %dma_wait3A_64 = tpu.memref_slice %arg5[%add3A_31, %dma_wait3A_63] : memref<10240x128xf32, #tpu.memory_space<vmem_shared>> -> memref<40x128xf32, #tpu.memory_space<vmem_shared>>
      %dma_wait3A_65 = arith.constant 0 : i32
      %dma_wait3A_66 = arith.constant 0 : i32
      %dma_wait3A_67 = tpu.memref_slice %arg8[%dma_wait3A_65, %dma_wait3A_66] : memref<100x128xf32, #tpu.memory_space<vmem>> -> memref<40x128xf32, #tpu.memory_space<vmem>>
      tpu.wait_dma2 semaphore(%run_scoped3A : memref<!tpu.dma_semaphore, #tpu.memory_space<semaphore_mem>>) src(%dma_wait3A_67 : memref<40x128xf32, #tpu.memory_space<vmem>>) dst(%dma_wait3A_64 : memref<40x128xf32, #tpu.memory_space<vmem_shared>>)
      tpu.yield
    }) : () -> ()
    %add3A_32 = arith.constant 480 : i32
    %add3A_33 = arith.addi %mul3A_7, %add3A_32 : i32
    "tpu.region"() ({
      %run_scoped3A = tpu.sem_alloc : memref<!tpu.dma_semaphore, #tpu.memory_space<semaphore_mem>>
      %dma_start3A = arith.constant 0 : i32
      %dma_start3A_50 = arith.constant 0 : i32
      %dma_start3A_51 = tpu.memref_slice %arg8[%dma_start3A, %dma_start3A_50] : memref<100x128xf32, #tpu.memory_space<vmem>> -> memref<40x128xf32, #tpu.memory_space<vmem>>
      %dma_start3A_52 = arith.constant 0 : i32
      %dma_start3A_53 = tpu.memref_slice %arg5[%add3A_33, %dma_start3A_52] : memref<10240x128xf32, #tpu.memory_space<vmem_shared>> -> memref<40x128xf32, #tpu.memory_space<vmem_shared>>
      %dma_start3A_54 = arith.constant 0 : i32
      %dma_start3A_55 = tpu.memref_slice %arg5[%add3A_33, %dma_start3A_54] : memref<10240x128xf32, #tpu.memory_space<vmem_shared>> -> memref<40x128xf32, #tpu.memory_space<vmem_shared>>
      %dma_start3A_56 = arith.constant 0 : i32
      %dma_start3A_57 = arith.constant 0 : i32
      %dma_start3A_58 = tpu.memref_slice %arg8[%dma_start3A_56, %dma_start3A_57] : memref<100x128xf32, #tpu.memory_space<vmem>> -> memref<40x128xf32, #tpu.memory_space<vmem>>
      tpu.enqueue_dma source(%dma_start3A_58 : memref<40x128xf32, #tpu.memory_space<vmem>>) target(%dma_start3A_55 : memref<40x128xf32, #tpu.memory_space<vmem_shared>>) target_semaphore(%run_scoped3A : memref<!tpu.dma_semaphore, #tpu.memory_space<semaphore_mem>>)
      %dma_wait3A = arith.constant 0 : i32
      %dma_wait3A_59 = arith.constant 0 : i32
      %dma_wait3A_60 = tpu.memref_slice %arg8[%dma_wait3A, %dma_wait3A_59] : memref<100x128xf32, #tpu.memory_space<vmem>> -> memref<40x128xf32, #tpu.memory_space<vmem>>
      %dma_wait3A_61 = arith.constant 0 : i32
      %dma_wait3A_62 = tpu.memref_slice %arg5[%add3A_33, %dma_wait3A_61] : memref<10240x128xf32, #tpu.memory_space<vmem_shared>> -> memref<40x128xf32, #tpu.memory_space<vmem_shared>>
      %dma_wait3A_63 = arith.constant 0 : i32
      %dma_wait3A_64 = tpu.memref_slice %arg5[%add3A_33, %dma_wait3A_63] : memref<10240x128xf32, #tpu.memory_space<vmem_shared>> -> memref<40x128xf32, #tpu.memory_space<vmem_shared>>
      %dma_wait3A_65 = arith.constant 0 : i32
      %dma_wait3A_66 = arith.constant 0 : i32
      %dma_wait3A_67 = tpu.memref_slice %arg8[%dma_wait3A_65, %dma_wait3A_66] : memref<100x128xf32, #tpu.memory_space<vmem>> -> memref<40x128xf32, #tpu.memory_space<vmem>>
      tpu.wait_dma2 semaphore(%run_scoped3A : memref<!tpu.dma_semaphore, #tpu.memory_space<semaphore_mem>>) src(%dma_wait3A_67 : memref<40x128xf32, #tpu.memory_space<vmem>>) dst(%dma_wait3A_64 : memref<40x128xf32, #tpu.memory_space<vmem_shared>>)
      tpu.yield
    }) : () -> ()
    %add3A_34 = arith.constant 520 : i32
    %add3A_35 = arith.addi %mul3A_7, %add3A_34 : i32
    "tpu.region"() ({
      %run_scoped3A = tpu.sem_alloc : memref<!tpu.dma_semaphore, #tpu.memory_space<semaphore_mem>>
      %dma_start3A = arith.constant 0 : i32
      %dma_start3A_50 = arith.constant 0 : i32
      %dma_start3A_51 = tpu.memref_slice %arg8[%dma_start3A, %dma_start3A_50] : memref<100x128xf32, #tpu.memory_space<vmem>> -> memref<40x128xf32, #tpu.memory_space<vmem>>
      %dma_start3A_52 = arith.constant 0 : i32
      %dma_start3A_53 = tpu.memref_slice %arg5[%add3A_35, %dma_start3A_52] : memref<10240x128xf32, #tpu.memory_space<vmem_shared>> -> memref<40x128xf32, #tpu.memory_space<vmem_shared>>
      %dma_start3A_54 = arith.constant 0 : i32
      %dma_start3A_55 = tpu.memref_slice %arg5[%add3A_35, %dma_start3A_54] : memref<10240x128xf32, #tpu.memory_space<vmem_shared>> -> memref<40x128xf32, #tpu.memory_space<vmem_shared>>
      %dma_start3A_56 = arith.constant 0 : i32
      %dma_start3A_57 = arith.constant 0 : i32
      %dma_start3A_58 = tpu.memref_slice %arg8[%dma_start3A_56, %dma_start3A_57] : memref<100x128xf32, #tpu.memory_space<vmem>> -> memref<40x128xf32, #tpu.memory_space<vmem>>
      tpu.enqueue_dma source(%dma_start3A_58 : memref<40x128xf32, #tpu.memory_space<vmem>>) target(%dma_start3A_55 : memref<40x128xf32, #tpu.memory_space<vmem_shared>>) target_semaphore(%run_scoped3A : memref<!tpu.dma_semaphore, #tpu.memory_space<semaphore_mem>>)
      %dma_wait3A = arith.constant 0 : i32
      %dma_wait3A_59 = arith.constant 0 : i32
      %dma_wait3A_60 = tpu.memref_slice %arg8[%dma_wait3A, %dma_wait3A_59] : memref<100x128xf32, #tpu.memory_space<vmem>> -> memref<40x128xf32, #tpu.memory_space<vmem>>
      %dma_wait3A_61 = arith.constant 0 : i32
      %dma_wait3A_62 = tpu.memref_slice %arg5[%add3A_35, %dma_wait3A_61] : memref<10240x128xf32, #tpu.memory_space<vmem_shared>> -> memref<40x128xf32, #tpu.memory_space<vmem_shared>>
      %dma_wait3A_63 = arith.constant 0 : i32
      %dma_wait3A_64 = tpu.memref_slice %arg5[%add3A_35, %dma_wait3A_63] : memref<10240x128xf32, #tpu.memory_space<vmem_shared>> -> memref<40x128xf32, #tpu.memory_space<vmem_shared>>
      %dma_wait3A_65 = arith.constant 0 : i32
      %dma_wait3A_66 = arith.constant 0 : i32
      %dma_wait3A_67 = tpu.memref_slice %arg8[%dma_wait3A_65, %dma_wait3A_66] : memref<100x128xf32, #tpu.memory_space<vmem>> -> memref<40x128xf32, #tpu.memory_space<vmem>>
      tpu.wait_dma2 semaphore(%run_scoped3A : memref<!tpu.dma_semaphore, #tpu.memory_space<semaphore_mem>>) src(%dma_wait3A_67 : memref<40x128xf32, #tpu.memory_space<vmem>>) dst(%dma_wait3A_64 : memref<40x128xf32, #tpu.memory_space<vmem_shared>>)
      tpu.yield
    }) : () -> ()
    %add3A_36 = arith.constant 560 : i32
    %add3A_37 = arith.addi %mul3A_7, %add3A_36 : i32
    "tpu.region"() ({
      %run_scoped3A = tpu.sem_alloc : memref<!tpu.dma_semaphore, #tpu.memory_space<semaphore_mem>>
      %dma_start3A = arith.constant 0 : i32
      %dma_start3A_50 = arith.constant 0 : i32
      %dma_start3A_51 = tpu.memref_slice %arg8[%dma_start3A, %dma_start3A_50] : memref<100x128xf32, #tpu.memory_space<vmem>> -> memref<40x128xf32, #tpu.memory_space<vmem>>
      %dma_start3A_52 = arith.constant 0 : i32
      %dma_start3A_53 = tpu.memref_slice %arg5[%add3A_37, %dma_start3A_52] : memref<10240x128xf32, #tpu.memory_space<vmem_shared>> -> memref<40x128xf32, #tpu.memory_space<vmem_shared>>
      %dma_start3A_54 = arith.constant 0 : i32
      %dma_start3A_55 = tpu.memref_slice %arg5[%add3A_37, %dma_start3A_54] : memref<10240x128xf32, #tpu.memory_space<vmem_shared>> -> memref<40x128xf32, #tpu.memory_space<vmem_shared>>
      %dma_start3A_56 = arith.constant 0 : i32
      %dma_start3A_57 = arith.constant 0 : i32
      %dma_start3A_58 = tpu.memref_slice %arg8[%dma_start3A_56, %dma_start3A_57] : memref<100x128xf32, #tpu.memory_space<vmem>> -> memref<40x128xf32, #tpu.memory_space<vmem>>
      tpu.enqueue_dma source(%dma_start3A_58 : memref<40x128xf32, #tpu.memory_space<vmem>>) target(%dma_start3A_55 : memref<40x128xf32, #tpu.memory_space<vmem_shared>>) target_semaphore(%run_scoped3A : memref<!tpu.dma_semaphore, #tpu.memory_space<semaphore_mem>>)
      %dma_wait3A = arith.constant 0 : i32
      %dma_wait3A_59 = arith.constant 0 : i32
      %dma_wait3A_60 = tpu.memref_slice %arg8[%dma_wait3A, %dma_wait3A_59] : memref<100x128xf32, #tpu.memory_space<vmem>> -> memref<40x128xf32, #tpu.memory_space<vmem>>
      %dma_wait3A_61 = arith.constant 0 : i32
      %dma_wait3A_62 = tpu.memref_slice %arg5[%add3A_37, %dma_wait3A_61] : memref<10240x128xf32, #tpu.memory_space<vmem_shared>> -> memref<40x128xf32, #tpu.memory_space<vmem_shared>>
      %dma_wait3A_63 = arith.constant 0 : i32
      %dma_wait3A_64 = tpu.memref_slice %arg5[%add3A_37, %dma_wait3A_63] : memref<10240x128xf32, #tpu.memory_space<vmem_shared>> -> memref<40x128xf32, #tpu.memory_space<vmem_shared>>
      %dma_wait3A_65 = arith.constant 0 : i32
      %dma_wait3A_66 = arith.constant 0 : i32
      %dma_wait3A_67 = tpu.memref_slice %arg8[%dma_wait3A_65, %dma_wait3A_66] : memref<100x128xf32, #tpu.memory_space<vmem>> -> memref<40x128xf32, #tpu.memory_space<vmem>>
      tpu.wait_dma2 semaphore(%run_scoped3A : memref<!tpu.dma_semaphore, #tpu.memory_space<semaphore_mem>>) src(%dma_wait3A_67 : memref<40x128xf32, #tpu.memory_space<vmem>>) dst(%dma_wait3A_64 : memref<40x128xf32, #tpu.memory_space<vmem_shared>>)
      tpu.yield
    }) : () -> ()
    %add3A_38 = arith.constant 600 : i32
    %add3A_39 = arith.addi %mul3A_7, %add3A_38 : i32
    "tpu.region"() ({
      %run_scoped3A = tpu.sem_alloc : memref<!tpu.dma_semaphore, #tpu.memory_space<semaphore_mem>>
      %dma_start3A = arith.constant 0 : i32
      %dma_start3A_50 = arith.constant 0 : i32
      %dma_start3A_51 = tpu.memref_slice %arg8[%dma_start3A, %dma_start3A_50] : memref<100x128xf32, #tpu.memory_space<vmem>> -> memref<40x128xf32, #tpu.memory_space<vmem>>
      %dma_start3A_52 = arith.constant 0 : i32
      %dma_start3A_53 = tpu.memref_slice %arg5[%add3A_39, %dma_start3A_52] : memref<10240x128xf32, #tpu.memory_space<vmem_shared>> -> memref<40x128xf32, #tpu.memory_space<vmem_shared>>
      %dma_start3A_54 = arith.constant 0 : i32
      %dma_start3A_55 = tpu.memref_slice %arg5[%add3A_39, %dma_start3A_54] : memref<10240x128xf32, #tpu.memory_space<vmem_shared>> -> memref<40x128xf32, #tpu.memory_space<vmem_shared>>
      %dma_start3A_56 = arith.constant 0 : i32
      %dma_start3A_57 = arith.constant 0 : i32
      %dma_start3A_58 = tpu.memref_slice %arg8[%dma_start3A_56, %dma_start3A_57] : memref<100x128xf32, #tpu.memory_space<vmem>> -> memref<40x128xf32, #tpu.memory_space<vmem>>
      tpu.enqueue_dma source(%dma_start3A_58 : memref<40x128xf32, #tpu.memory_space<vmem>>) target(%dma_start3A_55 : memref<40x128xf32, #tpu.memory_space<vmem_shared>>) target_semaphore(%run_scoped3A : memref<!tpu.dma_semaphore, #tpu.memory_space<semaphore_mem>>)
      %dma_wait3A = arith.constant 0 : i32
      %dma_wait3A_59 = arith.constant 0 : i32
      %dma_wait3A_60 = tpu.memref_slice %arg8[%dma_wait3A, %dma_wait3A_59] : memref<100x128xf32, #tpu.memory_space<vmem>> -> memref<40x128xf32, #tpu.memory_space<vmem>>
      %dma_wait3A_61 = arith.constant 0 : i32
      %dma_wait3A_62 = tpu.memref_slice %arg5[%add3A_39, %dma_wait3A_61] : memref<10240x128xf32, #tpu.memory_space<vmem_shared>> -> memref<40x128xf32, #tpu.memory_space<vmem_shared>>
      %dma_wait3A_63 = arith.constant 0 : i32
      %dma_wait3A_64 = tpu.memref_slice %arg5[%add3A_39, %dma_wait3A_63] : memref<10240x128xf32, #tpu.memory_space<vmem_shared>> -> memref<40x128xf32, #tpu.memory_space<vmem_shared>>
      %dma_wait3A_65 = arith.constant 0 : i32
      %dma_wait3A_66 = arith.constant 0 : i32
      %dma_wait3A_67 = tpu.memref_slice %arg8[%dma_wait3A_65, %dma_wait3A_66] : memref<100x128xf32, #tpu.memory_space<vmem>> -> memref<40x128xf32, #tpu.memory_space<vmem>>
      tpu.wait_dma2 semaphore(%run_scoped3A : memref<!tpu.dma_semaphore, #tpu.memory_space<semaphore_mem>>) src(%dma_wait3A_67 : memref<40x128xf32, #tpu.memory_space<vmem>>) dst(%dma_wait3A_64 : memref<40x128xf32, #tpu.memory_space<vmem_shared>>)
      tpu.yield
    }) : () -> ()
    %barrier3A = arith.constant 0 : index
    tpu.barrier barrier_id(%barrier3A)
    %scan3A_40 = arith.constant 0 : i32
    %scan3A_41 = arith.constant 1 : i32
    %scan3A_42 = arith.constant 0 : i32
    %scan3A_43 = arith.constant 50 : i32
    %scan3A_44 = arith.addi %scan3A_42, %scan3A_43 : i32
    %scan3A_45 = arith.constant 1 : i32
    scf.for %scan3A_50 = %scan3A_42 to %scan3A_44 step %scan3A_45  : i32 {
      %mul3A_51 = arith.constant 1 : i32
      %mul3A_52 = arith.muli %scan3A_50, %mul3A_51 : i32
      %add3A_53 = arith.constant 0 : i32
      %add3A_54 = arith.addi %add3A_53, %mul3A_52 : i32
      "tpu.region"() ({
        %run_scoped3A_82 = tpu.sem_alloc : memref<!tpu.dma_semaphore, #tpu.memory_space<semaphore_mem>>
        %dma_start3A_83 = arith.constant 0 : i32
        %dma_start3A_84 = arith.constant 0 : i32
        %dma_start3A_85 = arith.constant 0 : i32
        %dma_start3A_86 = arith.constant 0 : i32
        %dma_start3A_87 = tpu.memref_slice %arg3[%scan3A_40, %dma_start3A_83, %dma_start3A_84, %dma_start3A_85, %dma_start3A_86] : memref<2x32x50x2x100xi32, #tpu.memory_space<hbm>> -> memref<1x32x50x2x100xi32, #tpu.memory_space<hbm>>
        %dma_start3A_88 = tpu.memref_squeeze %dma_start3A_87 : memref<1x32x50x2x100xi32, #tpu.memory_space<hbm>> -> memref<32x50x2x100xi32, #tpu.memory_space<hbm>>
        %dma_start3A_89 = arith.constant 0 : i32
        %dma_start3A_90 = arith.constant 0 : i32
        %dma_start3A_91 = arith.constant 0 : i32
        %dma_start3A_92 = tpu.memref_slice %dma_start3A_88[%add3A, %dma_start3A_89, %dma_start3A_90, %dma_start3A_91] : memref<32x50x2x100xi32, #tpu.memory_space<hbm>> -> memref<1x50x2x100xi32, #tpu.memory_space<hbm>>
        %dma_start3A_93 = tpu.memref_squeeze %dma_start3A_92 : memref<1x50x2x100xi32, #tpu.memory_space<hbm>> -> memref<50x2x100xi32, #tpu.memory_space<hbm>>
        %dma_start3A_94 = arith.constant 0 : i32
        %dma_start3A_95 = arith.constant 0 : i32
        %dma_start3A_96 = tpu.memref_slice %dma_start3A_93[%add3A_54, %dma_start3A_94, %dma_start3A_95] : memref<50x2x100xi32, #tpu.memory_space<hbm>> -> memref<1x2x100xi32, #tpu.memory_space<hbm>>
        %dma_start3A_97 = tpu.memref_squeeze %dma_start3A_96 : memref<1x2x100xi32, #tpu.memory_space<hbm>> -> memref<2x100xi32, #tpu.memory_space<hbm>>
        %dma_start3A_98 = arith.constant 0 : i32
        %dma_start3A_99 = arith.constant 0 : i32
        %dma_start3A_100 = arith.constant 0 : i32
        %dma_start3A_101 = arith.constant 0 : i32
        %dma_start3A_102 = tpu.memref_slice %arg3[%scan3A_40, %dma_start3A_98, %dma_start3A_99, %dma_start3A_100, %dma_start3A_101] : memref<2x32x50x2x100xi32, #tpu.memory_space<hbm>> -> memref<1x32x50x2x100xi32, #tpu.memory_space<hbm>>
        %dma_start3A_103 = tpu.memref_squeeze %dma_start3A_102 : memref<1x32x50x2x100xi32, #tpu.memory_space<hbm>> -> memref<32x50x2x100xi32, #tpu.memory_space<hbm>>
        %dma_start3A_104 = arith.constant 0 : i32
        %dma_start3A_105 = arith.constant 0 : i32
        %dma_start3A_106 = arith.constant 0 : i32
        %dma_start3A_107 = tpu.memref_slice %dma_start3A_103[%add3A, %dma_start3A_104, %dma_start3A_105, %dma_start3A_106] : memref<32x50x2x100xi32, #tpu.memory_space<hbm>> -> memref<1x50x2x100xi32, #tpu.memory_space<hbm>>
        %dma_start3A_108 = tpu.memref_squeeze %dma_start3A_107 : memref<1x50x2x100xi32, #tpu.memory_space<hbm>> -> memref<50x2x100xi32, #tpu.memory_space<hbm>>
        %dma_start3A_109 = arith.constant 0 : i32
        %dma_start3A_110 = arith.constant 0 : i32
        %dma_start3A_111 = tpu.memref_slice %dma_start3A_108[%add3A_54, %dma_start3A_109, %dma_start3A_110] : memref<50x2x100xi32, #tpu.memory_space<hbm>> -> memref<1x2x100xi32, #tpu.memory_space<hbm>>
        %dma_start3A_112 = tpu.memref_squeeze %dma_start3A_111 : memref<1x2x100xi32, #tpu.memory_space<hbm>> -> memref<2x100xi32, #tpu.memory_space<hbm>>
        tpu.enqueue_dma source(%dma_start3A_112 : memref<2x100xi32, #tpu.memory_space<hbm>>) target(%arg6 : memref<2x100xi32, #tpu.memory_space<vmem>>) target_semaphore(%run_scoped3A_82 : memref<!tpu.dma_semaphore, #tpu.memory_space<semaphore_mem>>)
        %dma_wait3A_113 = arith.constant 0 : i32
        %dma_wait3A_114 = arith.constant 0 : i32
        %dma_wait3A_115 = arith.constant 0 : i32
        %dma_wait3A_116 = arith.constant 0 : i32
        %dma_wait3A_117 = tpu.memref_slice %arg3[%scan3A_40, %dma_wait3A_113, %dma_wait3A_114, %dma_wait3A_115, %dma_wait3A_116] : memref<2x32x50x2x100xi32, #tpu.memory_space<hbm>> -> memref<1x32x50x2x100xi32, #tpu.memory_space<hbm>>
        %dma_wait3A_118 = tpu.memref_squeeze %dma_wait3A_117 : memref<1x32x50x2x100xi32, #tpu.memory_space<hbm>> -> memref<32x50x2x100xi32, #tpu.memory_space<hbm>>
        %dma_wait3A_119 = arith.constant 0 : i32
        %dma_wait3A_120 = arith.constant 0 : i32
        %dma_wait3A_121 = arith.constant 0 : i32
        %dma_wait3A_122 = tpu.memref_slice %dma_wait3A_118[%add3A, %dma_wait3A_119, %dma_wait3A_120, %dma_wait3A_121] : memref<32x50x2x100xi32, #tpu.memory_space<hbm>> -> memref<1x50x2x100xi32, #tpu.memory_space<hbm>>
        %dma_wait3A_123 = tpu.memref_squeeze %dma_wait3A_122 : memref<1x50x2x100xi32, #tpu.memory_space<hbm>> -> memref<50x2x100xi32, #tpu.memory_space<hbm>>
        %dma_wait3A_124 = arith.constant 0 : i32
        %dma_wait3A_125 = arith.constant 0 : i32
        %dma_wait3A_126 = tpu.memref_slice %dma_wait3A_123[%add3A_54, %dma_wait3A_124, %dma_wait3A_125] : memref<50x2x100xi32, #tpu.memory_space<hbm>> -> memref<1x2x100xi32, #tpu.memory_space<hbm>>
        %dma_wait3A_127 = tpu.memref_squeeze %dma_wait3A_126 : memref<1x2x100xi32, #tpu.memory_space<hbm>> -> memref<2x100xi32, #tpu.memory_space<hbm>>
        %dma_wait3A_128 = arith.constant 0 : i32
        %dma_wait3A_129 = arith.constant 0 : i32
        %dma_wait3A_130 = arith.constant 0 : i32
        %dma_wait3A_131 = arith.constant 0 : i32
        %dma_wait3A_132 = tpu.memref_slice %arg3[%scan3A_40, %dma_wait3A_128, %dma_wait3A_129, %dma_wait3A_130, %dma_wait3A_131] : memref<2x32x50x2x100xi32, #tpu.memory_space<hbm>> -> memref<1x32x50x2x100xi32, #tpu.memory_space<hbm>>
        %dma_wait3A_133 = tpu.memref_squeeze %dma_wait3A_132 : memref<1x32x50x2x100xi32, #tpu.memory_space<hbm>> -> memref<32x50x2x100xi32, #tpu.memory_space<hbm>>
        %dma_wait3A_134 = arith.constant 0 : i32
        %dma_wait3A_135 = arith.constant 0 : i32
        %dma_wait3A_136 = arith.constant 0 : i32
        %dma_wait3A_137 = tpu.memref_slice %dma_wait3A_133[%add3A, %dma_wait3A_134, %dma_wait3A_135, %dma_wait3A_136] : memref<32x50x2x100xi32, #tpu.memory_space<hbm>> -> memref<1x50x2x100xi32, #tpu.memory_space<hbm>>
        %dma_wait3A_138 = tpu.memref_squeeze %dma_wait3A_137 : memref<1x50x2x100xi32, #tpu.memory_space<hbm>> -> memref<50x2x100xi32, #tpu.memory_space<hbm>>
        %dma_wait3A_139 = arith.constant 0 : i32
        %dma_wait3A_140 = arith.constant 0 : i32
        %dma_wait3A_141 = tpu.memref_slice %dma_wait3A_138[%add3A_54, %dma_wait3A_139, %dma_wait3A_140] : memref<50x2x100xi32, #tpu.memory_space<hbm>> -> memref<1x2x100xi32, #tpu.memory_space<hbm>>
        %dma_wait3A_142 = tpu.memref_squeeze %dma_wait3A_141 : memref<1x2x100xi32, #tpu.memory_space<hbm>> -> memref<2x100xi32, #tpu.memory_space<hbm>>
        tpu.wait_dma2 semaphore(%run_scoped3A_82 : memref<!tpu.dma_semaphore, #tpu.memory_space<semaphore_mem>>) src(%dma_wait3A_142 : memref<2x100xi32, #tpu.memory_space<hbm>>) dst(%arg6 : memref<2x100xi32, #tpu.memory_space<vmem>>)
        tpu.yield
      }) : () -> ()
      "tpu.region"() ({
        %run_scoped3A_82 = tpu.sem_alloc : memref<!tpu.dma_semaphore, #tpu.memory_space<semaphore_mem>>
        %dma_start3A_83 = arith.constant 0 : i32
        %dma_start3A_84 = arith.constant 0 : i32
        %dma_start3A_85 = arith.constant 0 : i32
        %dma_start3A_86 = arith.constant 0 : i32
        %dma_start3A_87 = tpu.memref_slice %arg3[%scan3A_41, %dma_start3A_83, %dma_start3A_84, %dma_start3A_85, %dma_start3A_86] : memref<2x32x50x2x100xi32, #tpu.memory_space<hbm>> -> memref<1x32x50x2x100xi32, #tpu.memory_space<hbm>>
        %dma_start3A_88 = tpu.memref_squeeze %dma_start3A_87 : memref<1x32x50x2x100xi32, #tpu.memory_space<hbm>> -> memref<32x50x2x100xi32, #tpu.memory_space<hbm>>
        %dma_start3A_89 = arith.constant 0 : i32
        %dma_start3A_90 = arith.constant 0 : i32
        %dma_start3A_91 = arith.constant 0 : i32
        %dma_start3A_92 = tpu.memref_slice %dma_start3A_88[%add3A, %dma_start3A_89, %dma_start3A_90, %dma_start3A_91] : memref<32x50x2x100xi32, #tpu.memory_space<hbm>> -> memref<1x50x2x100xi32, #tpu.memory_space<hbm>>
        %dma_start3A_93 = tpu.memref_squeeze %dma_start3A_92 : memref<1x50x2x100xi32, #tpu.memory_space<hbm>> -> memref<50x2x100xi32, #tpu.memory_space<hbm>>
        %dma_start3A_94 = arith.constant 0 : i32
        %dma_start3A_95 = arith.constant 0 : i32
        %dma_start3A_96 = tpu.memref_slice %dma_start3A_93[%add3A_54, %dma_start3A_94, %dma_start3A_95] : memref<50x2x100xi32, #tpu.memory_space<hbm>> -> memref<1x2x100xi32, #tpu.memory_space<hbm>>
        %dma_start3A_97 = tpu.memref_squeeze %dma_start3A_96 : memref<1x2x100xi32, #tpu.memory_space<hbm>> -> memref<2x100xi32, #tpu.memory_space<hbm>>
        %dma_start3A_98 = arith.constant 0 : i32
        %dma_start3A_99 = arith.constant 0 : i32
        %dma_start3A_100 = arith.constant 0 : i32
        %dma_start3A_101 = arith.constant 0 : i32
        %dma_start3A_102 = tpu.memref_slice %arg3[%scan3A_41, %dma_start3A_98, %dma_start3A_99, %dma_start3A_100, %dma_start3A_101] : memref<2x32x50x2x100xi32, #tpu.memory_space<hbm>> -> memref<1x32x50x2x100xi32, #tpu.memory_space<hbm>>
        %dma_start3A_103 = tpu.memref_squeeze %dma_start3A_102 : memref<1x32x50x2x100xi32, #tpu.memory_space<hbm>> -> memref<32x50x2x100xi32, #tpu.memory_space<hbm>>
        %dma_start3A_104 = arith.constant 0 : i32
        %dma_start3A_105 = arith.constant 0 : i32
        %dma_start3A_106 = arith.constant 0 : i32
        %dma_start3A_107 = tpu.memref_slice %dma_start3A_103[%add3A, %dma_start3A_104, %dma_start3A_105, %dma_start3A_106] : memref<32x50x2x100xi32, #tpu.memory_space<hbm>> -> memref<1x50x2x100xi32, #tpu.memory_space<hbm>>
        %dma_start3A_108 = tpu.memref_squeeze %dma_start3A_107 : memref<1x50x2x100xi32, #tpu.memory_space<hbm>> -> memref<50x2x100xi32, #tpu.memory_space<hbm>>
        %dma_start3A_109 = arith.constant 0 : i32
        %dma_start3A_110 = arith.constant 0 : i32
        %dma_start3A_111 = tpu.memref_slice %dma_start3A_108[%add3A_54, %dma_start3A_109, %dma_start3A_110] : memref<50x2x100xi32, #tpu.memory_space<hbm>> -> memref<1x2x100xi32, #tpu.memory_space<hbm>>
        %dma_start3A_112 = tpu.memref_squeeze %dma_start3A_111 : memref<1x2x100xi32, #tpu.memory_space<hbm>> -> memref<2x100xi32, #tpu.memory_space<hbm>>
        tpu.enqueue_dma source(%dma_start3A_112 : memref<2x100xi32, #tpu.memory_space<hbm>>) target(%arg7 : memref<2x100xi32, #tpu.memory_space<vmem>>) target_semaphore(%run_scoped3A_82 : memref<!tpu.dma_semaphore, #tpu.memory_space<semaphore_mem>>)
        %dma_wait3A_113 = arith.constant 0 : i32
        %dma_wait3A_114 = arith.constant 0 : i32
        %dma_wait3A_115 = arith.constant 0 : i32
        %dma_wait3A_116 = arith.constant 0 : i32
        %dma_wait3A_117 = tpu.memref_slice %arg3[%scan3A_41, %dma_wait3A_113, %dma_wait3A_114, %dma_wait3A_115, %dma_wait3A_116] : memref<2x32x50x2x100xi32, #tpu.memory_space<hbm>> -> memref<1x32x50x2x100xi32, #tpu.memory_space<hbm>>
        %dma_wait3A_118 = tpu.memref_squeeze %dma_wait3A_117 : memref<1x32x50x2x100xi32, #tpu.memory_space<hbm>> -> memref<32x50x2x100xi32, #tpu.memory_space<hbm>>
        %dma_wait3A_119 = arith.constant 0 : i32
        %dma_wait3A_120 = arith.constant 0 : i32
        %dma_wait3A_121 = arith.constant 0 : i32
        %dma_wait3A_122 = tpu.memref_slice %dma_wait3A_118[%add3A, %dma_wait3A_119, %dma_wait3A_120, %dma_wait3A_121] : memref<32x50x2x100xi32, #tpu.memory_space<hbm>> -> memref<1x50x2x100xi32, #tpu.memory_space<hbm>>
        %dma_wait3A_123 = tpu.memref_squeeze %dma_wait3A_122 : memref<1x50x2x100xi32, #tpu.memory_space<hbm>> -> memref<50x2x100xi32, #tpu.memory_space<hbm>>
        %dma_wait3A_124 = arith.constant 0 : i32
        %dma_wait3A_125 = arith.constant 0 : i32
        %dma_wait3A_126 = tpu.memref_slice %dma_wait3A_123[%add3A_54, %dma_wait3A_124, %dma_wait3A_125] : memref<50x2x100xi32, #tpu.memory_space<hbm>> -> memref<1x2x100xi32, #tpu.memory_space<hbm>>
        %dma_wait3A_127 = tpu.memref_squeeze %dma_wait3A_126 : memref<1x2x100xi32, #tpu.memory_space<hbm>> -> memref<2x100xi32, #tpu.memory_space<hbm>>
        %dma_wait3A_128 = arith.constant 0 : i32
        %dma_wait3A_129 = arith.constant 0 : i32
        %dma_wait3A_130 = arith.constant 0 : i32
        %dma_wait3A_131 = arith.constant 0 : i32
        %dma_wait3A_132 = tpu.memref_slice %arg3[%scan3A_41, %dma_wait3A_128, %dma_wait3A_129, %dma_wait3A_130, %dma_wait3A_131] : memref<2x32x50x2x100xi32, #tpu.memory_space<hbm>> -> memref<1x32x50x2x100xi32, #tpu.memory_space<hbm>>
        %dma_wait3A_133 = tpu.memref_squeeze %dma_wait3A_132 : memref<1x32x50x2x100xi32, #tpu.memory_space<hbm>> -> memref<32x50x2x100xi32, #tpu.memory_space<hbm>>
        %dma_wait3A_134 = arith.constant 0 : i32
        %dma_wait3A_135 = arith.constant 0 : i32
        %dma_wait3A_136 = arith.constant 0 : i32
        %dma_wait3A_137 = tpu.memref_slice %dma_wait3A_133[%add3A, %dma_wait3A_134, %dma_wait3A_135, %dma_wait3A_136] : memref<32x50x2x100xi32, #tpu.memory_space<hbm>> -> memref<1x50x2x100xi32, #tpu.memory_space<hbm>>
        %dma_wait3A_138 = tpu.memref_squeeze %dma_wait3A_137 : memref<1x50x2x100xi32, #tpu.memory_space<hbm>> -> memref<50x2x100xi32, #tpu.memory_space<hbm>>
        %dma_wait3A_139 = arith.constant 0 : i32
        %dma_wait3A_140 = arith.constant 0 : i32
        %dma_wait3A_141 = tpu.memref_slice %dma_wait3A_138[%add3A_54, %dma_wait3A_139, %dma_wait3A_140] : memref<50x2x100xi32, #tpu.memory_space<hbm>> -> memref<1x2x100xi32, #tpu.memory_space<hbm>>
        %dma_wait3A_142 = tpu.memref_squeeze %dma_wait3A_141 : memref<1x2x100xi32, #tpu.memory_space<hbm>> -> memref<2x100xi32, #tpu.memory_space<hbm>>
        tpu.wait_dma2 semaphore(%run_scoped3A_82 : memref<!tpu.dma_semaphore, #tpu.memory_space<semaphore_mem>>) src(%dma_wait3A_142 : memref<2x100xi32, #tpu.memory_space<hbm>>) dst(%arg7 : memref<2x100xi32, #tpu.memory_space<vmem>>)
        tpu.yield
      }) : () -> ()
      %dma_start3A = arith.constant 0 : i32
      %dma_start3A_55 = arith.constant 0 : i32
      %dma_start3A_56 = tpu.memref_slice %arg6[%dma_start3A, %dma_start3A_55] : memref<2x100xi32, #tpu.memory_space<vmem>> -> memref<1x100xi32, #tpu.memory_space<vmem>>
      %dma_start3A_57 = tpu.memref_squeeze %dma_start3A_56 : memref<1x100xi32, #tpu.memory_space<vmem>> -> memref<100xi32, #tpu.memory_space<vmem>>
      %dma_start3A_58 = arith.constant 0 : i32
      %dma_start3A_59 = arith.constant 0 : i32
      %dma_start3A_60 = tpu.memref_slice %arg2[%dma_start3A_58, %dma_start3A_59] : memref<10000x128xf32, #tpu.memory_space<hbm>> -> memref<10000x128xf32, #tpu.memory_space<hbm>>
      tpu.enqueue_indirect_dma source(%dma_start3A_60 : memref<10000x128xf32, #tpu.memory_space<hbm>>) target(%arg8 : memref<100x128xf32, #tpu.memory_space<vmem>>) offsets(%dma_start3A_57 : memref<100xi32, #tpu.memory_space<vmem>>) semaphore(%arg10 : memref<!tpu.dma_semaphore, #tpu.memory_space<semaphore_mem>>)
      %dma_start3A_61 = arith.constant 1 : i32
      %dma_start3A_62 = arith.constant 0 : i32
      %dma_start3A_63 = tpu.memref_slice %arg6[%dma_start3A_61, %dma_start3A_62] : memref<2x100xi32, #tpu.memory_space<vmem>> -> memref<1x100xi32, #tpu.memory_space<vmem>>
      %dma_start3A_64 = tpu.memref_squeeze %dma_start3A_63 : memref<1x100xi32, #tpu.memory_space<vmem>> -> memref<100xi32, #tpu.memory_space<vmem>>
      %dma_start3A_65 = arith.constant 0 : i32
      %dma_start3A_66 = arith.constant 0 : i32
      %dma_start3A_67 = tpu.memref_slice %arg2[%dma_start3A_65, %dma_start3A_66] : memref<10000x128xf32, #tpu.memory_space<hbm>> -> memref<10000x128xf32, #tpu.memory_space<hbm>>
      tpu.enqueue_indirect_dma source(%dma_start3A_67 : memref<10000x128xf32, #tpu.memory_space<hbm>>) target(%arg9 : memref<100x128xf32, #tpu.memory_space<vmem>>) offsets(%dma_start3A_64 : memref<100xi32, #tpu.memory_space<vmem>>) semaphore(%arg11 : memref<!tpu.dma_semaphore, #tpu.memory_space<semaphore_mem>>)
      %dma_wait3A = arith.constant 0 : i32
      %dma_wait3A_68 = arith.constant 0 : i32
      %dma_wait3A_69 = tpu.memref_slice %arg6[%dma_wait3A, %dma_wait3A_68] : memref<2x100xi32, #tpu.memory_space<vmem>> -> memref<1x100xi32, #tpu.memory_space<vmem>>
      %dma_wait3A_70 = tpu.memref_squeeze %dma_wait3A_69 : memref<1x100xi32, #tpu.memory_space<vmem>> -> memref<100xi32, #tpu.memory_space<vmem>>
      %dma_wait3A_71 = arith.constant 0 : i32
      %dma_wait3A_72 = arith.constant 0 : i32
      %dma_wait3A_73 = tpu.memref_slice %arg2[%dma_wait3A_71, %dma_wait3A_72] : memref<10000x128xf32, #tpu.memory_space<hbm>> -> memref<10000x128xf32, #tpu.memory_space<hbm>>
      tpu.wait_indirect_dma semaphore(%arg10 : memref<!tpu.dma_semaphore, #tpu.memory_space<semaphore_mem>>) src(%dma_wait3A_73 : memref<10000x128xf32, #tpu.memory_space<hbm>>) dst(%arg8 : memref<100x128xf32, #tpu.memory_space<vmem>>)
      %run_scoped3A = arith.constant 0 : i32
      "tpu.region"() ({
        %run_scoped3A_82 = tpu.sem_alloc : memref<!tpu.dma_semaphore, #tpu.memory_space<semaphore_mem>>
        %dma_start3A_83 = arith.constant 0 : i32
        %dma_start3A_84 = tpu.memref_slice %arg7[%run_scoped3A, %dma_start3A_83] : memref<2x100xi32, #tpu.memory_space<vmem>> -> memref<1x100xi32, #tpu.memory_space<vmem>>
        %dma_start3A_85 = tpu.memref_squeeze %dma_start3A_84 : memref<1x100xi32, #tpu.memory_space<vmem>> -> memref<100xi32, #tpu.memory_space<vmem>>
        %dma_start3A_86 = arith.constant 0 : i32
        %dma_start3A_87 = arith.constant 0 : i32
        %dma_start3A_88 = tpu.memref_slice %arg5[%dma_start3A_86, %dma_start3A_87] : memref<10240x128xf32, #tpu.memory_space<vmem_shared>> -> memref<10240x128xf32, #tpu.memory_space<vmem_shared>>
        tpu.enqueue_indirect_dma source(%arg8 : memref<100x128xf32, #tpu.memory_space<vmem>>) target(%dma_start3A_88 : memref<10240x128xf32, #tpu.memory_space<vmem_shared>>) offsets(%dma_start3A_85 : memref<100xi32, #tpu.memory_space<vmem>>) semaphore(%run_scoped3A_82 : memref<!tpu.dma_semaphore, #tpu.memory_space<semaphore_mem>>) {add = true}
        %dma_wait3A_89 = arith.constant 0 : i32
        %dma_wait3A_90 = tpu.memref_slice %arg7[%run_scoped3A, %dma_wait3A_89] : memref<2x100xi32, #tpu.memory_space<vmem>> -> memref<1x100xi32, #tpu.memory_space<vmem>>
        %dma_wait3A_91 = tpu.memref_squeeze %dma_wait3A_90 : memref<1x100xi32, #tpu.memory_space<vmem>> -> memref<100xi32, #tpu.memory_space<vmem>>
        %dma_wait3A_92 = arith.constant 0 : i32
        %dma_wait3A_93 = arith.constant 0 : i32
        %dma_wait3A_94 = tpu.memref_slice %arg5[%dma_wait3A_92, %dma_wait3A_93] : memref<10240x128xf32, #tpu.memory_space<vmem_shared>> -> memref<10240x128xf32, #tpu.memory_space<vmem_shared>>
        tpu.wait_indirect_dma semaphore(%run_scoped3A_82 : memref<!tpu.dma_semaphore, #tpu.memory_space<semaphore_mem>>) src(%arg8 : memref<100x128xf32, #tpu.memory_space<vmem>>) dst(%dma_wait3A_94 : memref<10240x128xf32, #tpu.memory_space<vmem_shared>>)
        tpu.yield
      }) : () -> ()
      %dma_wait3A_74 = arith.constant 1 : i32
      %dma_wait3A_75 = arith.constant 0 : i32
      %dma_wait3A_76 = tpu.memref_slice %arg6[%dma_wait3A_74, %dma_wait3A_75] : memref<2x100xi32, #tpu.memory_space<vmem>> -> memref<1x100xi32, #tpu.memory_space<vmem>>
      %dma_wait3A_77 = tpu.memref_squeeze %dma_wait3A_76 : memref<1x100xi32, #tpu.memory_space<vmem>> -> memref<100xi32, #tpu.memory_space<vmem>>
      %dma_wait3A_78 = arith.constant 0 : i32
      %dma_wait3A_79 = arith.constant 0 : i32
      %dma_wait3A_80 = tpu.memref_slice %arg2[%dma_wait3A_78, %dma_wait3A_79] : memref<10000x128xf32, #tpu.memory_space<hbm>> -> memref<10000x128xf32, #tpu.memory_space<hbm>>
      tpu.wait_indirect_dma semaphore(%arg11 : memref<!tpu.dma_semaphore, #tpu.memory_space<semaphore_mem>>) src(%dma_wait3A_80 : memref<10000x128xf32, #tpu.memory_space<hbm>>) dst(%arg9 : memref<100x128xf32, #tpu.memory_space<vmem>>)
      %run_scoped3A_81 = arith.constant 1 : i32
      "tpu.region"() ({
        %run_scoped3A_82 = tpu.sem_alloc : memref<!tpu.dma_semaphore, #tpu.memory_space<semaphore_mem>>
        %dma_start3A_83 = arith.constant 0 : i32
        %dma_start3A_84 = tpu.memref_slice %arg7[%run_scoped3A_81, %dma_start3A_83] : memref<2x100xi32, #tpu.memory_space<vmem>> -> memref<1x100xi32, #tpu.memory_space<vmem>>
        %dma_start3A_85 = tpu.memref_squeeze %dma_start3A_84 : memref<1x100xi32, #tpu.memory_space<vmem>> -> memref<100xi32, #tpu.memory_space<vmem>>
        %dma_start3A_86 = arith.constant 0 : i32
        %dma_start3A_87 = arith.constant 0 : i32
        %dma_start3A_88 = tpu.memref_slice %arg5[%dma_start3A_86, %dma_start3A_87] : memref<10240x128xf32, #tpu.memory_space<vmem_shared>> -> memref<10240x128xf32, #tpu.memory_space<vmem_shared>>
        tpu.enqueue_indirect_dma source(%arg9 : memref<100x128xf32, #tpu.memory_space<vmem>>) target(%dma_start3A_88 : memref<10240x128xf32, #tpu.memory_space<vmem_shared>>) offsets(%dma_start3A_85 : memref<100xi32, #tpu.memory_space<vmem>>) semaphore(%run_scoped3A_82 : memref<!tpu.dma_semaphore, #tpu.memory_space<semaphore_mem>>) {add = true}
        %dma_wait3A_89 = arith.constant 0 : i32
        %dma_wait3A_90 = tpu.memref_slice %arg7[%run_scoped3A_81, %dma_wait3A_89] : memref<2x100xi32, #tpu.memory_space<vmem>> -> memref<1x100xi32, #tpu.memory_space<vmem>>
        %dma_wait3A_91 = tpu.memref_squeeze %dma_wait3A_90 : memref<1x100xi32, #tpu.memory_space<vmem>> -> memref<100xi32, #tpu.memory_space<vmem>>
        %dma_wait3A_92 = arith.constant 0 : i32
        %dma_wait3A_93 = arith.constant 0 : i32
        %dma_wait3A_94 = tpu.memref_slice %arg5[%dma_wait3A_92, %dma_wait3A_93] : memref<10240x128xf32, #tpu.memory_space<vmem_shared>> -> memref<10240x128xf32, #tpu.memory_space<vmem_shared>>
        tpu.wait_indirect_dma semaphore(%run_scoped3A_82 : memref<!tpu.dma_semaphore, #tpu.memory_space<semaphore_mem>>) src(%arg9 : memref<100x128xf32, #tpu.memory_space<vmem>>) dst(%dma_wait3A_94 : memref<10240x128xf32, #tpu.memory_space<vmem_shared>>)
        tpu.yield
      }) : () -> ()
    }
    %scan3A_46 = arith.constant 50 : i32
    %barrier3A_47 = arith.constant 0 : index
    tpu.barrier barrier_id(%barrier3A_47)
    %mul3A_48 = arith.constant 640 : i32
    %mul3A_49 = arith.muli %arg1, %mul3A_48 : i32
    "tpu.region"() ({
      %run_scoped3A = tpu.sem_alloc : memref<!tpu.dma_semaphore, #tpu.memory_space<semaphore_mem>>
      %dma_start3A = arith.constant 0 : i32
      %dma_start3A_50 = arith.constant 0 : i32
      %dma_start3A_51 = tpu.memref_slice %arg4[%arg0, %dma_start3A, %dma_start3A_50] : memref<2x10240x128xf32, #tpu.memory_space<hbm>> -> memref<1x10240x128xf32, #tpu.memory_space<hbm>>
      %dma_start3A_52 = tpu.memref_squeeze %dma_start3A_51 : memref<1x10240x128xf32, #tpu.memory_space<hbm>> -> memref<10240x128xf32, #tpu.memory_space<hbm>>
      %dma_start3A_53 = arith.constant 0 : i32
      %dma_start3A_54 = tpu.memref_slice %dma_start3A_52[%mul3A_49, %dma_start3A_53] : memref<10240x128xf32, #tpu.memory_space<hbm>> -> memref<640x128xf32, #tpu.memory_space<hbm>>
      %dma_start3A_55 = arith.constant 0 : i32
      %dma_start3A_56 = tpu.memref_slice %arg5[%mul3A_49, %dma_start3A_55] : memref<10240x128xf32, #tpu.memory_space<vmem_shared>> -> memref<640x128xf32, #tpu.memory_space<vmem_shared>>
      tpu.enqueue_dma source(%dma_start3A_56 : memref<640x128xf32, #tpu.memory_space<vmem_shared>>) target(%dma_start3A_54 : memref<640x128xf32, #tpu.memory_space<hbm>>) target_semaphore(%run_scoped3A : memref<!tpu.dma_semaphore, #tpu.memory_space<semaphore_mem>>)
      %dma_wait3A = arith.constant 0 : i32
      %dma_wait3A_57 = arith.constant 0 : i32
      %dma_wait3A_58 = tpu.memref_slice %arg4[%arg0, %dma_wait3A, %dma_wait3A_57] : memref<2x10240x128xf32, #tpu.memory_space<hbm>> -> memref<1x10240x128xf32, #tpu.memory_space<hbm>>
      %dma_wait3A_59 = tpu.memref_squeeze %dma_wait3A_58 : memref<1x10240x128xf32, #tpu.memory_space<hbm>> -> memref<10240x128xf32, #tpu.memory_space<hbm>>
      %dma_wait3A_60 = arith.constant 0 : i32
      %dma_wait3A_61 = tpu.memref_slice %dma_wait3A_59[%mul3A_49, %dma_wait3A_60] : memref<10240x128xf32, #tpu.memory_space<hbm>> -> memref<640x128xf32, #tpu.memory_space<hbm>>
      %dma_wait3A_62 = arith.constant 0 : i32
      %dma_wait3A_63 = tpu.memref_slice %arg5[%mul3A_49, %dma_wait3A_62] : memref<10240x128xf32, #tpu.memory_space<vmem_shared>> -> memref<640x128xf32, #tpu.memory_space<vmem_shared>>
      tpu.wait_dma2 semaphore(%run_scoped3A : memref<!tpu.dma_semaphore, #tpu.memory_space<semaphore_mem>>) src(%dma_wait3A_63 : memref<640x128xf32, #tpu.memory_space<vmem_shared>>) dst(%dma_wait3A_61 : memref<640x128xf32, #tpu.memory_space<hbm>>)
      tpu.yield
    }) : () -> ()
    return
  }
}

#map = affine_map<(d0, d1) -> (0, 0, 0, 0, 0)>
#map1 = affine_map<(d0, d1) -> (0, 0, 0)>
module attributes {stable_mosaic.version = 14 : i64} {
  func.func @_count_body(%arg0: i32, %arg1: i32, %arg2: memref<2x32x50x2x100xi32, #tpu.memory_space<hbm>>, %arg3: memref<2x10240x128xf32, #tpu.memory_space<hbm>>, %arg4: memref<10240x128xf32, #tpu.memory_space<vmem_shared>>, %arg5: memref<2x100xi32, #tpu.memory_space<vmem>>, %arg6: memref<100x128xf32, #tpu.memory_space<vmem>>) attributes {dimension_semantics = [#tpu.dimension_semantics<core_parallel>, #tpu.dimension_semantics<subcore_parallel>], iteration_bounds = array<i64: 2, 16>, scalar_prefetch = 0 : i64, scratch_operands = 3 : i64, tpu.core_type = #tpu.core_type<sc_vector_subcore>, window_params = [{transform_indices = #map}, {transform_indices = #map1}]} {
    %mul3A = arith.constant 16 : i32
    %mul3A_0 = arith.muli %arg0, %mul3A : i32
    %add3A = arith.addi %mul3A_0, %arg1 : i32
    %broadcast_in_dim3A = arith.constant 0.000000e+00 : f32
    %broadcast_in_dim3A_1 = vector.broadcast %broadcast_in_dim3A : f32 to vector<16xf32>
    %scan3A = arith.constant 0 : i32
    %scan3A_2 = arith.constant 40 : i32
    %scan3A_3 = arith.addi %scan3A, %scan3A_2 : i32
    %scan3A_4 = arith.constant 1 : i32
    scf.for %scan3A_56 = %scan3A to %scan3A_3 step %scan3A_4  : i32 {
      %mul3A_57 = arith.constant 1 : i32
      %mul3A_58 = arith.muli %scan3A_56, %mul3A_57 : i32
      %add3A_59 = arith.constant 0 : i32
      %add3A_60 = arith.addi %add3A_59, %mul3A_58 : i32
      %scan3A_61 = arith.constant 0 : i32
      %scan3A_62 = arith.constant 8 : i32
      %scan3A_63 = arith.addi %scan3A_61, %scan3A_62 : i32
      %scan3A_64 = arith.constant 1 : i32
      scf.for %scan3A_66 = %scan3A_61 to %scan3A_63 step %scan3A_64  : i32 {
        %mul3A_67 = arith.constant 16 : i32
        %mul3A_68 = arith.muli %scan3A_66, %mul3A_67 : i32
        %add3A_69 = arith.constant 0 : i32
        %add3A_70 = arith.addi %add3A_69, %mul3A_68 : i32
        %swap3A = arith.index_cast %add3A_60 : i32 to index
        %swap3A_71 = arith.index_cast %add3A_70 : i32 to index
        %swap3A_72 = tpu.vector_load %arg6[%swap3A, %swap3A_71] {strides = array<i32>} : memref<100x128xf32, #tpu.memory_space<vmem>>, vector<1x16xf32>,
        %swap3A_73 = vector.shape_cast %swap3A_72 : vector<1x16xf32> to vector<16xf32>
        %swap3A_74 = vector.shape_cast %broadcast_in_dim3A_1 : vector<16xf32> to vector<1x16xf32>
        tpu.vector_store %arg6[%swap3A, %swap3A_71], %swap3A_74 {strides = array<i32>} : memref<100x128xf32, #tpu.memory_space<vmem>>, vector<1x16xf32>,
      }
      %scan3A_65 = arith.constant 8 : i32
    }
    %scan3A_5 = arith.constant 40 : i32
    %mul3A_6 = arith.constant 640 : i32
    %mul3A_7 = arith.muli %arg1, %mul3A_6 : i32
    %add3A_8 = arith.constant 0 : i32
    %add3A_9 = arith.addi %mul3A_7, %add3A_8 : i32
    "tpu.region"() ({
      %run_scoped3A = tpu.sem_alloc : memref<!tpu.dma_semaphore, #tpu.memory_space<semaphore_mem>>
      %dma_start3A = arith.constant 0 : i32
      %dma_start3A_56 = arith.constant 0 : i32
      %dma_start3A_57 = tpu.memref_slice %arg6[%dma_start3A, %dma_start3A_56] : memref<100x128xf32, #tpu.memory_space<vmem>> -> memref<40x128xf32, #tpu.memory_space<vmem>>
      %dma_start3A_58 = arith.constant 0 : i32
      %dma_start3A_59 = tpu.memref_slice %arg4[%add3A_9, %dma_start3A_58] : memref<10240x128xf32, #tpu.memory_space<vmem_shared>> -> memref<40x128xf32, #tpu.memory_space<vmem_shared>>
      %dma_start3A_60 = arith.constant 0 : i32
      %dma_start3A_61 = tpu.memref_slice %arg4[%add3A_9, %dma_start3A_60] : memref<10240x128xf32, #tpu.memory_space<vmem_shared>> -> memref<40x128xf32, #tpu.memory_space<vmem_shared>>
      %dma_start3A_62 = arith.constant 0 : i32
      %dma_start3A_63 = arith.constant 0 : i32
      %dma_start3A_64 = tpu.memref_slice %arg6[%dma_start3A_62, %dma_start3A_63] : memref<100x128xf32, #tpu.memory_space<vmem>> -> memref<40x128xf32, #tpu.memory_space<vmem>>
      tpu.enqueue_dma source(%dma_start3A_64 : memref<40x128xf32, #tpu.memory_space<vmem>>) target(%dma_start3A_61 : memref<40x128xf32, #tpu.memory_space<vmem_shared>>) target_semaphore(%run_scoped3A : memref<!tpu.dma_semaphore, #tpu.memory_space<semaphore_mem>>)
      %dma_wait3A = arith.constant 0 : i32
      %dma_wait3A_65 = arith.constant 0 : i32
      %dma_wait3A_66 = tpu.memref_slice %arg6[%dma_wait3A, %dma_wait3A_65] : memref<100x128xf32, #tpu.memory_space<vmem>> -> memref<40x128xf32, #tpu.memory_space<vmem>>
      %dma_wait3A_67 = arith.constant 0 : i32
      %dma_wait3A_68 = tpu.memref_slice %arg4[%add3A_9, %dma_wait3A_67] : memref<10240x128xf32, #tpu.memory_space<vmem_shared>> -> memref<40x128xf32, #tpu.memory_space<vmem_shared>>
      %dma_wait3A_69 = arith.constant 0 : i32
      %dma_wait3A_70 = tpu.memref_slice %arg4[%add3A_9, %dma_wait3A_69] : memref<10240x128xf32, #tpu.memory_space<vmem_shared>> -> memref<40x128xf32, #tpu.memory_space<vmem_shared>>
      %dma_wait3A_71 = arith.constant 0 : i32
      %dma_wait3A_72 = arith.constant 0 : i32
      %dma_wait3A_73 = tpu.memref_slice %arg6[%dma_wait3A_71, %dma_wait3A_72] : memref<100x128xf32, #tpu.memory_space<vmem>> -> memref<40x128xf32, #tpu.memory_space<vmem>>
      tpu.wait_dma2 semaphore(%run_scoped3A : memref<!tpu.dma_semaphore, #tpu.memory_space<semaphore_mem>>) src(%dma_wait3A_73 : memref<40x128xf32, #tpu.memory_space<vmem>>) dst(%dma_wait3A_70 : memref<40x128xf32, #tpu.memory_space<vmem_shared>>)
      tpu.yield
    }) : () -> ()
    %add3A_10 = arith.constant 40 : i32
    %add3A_11 = arith.addi %mul3A_7, %add3A_10 : i32
    "tpu.region"() ({
      %run_scoped3A = tpu.sem_alloc : memref<!tpu.dma_semaphore, #tpu.memory_space<semaphore_mem>>
      %dma_start3A = arith.constant 0 : i32
      %dma_start3A_56 = arith.constant 0 : i32
      %dma_start3A_57 = tpu.memref_slice %arg6[%dma_start3A, %dma_start3A_56] : memref<100x128xf32, #tpu.memory_space<vmem>> -> memref<40x128xf32, #tpu.memory_space<vmem>>
      %dma_start3A_58 = arith.constant 0 : i32
      %dma_start3A_59 = tpu.memref_slice %arg4[%add3A_11, %dma_start3A_58] : memref<10240x128xf32, #tpu.memory_space<vmem_shared>> -> memref<40x128xf32, #tpu.memory_space<vmem_shared>>
      %dma_start3A_60 = arith.constant 0 : i32
      %dma_start3A_61 = tpu.memref_slice %arg4[%add3A_11, %dma_start3A_60] : memref<10240x128xf32, #tpu.memory_space<vmem_shared>> -> memref<40x128xf32, #tpu.memory_space<vmem_shared>>
      %dma_start3A_62 = arith.constant 0 : i32
      %dma_start3A_63 = arith.constant 0 : i32
      %dma_start3A_64 = tpu.memref_slice %arg6[%dma_start3A_62, %dma_start3A_63] : memref<100x128xf32, #tpu.memory_space<vmem>> -> memref<40x128xf32, #tpu.memory_space<vmem>>
      tpu.enqueue_dma source(%dma_start3A_64 : memref<40x128xf32, #tpu.memory_space<vmem>>) target(%dma_start3A_61 : memref<40x128xf32, #tpu.memory_space<vmem_shared>>) target_semaphore(%run_scoped3A : memref<!tpu.dma_semaphore, #tpu.memory_space<semaphore_mem>>)
      %dma_wait3A = arith.constant 0 : i32
      %dma_wait3A_65 = arith.constant 0 : i32
      %dma_wait3A_66 = tpu.memref_slice %arg6[%dma_wait3A, %dma_wait3A_65] : memref<100x128xf32, #tpu.memory_space<vmem>> -> memref<40x128xf32, #tpu.memory_space<vmem>>
      %dma_wait3A_67 = arith.constant 0 : i32
      %dma_wait3A_68 = tpu.memref_slice %arg4[%add3A_11, %dma_wait3A_67] : memref<10240x128xf32, #tpu.memory_space<vmem_shared>> -> memref<40x128xf32, #tpu.memory_space<vmem_shared>>
      %dma_wait3A_69 = arith.constant 0 : i32
      %dma_wait3A_70 = tpu.memref_slice %arg4[%add3A_11, %dma_wait3A_69] : memref<10240x128xf32, #tpu.memory_space<vmem_shared>> -> memref<40x128xf32, #tpu.memory_space<vmem_shared>>
      %dma_wait3A_71 = arith.constant 0 : i32
      %dma_wait3A_72 = arith.constant 0 : i32
      %dma_wait3A_73 = tpu.memref_slice %arg6[%dma_wait3A_71, %dma_wait3A_72] : memref<100x128xf32, #tpu.memory_space<vmem>> -> memref<40x128xf32, #tpu.memory_space<vmem>>
      tpu.wait_dma2 semaphore(%run_scoped3A : memref<!tpu.dma_semaphore, #tpu.memory_space<semaphore_mem>>) src(%dma_wait3A_73 : memref<40x128xf32, #tpu.memory_space<vmem>>) dst(%dma_wait3A_70 : memref<40x128xf32, #tpu.memory_space<vmem_shared>>)
      tpu.yield
    }) : () -> ()
    %add3A_12 = arith.constant 80 : i32
    %add3A_13 = arith.addi %mul3A_7, %add3A_12 : i32
    "tpu.region"() ({
      %run_scoped3A = tpu.sem_alloc : memref<!tpu.dma_semaphore, #tpu.memory_space<semaphore_mem>>
      %dma_start3A = arith.constant 0 : i32
      %dma_start3A_56 = arith.constant 0 : i32
      %dma_start3A_57 = tpu.memref_slice %arg6[%dma_start3A, %dma_start3A_56] : memref<100x128xf32, #tpu.memory_space<vmem>> -> memref<40x128xf32, #tpu.memory_space<vmem>>
      %dma_start3A_58 = arith.constant 0 : i32
      %dma_start3A_59 = tpu.memref_slice %arg4[%add3A_13, %dma_start3A_58] : memref<10240x128xf32, #tpu.memory_space<vmem_shared>> -> memref<40x128xf32, #tpu.memory_space<vmem_shared>>
      %dma_start3A_60 = arith.constant 0 : i32
      %dma_start3A_61 = tpu.memref_slice %arg4[%add3A_13, %dma_start3A_60] : memref<10240x128xf32, #tpu.memory_space<vmem_shared>> -> memref<40x128xf32, #tpu.memory_space<vmem_shared>>
      %dma_start3A_62 = arith.constant 0 : i32
      %dma_start3A_63 = arith.constant 0 : i32
      %dma_start3A_64 = tpu.memref_slice %arg6[%dma_start3A_62, %dma_start3A_63] : memref<100x128xf32, #tpu.memory_space<vmem>> -> memref<40x128xf32, #tpu.memory_space<vmem>>
      tpu.enqueue_dma source(%dma_start3A_64 : memref<40x128xf32, #tpu.memory_space<vmem>>) target(%dma_start3A_61 : memref<40x128xf32, #tpu.memory_space<vmem_shared>>) target_semaphore(%run_scoped3A : memref<!tpu.dma_semaphore, #tpu.memory_space<semaphore_mem>>)
      %dma_wait3A = arith.constant 0 : i32
      %dma_wait3A_65 = arith.constant 0 : i32
      %dma_wait3A_66 = tpu.memref_slice %arg6[%dma_wait3A, %dma_wait3A_65] : memref<100x128xf32, #tpu.memory_space<vmem>> -> memref<40x128xf32, #tpu.memory_space<vmem>>
      %dma_wait3A_67 = arith.constant 0 : i32
      %dma_wait3A_68 = tpu.memref_slice %arg4[%add3A_13, %dma_wait3A_67] : memref<10240x128xf32, #tpu.memory_space<vmem_shared>> -> memref<40x128xf32, #tpu.memory_space<vmem_shared>>
      %dma_wait3A_69 = arith.constant 0 : i32
      %dma_wait3A_70 = tpu.memref_slice %arg4[%add3A_13, %dma_wait3A_69] : memref<10240x128xf32, #tpu.memory_space<vmem_shared>> -> memref<40x128xf32, #tpu.memory_space<vmem_shared>>
      %dma_wait3A_71 = arith.constant 0 : i32
      %dma_wait3A_72 = arith.constant 0 : i32
      %dma_wait3A_73 = tpu.memref_slice %arg6[%dma_wait3A_71, %dma_wait3A_72] : memref<100x128xf32, #tpu.memory_space<vmem>> -> memref<40x128xf32, #tpu.memory_space<vmem>>
      tpu.wait_dma2 semaphore(%run_scoped3A : memref<!tpu.dma_semaphore, #tpu.memory_space<semaphore_mem>>) src(%dma_wait3A_73 : memref<40x128xf32, #tpu.memory_space<vmem>>) dst(%dma_wait3A_70 : memref<40x128xf32, #tpu.memory_space<vmem_shared>>)
      tpu.yield
    }) : () -> ()
    %add3A_14 = arith.constant 120 : i32
    %add3A_15 = arith.addi %mul3A_7, %add3A_14 : i32
    "tpu.region"() ({
      %run_scoped3A = tpu.sem_alloc : memref<!tpu.dma_semaphore, #tpu.memory_space<semaphore_mem>>
      %dma_start3A = arith.constant 0 : i32
      %dma_start3A_56 = arith.constant 0 : i32
      %dma_start3A_57 = tpu.memref_slice %arg6[%dma_start3A, %dma_start3A_56] : memref<100x128xf32, #tpu.memory_space<vmem>> -> memref<40x128xf32, #tpu.memory_space<vmem>>
      %dma_start3A_58 = arith.constant 0 : i32
      %dma_start3A_59 = tpu.memref_slice %arg4[%add3A_15, %dma_start3A_58] : memref<10240x128xf32, #tpu.memory_space<vmem_shared>> -> memref<40x128xf32, #tpu.memory_space<vmem_shared>>
      %dma_start3A_60 = arith.constant 0 : i32
      %dma_start3A_61 = tpu.memref_slice %arg4[%add3A_15, %dma_start3A_60] : memref<10240x128xf32, #tpu.memory_space<vmem_shared>> -> memref<40x128xf32, #tpu.memory_space<vmem_shared>>
      %dma_start3A_62 = arith.constant 0 : i32
      %dma_start3A_63 = arith.constant 0 : i32
      %dma_start3A_64 = tpu.memref_slice %arg6[%dma_start3A_62, %dma_start3A_63] : memref<100x128xf32, #tpu.memory_space<vmem>> -> memref<40x128xf32, #tpu.memory_space<vmem>>
      tpu.enqueue_dma source(%dma_start3A_64 : memref<40x128xf32, #tpu.memory_space<vmem>>) target(%dma_start3A_61 : memref<40x128xf32, #tpu.memory_space<vmem_shared>>) target_semaphore(%run_scoped3A : memref<!tpu.dma_semaphore, #tpu.memory_space<semaphore_mem>>)
      %dma_wait3A = arith.constant 0 : i32
      %dma_wait3A_65 = arith.constant 0 : i32
      %dma_wait3A_66 = tpu.memref_slice %arg6[%dma_wait3A, %dma_wait3A_65] : memref<100x128xf32, #tpu.memory_space<vmem>> -> memref<40x128xf32, #tpu.memory_space<vmem>>
      %dma_wait3A_67 = arith.constant 0 : i32
      %dma_wait3A_68 = tpu.memref_slice %arg4[%add3A_15, %dma_wait3A_67] : memref<10240x128xf32, #tpu.memory_space<vmem_shared>> -> memref<40x128xf32, #tpu.memory_space<vmem_shared>>
      %dma_wait3A_69 = arith.constant 0 : i32
      %dma_wait3A_70 = tpu.memref_slice %arg4[%add3A_15, %dma_wait3A_69] : memref<10240x128xf32, #tpu.memory_space<vmem_shared>> -> memref<40x128xf32, #tpu.memory_space<vmem_shared>>
      %dma_wait3A_71 = arith.constant 0 : i32
      %dma_wait3A_72 = arith.constant 0 : i32
      %dma_wait3A_73 = tpu.memref_slice %arg6[%dma_wait3A_71, %dma_wait3A_72] : memref<100x128xf32, #tpu.memory_space<vmem>> -> memref<40x128xf32, #tpu.memory_space<vmem>>
      tpu.wait_dma2 semaphore(%run_scoped3A : memref<!tpu.dma_semaphore, #tpu.memory_space<semaphore_mem>>) src(%dma_wait3A_73 : memref<40x128xf32, #tpu.memory_space<vmem>>) dst(%dma_wait3A_70 : memref<40x128xf32, #tpu.memory_space<vmem_shared>>)
      tpu.yield
    }) : () -> ()
    %add3A_16 = arith.constant 160 : i32
    %add3A_17 = arith.addi %mul3A_7, %add3A_16 : i32
    "tpu.region"() ({
      %run_scoped3A = tpu.sem_alloc : memref<!tpu.dma_semaphore, #tpu.memory_space<semaphore_mem>>
      %dma_start3A = arith.constant 0 : i32
      %dma_start3A_56 = arith.constant 0 : i32
      %dma_start3A_57 = tpu.memref_slice %arg6[%dma_start3A, %dma_start3A_56] : memref<100x128xf32, #tpu.memory_space<vmem>> -> memref<40x128xf32, #tpu.memory_space<vmem>>
      %dma_start3A_58 = arith.constant 0 : i32
      %dma_start3A_59 = tpu.memref_slice %arg4[%add3A_17, %dma_start3A_58] : memref<10240x128xf32, #tpu.memory_space<vmem_shared>> -> memref<40x128xf32, #tpu.memory_space<vmem_shared>>
      %dma_start3A_60 = arith.constant 0 : i32
      %dma_start3A_61 = tpu.memref_slice %arg4[%add3A_17, %dma_start3A_60] : memref<10240x128xf32, #tpu.memory_space<vmem_shared>> -> memref<40x128xf32, #tpu.memory_space<vmem_shared>>
      %dma_start3A_62 = arith.constant 0 : i32
      %dma_start3A_63 = arith.constant 0 : i32
      %dma_start3A_64 = tpu.memref_slice %arg6[%dma_start3A_62, %dma_start3A_63] : memref<100x128xf32, #tpu.memory_space<vmem>> -> memref<40x128xf32, #tpu.memory_space<vmem>>
      tpu.enqueue_dma source(%dma_start3A_64 : memref<40x128xf32, #tpu.memory_space<vmem>>) target(%dma_start3A_61 : memref<40x128xf32, #tpu.memory_space<vmem_shared>>) target_semaphore(%run_scoped3A : memref<!tpu.dma_semaphore, #tpu.memory_space<semaphore_mem>>)
      %dma_wait3A = arith.constant 0 : i32
      %dma_wait3A_65 = arith.constant 0 : i32
      %dma_wait3A_66 = tpu.memref_slice %arg6[%dma_wait3A, %dma_wait3A_65] : memref<100x128xf32, #tpu.memory_space<vmem>> -> memref<40x128xf32, #tpu.memory_space<vmem>>
      %dma_wait3A_67 = arith.constant 0 : i32
      %dma_wait3A_68 = tpu.memref_slice %arg4[%add3A_17, %dma_wait3A_67] : memref<10240x128xf32, #tpu.memory_space<vmem_shared>> -> memref<40x128xf32, #tpu.memory_space<vmem_shared>>
      %dma_wait3A_69 = arith.constant 0 : i32
      %dma_wait3A_70 = tpu.memref_slice %arg4[%add3A_17, %dma_wait3A_69] : memref<10240x128xf32, #tpu.memory_space<vmem_shared>> -> memref<40x128xf32, #tpu.memory_space<vmem_shared>>
      %dma_wait3A_71 = arith.constant 0 : i32
      %dma_wait3A_72 = arith.constant 0 : i32
      %dma_wait3A_73 = tpu.memref_slice %arg6[%dma_wait3A_71, %dma_wait3A_72] : memref<100x128xf32, #tpu.memory_space<vmem>> -> memref<40x128xf32, #tpu.memory_space<vmem>>
      tpu.wait_dma2 semaphore(%run_scoped3A : memref<!tpu.dma_semaphore, #tpu.memory_space<semaphore_mem>>) src(%dma_wait3A_73 : memref<40x128xf32, #tpu.memory_space<vmem>>) dst(%dma_wait3A_70 : memref<40x128xf32, #tpu.memory_space<vmem_shared>>)
      tpu.yield
    }) : () -> ()
    %add3A_18 = arith.constant 200 : i32
    %add3A_19 = arith.addi %mul3A_7, %add3A_18 : i32
    "tpu.region"() ({
      %run_scoped3A = tpu.sem_alloc : memref<!tpu.dma_semaphore, #tpu.memory_space<semaphore_mem>>
      %dma_start3A = arith.constant 0 : i32
      %dma_start3A_56 = arith.constant 0 : i32
      %dma_start3A_57 = tpu.memref_slice %arg6[%dma_start3A, %dma_start3A_56] : memref<100x128xf32, #tpu.memory_space<vmem>> -> memref<40x128xf32, #tpu.memory_space<vmem>>
      %dma_start3A_58 = arith.constant 0 : i32
      %dma_start3A_59 = tpu.memref_slice %arg4[%add3A_19, %dma_start3A_58] : memref<10240x128xf32, #tpu.memory_space<vmem_shared>> -> memref<40x128xf32, #tpu.memory_space<vmem_shared>>
      %dma_start3A_60 = arith.constant 0 : i32
      %dma_start3A_61 = tpu.memref_slice %arg4[%add3A_19, %dma_start3A_60] : memref<10240x128xf32, #tpu.memory_space<vmem_shared>> -> memref<40x128xf32, #tpu.memory_space<vmem_shared>>
      %dma_start3A_62 = arith.constant 0 : i32
      %dma_start3A_63 = arith.constant 0 : i32
      %dma_start3A_64 = tpu.memref_slice %arg6[%dma_start3A_62, %dma_start3A_63] : memref<100x128xf32, #tpu.memory_space<vmem>> -> memref<40x128xf32, #tpu.memory_space<vmem>>
      tpu.enqueue_dma source(%dma_start3A_64 : memref<40x128xf32, #tpu.memory_space<vmem>>) target(%dma_start3A_61 : memref<40x128xf32, #tpu.memory_space<vmem_shared>>) target_semaphore(%run_scoped3A : memref<!tpu.dma_semaphore, #tpu.memory_space<semaphore_mem>>)
      %dma_wait3A = arith.constant 0 : i32
      %dma_wait3A_65 = arith.constant 0 : i32
      %dma_wait3A_66 = tpu.memref_slice %arg6[%dma_wait3A, %dma_wait3A_65] : memref<100x128xf32, #tpu.memory_space<vmem>> -> memref<40x128xf32, #tpu.memory_space<vmem>>
      %dma_wait3A_67 = arith.constant 0 : i32
      %dma_wait3A_68 = tpu.memref_slice %arg4[%add3A_19, %dma_wait3A_67] : memref<10240x128xf32, #tpu.memory_space<vmem_shared>> -> memref<40x128xf32, #tpu.memory_space<vmem_shared>>
      %dma_wait3A_69 = arith.constant 0 : i32
      %dma_wait3A_70 = tpu.memref_slice %arg4[%add3A_19, %dma_wait3A_69] : memref<10240x128xf32, #tpu.memory_space<vmem_shared>> -> memref<40x128xf32, #tpu.memory_space<vmem_shared>>
      %dma_wait3A_71 = arith.constant 0 : i32
      %dma_wait3A_72 = arith.constant 0 : i32
      %dma_wait3A_73 = tpu.memref_slice %arg6[%dma_wait3A_71, %dma_wait3A_72] : memref<100x128xf32, #tpu.memory_space<vmem>> -> memref<40x128xf32, #tpu.memory_space<vmem>>
      tpu.wait_dma2 semaphore(%run_scoped3A : memref<!tpu.dma_semaphore, #tpu.memory_space<semaphore_mem>>) src(%dma_wait3A_73 : memref<40x128xf32, #tpu.memory_space<vmem>>) dst(%dma_wait3A_70 : memref<40x128xf32, #tpu.memory_space<vmem_shared>>)
      tpu.yield
    }) : () -> ()
    %add3A_20 = arith.constant 240 : i32
    %add3A_21 = arith.addi %mul3A_7, %add3A_20 : i32
    "tpu.region"() ({
      %run_scoped3A = tpu.sem_alloc : memref<!tpu.dma_semaphore, #tpu.memory_space<semaphore_mem>>
      %dma_start3A = arith.constant 0 : i32
      %dma_start3A_56 = arith.constant 0 : i32
      %dma_start3A_57 = tpu.memref_slice %arg6[%dma_start3A, %dma_start3A_56] : memref<100x128xf32, #tpu.memory_space<vmem>> -> memref<40x128xf32, #tpu.memory_space<vmem>>
      %dma_start3A_58 = arith.constant 0 : i32
      %dma_start3A_59 = tpu.memref_slice %arg4[%add3A_21, %dma_start3A_58] : memref<10240x128xf32, #tpu.memory_space<vmem_shared>> -> memref<40x128xf32, #tpu.memory_space<vmem_shared>>
      %dma_start3A_60 = arith.constant 0 : i32
      %dma_start3A_61 = tpu.memref_slice %arg4[%add3A_21, %dma_start3A_60] : memref<10240x128xf32, #tpu.memory_space<vmem_shared>> -> memref<40x128xf32, #tpu.memory_space<vmem_shared>>
      %dma_start3A_62 = arith.constant 0 : i32
      %dma_start3A_63 = arith.constant 0 : i32
      %dma_start3A_64 = tpu.memref_slice %arg6[%dma_start3A_62, %dma_start3A_63] : memref<100x128xf32, #tpu.memory_space<vmem>> -> memref<40x128xf32, #tpu.memory_space<vmem>>
      tpu.enqueue_dma source(%dma_start3A_64 : memref<40x128xf32, #tpu.memory_space<vmem>>) target(%dma_start3A_61 : memref<40x128xf32, #tpu.memory_space<vmem_shared>>) target_semaphore(%run_scoped3A : memref<!tpu.dma_semaphore, #tpu.memory_space<semaphore_mem>>)
      %dma_wait3A = arith.constant 0 : i32
      %dma_wait3A_65 = arith.constant 0 : i32
      %dma_wait3A_66 = tpu.memref_slice %arg6[%dma_wait3A, %dma_wait3A_65] : memref<100x128xf32, #tpu.memory_space<vmem>> -> memref<40x128xf32, #tpu.memory_space<vmem>>
      %dma_wait3A_67 = arith.constant 0 : i32
      %dma_wait3A_68 = tpu.memref_slice %arg4[%add3A_21, %dma_wait3A_67] : memref<10240x128xf32, #tpu.memory_space<vmem_shared>> -> memref<40x128xf32, #tpu.memory_space<vmem_shared>>
      %dma_wait3A_69 = arith.constant 0 : i32
      %dma_wait3A_70 = tpu.memref_slice %arg4[%add3A_21, %dma_wait3A_69] : memref<10240x128xf32, #tpu.memory_space<vmem_shared>> -> memref<40x128xf32, #tpu.memory_space<vmem_shared>>
      %dma_wait3A_71 = arith.constant 0 : i32
      %dma_wait3A_72 = arith.constant 0 : i32
      %dma_wait3A_73 = tpu.memref_slice %arg6[%dma_wait3A_71, %dma_wait3A_72] : memref<100x128xf32, #tpu.memory_space<vmem>> -> memref<40x128xf32, #tpu.memory_space<vmem>>
      tpu.wait_dma2 semaphore(%run_scoped3A : memref<!tpu.dma_semaphore, #tpu.memory_space<semaphore_mem>>) src(%dma_wait3A_73 : memref<40x128xf32, #tpu.memory_space<vmem>>) dst(%dma_wait3A_70 : memref<40x128xf32, #tpu.memory_space<vmem_shared>>)
      tpu.yield
    }) : () -> ()
    %add3A_22 = arith.constant 280 : i32
    %add3A_23 = arith.addi %mul3A_7, %add3A_22 : i32
    "tpu.region"() ({
      %run_scoped3A = tpu.sem_alloc : memref<!tpu.dma_semaphore, #tpu.memory_space<semaphore_mem>>
      %dma_start3A = arith.constant 0 : i32
      %dma_start3A_56 = arith.constant 0 : i32
      %dma_start3A_57 = tpu.memref_slice %arg6[%dma_start3A, %dma_start3A_56] : memref<100x128xf32, #tpu.memory_space<vmem>> -> memref<40x128xf32, #tpu.memory_space<vmem>>
      %dma_start3A_58 = arith.constant 0 : i32
      %dma_start3A_59 = tpu.memref_slice %arg4[%add3A_23, %dma_start3A_58] : memref<10240x128xf32, #tpu.memory_space<vmem_shared>> -> memref<40x128xf32, #tpu.memory_space<vmem_shared>>
      %dma_start3A_60 = arith.constant 0 : i32
      %dma_start3A_61 = tpu.memref_slice %arg4[%add3A_23, %dma_start3A_60] : memref<10240x128xf32, #tpu.memory_space<vmem_shared>> -> memref<40x128xf32, #tpu.memory_space<vmem_shared>>
      %dma_start3A_62 = arith.constant 0 : i32
      %dma_start3A_63 = arith.constant 0 : i32
      %dma_start3A_64 = tpu.memref_slice %arg6[%dma_start3A_62, %dma_start3A_63] : memref<100x128xf32, #tpu.memory_space<vmem>> -> memref<40x128xf32, #tpu.memory_space<vmem>>
      tpu.enqueue_dma source(%dma_start3A_64 : memref<40x128xf32, #tpu.memory_space<vmem>>) target(%dma_start3A_61 : memref<40x128xf32, #tpu.memory_space<vmem_shared>>) target_semaphore(%run_scoped3A : memref<!tpu.dma_semaphore, #tpu.memory_space<semaphore_mem>>)
      %dma_wait3A = arith.constant 0 : i32
      %dma_wait3A_65 = arith.constant 0 : i32
      %dma_wait3A_66 = tpu.memref_slice %arg6[%dma_wait3A, %dma_wait3A_65] : memref<100x128xf32, #tpu.memory_space<vmem>> -> memref<40x128xf32, #tpu.memory_space<vmem>>
      %dma_wait3A_67 = arith.constant 0 : i32
      %dma_wait3A_68 = tpu.memref_slice %arg4[%add3A_23, %dma_wait3A_67] : memref<10240x128xf32, #tpu.memory_space<vmem_shared>> -> memref<40x128xf32, #tpu.memory_space<vmem_shared>>
      %dma_wait3A_69 = arith.constant 0 : i32
      %dma_wait3A_70 = tpu.memref_slice %arg4[%add3A_23, %dma_wait3A_69] : memref<10240x128xf32, #tpu.memory_space<vmem_shared>> -> memref<40x128xf32, #tpu.memory_space<vmem_shared>>
      %dma_wait3A_71 = arith.constant 0 : i32
      %dma_wait3A_72 = arith.constant 0 : i32
      %dma_wait3A_73 = tpu.memref_slice %arg6[%dma_wait3A_71, %dma_wait3A_72] : memref<100x128xf32, #tpu.memory_space<vmem>> -> memref<40x128xf32, #tpu.memory_space<vmem>>
      tpu.wait_dma2 semaphore(%run_scoped3A : memref<!tpu.dma_semaphore, #tpu.memory_space<semaphore_mem>>) src(%dma_wait3A_73 : memref<40x128xf32, #tpu.memory_space<vmem>>) dst(%dma_wait3A_70 : memref<40x128xf32, #tpu.memory_space<vmem_shared>>)
      tpu.yield
    }) : () -> ()
    %add3A_24 = arith.constant 320 : i32
    %add3A_25 = arith.addi %mul3A_7, %add3A_24 : i32
    "tpu.region"() ({
      %run_scoped3A = tpu.sem_alloc : memref<!tpu.dma_semaphore, #tpu.memory_space<semaphore_mem>>
      %dma_start3A = arith.constant 0 : i32
      %dma_start3A_56 = arith.constant 0 : i32
      %dma_start3A_57 = tpu.memref_slice %arg6[%dma_start3A, %dma_start3A_56] : memref<100x128xf32, #tpu.memory_space<vmem>> -> memref<40x128xf32, #tpu.memory_space<vmem>>
      %dma_start3A_58 = arith.constant 0 : i32
      %dma_start3A_59 = tpu.memref_slice %arg4[%add3A_25, %dma_start3A_58] : memref<10240x128xf32, #tpu.memory_space<vmem_shared>> -> memref<40x128xf32, #tpu.memory_space<vmem_shared>>
      %dma_start3A_60 = arith.constant 0 : i32
      %dma_start3A_61 = tpu.memref_slice %arg4[%add3A_25, %dma_start3A_60] : memref<10240x128xf32, #tpu.memory_space<vmem_shared>> -> memref<40x128xf32, #tpu.memory_space<vmem_shared>>
      %dma_start3A_62 = arith.constant 0 : i32
      %dma_start3A_63 = arith.constant 0 : i32
      %dma_start3A_64 = tpu.memref_slice %arg6[%dma_start3A_62, %dma_start3A_63] : memref<100x128xf32, #tpu.memory_space<vmem>> -> memref<40x128xf32, #tpu.memory_space<vmem>>
      tpu.enqueue_dma source(%dma_start3A_64 : memref<40x128xf32, #tpu.memory_space<vmem>>) target(%dma_start3A_61 : memref<40x128xf32, #tpu.memory_space<vmem_shared>>) target_semaphore(%run_scoped3A : memref<!tpu.dma_semaphore, #tpu.memory_space<semaphore_mem>>)
      %dma_wait3A = arith.constant 0 : i32
      %dma_wait3A_65 = arith.constant 0 : i32
      %dma_wait3A_66 = tpu.memref_slice %arg6[%dma_wait3A, %dma_wait3A_65] : memref<100x128xf32, #tpu.memory_space<vmem>> -> memref<40x128xf32, #tpu.memory_space<vmem>>
      %dma_wait3A_67 = arith.constant 0 : i32
      %dma_wait3A_68 = tpu.memref_slice %arg4[%add3A_25, %dma_wait3A_67] : memref<10240x128xf32, #tpu.memory_space<vmem_shared>> -> memref<40x128xf32, #tpu.memory_space<vmem_shared>>
      %dma_wait3A_69 = arith.constant 0 : i32
      %dma_wait3A_70 = tpu.memref_slice %arg4[%add3A_25, %dma_wait3A_69] : memref<10240x128xf32, #tpu.memory_space<vmem_shared>> -> memref<40x128xf32, #tpu.memory_space<vmem_shared>>
      %dma_wait3A_71 = arith.constant 0 : i32
      %dma_wait3A_72 = arith.constant 0 : i32
      %dma_wait3A_73 = tpu.memref_slice %arg6[%dma_wait3A_71, %dma_wait3A_72] : memref<100x128xf32, #tpu.memory_space<vmem>> -> memref<40x128xf32, #tpu.memory_space<vmem>>
      tpu.wait_dma2 semaphore(%run_scoped3A : memref<!tpu.dma_semaphore, #tpu.memory_space<semaphore_mem>>) src(%dma_wait3A_73 : memref<40x128xf32, #tpu.memory_space<vmem>>) dst(%dma_wait3A_70 : memref<40x128xf32, #tpu.memory_space<vmem_shared>>)
      tpu.yield
    }) : () -> ()
    %add3A_26 = arith.constant 360 : i32
    %add3A_27 = arith.addi %mul3A_7, %add3A_26 : i32
    "tpu.region"() ({
      %run_scoped3A = tpu.sem_alloc : memref<!tpu.dma_semaphore, #tpu.memory_space<semaphore_mem>>
      %dma_start3A = arith.constant 0 : i32
      %dma_start3A_56 = arith.constant 0 : i32
      %dma_start3A_57 = tpu.memref_slice %arg6[%dma_start3A, %dma_start3A_56] : memref<100x128xf32, #tpu.memory_space<vmem>> -> memref<40x128xf32, #tpu.memory_space<vmem>>
      %dma_start3A_58 = arith.constant 0 : i32
      %dma_start3A_59 = tpu.memref_slice %arg4[%add3A_27, %dma_start3A_58] : memref<10240x128xf32, #tpu.memory_space<vmem_shared>> -> memref<40x128xf32, #tpu.memory_space<vmem_shared>>
      %dma_start3A_60 = arith.constant 0 : i32
      %dma_start3A_61 = tpu.memref_slice %arg4[%add3A_27, %dma_start3A_60] : memref<10240x128xf32, #tpu.memory_space<vmem_shared>> -> memref<40x128xf32, #tpu.memory_space<vmem_shared>>
      %dma_start3A_62 = arith.constant 0 : i32
      %dma_start3A_63 = arith.constant 0 : i32
      %dma_start3A_64 = tpu.memref_slice %arg6[%dma_start3A_62, %dma_start3A_63] : memref<100x128xf32, #tpu.memory_space<vmem>> -> memref<40x128xf32, #tpu.memory_space<vmem>>
      tpu.enqueue_dma source(%dma_start3A_64 : memref<40x128xf32, #tpu.memory_space<vmem>>) target(%dma_start3A_61 : memref<40x128xf32, #tpu.memory_space<vmem_shared>>) target_semaphore(%run_scoped3A : memref<!tpu.dma_semaphore, #tpu.memory_space<semaphore_mem>>)
      %dma_wait3A = arith.constant 0 : i32
      %dma_wait3A_65 = arith.constant 0 : i32
      %dma_wait3A_66 = tpu.memref_slice %arg6[%dma_wait3A, %dma_wait3A_65] : memref<100x128xf32, #tpu.memory_space<vmem>> -> memref<40x128xf32, #tpu.memory_space<vmem>>
      %dma_wait3A_67 = arith.constant 0 : i32
      %dma_wait3A_68 = tpu.memref_slice %arg4[%add3A_27, %dma_wait3A_67] : memref<10240x128xf32, #tpu.memory_space<vmem_shared>> -> memref<40x128xf32, #tpu.memory_space<vmem_shared>>
      %dma_wait3A_69 = arith.constant 0 : i32
      %dma_wait3A_70 = tpu.memref_slice %arg4[%add3A_27, %dma_wait3A_69] : memref<10240x128xf32, #tpu.memory_space<vmem_shared>> -> memref<40x128xf32, #tpu.memory_space<vmem_shared>>
      %dma_wait3A_71 = arith.constant 0 : i32
      %dma_wait3A_72 = arith.constant 0 : i32
      %dma_wait3A_73 = tpu.memref_slice %arg6[%dma_wait3A_71, %dma_wait3A_72] : memref<100x128xf32, #tpu.memory_space<vmem>> -> memref<40x128xf32, #tpu.memory_space<vmem>>
      tpu.wait_dma2 semaphore(%run_scoped3A : memref<!tpu.dma_semaphore, #tpu.memory_space<semaphore_mem>>) src(%dma_wait3A_73 : memref<40x128xf32, #tpu.memory_space<vmem>>) dst(%dma_wait3A_70 : memref<40x128xf32, #tpu.memory_space<vmem_shared>>)
      tpu.yield
    }) : () -> ()
    %add3A_28 = arith.constant 400 : i32
    %add3A_29 = arith.addi %mul3A_7, %add3A_28 : i32
    "tpu.region"() ({
      %run_scoped3A = tpu.sem_alloc : memref<!tpu.dma_semaphore, #tpu.memory_space<semaphore_mem>>
      %dma_start3A = arith.constant 0 : i32
      %dma_start3A_56 = arith.constant 0 : i32
      %dma_start3A_57 = tpu.memref_slice %arg6[%dma_start3A, %dma_start3A_56] : memref<100x128xf32, #tpu.memory_space<vmem>> -> memref<40x128xf32, #tpu.memory_space<vmem>>
      %dma_start3A_58 = arith.constant 0 : i32
      %dma_start3A_59 = tpu.memref_slice %arg4[%add3A_29, %dma_start3A_58] : memref<10240x128xf32, #tpu.memory_space<vmem_shared>> -> memref<40x128xf32, #tpu.memory_space<vmem_shared>>
      %dma_start3A_60 = arith.constant 0 : i32
      %dma_start3A_61 = tpu.memref_slice %arg4[%add3A_29, %dma_start3A_60] : memref<10240x128xf32, #tpu.memory_space<vmem_shared>> -> memref<40x128xf32, #tpu.memory_space<vmem_shared>>
      %dma_start3A_62 = arith.constant 0 : i32
      %dma_start3A_63 = arith.constant 0 : i32
      %dma_start3A_64 = tpu.memref_slice %arg6[%dma_start3A_62, %dma_start3A_63] : memref<100x128xf32, #tpu.memory_space<vmem>> -> memref<40x128xf32, #tpu.memory_space<vmem>>
      tpu.enqueue_dma source(%dma_start3A_64 : memref<40x128xf32, #tpu.memory_space<vmem>>) target(%dma_start3A_61 : memref<40x128xf32, #tpu.memory_space<vmem_shared>>) target_semaphore(%run_scoped3A : memref<!tpu.dma_semaphore, #tpu.memory_space<semaphore_mem>>)
      %dma_wait3A = arith.constant 0 : i32
      %dma_wait3A_65 = arith.constant 0 : i32
      %dma_wait3A_66 = tpu.memref_slice %arg6[%dma_wait3A, %dma_wait3A_65] : memref<100x128xf32, #tpu.memory_space<vmem>> -> memref<40x128xf32, #tpu.memory_space<vmem>>
      %dma_wait3A_67 = arith.constant 0 : i32
      %dma_wait3A_68 = tpu.memref_slice %arg4[%add3A_29, %dma_wait3A_67] : memref<10240x128xf32, #tpu.memory_space<vmem_shared>> -> memref<40x128xf32, #tpu.memory_space<vmem_shared>>
      %dma_wait3A_69 = arith.constant 0 : i32
      %dma_wait3A_70 = tpu.memref_slice %arg4[%add3A_29, %dma_wait3A_69] : memref<10240x128xf32, #tpu.memory_space<vmem_shared>> -> memref<40x128xf32, #tpu.memory_space<vmem_shared>>
      %dma_wait3A_71 = arith.constant 0 : i32
      %dma_wait3A_72 = arith.constant 0 : i32
      %dma_wait3A_73 = tpu.memref_slice %arg6[%dma_wait3A_71, %dma_wait3A_72] : memref<100x128xf32, #tpu.memory_space<vmem>> -> memref<40x128xf32, #tpu.memory_space<vmem>>
      tpu.wait_dma2 semaphore(%run_scoped3A : memref<!tpu.dma_semaphore, #tpu.memory_space<semaphore_mem>>) src(%dma_wait3A_73 : memref<40x128xf32, #tpu.memory_space<vmem>>) dst(%dma_wait3A_70 : memref<40x128xf32, #tpu.memory_space<vmem_shared>>)
      tpu.yield
    }) : () -> ()
    %add3A_30 = arith.constant 440 : i32
    %add3A_31 = arith.addi %mul3A_7, %add3A_30 : i32
    "tpu.region"() ({
      %run_scoped3A = tpu.sem_alloc : memref<!tpu.dma_semaphore, #tpu.memory_space<semaphore_mem>>
      %dma_start3A = arith.constant 0 : i32
      %dma_start3A_56 = arith.constant 0 : i32
      %dma_start3A_57 = tpu.memref_slice %arg6[%dma_start3A, %dma_start3A_56] : memref<100x128xf32, #tpu.memory_space<vmem>> -> memref<40x128xf32, #tpu.memory_space<vmem>>
      %dma_start3A_58 = arith.constant 0 : i32
      %dma_start3A_59 = tpu.memref_slice %arg4[%add3A_31, %dma_start3A_58] : memref<10240x128xf32, #tpu.memory_space<vmem_shared>> -> memref<40x128xf32, #tpu.memory_space<vmem_shared>>
      %dma_start3A_60 = arith.constant 0 : i32
      %dma_start3A_61 = tpu.memref_slice %arg4[%add3A_31, %dma_start3A_60] : memref<10240x128xf32, #tpu.memory_space<vmem_shared>> -> memref<40x128xf32, #tpu.memory_space<vmem_shared>>
      %dma_start3A_62 = arith.constant 0 : i32
      %dma_start3A_63 = arith.constant 0 : i32
      %dma_start3A_64 = tpu.memref_slice %arg6[%dma_start3A_62, %dma_start3A_63] : memref<100x128xf32, #tpu.memory_space<vmem>> -> memref<40x128xf32, #tpu.memory_space<vmem>>
      tpu.enqueue_dma source(%dma_start3A_64 : memref<40x128xf32, #tpu.memory_space<vmem>>) target(%dma_start3A_61 : memref<40x128xf32, #tpu.memory_space<vmem_shared>>) target_semaphore(%run_scoped3A : memref<!tpu.dma_semaphore, #tpu.memory_space<semaphore_mem>>)
      %dma_wait3A = arith.constant 0 : i32
      %dma_wait3A_65 = arith.constant 0 : i32
      %dma_wait3A_66 = tpu.memref_slice %arg6[%dma_wait3A, %dma_wait3A_65] : memref<100x128xf32, #tpu.memory_space<vmem>> -> memref<40x128xf32, #tpu.memory_space<vmem>>
      %dma_wait3A_67 = arith.constant 0 : i32
      %dma_wait3A_68 = tpu.memref_slice %arg4[%add3A_31, %dma_wait3A_67] : memref<10240x128xf32, #tpu.memory_space<vmem_shared>> -> memref<40x128xf32, #tpu.memory_space<vmem_shared>>
      %dma_wait3A_69 = arith.constant 0 : i32
      %dma_wait3A_70 = tpu.memref_slice %arg4[%add3A_31, %dma_wait3A_69] : memref<10240x128xf32, #tpu.memory_space<vmem_shared>> -> memref<40x128xf32, #tpu.memory_space<vmem_shared>>
      %dma_wait3A_71 = arith.constant 0 : i32
      %dma_wait3A_72 = arith.constant 0 : i32
      %dma_wait3A_73 = tpu.memref_slice %arg6[%dma_wait3A_71, %dma_wait3A_72] : memref<100x128xf32, #tpu.memory_space<vmem>> -> memref<40x128xf32, #tpu.memory_space<vmem>>
      tpu.wait_dma2 semaphore(%run_scoped3A : memref<!tpu.dma_semaphore, #tpu.memory_space<semaphore_mem>>) src(%dma_wait3A_73 : memref<40x128xf32, #tpu.memory_space<vmem>>) dst(%dma_wait3A_70 : memref<40x128xf32, #tpu.memory_space<vmem_shared>>)
      tpu.yield
    }) : () -> ()
    %add3A_32 = arith.constant 480 : i32
    %add3A_33 = arith.addi %mul3A_7, %add3A_32 : i32
    "tpu.region"() ({
      %run_scoped3A = tpu.sem_alloc : memref<!tpu.dma_semaphore, #tpu.memory_space<semaphore_mem>>
      %dma_start3A = arith.constant 0 : i32
      %dma_start3A_56 = arith.constant 0 : i32
      %dma_start3A_57 = tpu.memref_slice %arg6[%dma_start3A, %dma_start3A_56] : memref<100x128xf32, #tpu.memory_space<vmem>> -> memref<40x128xf32, #tpu.memory_space<vmem>>
      %dma_start3A_58 = arith.constant 0 : i32
      %dma_start3A_59 = tpu.memref_slice %arg4[%add3A_33, %dma_start3A_58] : memref<10240x128xf32, #tpu.memory_space<vmem_shared>> -> memref<40x128xf32, #tpu.memory_space<vmem_shared>>
      %dma_start3A_60 = arith.constant 0 : i32
      %dma_start3A_61 = tpu.memref_slice %arg4[%add3A_33, %dma_start3A_60] : memref<10240x128xf32, #tpu.memory_space<vmem_shared>> -> memref<40x128xf32, #tpu.memory_space<vmem_shared>>
      %dma_start3A_62 = arith.constant 0 : i32
      %dma_start3A_63 = arith.constant 0 : i32
      %dma_start3A_64 = tpu.memref_slice %arg6[%dma_start3A_62, %dma_start3A_63] : memref<100x128xf32, #tpu.memory_space<vmem>> -> memref<40x128xf32, #tpu.memory_space<vmem>>
      tpu.enqueue_dma source(%dma_start3A_64 : memref<40x128xf32, #tpu.memory_space<vmem>>) target(%dma_start3A_61 : memref<40x128xf32, #tpu.memory_space<vmem_shared>>) target_semaphore(%run_scoped3A : memref<!tpu.dma_semaphore, #tpu.memory_space<semaphore_mem>>)
      %dma_wait3A = arith.constant 0 : i32
      %dma_wait3A_65 = arith.constant 0 : i32
      %dma_wait3A_66 = tpu.memref_slice %arg6[%dma_wait3A, %dma_wait3A_65] : memref<100x128xf32, #tpu.memory_space<vmem>> -> memref<40x128xf32, #tpu.memory_space<vmem>>
      %dma_wait3A_67 = arith.constant 0 : i32
      %dma_wait3A_68 = tpu.memref_slice %arg4[%add3A_33, %dma_wait3A_67] : memref<10240x128xf32, #tpu.memory_space<vmem_shared>> -> memref<40x128xf32, #tpu.memory_space<vmem_shared>>
      %dma_wait3A_69 = arith.constant 0 : i32
      %dma_wait3A_70 = tpu.memref_slice %arg4[%add3A_33, %dma_wait3A_69] : memref<10240x128xf32, #tpu.memory_space<vmem_shared>> -> memref<40x128xf32, #tpu.memory_space<vmem_shared>>
      %dma_wait3A_71 = arith.constant 0 : i32
      %dma_wait3A_72 = arith.constant 0 : i32
      %dma_wait3A_73 = tpu.memref_slice %arg6[%dma_wait3A_71, %dma_wait3A_72] : memref<100x128xf32, #tpu.memory_space<vmem>> -> memref<40x128xf32, #tpu.memory_space<vmem>>
      tpu.wait_dma2 semaphore(%run_scoped3A : memref<!tpu.dma_semaphore, #tpu.memory_space<semaphore_mem>>) src(%dma_wait3A_73 : memref<40x128xf32, #tpu.memory_space<vmem>>) dst(%dma_wait3A_70 : memref<40x128xf32, #tpu.memory_space<vmem_shared>>)
      tpu.yield
    }) : () -> ()
    %add3A_34 = arith.constant 520 : i32
    %add3A_35 = arith.addi %mul3A_7, %add3A_34 : i32
    "tpu.region"() ({
      %run_scoped3A = tpu.sem_alloc : memref<!tpu.dma_semaphore, #tpu.memory_space<semaphore_mem>>
      %dma_start3A = arith.constant 0 : i32
      %dma_start3A_56 = arith.constant 0 : i32
      %dma_start3A_57 = tpu.memref_slice %arg6[%dma_start3A, %dma_start3A_56] : memref<100x128xf32, #tpu.memory_space<vmem>> -> memref<40x128xf32, #tpu.memory_space<vmem>>
      %dma_start3A_58 = arith.constant 0 : i32
      %dma_start3A_59 = tpu.memref_slice %arg4[%add3A_35, %dma_start3A_58] : memref<10240x128xf32, #tpu.memory_space<vmem_shared>> -> memref<40x128xf32, #tpu.memory_space<vmem_shared>>
      %dma_start3A_60 = arith.constant 0 : i32
      %dma_start3A_61 = tpu.memref_slice %arg4[%add3A_35, %dma_start3A_60] : memref<10240x128xf32, #tpu.memory_space<vmem_shared>> -> memref<40x128xf32, #tpu.memory_space<vmem_shared>>
      %dma_start3A_62 = arith.constant 0 : i32
      %dma_start3A_63 = arith.constant 0 : i32
      %dma_start3A_64 = tpu.memref_slice %arg6[%dma_start3A_62, %dma_start3A_63] : memref<100x128xf32, #tpu.memory_space<vmem>> -> memref<40x128xf32, #tpu.memory_space<vmem>>
      tpu.enqueue_dma source(%dma_start3A_64 : memref<40x128xf32, #tpu.memory_space<vmem>>) target(%dma_start3A_61 : memref<40x128xf32, #tpu.memory_space<vmem_shared>>) target_semaphore(%run_scoped3A : memref<!tpu.dma_semaphore, #tpu.memory_space<semaphore_mem>>)
      %dma_wait3A = arith.constant 0 : i32
      %dma_wait3A_65 = arith.constant 0 : i32
      %dma_wait3A_66 = tpu.memref_slice %arg6[%dma_wait3A, %dma_wait3A_65] : memref<100x128xf32, #tpu.memory_space<vmem>> -> memref<40x128xf32, #tpu.memory_space<vmem>>
      %dma_wait3A_67 = arith.constant 0 : i32
      %dma_wait3A_68 = tpu.memref_slice %arg4[%add3A_35, %dma_wait3A_67] : memref<10240x128xf32, #tpu.memory_space<vmem_shared>> -> memref<40x128xf32, #tpu.memory_space<vmem_shared>>
      %dma_wait3A_69 = arith.constant 0 : i32
      %dma_wait3A_70 = tpu.memref_slice %arg4[%add3A_35, %dma_wait3A_69] : memref<10240x128xf32, #tpu.memory_space<vmem_shared>> -> memref<40x128xf32, #tpu.memory_space<vmem_shared>>
      %dma_wait3A_71 = arith.constant 0 : i32
      %dma_wait3A_72 = arith.constant 0 : i32
      %dma_wait3A_73 = tpu.memref_slice %arg6[%dma_wait3A_71, %dma_wait3A_72] : memref<100x128xf32, #tpu.memory_space<vmem>> -> memref<40x128xf32, #tpu.memory_space<vmem>>
      tpu.wait_dma2 semaphore(%run_scoped3A : memref<!tpu.dma_semaphore, #tpu.memory_space<semaphore_mem>>) src(%dma_wait3A_73 : memref<40x128xf32, #tpu.memory_space<vmem>>) dst(%dma_wait3A_70 : memref<40x128xf32, #tpu.memory_space<vmem_shared>>)
      tpu.yield
    }) : () -> ()
    %add3A_36 = arith.constant 560 : i32
    %add3A_37 = arith.addi %mul3A_7, %add3A_36 : i32
    "tpu.region"() ({
      %run_scoped3A = tpu.sem_alloc : memref<!tpu.dma_semaphore, #tpu.memory_space<semaphore_mem>>
      %dma_start3A = arith.constant 0 : i32
      %dma_start3A_56 = arith.constant 0 : i32
      %dma_start3A_57 = tpu.memref_slice %arg6[%dma_start3A, %dma_start3A_56] : memref<100x128xf32, #tpu.memory_space<vmem>> -> memref<40x128xf32, #tpu.memory_space<vmem>>
      %dma_start3A_58 = arith.constant 0 : i32
      %dma_start3A_59 = tpu.memref_slice %arg4[%add3A_37, %dma_start3A_58] : memref<10240x128xf32, #tpu.memory_space<vmem_shared>> -> memref<40x128xf32, #tpu.memory_space<vmem_shared>>
      %dma_start3A_60 = arith.constant 0 : i32
      %dma_start3A_61 = tpu.memref_slice %arg4[%add3A_37, %dma_start3A_60] : memref<10240x128xf32, #tpu.memory_space<vmem_shared>> -> memref<40x128xf32, #tpu.memory_space<vmem_shared>>
      %dma_start3A_62 = arith.constant 0 : i32
      %dma_start3A_63 = arith.constant 0 : i32
      %dma_start3A_64 = tpu.memref_slice %arg6[%dma_start3A_62, %dma_start3A_63] : memref<100x128xf32, #tpu.memory_space<vmem>> -> memref<40x128xf32, #tpu.memory_space<vmem>>
      tpu.enqueue_dma source(%dma_start3A_64 : memref<40x128xf32, #tpu.memory_space<vmem>>) target(%dma_start3A_61 : memref<40x128xf32, #tpu.memory_space<vmem_shared>>) target_semaphore(%run_scoped3A : memref<!tpu.dma_semaphore, #tpu.memory_space<semaphore_mem>>)
      %dma_wait3A = arith.constant 0 : i32
      %dma_wait3A_65 = arith.constant 0 : i32
      %dma_wait3A_66 = tpu.memref_slice %arg6[%dma_wait3A, %dma_wait3A_65] : memref<100x128xf32, #tpu.memory_space<vmem>> -> memref<40x128xf32, #tpu.memory_space<vmem>>
      %dma_wait3A_67 = arith.constant 0 : i32
      %dma_wait3A_68 = tpu.memref_slice %arg4[%add3A_37, %dma_wait3A_67] : memref<10240x128xf32, #tpu.memory_space<vmem_shared>> -> memref<40x128xf32, #tpu.memory_space<vmem_shared>>
      %dma_wait3A_69 = arith.constant 0 : i32
      %dma_wait3A_70 = tpu.memref_slice %arg4[%add3A_37, %dma_wait3A_69] : memref<10240x128xf32, #tpu.memory_space<vmem_shared>> -> memref<40x128xf32, #tpu.memory_space<vmem_shared>>
      %dma_wait3A_71 = arith.constant 0 : i32
      %dma_wait3A_72 = arith.constant 0 : i32
      %dma_wait3A_73 = tpu.memref_slice %arg6[%dma_wait3A_71, %dma_wait3A_72] : memref<100x128xf32, #tpu.memory_space<vmem>> -> memref<40x128xf32, #tpu.memory_space<vmem>>
      tpu.wait_dma2 semaphore(%run_scoped3A : memref<!tpu.dma_semaphore, #tpu.memory_space<semaphore_mem>>) src(%dma_wait3A_73 : memref<40x128xf32, #tpu.memory_space<vmem>>) dst(%dma_wait3A_70 : memref<40x128xf32, #tpu.memory_space<vmem_shared>>)
      tpu.yield
    }) : () -> ()
    %add3A_38 = arith.constant 600 : i32
    %add3A_39 = arith.addi %mul3A_7, %add3A_38 : i32
    "tpu.region"() ({
      %run_scoped3A = tpu.sem_alloc : memref<!tpu.dma_semaphore, #tpu.memory_space<semaphore_mem>>
      %dma_start3A = arith.constant 0 : i32
      %dma_start3A_56 = arith.constant 0 : i32
      %dma_start3A_57 = tpu.memref_slice %arg6[%dma_start3A, %dma_start3A_56] : memref<100x128xf32, #tpu.memory_space<vmem>> -> memref<40x128xf32, #tpu.memory_space<vmem>>
      %dma_start3A_58 = arith.constant 0 : i32
      %dma_start3A_59 = tpu.memref_slice %arg4[%add3A_39, %dma_start3A_58] : memref<10240x128xf32, #tpu.memory_space<vmem_shared>> -> memref<40x128xf32, #tpu.memory_space<vmem_shared>>
      %dma_start3A_60 = arith.constant 0 : i32
      %dma_start3A_61 = tpu.memref_slice %arg4[%add3A_39, %dma_start3A_60] : memref<10240x128xf32, #tpu.memory_space<vmem_shared>> -> memref<40x128xf32, #tpu.memory_space<vmem_shared>>
      %dma_start3A_62 = arith.constant 0 : i32
      %dma_start3A_63 = arith.constant 0 : i32
      %dma_start3A_64 = tpu.memref_slice %arg6[%dma_start3A_62, %dma_start3A_63] : memref<100x128xf32, #tpu.memory_space<vmem>> -> memref<40x128xf32, #tpu.memory_space<vmem>>
      tpu.enqueue_dma source(%dma_start3A_64 : memref<40x128xf32, #tpu.memory_space<vmem>>) target(%dma_start3A_61 : memref<40x128xf32, #tpu.memory_space<vmem_shared>>) target_semaphore(%run_scoped3A : memref<!tpu.dma_semaphore, #tpu.memory_space<semaphore_mem>>)
      %dma_wait3A = arith.constant 0 : i32
      %dma_wait3A_65 = arith.constant 0 : i32
      %dma_wait3A_66 = tpu.memref_slice %arg6[%dma_wait3A, %dma_wait3A_65] : memref<100x128xf32, #tpu.memory_space<vmem>> -> memref<40x128xf32, #tpu.memory_space<vmem>>
      %dma_wait3A_67 = arith.constant 0 : i32
      %dma_wait3A_68 = tpu.memref_slice %arg4[%add3A_39, %dma_wait3A_67] : memref<10240x128xf32, #tpu.memory_space<vmem_shared>> -> memref<40x128xf32, #tpu.memory_space<vmem_shared>>
      %dma_wait3A_69 = arith.constant 0 : i32
      %dma_wait3A_70 = tpu.memref_slice %arg4[%add3A_39, %dma_wait3A_69] : memref<10240x128xf32, #tpu.memory_space<vmem_shared>> -> memref<40x128xf32, #tpu.memory_space<vmem_shared>>
      %dma_wait3A_71 = arith.constant 0 : i32
      %dma_wait3A_72 = arith.constant 0 : i32
      %dma_wait3A_73 = tpu.memref_slice %arg6[%dma_wait3A_71, %dma_wait3A_72] : memref<100x128xf32, #tpu.memory_space<vmem>> -> memref<40x128xf32, #tpu.memory_space<vmem>>
      tpu.wait_dma2 semaphore(%run_scoped3A : memref<!tpu.dma_semaphore, #tpu.memory_space<semaphore_mem>>) src(%dma_wait3A_73 : memref<40x128xf32, #tpu.memory_space<vmem>>) dst(%dma_wait3A_70 : memref<40x128xf32, #tpu.memory_space<vmem_shared>>)
      tpu.yield
    }) : () -> ()
    %broadcast_in_dim3A_40 = arith.constant 1.000000e+00 : f32
    %broadcast_in_dim3A_41 = vector.broadcast %broadcast_in_dim3A_40 : f32 to vector<16xf32>
    %scan3A_42 = arith.constant 0 : i32
    %scan3A_43 = arith.constant 100 : i32
    %scan3A_44 = arith.addi %scan3A_42, %scan3A_43 : i32
    %scan3A_45 = arith.constant 1 : i32
    scf.for %scan3A_56 = %scan3A_42 to %scan3A_44 step %scan3A_45  : i32 {
      %mul3A_57 = arith.constant 1 : i32
      %mul3A_58 = arith.muli %scan3A_56, %mul3A_57 : i32
      %add3A_59 = arith.constant 0 : i32
      %add3A_60 = arith.addi %add3A_59, %mul3A_58 : i32
      %scan3A_61 = arith.constant 0 : i32
      %scan3A_62 = arith.constant 8 : i32
      %scan3A_63 = arith.addi %scan3A_61, %scan3A_62 : i32
      %scan3A_64 = arith.constant 1 : i32
      scf.for %scan3A_66 = %scan3A_61 to %scan3A_63 step %scan3A_64  : i32 {
        %mul3A_67 = arith.constant 16 : i32
        %mul3A_68 = arith.muli %scan3A_66, %mul3A_67 : i32
        %add3A_69 = arith.constant 0 : i32
        %add3A_70 = arith.addi %add3A_69, %mul3A_68 : i32
        %swap3A = arith.index_cast %add3A_60 : i32 to index
        %swap3A_71 = arith.index_cast %add3A_70 : i32 to index
        %swap3A_72 = tpu.vector_load %arg6[%swap3A, %swap3A_71] {strides = array<i32>} : memref<100x128xf32, #tpu.memory_space<vmem>>, vector<1x16xf32>,
        %swap3A_73 = vector.shape_cast %swap3A_72 : vector<1x16xf32> to vector<16xf32>
        %swap3A_74 = vector.shape_cast %broadcast_in_dim3A_41 : vector<16xf32> to vector<1x16xf32>
        tpu.vector_store %arg6[%swap3A, %swap3A_71], %swap3A_74 {strides = array<i32>} : memref<100x128xf32, #tpu.memory_space<vmem>>, vector<1x16xf32>,
      }
      %scan3A_65 = arith.constant 8 : i32
    }
    %scan3A_46 = arith.constant 100 : i32
    %barrier3A = arith.constant 0 : index
    tpu.barrier barrier_id(%barrier3A)
    %scan3A_47 = arith.constant 1 : i32
    %scan3A_48 = arith.constant 0 : i32
    %scan3A_49 = arith.constant 50 : i32
    %scan3A_50 = arith.addi %scan3A_48, %scan3A_49 : i32
    %scan3A_51 = arith.constant 1 : i32
    scf.for %scan3A_56 = %scan3A_48 to %scan3A_50 step %scan3A_51  : i32 {
      %mul3A_57 = arith.constant 1 : i32
      %mul3A_58 = arith.muli %scan3A_56, %mul3A_57 : i32
      %add3A_59 = arith.constant 0 : i32
      %add3A_60 = arith.addi %add3A_59, %mul3A_58 : i32
      "tpu.region"() ({
        %run_scoped3A_62 = tpu.sem_alloc : memref<!tpu.dma_semaphore, #tpu.memory_space<semaphore_mem>>
        %dma_start3A = arith.constant 0 : i32
        %dma_start3A_63 = arith.constant 0 : i32
        %dma_start3A_64 = arith.constant 0 : i32
        %dma_start3A_65 = arith.constant 0 : i32
        %dma_start3A_66 = tpu.memref_slice %arg2[%scan3A_47, %dma_start3A, %dma_start3A_63, %dma_start3A_64, %dma_start3A_65] : memref<2x32x50x2x100xi32, #tpu.memory_space<hbm>> -> memref<1x32x50x2x100xi32, #tpu.memory_space<hbm>>
        %dma_start3A_67 = tpu.memref_squeeze %dma_start3A_66 : memref<1x32x50x2x100xi32, #tpu.memory_space<hbm>> -> memref<32x50x2x100xi32, #tpu.memory_space<hbm>>
        %dma_start3A_68 = arith.constant 0 : i32
        %dma_start3A_69 = arith.constant 0 : i32
        %dma_start3A_70 = arith.constant 0 : i32
        %dma_start3A_71 = tpu.memref_slice %dma_start3A_67[%add3A, %dma_start3A_68, %dma_start3A_69, %dma_start3A_70] : memref<32x50x2x100xi32, #tpu.memory_space<hbm>> -> memref<1x50x2x100xi32, #tpu.memory_space<hbm>>
        %dma_start3A_72 = tpu.memref_squeeze %dma_start3A_71 : memref<1x50x2x100xi32, #tpu.memory_space<hbm>> -> memref<50x2x100xi32, #tpu.memory_space<hbm>>
        %dma_start3A_73 = arith.constant 0 : i32
        %dma_start3A_74 = arith.constant 0 : i32
        %dma_start3A_75 = tpu.memref_slice %dma_start3A_72[%add3A_60, %dma_start3A_73, %dma_start3A_74] : memref<50x2x100xi32, #tpu.memory_space<hbm>> -> memref<1x2x100xi32, #tpu.memory_space<hbm>>
        %dma_start3A_76 = tpu.memref_squeeze %dma_start3A_75 : memref<1x2x100xi32, #tpu.memory_space<hbm>> -> memref<2x100xi32, #tpu.memory_space<hbm>>
        %dma_start3A_77 = arith.constant 0 : i32
        %dma_start3A_78 = arith.constant 0 : i32
        %dma_start3A_79 = arith.constant 0 : i32
        %dma_start3A_80 = arith.constant 0 : i32
        %dma_start3A_81 = tpu.memref_slice %arg2[%scan3A_47, %dma_start3A_77, %dma_start3A_78, %dma_start3A_79, %dma_start3A_80] : memref<2x32x50x2x100xi32, #tpu.memory_space<hbm>> -> memref<1x32x50x2x100xi32, #tpu.memory_space<hbm>>
        %dma_start3A_82 = tpu.memref_squeeze %dma_start3A_81 : memref<1x32x50x2x100xi32, #tpu.memory_space<hbm>> -> memref<32x50x2x100xi32, #tpu.memory_space<hbm>>
        %dma_start3A_83 = arith.constant 0 : i32
        %dma_start3A_84 = arith.constant 0 : i32
        %dma_start3A_85 = arith.constant 0 : i32
        %dma_start3A_86 = tpu.memref_slice %dma_start3A_82[%add3A, %dma_start3A_83, %dma_start3A_84, %dma_start3A_85] : memref<32x50x2x100xi32, #tpu.memory_space<hbm>> -> memref<1x50x2x100xi32, #tpu.memory_space<hbm>>
        %dma_start3A_87 = tpu.memref_squeeze %dma_start3A_86 : memref<1x50x2x100xi32, #tpu.memory_space<hbm>> -> memref<50x2x100xi32, #tpu.memory_space<hbm>>
        %dma_start3A_88 = arith.constant 0 : i32
        %dma_start3A_89 = arith.constant 0 : i32
        %dma_start3A_90 = tpu.memref_slice %dma_start3A_87[%add3A_60, %dma_start3A_88, %dma_start3A_89] : memref<50x2x100xi32, #tpu.memory_space<hbm>> -> memref<1x2x100xi32, #tpu.memory_space<hbm>>
        %dma_start3A_91 = tpu.memref_squeeze %dma_start3A_90 : memref<1x2x100xi32, #tpu.memory_space<hbm>> -> memref<2x100xi32, #tpu.memory_space<hbm>>
        tpu.enqueue_dma source(%dma_start3A_91 : memref<2x100xi32, #tpu.memory_space<hbm>>) target(%arg5 : memref<2x100xi32, #tpu.memory_space<vmem>>) target_semaphore(%run_scoped3A_62 : memref<!tpu.dma_semaphore, #tpu.memory_space<semaphore_mem>>)
        %dma_wait3A = arith.constant 0 : i32
        %dma_wait3A_92 = arith.constant 0 : i32
        %dma_wait3A_93 = arith.constant 0 : i32
        %dma_wait3A_94 = arith.constant 0 : i32
        %dma_wait3A_95 = tpu.memref_slice %arg2[%scan3A_47, %dma_wait3A, %dma_wait3A_92, %dma_wait3A_93, %dma_wait3A_94] : memref<2x32x50x2x100xi32, #tpu.memory_space<hbm>> -> memref<1x32x50x2x100xi32, #tpu.memory_space<hbm>>
        %dma_wait3A_96 = tpu.memref_squeeze %dma_wait3A_95 : memref<1x32x50x2x100xi32, #tpu.memory_space<hbm>> -> memref<32x50x2x100xi32, #tpu.memory_space<hbm>>
        %dma_wait3A_97 = arith.constant 0 : i32
        %dma_wait3A_98 = arith.constant 0 : i32
        %dma_wait3A_99 = arith.constant 0 : i32
        %dma_wait3A_100 = tpu.memref_slice %dma_wait3A_96[%add3A, %dma_wait3A_97, %dma_wait3A_98, %dma_wait3A_99] : memref<32x50x2x100xi32, #tpu.memory_space<hbm>> -> memref<1x50x2x100xi32, #tpu.memory_space<hbm>>
        %dma_wait3A_101 = tpu.memref_squeeze %dma_wait3A_100 : memref<1x50x2x100xi32, #tpu.memory_space<hbm>> -> memref<50x2x100xi32, #tpu.memory_space<hbm>>
        %dma_wait3A_102 = arith.constant 0 : i32
        %dma_wait3A_103 = arith.constant 0 : i32
        %dma_wait3A_104 = tpu.memref_slice %dma_wait3A_101[%add3A_60, %dma_wait3A_102, %dma_wait3A_103] : memref<50x2x100xi32, #tpu.memory_space<hbm>> -> memref<1x2x100xi32, #tpu.memory_space<hbm>>
        %dma_wait3A_105 = tpu.memref_squeeze %dma_wait3A_104 : memref<1x2x100xi32, #tpu.memory_space<hbm>> -> memref<2x100xi32, #tpu.memory_space<hbm>>
        %dma_wait3A_106 = arith.constant 0 : i32
        %dma_wait3A_107 = arith.constant 0 : i32
        %dma_wait3A_108 = arith.constant 0 : i32
        %dma_wait3A_109 = arith.constant 0 : i32
        %dma_wait3A_110 = tpu.memref_slice %arg2[%scan3A_47, %dma_wait3A_106, %dma_wait3A_107, %dma_wait3A_108, %dma_wait3A_109] : memref<2x32x50x2x100xi32, #tpu.memory_space<hbm>> -> memref<1x32x50x2x100xi32, #tpu.memory_space<hbm>>
        %dma_wait3A_111 = tpu.memref_squeeze %dma_wait3A_110 : memref<1x32x50x2x100xi32, #tpu.memory_space<hbm>> -> memref<32x50x2x100xi32, #tpu.memory_space<hbm>>
        %dma_wait3A_112 = arith.constant 0 : i32
        %dma_wait3A_113 = arith.constant 0 : i32
        %dma_wait3A_114 = arith.constant 0 : i32
        %dma_wait3A_115 = tpu.memref_slice %dma_wait3A_111[%add3A, %dma_wait3A_112, %dma_wait3A_113, %dma_wait3A_114] : memref<32x50x2x100xi32, #tpu.memory_space<hbm>> -> memref<1x50x2x100xi32, #tpu.memory_space<hbm>>
        %dma_wait3A_116 = tpu.memref_squeeze %dma_wait3A_115 : memref<1x50x2x100xi32, #tpu.memory_space<hbm>> -> memref<50x2x100xi32, #tpu.memory_space<hbm>>
        %dma_wait3A_117 = arith.constant 0 : i32
        %dma_wait3A_118 = arith.constant 0 : i32
        %dma_wait3A_119 = tpu.memref_slice %dma_wait3A_116[%add3A_60, %dma_wait3A_117, %dma_wait3A_118] : memref<50x2x100xi32, #tpu.memory_space<hbm>> -> memref<1x2x100xi32, #tpu.memory_space<hbm>>
        %dma_wait3A_120 = tpu.memref_squeeze %dma_wait3A_119 : memref<1x2x100xi32, #tpu.memory_space<hbm>> -> memref<2x100xi32, #tpu.memory_space<hbm>>
        tpu.wait_dma2 semaphore(%run_scoped3A_62 : memref<!tpu.dma_semaphore, #tpu.memory_space<semaphore_mem>>) src(%dma_wait3A_120 : memref<2x100xi32, #tpu.memory_space<hbm>>) dst(%arg5 : memref<2x100xi32, #tpu.memory_space<vmem>>)
        tpu.yield
      }) : () -> ()
      %run_scoped3A = arith.constant 0 : i32
      "tpu.region"() ({
        %run_scoped3A_62 = tpu.sem_alloc : memref<!tpu.dma_semaphore, #tpu.memory_space<semaphore_mem>>
        %dma_start3A = arith.constant 0 : i32
        %dma_start3A_63 = tpu.memref_slice %arg5[%run_scoped3A, %dma_start3A] : memref<2x100xi32, #tpu.memory_space<vmem>> -> memref<1x100xi32, #tpu.memory_space<vmem>>
        %dma_start3A_64 = tpu.memref_squeeze %dma_start3A_63 : memref<1x100xi32, #tpu.memory_space<vmem>> -> memref<100xi32, #tpu.memory_space<vmem>>
        %dma_start3A_65 = arith.constant 0 : i32
        %dma_start3A_66 = arith.constant 0 : i32
        %dma_start3A_67 = tpu.memref_slice %arg4[%dma_start3A_65, %dma_start3A_66] : memref<10240x128xf32, #tpu.memory_space<vmem_shared>> -> memref<10240x128xf32, #tpu.memory_space<vmem_shared>>
        tpu.enqueue_indirect_dma source(%arg6 : memref<100x128xf32, #tpu.memory_space<vmem>>) target(%dma_start3A_67 : memref<10240x128xf32, #tpu.memory_space<vmem_shared>>) offsets(%dma_start3A_64 : memref<100xi32, #tpu.memory_space<vmem>>) semaphore(%run_scoped3A_62 : memref<!tpu.dma_semaphore, #tpu.memory_space<semaphore_mem>>) {add = true}
        %dma_wait3A = arith.constant 0 : i32
        %dma_wait3A_68 = tpu.memref_slice %arg5[%run_scoped3A, %dma_wait3A] : memref<2x100xi32, #tpu.memory_space<vmem>> -> memref<1x100xi32, #tpu.memory_space<vmem>>
        %dma_wait3A_69 = tpu.memref_squeeze %dma_wait3A_68 : memref<1x100xi32, #tpu.memory_space<vmem>> -> memref<100xi32, #tpu.memory_space<vmem>>
        %dma_wait3A_70 = arith.constant 0 : i32
        %dma_wait3A_71 = arith.constant 0 : i32
        %dma_wait3A_72 = tpu.memref_slice %arg4[%dma_wait3A_70, %dma_wait3A_71] : memref<10240x128xf32, #tpu.memory_space<vmem_shared>> -> memref<10240x128xf32, #tpu.memory_space<vmem_shared>>
        tpu.wait_indirect_dma semaphore(%run_scoped3A_62 : memref<!tpu.dma_semaphore, #tpu.memory_space<semaphore_mem>>) src(%arg6 : memref<100x128xf32, #tpu.memory_space<vmem>>) dst(%dma_wait3A_72 : memref<10240x128xf32, #tpu.memory_space<vmem_shared>>)
        tpu.yield
      }) : () -> ()
      %run_scoped3A_61 = arith.constant 1 : i32
      "tpu.region"() ({
        %run_scoped3A_62 = tpu.sem_alloc : memref<!tpu.dma_semaphore, #tpu.memory_space<semaphore_mem>>
        %dma_start3A = arith.constant 0 : i32
        %dma_start3A_63 = tpu.memref_slice %arg5[%run_scoped3A_61, %dma_start3A] : memref<2x100xi32, #tpu.memory_space<vmem>> -> memref<1x100xi32, #tpu.memory_space<vmem>>
        %dma_start3A_64 = tpu.memref_squeeze %dma_start3A_63 : memref<1x100xi32, #tpu.memory_space<vmem>> -> memref<100xi32, #tpu.memory_space<vmem>>
        %dma_start3A_65 = arith.constant 0 : i32
        %dma_start3A_66 = arith.constant 0 : i32
        %dma_start3A_67 = tpu.memref_slice %arg4[%dma_start3A_65, %dma_start3A_66] : memref<10240x128xf32, #tpu.memory_space<vmem_shared>> -> memref<10240x128xf32, #tpu.memory_space<vmem_shared>>
        tpu.enqueue_indirect_dma source(%arg6 : memref<100x128xf32, #tpu.memory_space<vmem>>) target(%dma_start3A_67 : memref<10240x128xf32, #tpu.memory_space<vmem_shared>>) offsets(%dma_start3A_64 : memref<100xi32, #tpu.memory_space<vmem>>) semaphore(%run_scoped3A_62 : memref<!tpu.dma_semaphore, #tpu.memory_space<semaphore_mem>>) {add = true}
        %dma_wait3A = arith.constant 0 : i32
        %dma_wait3A_68 = tpu.memref_slice %arg5[%run_scoped3A_61, %dma_wait3A] : memref<2x100xi32, #tpu.memory_space<vmem>> -> memref<1x100xi32, #tpu.memory_space<vmem>>
        %dma_wait3A_69 = tpu.memref_squeeze %dma_wait3A_68 : memref<1x100xi32, #tpu.memory_space<vmem>> -> memref<100xi32, #tpu.memory_space<vmem>>
        %dma_wait3A_70 = arith.constant 0 : i32
        %dma_wait3A_71 = arith.constant 0 : i32
        %dma_wait3A_72 = tpu.memref_slice %arg4[%dma_wait3A_70, %dma_wait3A_71] : memref<10240x128xf32, #tpu.memory_space<vmem_shared>> -> memref<10240x128xf32, #tpu.memory_space<vmem_shared>>
        tpu.wait_indirect_dma semaphore(%run_scoped3A_62 : memref<!tpu.dma_semaphore, #tpu.memory_space<semaphore_mem>>) src(%arg6 : memref<100x128xf32, #tpu.memory_space<vmem>>) dst(%dma_wait3A_72 : memref<10240x128xf32, #tpu.memory_space<vmem_shared>>)
        tpu.yield
      }) : () -> ()
    }
    %scan3A_52 = arith.constant 50 : i32
    %barrier3A_53 = arith.constant 0 : index
    tpu.barrier barrier_id(%barrier3A_53)
    %mul3A_54 = arith.constant 640 : i32
    %mul3A_55 = arith.muli %arg1, %mul3A_54 : i32
    "tpu.region"() ({
      %run_scoped3A = tpu.sem_alloc : memref<!tpu.dma_semaphore, #tpu.memory_space<semaphore_mem>>
      %dma_start3A = arith.constant 0 : i32
      %dma_start3A_56 = arith.constant 0 : i32
      %dma_start3A_57 = tpu.memref_slice %arg3[%arg0, %dma_start3A, %dma_start3A_56] : memref<2x10240x128xf32, #tpu.memory_space<hbm>> -> memref<1x10240x128xf32, #tpu.memory_space<hbm>>
      %dma_start3A_58 = tpu.memref_squeeze %dma_start3A_57 : memref<1x10240x128xf32, #tpu.memory_space<hbm>> -> memref<10240x128xf32, #tpu.memory_space<hbm>>
      %dma_start3A_59 = arith.constant 0 : i32
      %dma_start3A_60 = tpu.memref_slice %dma_start3A_58[%mul3A_55, %dma_start3A_59] : memref<10240x128xf32, #tpu.memory_space<hbm>> -> memref<640x128xf32, #tpu.memory_space<hbm>>
      %dma_start3A_61 = arith.constant 0 : i32
      %dma_start3A_62 = tpu.memref_slice %arg4[%mul3A_55, %dma_start3A_61] : memref<10240x128xf32, #tpu.memory_space<vmem_shared>> -> memref<640x128xf32, #tpu.memory_space<vmem_shared>>
      tpu.enqueue_dma source(%dma_start3A_62 : memref<640x128xf32, #tpu.memory_space<vmem_shared>>) target(%dma_start3A_60 : memref<640x128xf32, #tpu.memory_space<hbm>>) target_semaphore(%run_scoped3A : memref<!tpu.dma_semaphore, #tpu.memory_space<semaphore_mem>>)
      %dma_wait3A = arith.constant 0 : i32
      %dma_wait3A_63 = arith.constant 0 : i32
      %dma_wait3A_64 = tpu.memref_slice %arg3[%arg0, %dma_wait3A, %dma_wait3A_63] : memref<2x10240x128xf32, #tpu.memory_space<hbm>> -> memref<1x10240x128xf32, #tpu.memory_space<hbm>>
      %dma_wait3A_65 = tpu.memref_squeeze %dma_wait3A_64 : memref<1x10240x128xf32, #tpu.memory_space<hbm>> -> memref<10240x128xf32, #tpu.memory_space<hbm>>
      %dma_wait3A_66 = arith.constant 0 : i32
      %dma_wait3A_67 = tpu.memref_slice %dma_wait3A_65[%mul3A_55, %dma_wait3A_66] : memref<10240x128xf32, #tpu.memory_space<hbm>> -> memref<640x128xf32, #tpu.memory_space<hbm>>
      %dma_wait3A_68 = arith.constant 0 : i32
      %dma_wait3A_69 = tpu.memref_slice %arg4[%mul3A_55, %dma_wait3A_68] : memref<10240x128xf32, #tpu.memory_space<vmem_shared>> -> memref<640x128xf32, #tpu.memory_space<vmem_shared>>
      tpu.wait_dma2 semaphore(%run_scoped3A : memref<!tpu.dma_semaphore, #tpu.memory_space<semaphore_mem>>) src(%dma_wait3A_69 : memref<640x128xf32, #tpu.memory_space<vmem_shared>>) dst(%dma_wait3A_67 : memref<640x128xf32, #tpu.memory_space<hbm>>)
      tpu.yield
    }) : () -> ()
    return
  }
}

module attributes {stable_mosaic.version = 14 : i64} {
  func.func @_mm_body(%arg0: i32, %arg1: memref<2000x128xf32, #tpu.memory_space<vmem>>, %arg2: memref<128x128xf32, #tpu.memory_space<vmem>>, %arg3: memref<2000x128xf32, #tpu.memory_space<vmem>>) attributes {dimension_semantics = [#tpu.dimension_semantics<arbitrary>], iteration_bounds = array<i64: 5>, scalar_prefetch = 0 : i64, scratch_operands = 0 : i64, tpu.core_type = #tpu.core_type<tc>, window_params = [{transform_indices = @transform_0, window_bounds = array<i64: 2000, 128>}, {pipeline_mode = #tpu.pipeline_mode<synchronous>, transform_indices = @transform_1, window_bounds = array<i64: 128, 128>}, {transform_indices = @transform_2, window_bounds = array<i64: 2000, 128>}]} {
    %get3A = arith.constant 0 : index
    %get3A_0 = arith.constant 0 : index
    %get3A_1 = vector.load %arg1[%get3A, %get3A_0] : memref<2000x128xf32, #tpu.memory_space<vmem>>, vector<2000x128xf32>
    %get3A_2 = arith.constant 0 : index
    %get3A_3 = arith.constant 0 : index
    %get3A_4 = vector.load %arg2[%get3A_2, %get3A_3] : memref<128x128xf32, #tpu.memory_space<vmem>>, vector<128x128xf32>
    %dot_general3A = arith.constant dense<0.000000e+00> : vector<2000x128xf32>
    %dot_general3A_5 = tpu.matmul %get3A_1, %get3A_4, %dot_general3A {dimension_numbers = #tpu.dot_dimension_numbers<[1], [0], [0], [1], [0, 0, 1, 1], [], []>, precision = #tpu.contract_precision<fp32>, transpose_lhs_hint = false} : vector<2000x128xf32>, vector<128x128xf32>, vector<2000x128xf32> -> vector<2000x128xf32>
    %swap3A = arith.constant 0 : index
    %swap3A_6 = arith.constant 0 : index
    %swap3A_7 = vector.load %arg3[%swap3A, %swap3A_6] : memref<2000x128xf32, #tpu.memory_space<vmem>>, vector<2000x128xf32>
    tpu.vector_store %arg3[%swap3A, %swap3A_6], %dot_general3A_5 {strides = array<i32>} : memref<2000x128xf32, #tpu.memory_space<vmem>>, vector<2000x128xf32>,
    return
  }
  func.func @transform_0(%arg0: i32) -> (i32, i32) {
    %c0_i32 = arith.constant 0 : i32
    %c0_i32_0 = arith.constant 0 : i32
    return %arg0, %c0_i32 : i32, i32
  }
  func.func @transform_1(%arg0: i32) -> (i32, i32) {
    %c0_i32 = arith.constant 0 : i32
    %c0_i32_0 = arith.constant 0 : i32
    %c0_i32_1 = arith.constant 0 : i32
    return %c0_i32, %c0_i32_0 : i32, i32
  }
  func.func @transform_2(%arg0: i32) -> (i32, i32) {
    %c0_i32 = arith.constant 0 : i32
    %c0_i32_0 = arith.constant 0 : i32
    return %arg0, %c0_i32 : i32, i32
  }
}

module attributes {stable_mosaic.version = 14 : i64} {
  func.func @_l1_post_body(%arg0: i32, %arg1: memref<2x2000x128xf32, #tpu.memory_space<vmem>>, %arg2: memref<2x2000x128xf32, #tpu.memory_space<vmem>>, %arg3: memref<2000x128xf32, #tpu.memory_space<vmem>>, %arg4: memref<1x128xf32, #tpu.memory_space<vmem>>, %arg5: memref<2000x128xf32, #tpu.memory_space<vmem>>, %arg6: memref<2000x16xf32, #tpu.memory_space<vmem>>) attributes {dimension_semantics = [#tpu.dimension_semantics<arbitrary>], iteration_bounds = array<i64: 5>, scalar_prefetch = 0 : i64, scratch_operands = 0 : i64, tpu.core_type = #tpu.core_type<tc>, window_params = [{transform_indices = @transform_0, window_bounds = array<i64: 2, 2000, 128>}, {transform_indices = @transform_1, window_bounds = array<i64: 2, 2000, 128>}, {transform_indices = @transform_2, window_bounds = array<i64: 2000, 128>}, {pipeline_mode = #tpu.pipeline_mode<synchronous>, transform_indices = @transform_3, window_bounds = array<i64: 1, 128>}, {transform_indices = @transform_4, window_bounds = array<i64: 2000, 128>}, {transform_indices = @transform_5, window_bounds = array<i64: 2000, 16>}]} {
    %get3A = arith.constant 0 : index
    %get3A_0 = arith.constant 0 : index
    %get3A_1 = arith.constant 0 : index
    %get3A_2 = vector.load %arg1[%get3A, %get3A_0, %get3A_1] : memref<2x2000x128xf32, #tpu.memory_space<vmem>>, vector<1x2000x128xf32>
    %get3A_3 = vector.shape_cast %get3A_2 : vector<1x2000x128xf32> to vector<2000x128xf32>
    %get3A_4 = arith.constant 1 : index
    %get3A_5 = arith.constant 0 : index
    %get3A_6 = arith.constant 0 : index
    %get3A_7 = vector.load %arg1[%get3A_4, %get3A_5, %get3A_6] : memref<2x2000x128xf32, #tpu.memory_space<vmem>>, vector<1x2000x128xf32>
    %get3A_8 = vector.shape_cast %get3A_7 : vector<1x2000x128xf32> to vector<2000x128xf32>
    %add3A = arith.addf %get3A_3, %get3A_8 : vector<2000x128xf32>
    %get3A_9 = arith.constant 0 : index
    %get3A_10 = arith.constant 0 : index
    %get3A_11 = arith.constant 0 : index
    %get3A_12 = vector.load %arg2[%get3A_9, %get3A_10, %get3A_11] : memref<2x2000x128xf32, #tpu.memory_space<vmem>>, vector<1x2000x1xf32>
    %get3A_13 = vector.shape_cast %get3A_12 : vector<1x2000x1xf32> to vector<2000x1xf32>
    %get3A_14 = arith.constant 1 : index
    %get3A_15 = arith.constant 0 : index
    %get3A_16 = arith.constant 0 : index
    %get3A_17 = vector.load %arg2[%get3A_14, %get3A_15, %get3A_16] : memref<2x2000x128xf32, #tpu.memory_space<vmem>>, vector<1x2000x1xf32>
    %get3A_18 = vector.shape_cast %get3A_17 : vector<1x2000x1xf32> to vector<2000x1xf32>
    %add3A_19 = arith.addf %get3A_13, %get3A_18 : vector<2000x1xf32>
    %max3A = arith.constant 1.000000e+00 : f32
    %max3A_20 = vector.broadcast %max3A : f32 to vector<2000x1xf32>
    %max3A_21 = arith.maximumf %add3A_19, %max3A_20 : vector<2000x1xf32>
    %div3A = arith.constant 1.000000e+00 : f32
    %div3A_22 = vector.broadcast %div3A : f32 to vector<2000x1xf32>
    %div3A_23 = arith.divf %div3A_22, %max3A_21 : vector<2000x1xf32>
    %mul3A = vector.broadcast %div3A_23 : vector<2000x1xf32> to vector<2000x128xf32>
    %mul3A_24 = arith.mulf %add3A, %mul3A : vector<2000x128xf32>
    %get3A_25 = arith.constant 0 : index
    %get3A_26 = arith.constant 0 : index
    %get3A_27 = vector.load %arg4[%get3A_25, %get3A_26] : memref<1x128xf32, #tpu.memory_space<vmem>>, vector<1x128xf32>
    %add3A_28 = vector.broadcast %get3A_27 : vector<1x128xf32> to vector<2000x128xf32>
    %add3A_29 = arith.addf %mul3A_24, %add3A_28 : vector<2000x128xf32>
    %get3A_30 = arith.constant 0 : index
    %get3A_31 = arith.constant 0 : index
    %get3A_32 = vector.load %arg3[%get3A_30, %get3A_31] : memref<2000x128xf32, #tpu.memory_space<vmem>>, vector<2000x128xf32>
    %add3A_33 = arith.addf %add3A_29, %get3A_32 : vector<2000x128xf32>
    %max3A_34 = arith.constant 0.000000e+00 : f32
    %max3A_35 = vector.broadcast %max3A_34 : f32 to vector<2000x128xf32>
    %max3A_36 = arith.maximumf %add3A_33, %max3A_35 : vector<2000x128xf32>
    %swap3A = arith.constant 0 : index
    %swap3A_37 = arith.constant 0 : index
    %swap3A_38 = vector.load %arg5[%swap3A, %swap3A_37] : memref<2000x128xf32, #tpu.memory_space<vmem>>, vector<2000x128xf32>
    tpu.vector_store %arg5[%swap3A, %swap3A_37], %max3A_36 {strides = array<i32>} : memref<2000x128xf32, #tpu.memory_space<vmem>>, vector<2000x128xf32>,
    %broadcast_in_dim3A = vector.shape_cast %div3A_23 : vector<2000x1xf32> to vector<2000x1xf32>
    %broadcast_in_dim3A_39 = vector.broadcast %broadcast_in_dim3A : vector<2000x1xf32> to vector<2000x16xf32>
    %swap3A_40 = arith.constant 0 : index
    %swap3A_41 = arith.constant 0 : index
    %swap3A_42 = vector.load %arg6[%swap3A_40, %swap3A_41] : memref<2000x16xf32, #tpu.memory_space<vmem>>, vector<2000x16xf32>
    tpu.vector_store %arg6[%swap3A_40, %swap3A_41], %broadcast_in_dim3A_39 {strides = array<i32>} : memref<2000x16xf32, #tpu.memory_space<vmem>>, vector<2000x16xf32>,
    return
  }
  func.func @transform_0(%arg0: i32) -> (i32, i32, i32) {
    %c0_i32 = arith.constant 0 : i32
    %c0_i32_0 = arith.constant 0 : i32
    %c0_i32_1 = arith.constant 0 : i32
    return %c0_i32, %arg0, %c0_i32_0 : i32, i32, i32
  }
  func.func @transform_1(%arg0: i32) -> (i32, i32, i32) {
    %c0_i32 = arith.constant 0 : i32
    %c0_i32_0 = arith.constant 0 : i32
    %c0_i32_1 = arith.constant 0 : i32
    return %c0_i32, %arg0, %c0_i32_0 : i32, i32, i32
  }
  func.func @transform_2(%arg0: i32) -> (i32, i32) {
    %c0_i32 = arith.constant 0 : i32
    %c0_i32_0 = arith.constant 0 : i32
    return %arg0, %c0_i32 : i32, i32
  }
  func.func @transform_3(%arg0: i32) -> (i32, i32) {
    %c0_i32 = arith.constant 0 : i32
    %c0_i32_0 = arith.constant 0 : i32
    %c0_i32_1 = arith.constant 0 : i32
    return %c0_i32, %c0_i32_0 : i32, i32
  }
  func.func @transform_4(%arg0: i32) -> (i32, i32) {
    %c0_i32 = arith.constant 0 : i32
    %c0_i32_0 = arith.constant 0 : i32
    return %arg0, %c0_i32 : i32, i32
  }
  func.func @transform_5(%arg0: i32) -> (i32, i32) {
    %c0_i32 = arith.constant 0 : i32
    %c0_i32_0 = arith.constant 0 : i32
    return %arg0, %c0_i32 : i32, i32
  }
}

module attributes {stable_mosaic.version = 14 : i64} {
  func.func @_l2_post_body(%arg0: i32, %arg1: memref<2x2000x128xf32, #tpu.memory_space<vmem>>, %arg2: memref<2000x16xf32, #tpu.memory_space<vmem>>, %arg3: memref<2000x128xf32, #tpu.memory_space<vmem>>, %arg4: memref<128x64xf32, #tpu.memory_space<vmem>>, %arg5: memref<128x64xf32, #tpu.memory_space<vmem>>, %arg6: memref<1x64xf32, #tpu.memory_space<vmem>>, %arg7: memref<2000x128xf32, #tpu.memory_space<vmem>>) attributes {dimension_semantics = [#tpu.dimension_semantics<arbitrary>], iteration_bounds = array<i64: 5>, scalar_prefetch = 0 : i64, scratch_operands = 0 : i64, tpu.core_type = #tpu.core_type<tc>, window_params = [{transform_indices = @transform_0, window_bounds = array<i64: 2, 2000, 128>}, {transform_indices = @transform_1, window_bounds = array<i64: 2000, 16>}, {transform_indices = @transform_2, window_bounds = array<i64: 2000, 128>}, {pipeline_mode = #tpu.pipeline_mode<synchronous>, transform_indices = @transform_3, window_bounds = array<i64: 128, 64>}, {pipeline_mode = #tpu.pipeline_mode<synchronous>, transform_indices = @transform_4, window_bounds = array<i64: 128, 64>}, {pipeline_mode = #tpu.pipeline_mode<synchronous>, transform_indices = @transform_5, window_bounds = array<i64: 1, 64>}, {transform_indices = @transform_6, window_bounds = array<i64: 2000, 128>}]} {
    %get3A = arith.constant 0 : index
    %get3A_0 = arith.constant 0 : index
    %get3A_1 = arith.constant 0 : index
    %get3A_2 = vector.load %arg1[%get3A, %get3A_0, %get3A_1] : memref<2x2000x128xf32, #tpu.memory_space<vmem>>, vector<1x2000x128xf32>
    %get3A_3 = vector.shape_cast %get3A_2 : vector<1x2000x128xf32> to vector<2000x128xf32>
    %get3A_4 = arith.constant 1 : index
    %get3A_5 = arith.constant 0 : index
    %get3A_6 = arith.constant 0 : index
    %get3A_7 = vector.load %arg1[%get3A_4, %get3A_5, %get3A_6] : memref<2x2000x128xf32, #tpu.memory_space<vmem>>, vector<1x2000x128xf32>
    %get3A_8 = vector.shape_cast %get3A_7 : vector<1x2000x128xf32> to vector<2000x128xf32>
    %add3A = arith.addf %get3A_3, %get3A_8 : vector<2000x128xf32>
    %get3A_9 = arith.constant 0 : index
    %get3A_10 = arith.constant 0 : index
    %get3A_11 = vector.load %arg2[%get3A_9, %get3A_10] : memref<2000x16xf32, #tpu.memory_space<vmem>>, vector<2000x1xf32>
    %mul3A = vector.broadcast %get3A_11 : vector<2000x1xf32> to vector<2000x128xf32>
    %mul3A_12 = arith.mulf %add3A, %mul3A : vector<2000x128xf32>
    %get3A_13 = arith.constant 0 : index
    %get3A_14 = arith.constant 0 : index
    %get3A_15 = vector.load %arg4[%get3A_13, %get3A_14] : memref<128x64xf32, #tpu.memory_space<vmem>>, vector<128x64xf32>
    %dot_general3A = arith.constant dense<0.000000e+00> : vector<2000x64xf32>
    %dot_general3A_16 = tpu.matmul %mul3A_12, %get3A_15, %dot_general3A {dimension_numbers = #tpu.dot_dimension_numbers<[1], [0], [0], [1], [0, 0, 1, 1], [], []>, precision = #tpu.contract_precision<fp32>, transpose_lhs_hint = false} : vector<2000x128xf32>, vector<128x64xf32>, vector<2000x64xf32> -> vector<2000x64xf32>
    %get3A_17 = arith.constant 0 : index
    %get3A_18 = arith.constant 0 : index
    %get3A_19 = vector.load %arg6[%get3A_17, %get3A_18] : memref<1x64xf32, #tpu.memory_space<vmem>>, vector<1x64xf32>
    %add3A_20 = vector.broadcast %get3A_19 : vector<1x64xf32> to vector<2000x64xf32>
    %add3A_21 = arith.addf %dot_general3A_16, %add3A_20 : vector<2000x64xf32>
    %get3A_22 = arith.constant 0 : index
    %get3A_23 = arith.constant 0 : index
    %get3A_24 = vector.load %arg3[%get3A_22, %get3A_23] : memref<2000x128xf32, #tpu.memory_space<vmem>>, vector<2000x128xf32>
    %get3A_25 = arith.constant 0 : index
    %get3A_26 = arith.constant 0 : index
    %get3A_27 = vector.load %arg5[%get3A_25, %get3A_26] : memref<128x64xf32, #tpu.memory_space<vmem>>, vector<128x64xf32>
    %dot_general3A_28 = arith.constant dense<0.000000e+00> : vector<2000x64xf32>
    %dot_general3A_29 = tpu.matmul %get3A_24, %get3A_27, %dot_general3A_28 {dimension_numbers = #tpu.dot_dimension_numbers<[1], [0], [0], [1], [0, 0, 1, 1], [], []>, precision = #tpu.contract_precision<fp32>, transpose_lhs_hint = false} : vector<2000x128xf32>, vector<128x64xf32>, vector<2000x64xf32> -> vector<2000x64xf32>
    %add3A_30 = arith.addf %add3A_21, %dot_general3A_29 : vector<2000x64xf32>
    %broadcast_in_dim3A = arith.constant 0.000000e+00 : f32
    %broadcast_in_dim3A_31 = vector.broadcast %broadcast_in_dim3A : f32 to vector<2000x64xf32>
    %concatenate3A = tpu.concatenate %add3A_30, %broadcast_in_dim3A_31 in 1 : vector<2000x64xf32>, vector<2000x64xf32> -> vector<2000x128xf32>
    %swap3A = arith.constant 0 : index
    %swap3A_32 = arith.constant 0 : index
    %swap3A_33 = vector.load %arg7[%swap3A, %swap3A_32] : memref<2000x128xf32, #tpu.memory_space<vmem>>, vector<2000x128xf32>
    tpu.vector_store %arg7[%swap3A, %swap3A_32], %concatenate3A {strides = array<i32>} : memref<2000x128xf32, #tpu.memory_space<vmem>>, vector<2000x128xf32>,
    return
  }
  func.func @transform_0(%arg0: i32) -> (i32, i32, i32) {
    %c0_i32 = arith.constant 0 : i32
    %c0_i32_0 = arith.constant 0 : i32
    %c0_i32_1 = arith.constant 0 : i32
    return %c0_i32, %arg0, %c0_i32_0 : i32, i32, i32
  }
  func.func @transform_1(%arg0: i32) -> (i32, i32) {
    %c0_i32 = arith.constant 0 : i32
    %c0_i32_0 = arith.constant 0 : i32
    return %arg0, %c0_i32 : i32, i32
  }
  func.func @transform_2(%arg0: i32) -> (i32, i32) {
    %c0_i32 = arith.constant 0 : i32
    %c0_i32_0 = arith.constant 0 : i32
    return %arg0, %c0_i32 : i32, i32
  }
  func.func @transform_3(%arg0: i32) -> (i32, i32) {
    %c0_i32 = arith.constant 0 : i32
    %c0_i32_0 = arith.constant 0 : i32
    %c0_i32_1 = arith.constant 0 : i32
    return %c0_i32, %c0_i32_0 : i32, i32
  }
  func.func @transform_4(%arg0: i32) -> (i32, i32) {
    %c0_i32 = arith.constant 0 : i32
    %c0_i32_0 = arith.constant 0 : i32
    %c0_i32_1 = arith.constant 0 : i32
    return %c0_i32, %c0_i32_0 : i32, i32
  }
  func.func @transform_5(%arg0: i32) -> (i32, i32) {
    %c0_i32 = arith.constant 0 : i32
    %c0_i32_0 = arith.constant 0 : i32
    %c0_i32_1 = arith.constant 0 : i32
    return %c0_i32, %c0_i32_0 : i32, i32
  }
  func.func @transform_6(%arg0: i32) -> (i32, i32) {
    %c0_i32 = arith.constant 0 : i32
    %c0_i32_0 = arith.constant 0 : i32
    return %arg0, %c0_i32 : i32, i32
  }
}

module attributes {stable_mosaic.version = 14 : i64} {
  func.func @_rowdot_body(%arg0: i32, %arg1: memref<2048x128xf32, #tpu.memory_space<vmem>>, %arg2: memref<2048x128xf32, #tpu.memory_space<vmem>>, %arg3: memref<2048x1xf32, #tpu.memory_space<vmem>>) attributes {dimension_semantics = [#tpu.dimension_semantics<arbitrary>], iteration_bounds = array<i64: 100>, scalar_prefetch = 0 : i64, scratch_operands = 0 : i64, tpu.core_type = #tpu.core_type<tc>, window_params = [{transform_indices = @transform_0, window_bounds = array<i64: 2048, 128>}, {transform_indices = @transform_1, window_bounds = array<i64: 2048, 128>}, {transform_indices = @transform_2, window_bounds = array<i64: 2048, 1>}]} {
    %get3A = arith.constant 0 : index
    %get3A_0 = arith.constant 0 : index
    %get3A_1 = vector.load %arg1[%get3A, %get3A_0] : memref<2048x128xf32, #tpu.memory_space<vmem>>, vector<2048x128xf32>
    %get3A_2 = arith.constant 0 : index
    %get3A_3 = arith.constant 0 : index
    %get3A_4 = vector.load %arg2[%get3A_2, %get3A_3] : memref<2048x128xf32, #tpu.memory_space<vmem>>, vector<2048x128xf32>
    %mul3A = arith.mulf %get3A_1, %get3A_4 : vector<2048x128xf32>
    %reduce_sum3A = arith.constant dense<0.000000e+00> : vector<2048xf32>
    %reduce_sum3A_5 = vector.multi_reduction <add>, %mul3A, %reduce_sum3A [1] : vector<2048x128xf32> to vector<2048xf32>
    %broadcast_in_dim3A = vector.shape_cast %reduce_sum3A_5 : vector<2048xf32> to vector<2048x1xf32>
    %swap3A = arith.constant 0 : index
    %swap3A_6 = arith.constant 0 : index
    %swap3A_7 = vector.load %arg3[%swap3A, %swap3A_6] : memref<2048x1xf32, #tpu.memory_space<vmem>>, vector<2048x1xf32>
    tpu.vector_store %arg3[%swap3A, %swap3A_6], %broadcast_in_dim3A {strides = array<i32>} : memref<2048x1xf32, #tpu.memory_space<vmem>>, vector<2048x1xf32>,
    return
  }
  func.func @transform_0(%arg0: i32) -> (i32, i32) {
    %c0_i32 = arith.constant 0 : i32
    %c0_i32_0 = arith.constant 0 : i32
    return %arg0, %c0_i32 : i32, i32
  }
  func.func @transform_1(%arg0: i32) -> (i32, i32) {
    %c0_i32 = arith.constant 0 : i32
    %c0_i32_0 = arith.constant 0 : i32
    return %arg0, %c0_i32 : i32, i32
  }
  func.func @transform_2(%arg0: i32) -> (i32, i32) {
    %c0_i32 = arith.constant 0 : i32
    %c0_i32_0 = arith.constant 0 : i32
    return %arg0, %c0_i32 : i32, i32
  }
}

</mosaic_0001>

<sc_bundles>
// kernel: kernel.11.cloned.1.call-start
scs
__scs_entry_jumppad:
0x0: {  	(pc) =	sbr.rel $0x88, $3  }
0x1: {  	(tag) =	ssettag $0x0;
	lr =	simm.s32 $0x1  }
0x2: {  	[smem:$0x3F97] =	sst lr;
	_ =	strace $0xD0000000  }
0x3: {  	_ = 	snop  }
0x4: {  	_ = 	snop  }
0x5: {  	_ = 	snop  }
0x6: {  	_ = 	snop  }
0x7: {  	_ = 	snop  }
__scs_overlays_trampoline_lowered:
0x8: {  	[smem:$0x3FA6] =	sst s0  }
0x9: {  	[smem:$0x3FA7] =	sst s1  }
0xa: {  	[smem:$0x3FA8] =	sst s2  }
0xb: {  	[smem:$0x3FA9] =	sst s3  }
0xc: {  	[smem:$0x3FAA] =	sst s4  }
0xd: {  	[smem:$0x3FAB] =	sst s5  }
0xe: {  	[smem:$0x3FAC] =	sst s6  }
0xf: {  	[smem:$0x3FAD] =	sst s7  }
0x10: {  	[smem:$0x3FAE] =	sst s8  }
0x11: {  	[smem:$0x3FAF] =	sst s9;
	s0 =	simm.s32 @!p0 $0x0  }
0x12: {  	s1 =	sld [smem:$0x3F95];
	s0 =	simm.s32 @p0 $0x1  }
0x13: {  	[smem:$0x3FB0] =	sst s0;
	s0 =	simm.s32 @!p1 $0x0  }
0x14: {  	s2 =	sld [smem:$0x3F94];
	s0 =	simm.s32 @p1 $0x1  }
0x15: {  	[smem:$0x3FB1] =	sst s0;
	s0 =	simm.s32 @!p2 $0x0  }
0x16: {  	s3 =	sld [smem:$0x3FDB];
	s0 =	simm.s32 @p2 $0x1  }
0x17: {  	s4 =	simm.s32 $0x1BF5;
	[smem:$0x3FB3] =	sst s0  }
0x18: {  	s0 =	sld [smem:$0x3F96];
	_ =	swait.ge [sflag:s4], $0x0  }
0x19: {  	s7 =	sld [smem:$0x3F97]  }
0x1a: {  	s8 =	sadd.s32 $0xFFFFE003, lr  }
0x1b: {  	s9 =	sadd.s32 $0xFFFFFEF7, lr;
	s5 =	simm.s32 $0xFFFFFFFF;
	p2 =	slt.u32 s8, $0xFFFFF086  }
0x1c: {  	p1 =	slt.u32 s9, $0xF7A;
	s5 =	simm.s32 @!p2 $0x0  }
0x1d: {  	s5 =	simm.s32 @p1 $0x1;
	p0 =	seq.s32 s7, s2  }
0x1e: {  	s7 =	smul.u32 @!p0 $0xF7A, s2;
	p2 =	seq.s32 @!p0 s5, $0x0  }
0x1f: {  	s9 =	smul.u32 $0xF7A, s1;
	s8 =	simm.s32 @!p0 $0x1BF5;
	p2 =	por !p2, p0  }
0x20: {  	[sflag:s8] =	ssyncset.s32 @!p0 $0xFFFFF086;
	s6 =	sadd.s32 @!p0 s3, s7;
	s7 =	simm.s32 @!p0 $0x108  }
0x21: {  	s3 =	sadd.s32 s3, s9;
	s6 =	sadd.s32 @!p0 $0x88, s6;
	s7 =	simm.s32 @p2 $0x1082  }
0x22: {  	[simem:s7], [sflag:s8] =	dma.local @!p0 [hbm:s6], $0xF7A  }
0x23: {  	s9 =	sor.u32 $0xD0000000, s2;
	s6 =	simm.s32 $0x108;
	_ =	swait.ge @!p0 [sflag:s8], $0x0  }
0x24: {  	s3 =	sadd.s32 $0x88, s3;
	s6 =	simm.s32 @!p1 $0x1082;
	[sflag:s4] =	ssyncset.s32 $0xFFFFF086  }
0x25: {  	[simem:s6], [sflag:s4] =	dma.local [hbm:s3], $0xF7A  }
0x26: {  	[smem:$0x3F97] =	sst s1;
	(tag) =	ssettag s2;
	_ =	strace s9  }
0x27: {  	s1 =	sld [smem:$0x3FA7]  }
0x28: {  	s2 =	sld [smem:$0x3FA8]  }
0x29: {  	s4 =	sld [smem:$0x3FAA]  }
0x2a: {  	p0 =	seq.s32 s5, $0x0;
	s5 =	sld [smem:$0x3FAB]  }
0x2b: {  	s6 =	sld [smem:$0x3FAC]  }
0x2c: {  	s7 =	sld [smem:$0x3FAD]  }
0x2d: {  	s3 =	simm.s32 $0x108;
	s8 =	sld [smem:$0x3FAE]  }
0x2e: {  	s3 =	simm.s32 @!p0 $0x1082;
	s9 =	sld [smem:$0x3FAF]  }
0x2f: {  	lr =	sadd.s32 s0, s3;
	s0 =	sld [smem:$0x3FA6]  }
0x30: {  	s3 =	sld [smem:$0x3FA9]  }
0x31: {  	[smem:$0x3FB2] =	sst s10  }
0x32: {  	s10 =	sld [smem:$0x3FB0];
	_ =	sdelay $0x3  }
0x33: {  	p0 =	seq.s32 s10, $0x1;
	s10 =	sld [smem:$0x3FB2];
	_ =	sdelay $0x3  }
0x34: {  	[smem:$0x3FB2] =	sst s10  }
0x35: {  	s10 =	sld [smem:$0x3FB1];
	_ =	sdelay $0x3  }
0x36: {  	p1 =	seq.s32 s10, $0x1;
	s10 =	sld [smem:$0x3FB2];
	_ =	sdelay $0x3  }
0x37: {  	[smem:$0x3FB2] =	sst s10  }
0x38: {  	s10 =	sld [smem:$0x3FB3]  }
0x39: {  	_ = 	snop;
	(pc) =	sbr.ind lr, $3  }
0x3a: {  	_ = 	snop  }
0x3b: {  	_ = 	snop  }
0x3c: {  	p2 =	seq.s32 s10, $0x1;
	s10 =	sld [smem:$0x3FB2]  }
0x3d: {  	_ =	shalt  }
0x3e: {  	_ =	shalt  }
0x3f: {  	_ =	shalt  }
0x40: {  	_ =	shalt  }
0x41: {  	_ =	shalt  }
0x42: {  	_ =	shalt  }
0x43: {  	_ =	shalt  }
0x44: {  	_ =	shalt  }
0x45: {  	_ =	shalt  }
0x46: {  	_ =	shalt  }
0x47: {  	_ =	shalt  }
0x48: {  	_ =	shalt  }
0x49: {  	_ =	shalt  }
0x4a: {  	_ =	shalt  }
0x4b: {  	_ =	shalt  }
0x4c: {  	_ =	shalt  }
0x4d: {  	_ =	shalt  }
0x4e: {  	_ =	shalt  }
0x4f: {  	_ =	shalt  }
0x50: {  	_ =	shalt  }
0x51: {  	_ =	shalt  }
0x52: {  	_ =	shalt  }
0x53: {  	_ =	shalt  }
0x54: {  	_ =	shalt  }
0x55: {  	_ =	shalt  }
0x56: {  	_ =	shalt  }
0x57: {  	_ =	shalt  }
0x58: {  	_ =	shalt  }
0x59: {  	_ =	shalt  }
0x5a: {  	_ =	shalt  }
0x5b: {  	_ =	shalt  }
0x5c: {  	_ =	shalt  }
0x5d: {  	_ =	shalt  }
0x5e: {  	_ =	shalt  }
0x5f: {  	_ =	shalt  }
0x60: {  	_ =	shalt  }
0x61: {  	_ =	shalt  }
0x62: {  	_ =	shalt  }
0x63: {  	_ =	shalt  }
0x64: {  	_ =	shalt  }
0x65: {  	_ =	shalt  }
0x66: {  	_ =	shalt  }
0x67: {  	_ =	shalt  }
0x68: {  	_ =	shalt  }
0x69: {  	_ =	shalt  }
0x6a: {  	_ =	shalt  }
0x6b: {  	_ =	shalt  }
0x6c: {  	_ =	shalt  }
0x6d: {  	_ =	shalt  }
0x6e: {  	_ =	shalt  }
0x6f: {  	_ =	shalt  }
0x70: {  	_ =	shalt  }
0x71: {  	_ =	shalt  }
0x72: {  	_ =	shalt  }
0x73: {  	_ =	shalt  }
0x74: {  	_ =	shalt  }
0x75: {  	_ =	shalt  }
0x76: {  	_ =	shalt  }
0x77: {  	_ =	shalt  }
0x78: {  	_ =	shalt  }
0x79: {  	_ =	shalt  }
0x7a: {  	_ =	shalt  }
0x7b: {  	_ =	shalt  }
0x7c: {  	_ =	shalt  }
0x7d: {  	_ =	shalt  }
0x7e: {  	_ =	shalt  }
0x7f: {  	_ =	shalt  }
0x80: {  	_ =	shalt  }
0x81: {  	_ =	shalt  }
0x82: {  	_ =	shalt  }
0x83: {  	_ =	shalt  }
0x84: {  	_ =	shalt  }
0x85: {  	_ =	shalt  }
0x86: {  	_ =	shalt  }
0x87: {  	_ =	shalt  }
.Lfunc_end0:
.L_simem_size_0:
called_computation_lowered:
.L_overlay_start_0:
0x88: {  	s2 =	sld [smem:$0x3FD9]  }
0x89: {  	s3 =	sld [smem:$0x3FFE];
	_ =	sdelay $0x1  }
0x8a: {  	s1 =	srdreg.scid  }
0x8b: {  	s0 =	sand.u32 $0x1, s1  }
0x8c: {  	s17 =	sshll.u32 s0, $0xA;
	s2 =	sadd.s32 s3, s2  }
0x8d: {  	s2 =	sadd.s32 s2, s17  }
0x8e: {  	[smem:$0x3FBE] =	sst s2  }
0x8f: {  	_ = 	snop  }
0x90: {  	(tm) =	ssettm $0x1  }
0x91: {  	s18 =	sld [smem:$0x3FFB];
	_ =	sdelay $0x3  }
0x92: {  	_ =	strace s18  }
0x93: {  	s2 =	sld [smem:$0x3FFC];
	_ =	sdelay $0x3  }
0x94: {  	_ =	strace s2  }
0x95: {  	s2 =	sld [smem:$0x3FFD];
	_ =	sdelay $0x3  }
0x96: {  	_ =	strace s2  }
0x97: {  	_ =	strace $0x8FFFFFFF  }
0x98: {  	s19 =	sld [smem:$0x3FDB];
	_ =	sdelay $0x1  }
0x99: {  	s20 =	simm.s32 $_scs_section_size  }
0x9a: {  	s4 =	simm.s32 $_size__tile_overlayer_lowered;
	s5 =	simm.s32 $_tile_overlayer_lowered  }
0x9b: {  	s6 =	simm.s32 $0x1BFF;
	s21 =	sshll.u32 s5, $0x1;
	s3 =	sadd.s32 s20, s19  }
0x9c: {  	s22 =	simm.s32 $0x0;
	s4 =	sshll.u32 s4, $0x1;
	s5 =	sadd.s32 s21, s3  }
0x9d: {  	[timem:s22], [sflag:s6] =	dma.local [hbm:s5], s4  }
0x9e: {  	_ =	swait.ge [sflag:s6], s4  }
0x9f: {  	s4 =	ssub.s32 $0x0, s4;
	[sflag:s6] =	ssyncset.done $0x0  }
0xa0: {  	[sflag:s6] =	ssyncadd.s32 s4;
	_ =	sdelay $0x1  }
0xa1: {  	s23 =	simm.s32 $0x1B8B  }
0xa2: {  	_ =	swait.ge [sflag:s23], $0x1  }
0xa3: {  	[sflag:s23] =	ssyncset.done $0x0  }
0xa4: {  	[sflag:s23] =	ssyncadd.s32 $0xFFFFFFFF  }
0xa5: {  	s4 =	sld [smem:$0x0]  }
0xa6: {  	s5 =	sand.u32 $0xFFFFFFFE, s1  }
0xa7: {  	p0 =	sne.s32 s1, s5  }
0xa8: {  	s5 =	sshll.u32 @p0 s5, $0xE  }
0xa9: {  	s5 =	sadd.s32 @p0 $0x11B8D, s5;
	s6 =	sshll.u32 @p0 s4, $0x11  }
0xaa: {  	s5 =	sor.u32 @p0 s6, s5  }
0xab: {  	[sflag:s5] =	ssyncadd.remote.s32 @p0 $0x1;
	_ =	sdelay $0x1  }
0xac: {  	s5 =	simm.s32 @p0 $0x1B8D  }
0xad: {  	_ =	swait.eq @p0 [sflag:s5], $0x1  }
0xae: {  	[sflag:s5] =	ssyncadd.s32 @p0 $0xFFFFFFFF  }
0xaf: {  	s6 =	sshll.u32 @!p0 s1, $0xE  }
0xb0: {  	s6 =	sor.u32 @!p0 $0x4000, s6;
	s5 =	simm.s32 @!p0 $0x1B8D  }
0xb1: {  	s4 =	sshll.u32 @!p0 s4, $0x11;
	s6 =	sadd.s32 @!p0 $0x11B8D, s6;
	_ =	swait.eq @!p0 [sflag:s5], $0x1  }
0xb2: {  	s4 =	sor.u32 @!p0 s4, s6;
	[sflag:s5] =	ssyncadd.s32 @!p0 $0xFFFFFFFF  }
0xb3: {  	s25 =	simm.s32 $0x1B8E;
	s24 =	sld [smem:$0x3FFE];
	[sflag:s4] =	ssyncadd.remote.s32 @!p0 $0x1  }
0xb4: {  	s26 =	simm.s32 $execute0_lowered;
	[smem:$0x3FD2] =	sst s25  }
0xb5: {  	s5 =	sshll.u32 s26, $0x1;
	_ =	strace $0x80000049;
	[dreg:$0x1] =	wrdreg $0xFFFFFFFF  }
0xb6: {  	s28 =	simm.s32 $_size_execute0_lowered;
	s3 =	sadd.s32 s3, s5;
	[dreg:$0x0] =	wrdreg $0x0  }
0xb7: {  	s5 =	sshll.u32 s28, $0x1;
	[dreg:$0x2] =	wrdreg s3  }
0xb8: {  	[dreg:$0x3] =	wrdreg s5  }
0xb9: {  	[dreg:$0x4] =	wrdreg $0xC0  }
0xba: {  	_ =	task [dreg:s22], $0x5FFFF  }
0xbb: {  	[dreg:$0x1] =	wrdreg $0xFFFFFFFF  }
0xbc: {  	[dreg:$0x0] =	wrdreg $0x60  }
0xbd: {  	[dreg:$0x2] =	wrdreg s24  }
0xbe: {  	[dreg:$0x3] =	wrdreg $0x0  }
0xbf: {  	[dreg:$0x4] =	wrdreg $0x9  }
0xc0: {  	_ =	task.clear_ibuf [dreg:s22], $0x5FFFF;
	_ =	strace $0x90000049  }
0xc1: {  	s29 =	simm.s32 $0x9;
	_ =	strace $0x8000004B  }
0xc2: {  	_ =	swait.ge [sflag:s29], $0x1  }
0xc3: {  	[sflag:s29] =	ssyncadd.s32 $0xFFFFFFFF  }
0xc4: {  	_ =	strace $0x9000004B  }
0xc5: {  	_ =	sfence  }
0xc6: {  	s30 =	sld [smem:$0x0];
	_ =	sdelay $0x2  }
0xc7: {  	s31 =	sshll.u32 s1, $0xD;
	s1 =	sshrl.u32 s1, $0x2  }
0xc8: {  	s4 =	sand.u32 $0x4000, s31;
	s1 =	sadd.s32 s1, s30  }
0xc9: {  	s0 =	sor.u32 s4, s0;
	s1 =	sshll.u32 s1, $0x11  }
0xca: {  	s0 =	sor.u32 s1, s0  }
0xcb: {  	s0 =	sadd.s32 $0x8F2B, s0  }
0xcc: {  	[sflag:s0] =	ssyncadd.remote.s32 $0x1  }
0xcd: {  	_ =	sfence.sel $0xFFFF  }
0xce: {  	[dreg:$0x0] =	wrdreg $0xFFFFFFFF;
	(pc) =	sbr.abs _section_cstart, $3  }
0xcf: {  	[dreg:$0x1] =	wrdreg $0xFFFFFFFF  }
0xd0: {  	_ =	task.clear_ibuf [dreg:s22], $0x2FFFF;
	_ =	strace $0x9FFFFFFF  }
0xd1: {  	(tm) =	ssettm $0x7FFFFFFF  }
tec
execute0_lowered:
.L_overlay_start_1:
0x0: {  	(tag) =	ssettag $0x1  }
0x1: {  	s20 =	rddreg [dreg:$0x0]  }
0x2: {  	s1 =	rddreg [dreg:$0x1]  }
0x3: {  	s2 =	srdreg.scid;
	s0 =	stileid.u32  }
0x4: {  	s3 =	simm.s32 $0x0;
	s28 =	simm.s32 $0x14080;
	s6 =	smul.u32 $0x50000, s0  }
0x5: {  	s29 =	simm.s32 $0x0;
	s4 =	sand.u32 $0x1, s2;
	s26 =	smul.u32 $0x2800, s0  }
0x6: {  	[smem:$0x7FF] =	sst s3;
	s24 =	sadd.s32 $0xF200, s20;
	s5 =	smul.u32 $0x28000, s4  }
0x7: {  	_ =	strace $0x8000004A;
	s31 =	ssub.s32 $0x2, s4;
	s8 =	sshll.u32 s4, $0x4  }
0x8: {  	s6 =	sshrl.u32 s6, $0x2;
	s7 =	sshrl.u32 s31, $0x1;
	s23 =	sor.u32 s0, s8  }
0x9: {  	s21 =	sadd.s32 s5, s20;
	s4 =	sadd.s32 s6, s1;
	s22 =	ssub.s32 s31, s7  }
0xa: {  	s23 =	smul.u32 $0x640, s23;
	s5 =	sadd.s32 $0x1400, s4;
	s6 =	sadd.s32 $0x2800, s4  }
0xb: {  	s7 =	sadd.s32 $0x3C00, s4;
	s8 =	sadd.s32 $0x5000, s4;
	s9 =	sadd.s32 $0x6400, s4  }
0xc: {  	s10 =	sadd.s32 $0x7800, s4;
	s11 =	sadd.s32 $0x8C00, s4;
	s12 =	sadd.s32 $0xA000, s4  }
0xd: {  	s13 =	sadd.s32 $0xB400, s4;
	s14 =	sadd.s32 $0xC800, s4;
	s15 =	sadd.s32 $0xDC00, s4  }
0xe: {  	s16 =	sadd.s32 $0xF000, s4;
	s17 =	sadd.s32 $0x10400, s4;
	s18 =	sadd.s32 $0x11800, s4  }
0xf: {  	s19 =	sadd.s32 $0x12C00, s4;
	s25 =	sadd.s32 $0x92C00, s21;
	s20 =	smax.u32 s22, $0x1  }
0x10: {  	s21 =	simm.s32 $0x14100;
	s22 =	sadd.s32 s23, s24;
	s23 =	simm.s32 $0x1  }
0x11: {  	v0 =	vimm.f32 $0.0e+00;
	v1 =	vimm.f32 $1.000000000e+00;
	s24 =	sadd.s32 s26, s25;
	s25 =	simm.s32 $0x14000;
	s26 =	simm.s32 $0x64  }
.LBB2_1:
0x12: {  	s30 =	simm.s32 $0x70;
	s31 =	simm.s32 $0x3C0  }
.LBB2_2:
0x13: {  	p0 =	sne.s32 s31, $0x4FC0;
	[tilespmem:s30+$0x14100] =	vst v0  }
0x14: {  	[tilespmem:s30+$0x14090] =	vst v0  }
0x15: {  	[tilespmem:s30+$0x140A0] =	vst v0  }
.Ltmp0:
0x16: {  	[tilespmem:s30+$0x140B0] =	vst v0;
	(pc) =	sbr.rel @p0 .LBB2_2-.Ltmp0, $4  }
0x17: {  	[tilespmem:s30+$0x140C0] =	vst v0  }
0x18: {  	[tilespmem:s30+$0x140D0] =	vst v0  }
0x19: {  	[tilespmem:s30+$0x140E0] =	vst v0  }
0x1a: {  	[tilespmem:s30+$0x140F0] =	vst v0;
	s30 =	sshra.s32 s31, $0x2;
	s31 =	sadd.s32 $0x200, s31  }
0x1b: {  	[tilespmem:s30+$0x14100] =	vst v0  }
0x1c: {  	[tilespmem:s30+$0x14090] =	vst v0  }
0x1d: {  	[tilespmem:s30+$0x140A0] =	vst v0  }
0x1e: {  	[tilespmem:s30+$0x140B0] =	vst v0  }
0x1f: {  	[tilespmem:s30+$0x140C0] =	vst v0  }
0x20: {  	[tilespmem:s30+$0x140D0] =	vst v0  }
0x21: {  	[tilespmem:s30+$0x140E0] =	vst v0  }
0x22: {  	[tilespmem:s30+$0x140F0] =	vst v0  }
0x23: {  	[spmem:s4] =	stream.linear.scatter [tilespmem:s21], [sflag:$0x1], $0x1400, $0x38;
	[tilespmem:$0x17500] =	vst v63  }
0x24: {  	_ =	swait.ge [sflag:s23], $0x1400  }
0x25: {  	[sflag:s23] =	ssyncset.done $0x0  }
0x26: {  	[sflag:s23] =	ssyncadd.s32 $0xFFFFEC00  }
0x27: {  	[spmem:s5] =	stream.linear.scatter [tilespmem:s21], [sflag:$0x1], $0x1400, $0x38;
	[tilespmem:$0x17500] =	vst v63  }
0x28: {  	_ =	swait.ge [sflag:s23], $0x1400  }
0x29: {  	[sflag:s23] =	ssyncset.done $0x0  }
0x2a: {  	[sflag:s23] =	ssyncadd.s32 $0xFFFFEC00  }
0x2b: {  	[spmem:s6] =	stream.linear.scatter [tilespmem:s21], [sflag:$0x1], $0x1400, $0x38;
	[tilespmem:$0x17500] =	vst v63  }
0x2c: {  	_ =	swait.ge [sflag:s23], $0x1400  }
0x2d: {  	[sflag:s23] =	ssyncset.done $0x0  }
0x2e: {  	[sflag:s23] =	ssyncadd.s32 $0xFFFFEC00  }
0x2f: {  	[spmem:s7] =	stream.linear.scatter [tilespmem:s21], [sflag:$0x1], $0x1400, $0x38;
	[tilespmem:$0x17500] =	vst v63  }
0x30: {  	_ =	swait.ge [sflag:s23], $0x1400  }
0x31: {  	[sflag:s23] =	ssyncset.done $0x0  }
0x32: {  	[sflag:s23] =	ssyncadd.s32 $0xFFFFEC00  }
0x33: {  	[spmem:s8] =	stream.linear.scatter [tilespmem:s21], [sflag:$0x1], $0x1400, $0x38;
	[tilespmem:$0x17500] =	vst v63  }
0x34: {  	_ =	swait.ge [sflag:s23], $0x1400  }
0x35: {  	[sflag:s23] =	ssyncset.done $0x0  }
0x36: {  	[sflag:s23] =	ssyncadd.s32 $0xFFFFEC00  }
0x37: {  	[spmem:s9] =	stream.linear.scatter [tilespmem:s21], [sflag:$0x1], $0x1400, $0x38;
	[tilespmem:$0x17500] =	vst v63  }
0x38: {  	_ =	swait.ge [sflag:s23], $0x1400  }
0x39: {  	[sflag:s23] =	ssyncset.done $0x0  }
0x3a: {  	[sflag:s23] =	ssyncadd.s32 $0xFFFFEC00  }
0x3b: {  	[spmem:s10] =	stream.linear.scatter [tilespmem:s21], [sflag:$0x1], $0x1400, $0x38;
	[tilespmem:$0x17500] =	vst v63  }
0x3c: {  	_ =	swait.ge [sflag:s23], $0x1400  }
0x3d: {  	[sflag:s23] =	ssyncset.done $0x0  }
0x3e: {  	[sflag:s23] =	ssyncadd.s32 $0xFFFFEC00  }
0x3f: {  	[spmem:s11] =	stream.linear.scatter [tilespmem:s21], [sflag:$0x1], $0x1400, $0x38;
	[tilespmem:$0x17500] =	vst v63  }
0x40: {  	_ =	swait.ge [sflag:s23], $0x1400  }
0x41: {  	[sflag:s23] =	ssyncset.done $0x0  }
0x42: {  	[sflag:s23] =	ssyncadd.s32 $0xFFFFEC00  }
0x43: {  	[spmem:s12] =	stream.linear.scatter [tilespmem:s21], [sflag:$0x1], $0x1400, $0x38;
	[tilespmem:$0x17500] =	vst v63  }
0x44: {  	_ =	swait.ge [sflag:s23], $0x1400  }
0x45: {  	[sflag:s23] =	ssyncset.done $0x0  }
0x46: {  	[sflag:s23] =	ssyncadd.s32 $0xFFFFEC00  }
0x47: {  	[spmem:s13] =	stream.linear.scatter [tilespmem:s21], [sflag:$0x1], $0x1400, $0x38;
	[tilespmem:$0x17500] =	vst v63  }
0x48: {  	_ =	swait.ge [sflag:s23], $0x1400  }
0x49: {  	[sflag:s23] =	ssyncset.done $0x0  }
0x4a: {  	[sflag:s23] =	ssyncadd.s32 $0xFFFFEC00  }
0x4b: {  	[spmem:s14] =	stream.linear.scatter [tilespmem:s21], [sflag:$0x1], $0x1400, $0x38;
	[tilespmem:$0x17500] =	vst v63  }
0x4c: {  	_ =	swait.ge [sflag:s23], $0x1400  }
0x4d: {  	[sflag:s23] =	ssyncset.done $0x0  }
0x4e: {  	[sflag:s23] =	ssyncadd.s32 $0xFFFFEC00  }
0x4f: {  	[spmem:s15] =	stream.linear.scatter [tilespmem:s21], [sflag:$0x1], $0x1400, $0x38;
	[tilespmem:$0x17500] =	vst v63  }
0x50: {  	_ =	swait.ge [sflag:s23], $0x1400  }
0x51: {  	[sflag:s23] =	ssyncset.done $0x0  }
0x52: {  	[sflag:s23] =	ssyncadd.s32 $0xFFFFEC00  }
0x53: {  	[spmem:s16] =	stream.linear.scatter [tilespmem:s21], [sflag:$0x1], $0x1400, $0x38;
	[tilespmem:$0x17500] =	vst v63  }
0x54: {  	_ =	swait.ge [sflag:s23], $0x1400  }
0x55: {  	[sflag:s23] =	ssyncset.done $0x0  }
0x56: {  	[sflag:s23] =	ssyncadd.s32 $0xFFFFEC00  }
0x57: {  	[spmem:s17] =	stream.linear.scatter [tilespmem:s21], [sflag:$0x1], $0x1400, $0x38;
	[tilespmem:$0x17500] =	vst v63  }
0x58: {  	_ =	swait.ge [sflag:s23], $0x1400  }
0x59: {  	[sflag:s23] =	ssyncset.done $0x0  }
0x5a: {  	[sflag:s23] =	ssyncadd.s32 $0xFFFFEC00  }
0x5b: {  	[spmem:s18] =	stream.linear.scatter [tilespmem:s21], [sflag:$0x1], $0x1400, $0x38;
	[tilespmem:$0x17500] =	vst v63  }
0x5c: {  	_ =	swait.ge [sflag:s23], $0x1400  }
0x5d: {  	[sflag:s23] =	ssyncset.done $0x0  }
0x5e: {  	[sflag:s23] =	ssyncadd.s32 $0xFFFFEC00  }
0x5f: {  	[spmem:s19] =	stream.linear.scatter [tilespmem:s21], [sflag:$0x1], $0x1400, $0x38;
	[tilespmem:$0x17500] =	vst v63  }
0x60: {  	_ =	swait.ge [sflag:s23], $0x1400  }
0x61: {  	[sflag:s23] =	ssyncset.done $0x0  }
0x62: {  	s30 =	simm.s32 $0x70;
	s31 =	simm.s32 $0x3C0;
	[sflag:s23] =	ssyncadd.s32 $0xFFFFEC00  }
.LBB2_4:
0x63: {  	p0 =	sne.s32 s31, $0xC7C0;
	[tilespmem:s30+$0x14100] =	vst v1  }
0x64: {  	[tilespmem:s30+$0x14090] =	vst v1  }
0x65: {  	[tilespmem:s30+$0x140A0] =	vst v1  }
.Ltmp1:
0x66: {  	[tilespmem:s30+$0x140B0] =	vst v1;
	(pc) =	sbr.rel @p0 .LBB2_4-.Ltmp1, $4  }
0x67: {  	[tilespmem:s30+$0x140C0] =	vst v1  }
0x68: {  	[tilespmem:s30+$0x140D0] =	vst v1  }
0x69: {  	[tilespmem:s30+$0x140E0] =	vst v1  }
0x6a: {  	[tilespmem:s30+$0x140F0] =	vst v1;
	s30 =	sshra.s32 s31, $0x2;
	s31 =	sadd.s32 $0x200, s31  }
0x6b: {  	[tilespmem:s30+$0x14100] =	vst v1  }
0x6c: {  	[tilespmem:s30+$0x14090] =	vst v1  }
0x6d: {  	[tilespmem:s30+$0x140A0] =	vst v1  }
0x6e: {  	[tilespmem:s30+$0x140B0] =	vst v1  }
0x6f: {  	[tilespmem:s30+$0x140C0] =	vst v1  }
0x70: {  	[tilespmem:s30+$0x140D0] =	vst v1  }
0x71: {  	[tilespmem:s30+$0x140E0] =	vst v1  }
0x72: {  	[tilespmem:s30+$0x140F0] =	vst v1  }
0x73: {  	s30 =	sadd.s32 $0x0, s22;
	[bflag:$0x0] =	sbarrier.arrive $0xFFFF  }
0x74: {  	[tilespmem:s25], [sflag:$0x1] =	stream.linear.gather [hbm4b:s30+s3], $0x100, $0x38;
	[tilespmem:$0x17500] =	vst v63  }
0x75: {  	_ =	swait.ge [sflag:s23], $0x100  }
0x76: {  	[sflag:s23] =	ssyncset.done $0x0  }
0x77: {  	[sflag:s23] =	ssyncadd.s32 $0xFFFFFF00  }
0x78: {  	[spmem:s1] =	stream.indirect.scatter.add.f32 [tilespmem:s21], [sflag:$0x1], $0x80, s25, s26, $0xb8;
	[tilespmem:$0x17500] =	vst v63  }
0x79: {  	_ =	swait.ge [sflag:s23], $0x3200  }
0x7a: {  	[sflag:s23] =	ssyncset.done $0x0  }
0x7b: {  	[sflag:s23] =	ssyncadd.s32 $0xFFFFCE00  }
0x7c: {  	[spmem:s1] =	stream.indirect.scatter.add.f32 [tilespmem:s21], [sflag:$0x1], $0x80, s28, s26, $0xb8;
	[tilespmem:$0x17500] =	vst v63  }
0x7d: {  	_ =	swait.ge [sflag:s23], $0x3200  }
0x7e: {  	s31 =	simm.s32 $0x40;
	s30 =	simm.s32 $0x20;
	[sflag:s23] =	ssyncset.done $0x0  }
.LBB2_6:
0x7f: {  	s0 =	sadd.s32 s30, s22  }
0x80: {  	[sflag:s23] =	ssyncadd.s32 $0xFFFFCE00;
	s30 =	smov.u32 s31;
	s2 =	sadd.s32 $0x20, s31  }
0x81: {  	[tilespmem:s25], [sflag:$0x1] =	stream.linear.gather [hbm4b:s0+s3], $0x100, $0x38;
	[tilespmem:$0x17500] =	vst v63  }
0x82: {  	p0 =	sne.s32 s31, $0x620;
	_ =	swait.ge [sflag:s23], $0x100  }
0x83: {  	[sflag:s23] =	ssyncset.done $0x0  }
0x84: {  	[sflag:s23] =	ssyncadd.s32 $0xFFFFFF00  }
0x85: {  	[spmem:s1] =	stream.indirect.scatter.add.f32 [tilespmem:s21], [sflag:$0x1], $0x80, s25, s26, $0xb8;
	[tilespmem:$0x17500] =	vst v63  }
0x86: {  	_ =	swait.ge [sflag:s23], $0x3200  }
.Ltmp2:
0x87: {  	[sflag:s23] =	ssyncset.done $0x0;
	(pc) =	sbr.rel @p0 .LBB2_6-.Ltmp2, $4  }
0x88: {  	[sflag:s23] =	ssyncadd.s32 $0xFFFFCE00  }
0x89: {  	[spmem:s1] =	stream.indirect.scatter.add.f32 [tilespmem:s21], [sflag:$0x1], $0x80, s28, s26, $0xb8;
	[tilespmem:$0x17500] =	vst v63  }
0x8a: {  	_ =	swait.ge [sflag:s23], $0x3200  }
0x8b: {  	s31 =	smov.u32 s2;
	[sflag:s23] =	ssyncset.done $0x0  }
0x8c: {  	s0 =	sadd.s32 s30, s22;
	[sflag:s23] =	ssyncadd.s32 $0xFFFFCE00  }
0x8d: {  	[tilespmem:s25], [sflag:$0x1] =	stream.linear.gather [hbm4b:s0+s3], $0x100, $0x38;
	[tilespmem:$0x17500] =	vst v63  }
0x8e: {  	_ =	swait.ge [sflag:s23], $0x100  }
0x8f: {  	[sflag:s23] =	ssyncset.done $0x0  }
0x90: {  	[sflag:s23] =	ssyncadd.s32 $0xFFFFFF00  }
0x91: {  	[spmem:s1] =	stream.indirect.scatter.add.f32 [tilespmem:s21], [sflag:$0x1], $0x80, s25, s26, $0xb8;
	[tilespmem:$0x17500] =	vst v63  }
0x92: {  	_ =	swait.ge [sflag:s23], $0x3200  }
0x93: {  	[sflag:s23] =	ssyncset.done $0x0  }
0x94: {  	[sflag:s23] =	ssyncadd.s32 $0xFFFFCE00  }
0x95: {  	[spmem:s1] =	stream.indirect.scatter.add.f32 [tilespmem:s21], [sflag:$0x1], $0x80, s28, s26, $0xb8;
	[tilespmem:$0x17500] =	vst v63  }
0x96: {  	s31 =	stileid.u32;
	_ =	swait.ge [sflag:s23], $0x3200  }
0x97: {  	s2 =	sshrl.u32 s4, $0x3;
	s29 =	sadd.s32 $0x1, s29;
	[sflag:s23] =	ssyncset.done $0x0  }
0x98: {  	s0 =	sshll.u32 s31, $0x6;
	p0 =	sne.s32 s29, s20;
	[sflag:s23] =	ssyncadd.s32 $0xFFFFCE00  }
.Ltmp3:
0x99: {  	s0 =	sor.u32 $0x1C01, s0;
	[bflag:$0x0] =	sbarrier.arrive $0xFFFF;
	(pc) =	sbr.rel @p0 .LBB2_1-.Ltmp3, $4  }
0x9a: {  	[hbm:s24], [sflag:s0] =	dma.local [spmem:s2], $0x2800  }
0x9b: {  	_ =	swait.ge [sflag:s23], $0x2800  }
0x9c: {  	[sflag:s23] =	ssyncset.done $0x0  }
0x9d: {  	[sflag:s23] =	ssyncadd.s32 $0xFFFFD800  }
0x9e: {  	_ =	sfence.sel $0x180000  }
0x9f: {  	[bflag:$0x0] =	sbarrier.arrive $0xFFFF  }
0xa0: {  	_ =	strace $0x9000004A  }
0xa1: {  	s0 =	stileid.u32;
	[bflag:$0x2] =	sbarrier.arrive $0xFFFF  }
0xa2: {  	p0 =	sne.s32 s0, $0x0;
	s0 =	rddreg [dreg:$0x2]  }
0xa3: {  	s0 =	sadd.s32 @!p0 $0x100000, s0  }
0xa4: {  	[sflag:s0] =	ssyncadd.tile.s32 @!p0 $0x1;
	_ =	shalt  }
.Lfunc_end2:
_tile_overlayer_lowered:
.L_overlay_start_2:
0xa5: {  	(tag) =	ssettag $0x2  }
0xa6: {  	s0 =	rddreg [dreg:$0x0];
	s2 =	stileid.u32  }
0xa7: {  	s1 =	rddreg [dreg:$0x1];
	p0 =	sne.s32 s2, $0x0  }
0xa8: {  	s3 =	rddreg [dreg:$0x2];
	[bflag:$0x3] =	sbarrier.arrive $0xFFFF;
	s2 =	simm.s32 @!p0 $0x1C01  }
0xa9: {  	[timem:s3], [sflag:s2] =	dma.local @!p0 [hbm:s0], s1  }
0xaa: {  	s0 =	simm.s32 @!p0 $0x1  }
0xab: {  	_ =	swait.ge @!p0 [sflag:s0], s1  }
0xac: {  	s1 =	ssub.s32 @!p0 $0x0, s1;
	[sflag:s0] =	ssyncset.done @!p0 $0x0  }
0xad: {  	[sflag:s0] =	ssyncadd.s32 @!p0 s1  }
0xae: {  	[bflag:$0x3] =	sbarrier.arrive $0xFFFF  }
0xaf: {  	_ =	shalt  }

// kernel: kernel.14.cloned.1.call-start
scs
__scs_entry_jumppad:
0x0: {  	(pc) =	sbr.rel $0x88, $3  }
0x1: {  	(tag) =	ssettag $0x0;
	lr =	simm.s32 $0x1  }
0x2: {  	[smem:$0x3F97] =	sst lr;
	_ =	strace $0xD0000000  }
0x3: {  	_ = 	snop  }
0x4: {  	_ = 	snop  }
0x5: {  	_ = 	snop  }
0x6: {  	_ = 	snop  }
0x7: {  	_ = 	snop  }
__scs_overlays_trampoline_lowered:
0x8: {  	[smem:$0x3FA6] =	sst s0  }
0x9: {  	[smem:$0x3FA7] =	sst s1  }
0xa: {  	[smem:$0x3FA8] =	sst s2  }
0xb: {  	[smem:$0x3FA9] =	sst s3  }
0xc: {  	[smem:$0x3FAA] =	sst s4  }
0xd: {  	[smem:$0x3FAB] =	sst s5  }
0xe: {  	[smem:$0x3FAC] =	sst s6  }
0xf: {  	[smem:$0x3FAD] =	sst s7  }
0x10: {  	[smem:$0x3FAE] =	sst s8  }
0x11: {  	[smem:$0x3FAF] =	sst s9;
	s0 =	simm.s32 @!p0 $0x0  }
0x12: {  	s1 =	sld [smem:$0x3F95];
	s0 =	simm.s32 @p0 $0x1  }
0x13: {  	[smem:$0x3FB0] =	sst s0;
	s0 =	simm.s32 @!p1 $0x0  }
0x14: {  	s2 =	sld [smem:$0x3F94];
	s0 =	simm.s32 @p1 $0x1  }
0x15: {  	[smem:$0x3FB1] =	sst s0;
	s0 =	simm.s32 @!p2 $0x0  }
0x16: {  	s3 =	sld [smem:$0x3FDB];
	s0 =	simm.s32 @p2 $0x1  }
0x17: {  	s4 =	simm.s32 $0x1BF5;
	[smem:$0x3FB3] =	sst s0  }
0x18: {  	s0 =	sld [smem:$0x3F96];
	_ =	swait.ge [sflag:s4], $0x0  }
0x19: {  	s7 =	sld [smem:$0x3F97]  }
0x1a: {  	s8 =	sadd.s32 $0xFFFFE003, lr  }
0x1b: {  	s9 =	sadd.s32 $0xFFFFFEF7, lr;
	s5 =	simm.s32 $0xFFFFFFFF;
	p2 =	slt.u32 s8, $0xFFFFF086  }
0x1c: {  	p1 =	slt.u32 s9, $0xF7A;
	s5 =	simm.s32 @!p2 $0x0  }
0x1d: {  	s5 =	simm.s32 @p1 $0x1;
	p0 =	seq.s32 s7, s2  }
0x1e: {  	s7 =	smul.u32 @!p0 $0xF7A, s2;
	p2 =	seq.s32 @!p0 s5, $0x0  }
0x1f: {  	s9 =	smul.u32 $0xF7A, s1;
	s8 =	simm.s32 @!p0 $0x1BF5;
	p2 =	por !p2, p0  }
0x20: {  	[sflag:s8] =	ssyncset.s32 @!p0 $0xFFFFF086;
	s6 =	sadd.s32 @!p0 s3, s7;
	s7 =	simm.s32 @!p0 $0x108  }
0x21: {  	s3 =	sadd.s32 s3, s9;
	s6 =	sadd.s32 @!p0 $0x88, s6;
	s7 =	simm.s32 @p2 $0x1082  }
0x22: {  	[simem:s7], [sflag:s8] =	dma.local @!p0 [hbm:s6], $0xF7A  }
0x23: {  	s9 =	sor.u32 $0xD0000000, s2;
	s6 =	simm.s32 $0x108;
	_ =	swait.ge @!p0 [sflag:s8], $0x0  }
0x24: {  	s3 =	sadd.s32 $0x88, s3;
	s6 =	simm.s32 @!p1 $0x1082;
	[sflag:s4] =	ssyncset.s32 $0xFFFFF086  }
0x25: {  	[simem:s6], [sflag:s4] =	dma.local [hbm:s3], $0xF7A  }
0x26: {  	[smem:$0x3F97] =	sst s1;
	(tag) =	ssettag s2;
	_ =	strace s9  }
0x27: {  	s1 =	sld [smem:$0x3FA7]  }
0x28: {  	s2 =	sld [smem:$0x3FA8]  }
0x29: {  	s4 =	sld [smem:$0x3FAA]  }
0x2a: {  	p0 =	seq.s32 s5, $0x0;
	s5 =	sld [smem:$0x3FAB]  }
0x2b: {  	s6 =	sld [smem:$0x3FAC]  }
0x2c: {  	s7 =	sld [smem:$0x3FAD]  }
0x2d: {  	s3 =	simm.s32 $0x108;
	s8 =	sld [smem:$0x3FAE]  }
0x2e: {  	s3 =	simm.s32 @!p0 $0x1082;
	s9 =	sld [smem:$0x3FAF]  }
0x2f: {  	lr =	sadd.s32 s0, s3;
	s0 =	sld [smem:$0x3FA6]  }
0x30: {  	s3 =	sld [smem:$0x3FA9]  }
0x31: {  	[smem:$0x3FB2] =	sst s10  }
0x32: {  	s10 =	sld [smem:$0x3FB0];
	_ =	sdelay $0x3  }
0x33: {  	p0 =	seq.s32 s10, $0x1;
	s10 =	sld [smem:$0x3FB2];
	_ =	sdelay $0x3  }
0x34: {  	[smem:$0x3FB2] =	sst s10  }
0x35: {  	s10 =	sld [smem:$0x3FB1];
	_ =	sdelay $0x3  }
0x36: {  	p1 =	seq.s32 s10, $0x1;
	s10 =	sld [smem:$0x3FB2];
	_ =	sdelay $0x3  }
0x37: {  	[smem:$0x3FB2] =	sst s10  }
0x38: {  	s10 =	sld [smem:$0x3FB3]  }
0x39: {  	_ = 	snop;
	(pc) =	sbr.ind lr, $3  }
0x3a: {  	_ = 	snop  }
0x3b: {  	_ = 	snop  }
0x3c: {  	p2 =	seq.s32 s10, $0x1;
	s10 =	sld [smem:$0x3FB2]  }
0x3d: {  	_ =	shalt  }
0x3e: {  	_ =	shalt  }
0x3f: {  	_ =	shalt  }
0x40: {  	_ =	shalt  }
0x41: {  	_ =	shalt  }
0x42: {  	_ =	shalt  }
0x43: {  	_ =	shalt  }
0x44: {  	_ =	shalt  }
0x45: {  	_ =	shalt  }
0x46: {  	_ =	shalt  }
0x47: {  	_ =	shalt  }
0x48: {  	_ =	shalt  }
0x49: {  	_ =	shalt  }
0x4a: {  	_ =	shalt  }
0x4b: {  	_ =	shalt  }
0x4c: {  	_ =	shalt  }
0x4d: {  	_ =	shalt  }
0x4e: {  	_ =	shalt  }
0x4f: {  	_ =	shalt  }
0x50: {  	_ =	shalt  }
0x51: {  	_ =	shalt  }
0x52: {  	_ =	shalt  }
0x53: {  	_ =	shalt  }
0x54: {  	_ =	shalt  }
0x55: {  	_ =	shalt  }
0x56: {  	_ =	shalt  }
0x57: {  	_ =	shalt  }
0x58: {  	_ =	shalt  }
0x59: {  	_ =	shalt  }
0x5a: {  	_ =	shalt  }
0x5b: {  	_ =	shalt  }
0x5c: {  	_ =	shalt  }
0x5d: {  	_ =	shalt  }
0x5e: {  	_ =	shalt  }
0x5f: {  	_ =	shalt  }
0x60: {  	_ =	shalt  }
0x61: {  	_ =	shalt  }
0x62: {  	_ =	shalt  }
0x63: {  	_ =	shalt  }
0x64: {  	_ =	shalt  }
0x65: {  	_ =	shalt  }
0x66: {  	_ =	shalt  }
0x67: {  	_ =	shalt  }
0x68: {  	_ =	shalt  }
0x69: {  	_ =	shalt  }
0x6a: {  	_ =	shalt  }
0x6b: {  	_ =	shalt  }
0x6c: {  	_ =	shalt  }
0x6d: {  	_ =	shalt  }
0x6e: {  	_ =	shalt  }
0x6f: {  	_ =	shalt  }
0x70: {  	_ =	shalt  }
0x71: {  	_ =	shalt  }
0x72: {  	_ =	shalt  }
0x73: {  	_ =	shalt  }
0x74: {  	_ =	shalt  }
0x75: {  	_ =	shalt  }
0x76: {  	_ =	shalt  }
0x77: {  	_ =	shalt  }
0x78: {  	_ =	shalt  }
0x79: {  	_ =	shalt  }
0x7a: {  	_ =	shalt  }
0x7b: {  	_ =	shalt  }
0x7c: {  	_ =	shalt  }
0x7d: {  	_ =	shalt  }
0x7e: {  	_ =	shalt  }
0x7f: {  	_ =	shalt  }
0x80: {  	_ =	shalt  }
0x81: {  	_ =	shalt  }
0x82: {  	_ =	shalt  }
0x83: {  	_ =	shalt  }
0x84: {  	_ =	shalt  }
0x85: {  	_ =	shalt  }
0x86: {  	_ =	shalt  }
0x87: {  	_ =	shalt  }
.Lfunc_end0:
.L_simem_size_0:
called_computation.1_lowered:
.L_overlay_start_0:
0x88: {  	s2 =	sld [smem:$0x3FD9]  }
0x89: {  	s3 =	sld [smem:$0x3FFE];
	_ =	sdelay $0x1  }
0x8a: {  	s1 =	srdreg.scid  }
0x8b: {  	s0 =	sand.u32 $0x1, s1  }
0x8c: {  	s16 =	sshll.u32 s0, $0xA;
	s2 =	sadd.s32 s3, s2  }
0x8d: {  	s2 =	sadd.s32 s2, s16  }
0x8e: {  	[smem:$0x3FBE] =	sst s2  }
0x8f: {  	_ = 	snop  }
0x90: {  	(tm) =	ssettm $0x1  }
0x91: {  	s17 =	sld [smem:$0x3FFB];
	_ =	sdelay $0x3  }
0x92: {  	_ =	strace s17  }
0x93: {  	s2 =	sld [smem:$0x3FFC];
	_ =	sdelay $0x3  }
0x94: {  	_ =	strace s2  }
0x95: {  	s2 =	sld [smem:$0x3FFD];
	_ =	sdelay $0x3  }
0x96: {  	_ =	strace s2  }
0x97: {  	_ =	strace $0x8FFFFFFF  }
0x98: {  	s18 =	sld [smem:$0x3FDB];
	_ =	sdelay $0x1  }
0x99: {  	s19 =	simm.s32 $_scs_section_size  }
0x9a: {  	s4 =	simm.s32 $_size__tile_overlayer_lowered;
	s5 =	simm.s32 $_tile_overlayer_lowered  }
0x9b: {  	s22 =	simm.s32 $0x1BFF;
	s21 =	sshll.u32 s5, $0x1;
	s2 =	sadd.s32 s19, s18  }
0x9c: {  	s6 =	simm.s32 $0x0;
	s20 =	sshll.u32 s4, $0x1;
	s4 =	sadd.s32 s21, s2  }
0x9d: {  	[timem:s6], [sflag:s22] =	dma.local [hbm:s4], s20  }
0x9e: {  	_ =	swait.ge [sflag:s22], s20  }
0x9f: {  	s3 =	ssub.s32 $0x0, s20;
	[sflag:s22] =	ssyncset.done $0x0  }
0xa0: {  	[sflag:s22] =	ssyncadd.s32 s3;
	_ =	sdelay $0x1  }
0xa1: {  	s23 =	simm.s32 $0x1B8B  }
0xa2: {  	_ =	swait.ge [sflag:s23], $0x1  }
0xa3: {  	[sflag:s23] =	ssyncset.done $0x0  }
0xa4: {  	s25 =	simm.s32 $0x1B8E;
	s24 =	sld [smem:$0x3FFE];
	[sflag:s23] =	ssyncadd.s32 $0xFFFFFFFF  }
0xa5: {  	s26 =	simm.s32 $execute0_lowered;
	[smem:$0x3FD2] =	sst s25  }
0xa6: {  	s4 =	sshll.u32 s26, $0x1;
	_ =	strace $0x80000046;
	[dreg:$0x1] =	wrdreg $0xFFFFFFFF  }
0xa7: {  	s28 =	simm.s32 $_size_execute0_lowered;
	s2 =	sadd.s32 s2, s4;
	[dreg:$0x0] =	wrdreg $0x0  }
0xa8: {  	s4 =	sshll.u32 s28, $0x1;
	[dreg:$0x2] =	wrdreg s2  }
0xa9: {  	[dreg:$0x3] =	wrdreg s4  }
0xaa: {  	[dreg:$0x4] =	wrdreg $0xC0  }
0xab: {  	_ =	task [dreg:s6], $0x5FFFF  }
0xac: {  	[dreg:$0x1] =	wrdreg $0xFFFFFFFF  }
0xad: {  	[dreg:$0x0] =	wrdreg $0x60  }
0xae: {  	[dreg:$0x2] =	wrdreg s24  }
0xaf: {  	[dreg:$0x3] =	wrdreg $0x0  }
0xb0: {  	[dreg:$0x4] =	wrdreg $0xA  }
0xb1: {  	_ =	task.clear_ibuf [dreg:s6], $0x5FFFF;
	_ =	strace $0x90000046  }
0xb2: {  	s29 =	simm.s32 $0xA;
	_ =	strace $0x80000048  }
0xb3: {  	_ =	swait.ge [sflag:s29], $0x1  }
0xb4: {  	[sflag:s29] =	ssyncadd.s32 $0xFFFFFFFF  }
0xb5: {  	_ =	strace $0x90000048  }
0xb6: {  	_ =	sfence  }
0xb7: {  	s30 =	sld [smem:$0x0];
	_ =	sdelay $0x2  }
0xb8: {  	s31 =	sshll.u32 s1, $0xD;
	s1 =	sshrl.u32 s1, $0x2  }
0xb9: {  	s3 =	sand.u32 $0x4000, s31;
	s1 =	sadd.s32 s1, s30  }
0xba: {  	s0 =	sor.u32 s3, s0;
	s1 =	sshll.u32 s1, $0x11  }
0xbb: {  	s0 =	sor.u32 s1, s0  }
0xbc: {  	s0 =	sadd.s32 $0x8F2B, s0  }
0xbd: {  	[sflag:s0] =	ssyncadd.remote.s32 $0x1  }
0xbe: {  	_ =	sfence.sel $0xFFFF  }
0xbf: {  	[dreg:$0x0] =	wrdreg $0xFFFFFFFF;
	(pc) =	sbr.abs _section_cstart, $3  }
0xc0: {  	[dreg:$0x1] =	wrdreg $0xFFFFFFFF  }
0xc1: {  	_ =	task.clear_ibuf [dreg:s6], $0x2FFFF;
	_ =	strace $0x9FFFFFFF  }
0xc2: {  	(tm) =	ssettm $0x7FFFFFFF  }
0xc3: {  	_ =	shalt  }
tec
execute0_lowered:
.L_overlay_start_1:
0x0: {  	(tag) =	ssettag $0x1  }
0x1: {  	s0 =	srdreg.scid;
	s1 =	rddreg [dreg:$0x0]  }
0x2: {  	s2 =	rddreg [dreg:$0x1];
	s10 =	stileid.u32;
	s3 =	simm.s32 $0x0  }
0x3: {  	s28 =	simm.s32 $0x14000;
	s29 =	simm.s32 $0x14100;
	s30 =	simm.s32 $0x64  }
0x4: {  	s31 =	simm.s32 $0x14080;
	s0 =	sand.u32 $0x1, s0;
	s5 =	smul.u32 $0x50000, s10  }
0x5: {  	[smem:$0x7FF] =	sst s3;
	s25 =	smul.u32 $0x2800, s10;
	s4 =	sshll.u32 s0, $0x4  }
0x6: {  	_ =	strace $0x80000047;
	s7 =	smul.u32 $0x28000, s0;
	s5 =	sshrl.u32 s5, $0x2  }
0x7: {  	s0 =	ssub.s32 $0x2, s0;
	s4 =	sor.u32 s10, s4;
	s5 =	sadd.s32 s5, s2  }
0x8: {  	s9 =	sshrl.u32 s0, $0x1;
	s6 =	smul.u32 $0x640, s4;
	s17 =	sadd.s32 $0x1400, s5  }
0x9: {  	s4 =	sadd.s32 $0x1BA00, s1;
	s18 =	sadd.s32 $0x2800, s5;
	[dreg:$0x3] =	wrdreg s17  }
0xa: {  	s7 =	sadd.s32 s7, s1;
	s19 =	sadd.s32 $0x3C00, s5;
	[dreg:$0x4] =	wrdreg s18  }
0xb: {  	s0 =	ssub.s32 s0, s9;
	s20 =	sadd.s32 $0x5000, s5;
	[dreg:$0x5] =	wrdreg s19  }
0xc: {  	s21 =	sadd.s32 $0x6400, s5;
	s22 =	sadd.s32 $0x7800, s5;
	[dreg:$0x6] =	wrdreg s20  }
0xd: {  	s23 =	sadd.s32 $0x8C00, s5;
	s24 =	sadd.s32 $0xA000, s5;
	[dreg:$0x7] =	wrdreg s21  }
0xe: {  	s14 =	sadd.s32 $0xB400, s5;
	s15 =	sadd.s32 $0xC800, s5;
	[dreg:$0x8] =	wrdreg s22  }
0xf: {  	s16 =	sadd.s32 $0xDC00, s5;
	s26 =	sadd.s32 $0x42C00, s7;
	[dreg:$0x9] =	wrdreg s23  }
0x10: {  	s7 =	simm.s32 $0x14180;
	s8 =	sadd.s32 s6, s1;
	[dreg:$0xa] =	wrdreg s24  }
0x11: {  	s17 =	sadd.s32 $0xF000, s5;
	s18 =	sadd.s32 $0x10400, s5;
	s19 =	sadd.s32 $0x11800, s5  }
0x12: {  	s1 =	sadd.s32 $0xF200, s1;
	s20 =	sadd.s32 $0x12C00, s5;
	s23 =	smax.u32 s0, $0x1  }
0x13: {  	s24 =	sadd.s32 s25, s26;
	s25 =	simm.s32 $0x14200;
	s26 =	simm.s32 $0x3  }
0x14: {  	s0 =	simm.s32 $0x17600;
	s21 =	sadd.s32 s6, s1;
	s22 =	sadd.s32 $0x2A00, s8  }
0x15: {  	v0 =	vimm.f32 $0.0e+00;
	s1 =	simm.s32 $0x1;
	s6 =	simm.s32 $0x2;
	s8 =	simm.s32 $0x0  }
.LBB2_1:
0x16: {  	s9 =	simm.s32 $0x70;
	s10 =	simm.s32 $0x3C0  }
.LBB2_2:
0x17: {  	p0 =	sne.s32 s10, $0x4FC0;
	[tilespmem:s9+$0x14200] =	vst v0  }
0x18: {  	[tilespmem:s9+$0x14190] =	vst v0  }
0x19: {  	[tilespmem:s9+$0x141A0] =	vst v0  }
.Ltmp0:
0x1a: {  	[tilespmem:s9+$0x141B0] =	vst v0;
	(pc) =	sbr.rel @p0 .LBB2_2-.Ltmp0, $4  }
0x1b: {  	[tilespmem:s9+$0x141C0] =	vst v0  }
0x1c: {  	[tilespmem:s9+$0x141D0] =	vst v0  }
0x1d: {  	[tilespmem:s9+$0x141E0] =	vst v0  }
0x1e: {  	[tilespmem:s9+$0x141F0] =	vst v0;
	s9 =	sshra.s32 s10, $0x2;
	s10 =	sadd.s32 $0x200, s10  }
0x1f: {  	[tilespmem:s9+$0x14200] =	vst v0  }
0x20: {  	[tilespmem:s9+$0x14190] =	vst v0  }
0x21: {  	[tilespmem:s9+$0x141A0] =	vst v0  }
0x22: {  	[tilespmem:s9+$0x141B0] =	vst v0  }
0x23: {  	[tilespmem:s9+$0x141C0] =	vst v0  }
0x24: {  	[tilespmem:s9+$0x141D0] =	vst v0  }
0x25: {  	[tilespmem:s9+$0x141E0] =	vst v0  }
0x26: {  	[tilespmem:s9+$0x141F0] =	vst v0  }
0x27: {  	[spmem:s5] =	stream.linear.scatter [tilespmem:s25], [sflag:$0x3], $0x1400, $0x38;
	[tilespmem:$0x1AA00] =	vst v63  }
0x28: {  	_ =	swait.ge [sflag:s26], $0x1400  }
0x29: {  	[sflag:s26] =	ssyncset.done $0x0  }
0x2a: {  	s12 =	rddreg [dreg:$0x3];
	[sflag:s26] =	ssyncadd.s32 $0xFFFFEC00  }
0x2b: {  	[spmem:s12] =	stream.linear.scatter [tilespmem:s25], [sflag:$0x3], $0x1400, $0x38;
	[tilespmem:$0x1AA00] =	vst v63  }
0x2c: {  	_ =	swait.ge [sflag:s26], $0x1400  }
0x2d: {  	[sflag:s26] =	ssyncset.done $0x0  }
0x2e: {  	s13 =	rddreg [dreg:$0x4];
	[sflag:s26] =	ssyncadd.s32 $0xFFFFEC00  }
0x2f: {  	[spmem:s13] =	stream.linear.scatter [tilespmem:s25], [sflag:$0x3], $0x1400, $0x38;
	[tilespmem:$0x1AA00] =	vst v63  }
0x30: {  	_ =	swait.ge [sflag:s26], $0x1400  }
0x31: {  	[sflag:s26] =	ssyncset.done $0x0  }
0x32: {  	s10 =	rddreg [dreg:$0x5];
	[sflag:s26] =	ssyncadd.s32 $0xFFFFEC00  }
0x33: {  	[spmem:s10] =	stream.linear.scatter [tilespmem:s25], [sflag:$0x3], $0x1400, $0x38;
	[tilespmem:$0x1AA00] =	vst v63  }
0x34: {  	_ =	swait.ge [sflag:s26], $0x1400  }
0x35: {  	[sflag:s26] =	ssyncset.done $0x0  }
0x36: {  	s11 =	rddreg [dreg:$0x6];
	[sflag:s26] =	ssyncadd.s32 $0xFFFFEC00  }
0x37: {  	[spmem:s11] =	stream.linear.scatter [tilespmem:s25], [sflag:$0x3], $0x1400, $0x38;
	[tilespmem:$0x1AA00] =	vst v63  }
0x38: {  	_ =	swait.ge [sflag:s26], $0x1400  }
0x39: {  	[sflag:s26] =	ssyncset.done $0x0  }
0x3a: {  	s12 =	rddreg [dreg:$0x7];
	[sflag:s26] =	ssyncadd.s32 $0xFFFFEC00  }
0x3b: {  	[spmem:s12] =	stream.linear.scatter [tilespmem:s25], [sflag:$0x3], $0x1400, $0x38;
	[tilespmem:$0x1AA00] =	vst v63  }
0x3c: {  	_ =	swait.ge [sflag:s26], $0x1400  }
0x3d: {  	[sflag:s26] =	ssyncset.done $0x0  }
0x3e: {  	s13 =	rddreg [dreg:$0x8];
	[sflag:s26] =	ssyncadd.s32 $0xFFFFEC00  }
0x3f: {  	[spmem:s13] =	stream.linear.scatter [tilespmem:s25], [sflag:$0x3], $0x1400, $0x38;
	[tilespmem:$0x1AA00] =	vst v63  }
0x40: {  	_ =	swait.ge [sflag:s26], $0x1400  }
0x41: {  	[sflag:s26] =	ssyncset.done $0x0  }
0x42: {  	s10 =	rddreg [dreg:$0x9];
	[sflag:s26] =	ssyncadd.s32 $0xFFFFEC00  }
0x43: {  	[spmem:s10] =	stream.linear.scatter [tilespmem:s25], [sflag:$0x3], $0x1400, $0x38;
	[tilespmem:$0x1AA00] =	vst v63  }
0x44: {  	_ =	swait.ge [sflag:s26], $0x1400  }
0x45: {  	[sflag:s26] =	ssyncset.done $0x0  }
0x46: {  	s11 =	rddreg [dreg:$0xa];
	[sflag:s26] =	ssyncadd.s32 $0xFFFFEC00  }
0x47: {  	[spmem:s11] =	stream.linear.scatter [tilespmem:s25], [sflag:$0x3], $0x1400, $0x38;
	[tilespmem:$0x1AA00] =	vst v63  }
0x48: {  	_ =	swait.ge [sflag:s26], $0x1400  }
0x49: {  	[sflag:s26] =	ssyncset.done $0x0  }
0x4a: {  	[sflag:s26] =	ssyncadd.s32 $0xFFFFEC00  }
0x4b: {  	[spmem:s14] =	stream.linear.scatter [tilespmem:s25], [sflag:$0x3], $0x1400, $0x38;
	[tilespmem:$0x1AA00] =	vst v63  }
0x4c: {  	_ =	swait.ge [sflag:s26], $0x1400  }
0x4d: {  	[sflag:s26] =	ssyncset.done $0x0  }
0x4e: {  	[sflag:s26] =	ssyncadd.s32 $0xFFFFEC00  }
0x4f: {  	[spmem:s15] =	stream.linear.scatter [tilespmem:s25], [sflag:$0x3], $0x1400, $0x38;
	[tilespmem:$0x1AA00] =	vst v63  }
0x50: {  	_ =	swait.ge [sflag:s26], $0x1400  }
0x51: {  	[sflag:s26] =	ssyncset.done $0x0  }
0x52: {  	[sflag:s26] =	ssyncadd.s32 $0xFFFFEC00  }
0x53: {  	[spmem:s16] =	stream.linear.scatter [tilespmem:s25], [sflag:$0x3], $0x1400, $0x38;
	[tilespmem:$0x1AA00] =	vst v63  }
0x54: {  	_ =	swait.ge [sflag:s26], $0x1400  }
0x55: {  	[sflag:s26] =	ssyncset.done $0x0  }
0x56: {  	[sflag:s26] =	ssyncadd.s32 $0xFFFFEC00  }
0x57: {  	[spmem:s17] =	stream.linear.scatter [tilespmem:s25], [sflag:$0x3], $0x1400, $0x38;
	[tilespmem:$0x1AA00] =	vst v63  }
0x58: {  	_ =	swait.ge [sflag:s26], $0x1400  }
0x59: {  	[sflag:s26] =	ssyncset.done $0x0  }
0x5a: {  	[sflag:s26] =	ssyncadd.s32 $0xFFFFEC00  }
0x5b: {  	[spmem:s18] =	stream.linear.scatter [tilespmem:s25], [sflag:$0x3], $0x1400, $0x38;
	[tilespmem:$0x1AA00] =	vst v63  }
0x5c: {  	_ =	swait.ge [sflag:s26], $0x1400  }
0x5d: {  	[sflag:s26] =	ssyncset.done $0x0  }
0x5e: {  	[sflag:s26] =	ssyncadd.s32 $0xFFFFEC00  }
0x5f: {  	[spmem:s19] =	stream.linear.scatter [tilespmem:s25], [sflag:$0x3], $0x1400, $0x38;
	[tilespmem:$0x1AA00] =	vst v63  }
0x60: {  	_ =	swait.ge [sflag:s26], $0x1400  }
0x61: {  	[sflag:s26] =	ssyncset.done $0x0  }
0x62: {  	[sflag:s26] =	ssyncadd.s32 $0xFFFFEC00  }
0x63: {  	[spmem:s20] =	stream.linear.scatter [tilespmem:s25], [sflag:$0x3], $0x1400, $0x38;
	[tilespmem:$0x1AA00] =	vst v63  }
0x64: {  	_ =	swait.ge [sflag:s26], $0x1400  }
0x65: {  	[sflag:s26] =	ssyncset.done $0x0  }
0x66: {  	[sflag:s26] =	ssyncadd.s32 $0xFFFFEC00  }
0x67: {  	s12 =	sadd.s32 $0x0, s22;
	[bflag:$0x0] =	sbarrier.arrive $0xFFFF  }
0x68: {  	[tilespmem:s28], [sflag:$0x3] =	stream.linear.gather [hbm4b:s12+s3], $0x100, $0x38;
	[tilespmem:$0x1AA00] =	vst v63  }
0x69: {  	_ =	swait.ge [sflag:s26], $0x100  }
0x6a: {  	[sflag:s26] =	ssyncset.done $0x0  }
0x6b: {  	s13 =	sadd.s32 $0x0, s21;
	[sflag:s26] =	ssyncadd.s32 $0xFFFFFF00  }
0x6c: {  	[tilespmem:s29], [sflag:$0x3] =	stream.linear.gather [hbm4b:s13+s3], $0x100, $0x38;
	[tilespmem:$0x1AA00] =	vst v63  }
0x6d: {  	_ =	swait.ge [sflag:s26], $0x100  }
0x6e: {  	[sflag:s26] =	ssyncset.done $0x0  }
0x6f: {  	[sflag:s26] =	ssyncadd.s32 $0xFFFFFF00  }
0x70: {  	[tilespmem:s25], [sflag:$0x1] =	stream.indirect.gather [hbm4b:s4+s30], $0x80, s28, s30, $0xb8;
	[tilespmem:$0x1AA00] =	vst v63  }
0x71: {  	_ = 	snop  }
0x72: {  	[tilespmem:s0], [sflag:$0x2] =	stream.indirect.gather [hbm4b:s4+s30], $0x80, s31, s30, $0xb8;
	[tilespmem:$0x1AA00] =	vst v63  }
0x73: {  	_ =	swait.ge [sflag:s1], $0x3200  }
0x74: {  	[sflag:s1] =	ssyncset.done $0x0  }
0x75: {  	[sflag:s1] =	ssyncadd.s32 $0xFFFFCE00  }
0x76: {  	[spmem:s2] =	stream.indirect.scatter.add.f32 [tilespmem:s25], [sflag:$0x3], $0x80, s29, s30, $0xb8;
	[tilespmem:$0x1AA00] =	vst v63  }
0x77: {  	_ =	swait.ge [sflag:s26], $0x3200  }
0x78: {  	[sflag:s26] =	ssyncset.done $0x0  }
0x79: {  	[sflag:s26] =	ssyncadd.s32 $0xFFFFCE00  }
0x7a: {  	_ =	swait.ge [sflag:s6], $0x3200  }
0x7b: {  	[sflag:s6] =	ssyncset.done $0x0  }
0x7c: {  	[sflag:s6] =	ssyncadd.s32 $0xFFFFCE00  }
0x7d: {  	[spmem:s2] =	stream.indirect.scatter.add.f32 [tilespmem:s0], [sflag:$0x3], $0x80, s7, s30, $0xb8;
	[tilespmem:$0x1AA00] =	vst v63  }
0x7e: {  	_ =	swait.ge [sflag:s26], $0x3200  }
0x7f: {  	s9 =	simm.s32 $0x20;
	s10 =	simm.s32 $0x40;
	[sflag:s26] =	ssyncset.done $0x0  }
.LBB2_4:
0x80: {  	s11 =	sadd.s32 s9, s22  }
0x81: {  	[sflag:s26] =	ssyncadd.s32 $0xFFFFCE00;
	s12 =	smov.u32 s10;
	s13 =	sadd.s32 $0x20, s10  }
0x82: {  	[tilespmem:s28], [sflag:$0x3] =	stream.linear.gather [hbm4b:s11+s3], $0x100, $0x38;
	[tilespmem:$0x1AA00] =	vst v63  }
0x83: {  	p0 =	sne.s32 s10, $0x620;
	_ =	swait.ge [sflag:s26], $0x100  }
0x84: {  	[sflag:s26] =	ssyncset.done $0x0  }
0x85: {  	s10 =	sadd.s32 s9, s21;
	s9 =	smov.u32 s12;
	[sflag:s26] =	ssyncadd.s32 $0xFFFFFF00  }
0x86: {  	[tilespmem:s29], [sflag:$0x3] =	stream.linear.gather [hbm4b:s10+s3], $0x100, $0x38;
	[tilespmem:$0x1AA00] =	vst v63  }
0x87: {  	_ =	swait.ge [sflag:s26], $0x100  }
0x88: {  	[sflag:s26] =	ssyncset.done $0x0  }
0x89: {  	[sflag:s26] =	ssyncadd.s32 $0xFFFFFF00  }
0x8a: {  	[tilespmem:s25], [sflag:$0x1] =	stream.indirect.gather [hbm4b:s4+s30], $0x80, s28, s30, $0xb8;
	[tilespmem:$0x1AA00] =	vst v63  }
0x8b: {  	_ = 	snop  }
0x8c: {  	[tilespmem:s0], [sflag:$0x2] =	stream.indirect.gather [hbm4b:s4+s30], $0x80, s31, s30, $0xb8;
	[tilespmem:$0x1AA00] =	vst v63  }
0x8d: {  	_ =	swait.ge [sflag:s1], $0x3200  }
0x8e: {  	[sflag:s1] =	ssyncset.done $0x0  }
0x8f: {  	[sflag:s1] =	ssyncadd.s32 $0xFFFFCE00  }
0x90: {  	[spmem:s2] =	stream.indirect.scatter.add.f32 [tilespmem:s25], [sflag:$0x3], $0x80, s29, s30, $0xb8;
	[tilespmem:$0x1AA00] =	vst v63  }
0x91: {  	_ =	swait.ge [sflag:s26], $0x3200  }
0x92: {  	[sflag:s26] =	ssyncset.done $0x0  }
0x93: {  	[sflag:s26] =	ssyncadd.s32 $0xFFFFCE00  }
0x94: {  	_ =	swait.ge [sflag:s6], $0x3200  }
.Ltmp1:
0x95: {  	[sflag:s6] =	ssyncset.done $0x0;
	(pc) =	sbr.rel @p0 .LBB2_4-.Ltmp1, $4  }
0x96: {  	[sflag:s6] =	ssyncadd.s32 $0xFFFFCE00  }
0x97: {  	[spmem:s2] =	stream.indirect.scatter.add.f32 [tilespmem:s0], [sflag:$0x3], $0x80, s7, s30, $0xb8;
	[tilespmem:$0x1AA00] =	vst v63  }
0x98: {  	_ =	swait.ge [sflag:s26], $0x3200  }
0x99: {  	s10 =	smov.u32 s13;
	[sflag:s26] =	ssyncset.done $0x0  }
0x9a: {  	s10 =	sadd.s32 s9, s22;
	[sflag:s26] =	ssyncadd.s32 $0xFFFFCE00  }
0x9b: {  	[tilespmem:s28], [sflag:$0x3] =	stream.linear.gather [hbm4b:s10+s3], $0x100, $0x38;
	[tilespmem:$0x1AA00] =	vst v63  }
0x9c: {  	_ =	swait.ge [sflag:s26], $0x100  }
0x9d: {  	[sflag:s26] =	ssyncset.done $0x0  }
0x9e: {  	s11 =	sadd.s32 s9, s21;
	[sflag:s26] =	ssyncadd.s32 $0xFFFFFF00  }
0x9f: {  	[tilespmem:s29], [sflag:$0x3] =	stream.linear.gather [hbm4b:s11+s3], $0x100, $0x38;
	[tilespmem:$0x1AA00] =	vst v63  }
0xa0: {  	_ =	swait.ge [sflag:s26], $0x100  }
0xa1: {  	[sflag:s26] =	ssyncset.done $0x0  }
0xa2: {  	[sflag:s26] =	ssyncadd.s32 $0xFFFFFF00  }
0xa3: {  	[tilespmem:s25], [sflag:$0x1] =	stream.indirect.gather [hbm4b:s4+s30], $0x80, s28, s30, $0xb8;
	[tilespmem:$0x1AA00] =	vst v63  }
0xa4: {  	_ = 	snop  }
0xa5: {  	[tilespmem:s0], [sflag:$0x2] =	stream.indirect.gather [hbm4b:s4+s30], $0x80, s31, s30, $0xb8;
	[tilespmem:$0x1AA00] =	vst v63  }
0xa6: {  	_ =	swait.ge [sflag:s1], $0x3200  }
0xa7: {  	[sflag:s1] =	ssyncset.done $0x0  }
0xa8: {  	[sflag:s1] =	ssyncadd.s32 $0xFFFFCE00  }
0xa9: {  	[spmem:s2] =	stream.indirect.scatter.add.f32 [tilespmem:s25], [sflag:$0x3], $0x80, s29, s30, $0xb8;
	[tilespmem:$0x1AA00] =	vst v63  }
0xaa: {  	_ =	swait.ge [sflag:s26], $0x3200  }
0xab: {  	[sflag:s26] =	ssyncset.done $0x0  }
0xac: {  	[sflag:s26] =	ssyncadd.s32 $0xFFFFCE00  }
0xad: {  	_ =	swait.ge [sflag:s6], $0x3200  }
0xae: {  	[sflag:s6] =	ssyncset.done $0x0  }
0xaf: {  	[sflag:s6] =	ssyncadd.s32 $0xFFFFCE00  }
0xb0: {  	[spmem:s2] =	stream.indirect.scatter.add.f32 [tilespmem:s0], [sflag:$0x3], $0x80, s7, s30, $0xb8;
	[tilespmem:$0x1AA00] =	vst v63  }
0xb1: {  	s12 =	stileid.u32;
	_ =	swait.ge [sflag:s26], $0x3200  }
0xb2: {  	s13 =	sshrl.u32 s5, $0x3;
	s8 =	sadd.s32 $0x1, s8;
	[sflag:s26] =	ssyncset.done $0x0  }
0xb3: {  	s9 =	sshll.u32 s12, $0x6;
	p0 =	sne.s32 s8, s23;
	[sflag:s26] =	ssyncadd.s32 $0xFFFFCE00  }
.Ltmp2:
0xb4: {  	s9 =	sor.u32 $0x1C03, s9;
	[bflag:$0x0] =	sbarrier.arrive $0xFFFF;
	(pc) =	sbr.rel @p0 .LBB2_1-.Ltmp2, $4  }
0xb5: {  	[hbm:s24], [sflag:s9] =	dma.local [spmem:s13], $0x2800  }
0xb6: {  	_ =	swait.ge [sflag:s26], $0x2800  }
0xb7: {  	[sflag:s26] =	ssyncset.done $0x0  }
0xb8: {  	[sflag:s26] =	ssyncadd.s32 $0xFFFFD800  }
0xb9: {  	_ =	sfence.sel $0x180000  }
0xba: {  	[bflag:$0x0] =	sbarrier.arrive $0xFFFF  }
0xbb: {  	_ =	strace $0x90000047  }
0xbc: {  	s0 =	stileid.u32;
	[bflag:$0x2] =	sbarrier.arrive $0xFFFF  }
0xbd: {  	p0 =	sne.s32 s0, $0x0;
	s0 =	rddreg [dreg:$0x2]  }
0xbe: {  	s0 =	sadd.s32 @!p0 $0x100000, s0  }
0xbf: {  	[sflag:s0] =	ssyncadd.tile.s32 @!p0 $0x1;
	_ =	shalt  }
.Lfunc_end2:
_tile_overlayer_lowered:
.L_overlay_start_2:
0xc0: {  	(tag) =	ssettag $0x2  }
0xc1: {  	s0 =	rddreg [dreg:$0x0];
	s2 =	stileid.u32  }
0xc2: {  	s1 =	rddreg [dreg:$0x1];
	p0 =	sne.s32 s2, $0x0  }
0xc3: {  	s3 =	rddreg [dreg:$0x2];
	[bflag:$0x3] =	sbarrier.arrive $0xFFFF;
	s2 =	simm.s32 @!p0 $0x1C03  }
0xc4: {  	[timem:s3], [sflag:s2] =	dma.local @!p0 [hbm:s0], s1  }
0xc5: {  	s0 =	simm.s32 @!p0 $0x3  }
0xc6: {  	_ =	swait.ge @!p0 [sflag:s0], s1  }
0xc7: {  	s1 =	ssub.s32 @!p0 $0x0, s1;
	[sflag:s0] =	ssyncset.done @!p0 $0x0  }
0xc8: {  	[sflag:s0] =	ssyncadd.s32 @!p0 s1  }
0xc9: {  	[bflag:$0x3] =	sbarrier.arrive $0xFFFF  }
0xca: {  	_ =	shalt  }

// kernel: kernel.17.cloned.1.call-start
scs
__scs_entry_jumppad:
0x0: {  	(pc) =	sbr.rel $0x88, $3  }
0x1: {  	(tag) =	ssettag $0x0;
	lr =	simm.s32 $0x1  }
0x2: {  	[smem:$0x3F97] =	sst lr;
	_ =	strace $0xD0000000  }
0x3: {  	_ = 	snop  }
0x4: {  	_ = 	snop  }
0x5: {  	_ = 	snop  }
0x6: {  	_ = 	snop  }
0x7: {  	_ = 	snop  }
__scs_overlays_trampoline_lowered:
0x8: {  	[smem:$0x3FA6] =	sst s0  }
0x9: {  	[smem:$0x3FA7] =	sst s1  }
0xa: {  	[smem:$0x3FA8] =	sst s2  }
0xb: {  	[smem:$0x3FA9] =	sst s3  }
0xc: {  	[smem:$0x3FAA] =	sst s4  }
0xd: {  	[smem:$0x3FAB] =	sst s5  }
0xe: {  	[smem:$0x3FAC] =	sst s6  }
0xf: {  	[smem:$0x3FAD] =	sst s7  }
0x10: {  	[smem:$0x3FAE] =	sst s8  }
0x11: {  	[smem:$0x3FAF] =	sst s9;
	s0 =	simm.s32 @!p0 $0x0  }
0x12: {  	s1 =	sld [smem:$0x3F95];
	s0 =	simm.s32 @p0 $0x1  }
0x13: {  	[smem:$0x3FB0] =	sst s0;
	s0 =	simm.s32 @!p1 $0x0  }
0x14: {  	s2 =	sld [smem:$0x3F94];
	s0 =	simm.s32 @p1 $0x1  }
0x15: {  	[smem:$0x3FB1] =	sst s0;
	s0 =	simm.s32 @!p2 $0x0  }
0x16: {  	s3 =	sld [smem:$0x3FDB];
	s0 =	simm.s32 @p2 $0x1  }
0x17: {  	s4 =	simm.s32 $0x1BF5;
	[smem:$0x3FB3] =	sst s0  }
0x18: {  	s0 =	sld [smem:$0x3F96];
	_ =	swait.ge [sflag:s4], $0x0  }
0x19: {  	s7 =	sld [smem:$0x3F97]  }
0x1a: {  	s8 =	sadd.s32 $0xFFFFE003, lr  }
0x1b: {  	s9 =	sadd.s32 $0xFFFFFEF7, lr;
	s5 =	simm.s32 $0xFFFFFFFF;
	p2 =	slt.u32 s8, $0xFFFFF086  }
0x1c: {  	p1 =	slt.u32 s9, $0xF7A;
	s5 =	simm.s32 @!p2 $0x0  }
0x1d: {  	s5 =	simm.s32 @p1 $0x1;
	p0 =	seq.s32 s7, s2  }
0x1e: {  	s7 =	smul.u32 @!p0 $0xF7A, s2;
	p2 =	seq.s32 @!p0 s5, $0x0  }
0x1f: {  	s9 =	smul.u32 $0xF7A, s1;
	s8 =	simm.s32 @!p0 $0x1BF5;
	p2 =	por !p2, p0  }
0x20: {  	[sflag:s8] =	ssyncset.s32 @!p0 $0xFFFFF086;
	s6 =	sadd.s32 @!p0 s3, s7;
	s7 =	simm.s32 @!p0 $0x108  }
0x21: {  	s3 =	sadd.s32 s3, s9;
	s6 =	sadd.s32 @!p0 $0x88, s6;
	s7 =	simm.s32 @p2 $0x1082  }
0x22: {  	[simem:s7], [sflag:s8] =	dma.local @!p0 [hbm:s6], $0xF7A  }
0x23: {  	s9 =	sor.u32 $0xD0000000, s2;
	s6 =	simm.s32 $0x108;
	_ =	swait.ge @!p0 [sflag:s8], $0x0  }
0x24: {  	s3 =	sadd.s32 $0x88, s3;
	s6 =	simm.s32 @!p1 $0x1082;
	[sflag:s4] =	ssyncset.s32 $0xFFFFF086  }
0x25: {  	[simem:s6], [sflag:s4] =	dma.local [hbm:s3], $0xF7A  }
0x26: {  	[smem:$0x3F97] =	sst s1;
	(tag) =	ssettag s2;
	_ =	strace s9  }
0x27: {  	s1 =	sld [smem:$0x3FA7]  }
0x28: {  	s2 =	sld [smem:$0x3FA8]  }
0x29: {  	s4 =	sld [smem:$0x3FAA]  }
0x2a: {  	p0 =	seq.s32 s5, $0x0;
	s5 =	sld [smem:$0x3FAB]  }
0x2b: {  	s6 =	sld [smem:$0x3FAC]  }
0x2c: {  	s7 =	sld [smem:$0x3FAD]  }
0x2d: {  	s3 =	simm.s32 $0x108;
	s8 =	sld [smem:$0x3FAE]  }
0x2e: {  	s3 =	simm.s32 @!p0 $0x1082;
	s9 =	sld [smem:$0x3FAF]  }
0x2f: {  	lr =	sadd.s32 s0, s3;
	s0 =	sld [smem:$0x3FA6]  }
0x30: {  	s3 =	sld [smem:$0x3FA9]  }
0x31: {  	[smem:$0x3FB2] =	sst s10  }
0x32: {  	s10 =	sld [smem:$0x3FB0];
	_ =	sdelay $0x3  }
0x33: {  	p0 =	seq.s32 s10, $0x1;
	s10 =	sld [smem:$0x3FB2];
	_ =	sdelay $0x3  }
0x34: {  	[smem:$0x3FB2] =	sst s10  }
0x35: {  	s10 =	sld [smem:$0x3FB1];
	_ =	sdelay $0x3  }
0x36: {  	p1 =	seq.s32 s10, $0x1;
	s10 =	sld [smem:$0x3FB2];
	_ =	sdelay $0x3  }
0x37: {  	[smem:$0x3FB2] =	sst s10  }
0x38: {  	s10 =	sld [smem:$0x3FB3]  }
0x39: {  	_ = 	snop;
	(pc) =	sbr.ind lr, $3  }
0x3a: {  	_ = 	snop  }
0x3b: {  	_ = 	snop  }
0x3c: {  	p2 =	seq.s32 s10, $0x1;
	s10 =	sld [smem:$0x3FB2]  }
0x3d: {  	_ =	shalt  }
0x3e: {  	_ =	shalt  }
0x3f: {  	_ =	shalt  }
0x40: {  	_ =	shalt  }
0x41: {  	_ =	shalt  }
0x42: {  	_ =	shalt  }
0x43: {  	_ =	shalt  }
0x44: {  	_ =	shalt  }
0x45: {  	_ =	shalt  }
0x46: {  	_ =	shalt  }
0x47: {  	_ =	shalt  }
0x48: {  	_ =	shalt  }
0x49: {  	_ =	shalt  }
0x4a: {  	_ =	shalt  }
0x4b: {  	_ =	shalt  }
0x4c: {  	_ =	shalt  }
0x4d: {  	_ =	shalt  }
0x4e: {  	_ =	shalt  }
0x4f: {  	_ =	shalt  }
0x50: {  	_ =	shalt  }
0x51: {  	_ =	shalt  }
0x52: {  	_ =	shalt  }
0x53: {  	_ =	shalt  }
0x54: {  	_ =	shalt  }
0x55: {  	_ =	shalt  }
0x56: {  	_ =	shalt  }
0x57: {  	_ =	shalt  }
0x58: {  	_ =	shalt  }
0x59: {  	_ =	shalt  }
0x5a: {  	_ =	shalt  }
0x5b: {  	_ =	shalt  }
0x5c: {  	_ =	shalt  }
0x5d: {  	_ =	shalt  }
0x5e: {  	_ =	shalt  }
0x5f: {  	_ =	shalt  }
0x60: {  	_ =	shalt  }
0x61: {  	_ =	shalt  }
0x62: {  	_ =	shalt  }
0x63: {  	_ =	shalt  }
0x64: {  	_ =	shalt  }
0x65: {  	_ =	shalt  }
0x66: {  	_ =	shalt  }
0x67: {  	_ =	shalt  }
0x68: {  	_ =	shalt  }
0x69: {  	_ =	shalt  }
0x6a: {  	_ =	shalt  }
0x6b: {  	_ =	shalt  }
0x6c: {  	_ =	shalt  }
0x6d: {  	_ =	shalt  }
0x6e: {  	_ =	shalt  }
0x6f: {  	_ =	shalt  }
0x70: {  	_ =	shalt  }
0x71: {  	_ =	shalt  }
0x72: {  	_ =	shalt  }
0x73: {  	_ =	shalt  }
0x74: {  	_ =	shalt  }
0x75: {  	_ =	shalt  }
0x76: {  	_ =	shalt  }
0x77: {  	_ =	shalt  }
0x78: {  	_ =	shalt  }
0x79: {  	_ =	shalt  }
0x7a: {  	_ =	shalt  }
0x7b: {  	_ =	shalt  }
0x7c: {  	_ =	shalt  }
0x7d: {  	_ =	shalt  }
0x7e: {  	_ =	shalt  }
0x7f: {  	_ =	shalt  }
0x80: {  	_ =	shalt  }
0x81: {  	_ =	shalt  }
0x82: {  	_ =	shalt  }
0x83: {  	_ =	shalt  }
0x84: {  	_ =	shalt  }
0x85: {  	_ =	shalt  }
0x86: {  	_ =	shalt  }
0x87: {  	_ =	shalt  }
.Lfunc_end0:
.L_simem_size_0:
called_computation.2_lowered:
.L_overlay_start_0:
0x88: {  	s2 =	sld [smem:$0x3FD9]  }
0x89: {  	s3 =	sld [smem:$0x3FFE];
	_ =	sdelay $0x1  }
0x8a: {  	s1 =	srdreg.scid  }
0x8b: {  	s0 =	sand.u32 $0x1, s1  }
0x8c: {  	s16 =	sshll.u32 s0, $0xA;
	s2 =	sadd.s32 s3, s2  }
0x8d: {  	s2 =	sadd.s32 s2, s16  }
0x8e: {  	[smem:$0x3FBE] =	sst s2  }
0x8f: {  	_ = 	snop  }
0x90: {  	(tm) =	ssettm $0x1  }
0x91: {  	s17 =	sld [smem:$0x3FFB];
	_ =	sdelay $0x3  }
0x92: {  	_ =	strace s17  }
0x93: {  	s2 =	sld [smem:$0x3FFC];
	_ =	sdelay $0x3  }
0x94: {  	_ =	strace s2  }
0x95: {  	s2 =	sld [smem:$0x3FFD];
	_ =	sdelay $0x3  }
0x96: {  	_ =	strace s2  }
0x97: {  	_ =	strace $0x8FFFFFFF  }
0x98: {  	s18 =	sld [smem:$0x3FDB];
	_ =	sdelay $0x1  }
0x99: {  	s19 =	simm.s32 $_scs_section_size  }
0x9a: {  	s4 =	simm.s32 $_size__tile_overlayer_lowered;
	s5 =	simm.s32 $_tile_overlayer_lowered  }
0x9b: {  	s22 =	simm.s32 $0x1BFF;
	s21 =	sshll.u32 s5, $0x1;
	s2 =	sadd.s32 s19, s18  }
0x9c: {  	s6 =	simm.s32 $0x0;
	s20 =	sshll.u32 s4, $0x1;
	s4 =	sadd.s32 s21, s2  }
0x9d: {  	[timem:s6], [sflag:s22] =	dma.local [hbm:s4], s20  }
0x9e: {  	_ =	swait.ge [sflag:s22], s20  }
0x9f: {  	s3 =	ssub.s32 $0x0, s20;
	[sflag:s22] =	ssyncset.done $0x0  }
0xa0: {  	[sflag:s22] =	ssyncadd.s32 s3;
	_ =	sdelay $0x1  }
0xa1: {  	s23 =	simm.s32 $0x1B8B  }
0xa2: {  	_ =	swait.ge [sflag:s23], $0x1  }
0xa3: {  	[sflag:s23] =	ssyncset.done $0x0  }
0xa4: {  	s25 =	simm.s32 $0x1B8E;
	s24 =	sld [smem:$0x3FFE];
	[sflag:s23] =	ssyncadd.s32 $0xFFFFFFFF  }
0xa5: {  	s26 =	simm.s32 $execute0_lowered;
	[smem:$0x3FD2] =	sst s25  }
0xa6: {  	s4 =	sshll.u32 s26, $0x1;
	_ =	strace $0x8000004C;
	[dreg:$0x1] =	wrdreg $0xFFFFFFFF  }
0xa7: {  	s28 =	simm.s32 $_size_execute0_lowered;
	s2 =	sadd.s32 s2, s4;
	[dreg:$0x0] =	wrdreg $0x0  }
0xa8: {  	s4 =	sshll.u32 s28, $0x1;
	[dreg:$0x2] =	wrdreg s2  }
0xa9: {  	[dreg:$0x3] =	wrdreg s4  }
0xaa: {  	[dreg:$0x4] =	wrdreg $0xC0  }
0xab: {  	_ =	task [dreg:s6], $0x5FFFF  }
0xac: {  	[dreg:$0x1] =	wrdreg $0xFFFFFFFF  }
0xad: {  	[dreg:$0x0] =	wrdreg $0x60  }
0xae: {  	[dreg:$0x2] =	wrdreg s24  }
0xaf: {  	[dreg:$0x3] =	wrdreg $0x0  }
0xb0: {  	[dreg:$0x4] =	wrdreg $0x9  }
0xb1: {  	_ =	task.clear_ibuf [dreg:s6], $0x5FFFF;
	_ =	strace $0x9000004C  }
0xb2: {  	s29 =	simm.s32 $0x9;
	_ =	strace $0x8000004E  }
0xb3: {  	_ =	swait.ge [sflag:s29], $0x1  }
0xb4: {  	[sflag:s29] =	ssyncadd.s32 $0xFFFFFFFF  }
0xb5: {  	_ =	strace $0x9000004E  }
0xb6: {  	_ =	sfence  }
0xb7: {  	s30 =	sld [smem:$0x0];
	_ =	sdelay $0x2  }
0xb8: {  	s31 =	sshll.u32 s1, $0xD;
	s1 =	sshrl.u32 s1, $0x2  }
0xb9: {  	s3 =	sand.u32 $0x4000, s31;
	s1 =	sadd.s32 s1, s30  }
0xba: {  	s0 =	sor.u32 s3, s0;
	s1 =	sshll.u32 s1, $0x11  }
0xbb: {  	s0 =	sor.u32 s1, s0  }
0xbc: {  	s0 =	sadd.s32 $0x8F2B, s0  }
0xbd: {  	[sflag:s0] =	ssyncadd.remote.s32 $0x1  }
0xbe: {  	_ =	sfence.sel $0xFFFF  }
0xbf: {  	[dreg:$0x0] =	wrdreg $0xFFFFFFFF;
	(pc) =	sbr.abs _section_cstart, $3  }
0xc0: {  	[dreg:$0x1] =	wrdreg $0xFFFFFFFF  }
0xc1: {  	_ =	task.clear_ibuf [dreg:s6], $0x2FFFF;
	_ =	strace $0x9FFFFFFF  }
0xc2: {  	(tm) =	ssettm $0x7FFFFFFF  }
0xc3: {  	_ =	shalt  }
tec
execute0_lowered:
.L_overlay_start_1:
0x0: {  	(tag) =	ssettag $0x1  }
0x1: {  	s0 =	srdreg.scid;
	s1 =	rddreg [dreg:$0x0]  }
0x2: {  	s2 =	rddreg [dreg:$0x1];
	s10 =	stileid.u32;
	s3 =	simm.s32 $0x0  }
0x3: {  	s28 =	simm.s32 $0x14000;
	s29 =	simm.s32 $0x14100;
	s30 =	simm.s32 $0x64  }
0x4: {  	s31 =	simm.s32 $0x14080;
	s0 =	sand.u32 $0x1, s0;
	s5 =	smul.u32 $0x50000, s10  }
0x5: {  	[smem:$0x7FF] =	sst s3;
	s25 =	smul.u32 $0x2800, s10;
	s4 =	sshll.u32 s0, $0x4  }
0x6: {  	_ =	strace $0x8000004D;
	s7 =	smul.u32 $0x28000, s0;
	s5 =	sshrl.u32 s5, $0x2  }
0x7: {  	s0 =	ssub.s32 $0x2, s0;
	s4 =	sor.u32 s10, s4;
	s5 =	sadd.s32 s5, s2  }
0x8: {  	s9 =	sshrl.u32 s0, $0x1;
	s6 =	smul.u32 $0x640, s4;
	s17 =	sadd.s32 $0x1400, s5  }
0x9: {  	s4 =	sadd.s32 $0x1BA00, s1;
	s18 =	sadd.s32 $0x2800, s5;
	[dreg:$0x3] =	wrdreg s17  }
0xa: {  	s7 =	sadd.s32 s7, s1;
	s19 =	sadd.s32 $0x3C00, s5;
	[dreg:$0x4] =	wrdreg s18  }
0xb: {  	s0 =	ssub.s32 s0, s9;
	s20 =	sadd.s32 $0x5000, s5;
	[dreg:$0x5] =	wrdreg s19  }
0xc: {  	s21 =	sadd.s32 $0x6400, s5;
	s22 =	sadd.s32 $0x7800, s5;
	[dreg:$0x6] =	wrdreg s20  }
0xd: {  	s23 =	sadd.s32 $0x8C00, s5;
	s24 =	sadd.s32 $0xA000, s5;
	[dreg:$0x7] =	wrdreg s21  }
0xe: {  	s14 =	sadd.s32 $0xB400, s5;
	s15 =	sadd.s32 $0xC800, s5;
	[dreg:$0x8] =	wrdreg s22  }
0xf: {  	s16 =	sadd.s32 $0xDC00, s5;
	s26 =	sadd.s32 $0x42C00, s7;
	[dreg:$0x9] =	wrdreg s23  }
0x10: {  	s7 =	simm.s32 $0x14180;
	s8 =	sadd.s32 s6, s1;
	[dreg:$0xa] =	wrdreg s24  }
0x11: {  	s17 =	sadd.s32 $0xF000, s5;
	s18 =	sadd.s32 $0x10400, s5;
	s19 =	sadd.s32 $0x11800, s5  }
0x12: {  	s1 =	sadd.s32 $0xF200, s1;
	s20 =	sadd.s32 $0x12C00, s5;
	s23 =	smax.u32 s0, $0x1  }
0x13: {  	s24 =	sadd.s32 s25, s26;
	s25 =	simm.s32 $0x14200;
	s26 =	simm.s32 $0x3  }
0x14: {  	s0 =	simm.s32 $0x17600;
	s21 =	sadd.s32 s6, s1;
	s22 =	sadd.s32 $0x2A00, s8  }
0x15: {  	v0 =	vimm.f32 $0.0e+00;
	s1 =	simm.s32 $0x1;
	s6 =	simm.s32 $0x2;
	s8 =	simm.s32 $0x0  }
.LBB2_1:
0x16: {  	s9 =	simm.s32 $0x70;
	s10 =	simm.s32 $0x3C0  }
.LBB2_2:
0x17: {  	p0 =	sne.s32 s10, $0x4FC0;
	[tilespmem:s9+$0x14200] =	vst v0  }
0x18: {  	[tilespmem:s9+$0x14190] =	vst v0  }
0x19: {  	[tilespmem:s9+$0x141A0] =	vst v0  }
.Ltmp0:
0x1a: {  	[tilespmem:s9+$0x141B0] =	vst v0;
	(pc) =	sbr.rel @p0 .LBB2_2-.Ltmp0, $4  }
0x1b: {  	[tilespmem:s9+$0x141C0] =	vst v0  }
0x1c: {  	[tilespmem:s9+$0x141D0] =	vst v0  }
0x1d: {  	[tilespmem:s9+$0x141E0] =	vst v0  }
0x1e: {  	[tilespmem:s9+$0x141F0] =	vst v0;
	s9 =	sshra.s32 s10, $0x2;
	s10 =	sadd.s32 $0x200, s10  }
0x1f: {  	[tilespmem:s9+$0x14200] =	vst v0  }
0x20: {  	[tilespmem:s9+$0x14190] =	vst v0  }
0x21: {  	[tilespmem:s9+$0x141A0] =	vst v0  }
0x22: {  	[tilespmem:s9+$0x141B0] =	vst v0  }
0x23: {  	[tilespmem:s9+$0x141C0] =	vst v0  }
0x24: {  	[tilespmem:s9+$0x141D0] =	vst v0  }
0x25: {  	[tilespmem:s9+$0x141E0] =	vst v0  }
0x26: {  	[tilespmem:s9+$0x141F0] =	vst v0  }
0x27: {  	[spmem:s5] =	stream.linear.scatter [tilespmem:s25], [sflag:$0x3], $0x1400, $0x38;
	[tilespmem:$0x1AA00] =	vst v63  }
0x28: {  	_ =	swait.ge [sflag:s26], $0x1400  }
0x29: {  	[sflag:s26] =	ssyncset.done $0x0  }
0x2a: {  	s12 =	rddreg [dreg:$0x3];
	[sflag:s26] =	ssyncadd.s32 $0xFFFFEC00  }
0x2b: {  	[spmem:s12] =	stream.linear.scatter [tilespmem:s25], [sflag:$0x3], $0x1400, $0x38;
	[tilespmem:$0x1AA00] =	vst v63  }
0x2c: {  	_ =	swait.ge [sflag:s26], $0x1400  }
0x2d: {  	[sflag:s26] =	ssyncset.done $0x0  }
0x2e: {  	s13 =	rddreg [dreg:$0x4];
	[sflag:s26] =	ssyncadd.s32 $0xFFFFEC00  }
0x2f: {  	[spmem:s13] =	stream.linear.scatter [tilespmem:s25], [sflag:$0x3], $0x1400, $0x38;
	[tilespmem:$0x1AA00] =	vst v63  }
0x30: {  	_ =	swait.ge [sflag:s26], $0x1400  }
0x31: {  	[sflag:s26] =	ssyncset.done $0x0  }
0x32: {  	s10 =	rddreg [dreg:$0x5];
	[sflag:s26] =	ssyncadd.s32 $0xFFFFEC00  }
0x33: {  	[spmem:s10] =	stream.linear.scatter [tilespmem:s25], [sflag:$0x3], $0x1400, $0x38;
	[tilespmem:$0x1AA00] =	vst v63  }
0x34: {  	_ =	swait.ge [sflag:s26], $0x1400  }
0x35: {  	[sflag:s26] =	ssyncset.done $0x0  }
0x36: {  	s11 =	rddreg [dreg:$0x6];
	[sflag:s26] =	ssyncadd.s32 $0xFFFFEC00  }
0x37: {  	[spmem:s11] =	stream.linear.scatter [tilespmem:s25], [sflag:$0x3], $0x1400, $0x38;
	[tilespmem:$0x1AA00] =	vst v63  }
0x38: {  	_ =	swait.ge [sflag:s26], $0x1400  }
0x39: {  	[sflag:s26] =	ssyncset.done $0x0  }
0x3a: {  	s12 =	rddreg [dreg:$0x7];
	[sflag:s26] =	ssyncadd.s32 $0xFFFFEC00  }
0x3b: {  	[spmem:s12] =	stream.linear.scatter [tilespmem:s25], [sflag:$0x3], $0x1400, $0x38;
	[tilespmem:$0x1AA00] =	vst v63  }
0x3c: {  	_ =	swait.ge [sflag:s26], $0x1400  }
0x3d: {  	[sflag:s26] =	ssyncset.done $0x0  }
0x3e: {  	s13 =	rddreg [dreg:$0x8];
	[sflag:s26] =	ssyncadd.s32 $0xFFFFEC00  }
0x3f: {  	[spmem:s13] =	stream.linear.scatter [tilespmem:s25], [sflag:$0x3], $0x1400, $0x38;
	[tilespmem:$0x1AA00] =	vst v63  }
0x40: {  	_ =	swait.ge [sflag:s26], $0x1400  }
0x41: {  	[sflag:s26] =	ssyncset.done $0x0  }
0x42: {  	s10 =	rddreg [dreg:$0x9];
	[sflag:s26] =	ssyncadd.s32 $0xFFFFEC00  }
0x43: {  	[spmem:s10] =	stream.linear.scatter [tilespmem:s25], [sflag:$0x3], $0x1400, $0x38;
	[tilespmem:$0x1AA00] =	vst v63  }
0x44: {  	_ =	swait.ge [sflag:s26], $0x1400  }
0x45: {  	[sflag:s26] =	ssyncset.done $0x0  }
0x46: {  	s11 =	rddreg [dreg:$0xa];
	[sflag:s26] =	ssyncadd.s32 $0xFFFFEC00  }
0x47: {  	[spmem:s11] =	stream.linear.scatter [tilespmem:s25], [sflag:$0x3], $0x1400, $0x38;
	[tilespmem:$0x1AA00] =	vst v63  }
0x48: {  	_ =	swait.ge [sflag:s26], $0x1400  }
0x49: {  	[sflag:s26] =	ssyncset.done $0x0  }
0x4a: {  	[sflag:s26] =	ssyncadd.s32 $0xFFFFEC00  }
0x4b: {  	[spmem:s14] =	stream.linear.scatter [tilespmem:s25], [sflag:$0x3], $0x1400, $0x38;
	[tilespmem:$0x1AA00] =	vst v63  }
0x4c: {  	_ =	swait.ge [sflag:s26], $0x1400  }
0x4d: {  	[sflag:s26] =	ssyncset.done $0x0  }
0x4e: {  	[sflag:s26] =	ssyncadd.s32 $0xFFFFEC00  }
0x4f: {  	[spmem:s15] =	stream.linear.scatter [tilespmem:s25], [sflag:$0x3], $0x1400, $0x38;
	[tilespmem:$0x1AA00] =	vst v63  }
0x50: {  	_ =	swait.ge [sflag:s26], $0x1400  }
0x51: {  	[sflag:s26] =	ssyncset.done $0x0  }
0x52: {  	[sflag:s26] =	ssyncadd.s32 $0xFFFFEC00  }
0x53: {  	[spmem:s16] =	stream.linear.scatter [tilespmem:s25], [sflag:$0x3], $0x1400, $0x38;
	[tilespmem:$0x1AA00] =	vst v63  }
0x54: {  	_ =	swait.ge [sflag:s26], $0x1400  }
0x55: {  	[sflag:s26] =	ssyncset.done $0x0  }
0x56: {  	[sflag:s26] =	ssyncadd.s32 $0xFFFFEC00  }
0x57: {  	[spmem:s17] =	stream.linear.scatter [tilespmem:s25], [sflag:$0x3], $0x1400, $0x38;
	[tilespmem:$0x1AA00] =	vst v63  }
0x58: {  	_ =	swait.ge [sflag:s26], $0x1400  }
0x59: {  	[sflag:s26] =	ssyncset.done $0x0  }
0x5a: {  	[sflag:s26] =	ssyncadd.s32 $0xFFFFEC00  }
0x5b: {  	[spmem:s18] =	stream.linear.scatter [tilespmem:s25], [sflag:$0x3], $0x1400, $0x38;
	[tilespmem:$0x1AA00] =	vst v63  }
0x5c: {  	_ =	swait.ge [sflag:s26], $0x1400  }
0x5d: {  	[sflag:s26] =	ssyncset.done $0x0  }
0x5e: {  	[sflag:s26] =	ssyncadd.s32 $0xFFFFEC00  }
0x5f: {  	[spmem:s19] =	stream.linear.scatter [tilespmem:s25], [sflag:$0x3], $0x1400, $0x38;
	[tilespmem:$0x1AA00] =	vst v63  }
0x60: {  	_ =	swait.ge [sflag:s26], $0x1400  }
0x61: {  	[sflag:s26] =	ssyncset.done $0x0  }
0x62: {  	[sflag:s26] =	ssyncadd.s32 $0xFFFFEC00  }
0x63: {  	[spmem:s20] =	stream.linear.scatter [tilespmem:s25], [sflag:$0x3], $0x1400, $0x38;
	[tilespmem:$0x1AA00] =	vst v63  }
0x64: {  	_ =	swait.ge [sflag:s26], $0x1400  }
0x65: {  	[sflag:s26] =	ssyncset.done $0x0  }
0x66: {  	[sflag:s26] =	ssyncadd.s32 $0xFFFFEC00  }
0x67: {  	s12 =	sadd.s32 $0x0, s22;
	[bflag:$0x0] =	sbarrier.arrive $0xFFFF  }
0x68: {  	[tilespmem:s28], [sflag:$0x3] =	stream.linear.gather [hbm4b:s12+s3], $0x100, $0x38;
	[tilespmem:$0x1AA00] =	vst v63  }
0x69: {  	_ =	swait.ge [sflag:s26], $0x100  }
0x6a: {  	[sflag:s26] =	ssyncset.done $0x0  }
0x6b: {  	s13 =	sadd.s32 $0x0, s21;
	[sflag:s26] =	ssyncadd.s32 $0xFFFFFF00  }
0x6c: {  	[tilespmem:s29], [sflag:$0x3] =	stream.linear.gather [hbm4b:s13+s3], $0x100, $0x38;
	[tilespmem:$0x1AA00] =	vst v63  }
0x6d: {  	_ =	swait.ge [sflag:s26], $0x100  }
0x6e: {  	[sflag:s26] =	ssyncset.done $0x0  }
0x6f: {  	[sflag:s26] =	ssyncadd.s32 $0xFFFFFF00  }
0x70: {  	[tilespmem:s25], [sflag:$0x1] =	stream.indirect.gather [hbm4b:s4+s30], $0x80, s28, s30, $0xb8;
	[tilespmem:$0x1AA00] =	vst v63  }
0x71: {  	_ = 	snop  }
0x72: {  	[tilespmem:s0], [sflag:$0x2] =	stream.indirect.gather [hbm4b:s4+s30], $0x80, s31, s30, $0xb8;
	[tilespmem:$0x1AA00] =	vst v63  }
0x73: {  	_ =	swait.ge [sflag:s1], $0x3200  }
0x74: {  	[sflag:s1] =	ssyncset.done $0x0  }
0x75: {  	[sflag:s1] =	ssyncadd.s32 $0xFFFFCE00  }
0x76: {  	[spmem:s2] =	stream.indirect.scatter.add.f32 [tilespmem:s25], [sflag:$0x3], $0x80, s29, s30, $0xb8;
	[tilespmem:$0x1AA00] =	vst v63  }
0x77: {  	_ =	swait.ge [sflag:s26], $0x3200  }
0x78: {  	[sflag:s26] =	ssyncset.done $0x0  }
0x79: {  	[sflag:s26] =	ssyncadd.s32 $0xFFFFCE00  }
0x7a: {  	_ =	swait.ge [sflag:s6], $0x3200  }
0x7b: {  	[sflag:s6] =	ssyncset.done $0x0  }
0x7c: {  	[sflag:s6] =	ssyncadd.s32 $0xFFFFCE00  }
0x7d: {  	[spmem:s2] =	stream.indirect.scatter.add.f32 [tilespmem:s0], [sflag:$0x3], $0x80, s7, s30, $0xb8;
	[tilespmem:$0x1AA00] =	vst v63  }
0x7e: {  	_ =	swait.ge [sflag:s26], $0x3200  }
0x7f: {  	s9 =	simm.s32 $0x20;
	s10 =	simm.s32 $0x40;
	[sflag:s26] =	ssyncset.done $0x0  }
.LBB2_4:
0x80: {  	s11 =	sadd.s32 s9, s22  }
0x81: {  	[sflag:s26] =	ssyncadd.s32 $0xFFFFCE00;
	s12 =	smov.u32 s10;
	s13 =	sadd.s32 $0x20, s10  }
0x82: {  	[tilespmem:s28], [sflag:$0x3] =	stream.linear.gather [hbm4b:s11+s3], $0x100, $0x38;
	[tilespmem:$0x1AA00] =	vst v63  }
0x83: {  	p0 =	sne.s32 s10, $0x620;
	_ =	swait.ge [sflag:s26], $0x100  }
0x84: {  	[sflag:s26] =	ssyncset.done $0x0  }
0x85: {  	s10 =	sadd.s32 s9, s21;
	s9 =	smov.u32 s12;
	[sflag:s26] =	ssyncadd.s32 $0xFFFFFF00  }
0x86: {  	[tilespmem:s29], [sflag:$0x3] =	stream.linear.gather [hbm4b:s10+s3], $0x100, $0x38;
	[tilespmem:$0x1AA00] =	vst v63  }
0x87: {  	_ =	swait.ge [sflag:s26], $0x100  }
0x88: {  	[sflag:s26] =	ssyncset.done $0x0  }
0x89: {  	[sflag:s26] =	ssyncadd.s32 $0xFFFFFF00  }
0x8a: {  	[tilespmem:s25], [sflag:$0x1] =	stream.indirect.gather [hbm4b:s4+s30], $0x80, s28, s30, $0xb8;
	[tilespmem:$0x1AA00] =	vst v63  }
0x8b: {  	_ = 	snop  }
0x8c: {  	[tilespmem:s0], [sflag:$0x2] =	stream.indirect.gather [hbm4b:s4+s30], $0x80, s31, s30, $0xb8;
	[tilespmem:$0x1AA00] =	vst v63  }
0x8d: {  	_ =	swait.ge [sflag:s1], $0x3200  }
0x8e: {  	[sflag:s1] =	ssyncset.done $0x0  }
0x8f: {  	[sflag:s1] =	ssyncadd.s32 $0xFFFFCE00  }
0x90: {  	[spmem:s2] =	stream.indirect.scatter.add.f32 [tilespmem:s25], [sflag:$0x3], $0x80, s29, s30, $0xb8;
	[tilespmem:$0x1AA00] =	vst v63  }
0x91: {  	_ =	swait.ge [sflag:s26], $0x3200  }
0x92: {  	[sflag:s26] =	ssyncset.done $0x0  }
0x93: {  	[sflag:s26] =	ssyncadd.s32 $0xFFFFCE00  }
0x94: {  	_ =	swait.ge [sflag:s6], $0x3200  }
.Ltmp1:
0x95: {  	[sflag:s6] =	ssyncset.done $0x0;
	(pc) =	sbr.rel @p0 .LBB2_4-.Ltmp1, $4  }
0x96: {  	[sflag:s6] =	ssyncadd.s32 $0xFFFFCE00  }
0x97: {  	[spmem:s2] =	stream.indirect.scatter.add.f32 [tilespmem:s0], [sflag:$0x3], $0x80, s7, s30, $0xb8;
	[tilespmem:$0x1AA00] =	vst v63  }
0x98: {  	_ =	swait.ge [sflag:s26], $0x3200  }
0x99: {  	s10 =	smov.u32 s13;
	[sflag:s26] =	ssyncset.done $0x0  }
0x9a: {  	s10 =	sadd.s32 s9, s22;
	[sflag:s26] =	ssyncadd.s32 $0xFFFFCE00  }
0x9b: {  	[tilespmem:s28], [sflag:$0x3] =	stream.linear.gather [hbm4b:s10+s3], $0x100, $0x38;
	[tilespmem:$0x1AA00] =	vst v63  }
0x9c: {  	_ =	swait.ge [sflag:s26], $0x100  }
0x9d: {  	[sflag:s26] =	ssyncset.done $0x0  }
0x9e: {  	s11 =	sadd.s32 s9, s21;
	[sflag:s26] =	ssyncadd.s32 $0xFFFFFF00  }
0x9f: {  	[tilespmem:s29], [sflag:$0x3] =	stream.linear.gather [hbm4b:s11+s3], $0x100, $0x38;
	[tilespmem:$0x1AA00] =	vst v63  }
0xa0: {  	_ =	swait.ge [sflag:s26], $0x100  }
0xa1: {  	[sflag:s26] =	ssyncset.done $0x0  }
0xa2: {  	[sflag:s26] =	ssyncadd.s32 $0xFFFFFF00  }
0xa3: {  	[tilespmem:s25], [sflag:$0x1] =	stream.indirect.gather [hbm4b:s4+s30], $0x80, s28, s30, $0xb8;
	[tilespmem:$0x1AA00] =	vst v63  }
0xa4: {  	_ = 	snop  }
0xa5: {  	[tilespmem:s0], [sflag:$0x2] =	stream.indirect.gather [hbm4b:s4+s30], $0x80, s31, s30, $0xb8;
	[tilespmem:$0x1AA00] =	vst v63  }
0xa6: {  	_ =	swait.ge [sflag:s1], $0x3200  }
0xa7: {  	[sflag:s1] =	ssyncset.done $0x0  }
0xa8: {  	[sflag:s1] =	ssyncadd.s32 $0xFFFFCE00  }
0xa9: {  	[spmem:s2] =	stream.indirect.scatter.add.f32 [tilespmem:s25], [sflag:$0x3], $0x80, s29, s30, $0xb8;
	[tilespmem:$0x1AA00] =	vst v63  }
0xaa: {  	_ =	swait.ge [sflag:s26], $0x3200  }
0xab: {  	[sflag:s26] =	ssyncset.done $0x0  }
0xac: {  	[sflag:s26] =	ssyncadd.s32 $0xFFFFCE00  }
0xad: {  	_ =	swait.ge [sflag:s6], $0x3200  }
0xae: {  	[sflag:s6] =	ssyncset.done $0x0  }
0xaf: {  	[sflag:s6] =	ssyncadd.s32 $0xFFFFCE00  }
0xb0: {  	[spmem:s2] =	stream.indirect.scatter.add.f32 [tilespmem:s0], [sflag:$0x3], $0x80, s7, s30, $0xb8;
	[tilespmem:$0x1AA00] =	vst v63  }
0xb1: {  	s12 =	stileid.u32;
	_ =	swait.ge [sflag:s26], $0x3200  }
0xb2: {  	s13 =	sshrl.u32 s5, $0x3;
	s8 =	sadd.s32 $0x1, s8;
	[sflag:s26] =	ssyncset.done $0x0  }
0xb3: {  	s9 =	sshll.u32 s12, $0x6;
	p0 =	sne.s32 s8, s23;
	[sflag:s26] =	ssyncadd.s32 $0xFFFFCE00  }
.Ltmp2:
0xb4: {  	s9 =	sor.u32 $0x1C03, s9;
	[bflag:$0x0] =	sbarrier.arrive $0xFFFF;
	(pc) =	sbr.rel @p0 .LBB2_1-.Ltmp2, $4  }
0xb5: {  	[hbm:s24], [sflag:s9] =	dma.local [spmem:s13], $0x2800  }
0xb6: {  	_ =	swait.ge [sflag:s26], $0x2800  }
0xb7: {  	[sflag:s26] =	ssyncset.done $0x0  }
0xb8: {  	[sflag:s26] =	ssyncadd.s32 $0xFFFFD800  }
0xb9: {  	_ =	sfence.sel $0x180000  }
0xba: {  	[bflag:$0x0] =	sbarrier.arrive $0xFFFF  }
0xbb: {  	_ =	strace $0x9000004D  }
0xbc: {  	s0 =	stileid.u32;
	[bflag:$0x2] =	sbarrier.arrive $0xFFFF  }
0xbd: {  	p0 =	sne.s32 s0, $0x0;
	s0 =	rddreg [dreg:$0x2]  }
0xbe: {  	s0 =	sadd.s32 @!p0 $0x100000, s0  }
0xbf: {  	[sflag:s0] =	ssyncadd.tile.s32 @!p0 $0x1;
	_ =	shalt  }
.Lfunc_end2:
_tile_overlayer_lowered:
.L_overlay_start_2:
0xc0: {  	(tag) =	ssettag $0x2  }
0xc1: {  	s0 =	rddreg [dreg:$0x0];
	s2 =	stileid.u32  }
0xc2: {  	s1 =	rddreg [dreg:$0x1];
	p0 =	sne.s32 s2, $0x0  }
0xc3: {  	s3 =	rddreg [dreg:$0x2];
	[bflag:$0x3] =	sbarrier.arrive $0xFFFF;
	s2 =	simm.s32 @!p0 $0x1C03  }
0xc4: {  	[timem:s3], [sflag:s2] =	dma.local @!p0 [hbm:s0], s1  }
0xc5: {  	s0 =	simm.s32 @!p0 $0x3  }
0xc6: {  	_ =	swait.ge @!p0 [sflag:s0], s1  }
0xc7: {  	s1 =	ssub.s32 @!p0 $0x0, s1;
	[sflag:s0] =	ssyncset.done @!p0 $0x0  }
0xc8: {  	[sflag:s0] =	ssyncadd.s32 @!p0 s1  }
0xc9: {  	[bflag:$0x3] =	sbarrier.arrive $0xFFFF  }
0xca: {  	_ =	shalt  }

// kernel: kernel.20.cloned.1.call-start
scs
__scs_entry_jumppad:
0x0: {  	(pc) =	sbr.rel $0x88, $3  }
0x1: {  	(tag) =	ssettag $0x0;
	lr =	simm.s32 $0x1  }
0x2: {  	[smem:$0x3F97] =	sst lr;
	_ =	strace $0xD0000000  }
0x3: {  	_ = 	snop  }
0x4: {  	_ = 	snop  }
0x5: {  	_ = 	snop  }
0x6: {  	_ = 	snop  }
0x7: {  	_ = 	snop  }
__scs_overlays_trampoline_lowered:
0x8: {  	[smem:$0x3FA6] =	sst s0  }
0x9: {  	[smem:$0x3FA7] =	sst s1  }
0xa: {  	[smem:$0x3FA8] =	sst s2  }
0xb: {  	[smem:$0x3FA9] =	sst s3  }
0xc: {  	[smem:$0x3FAA] =	sst s4  }
0xd: {  	[smem:$0x3FAB] =	sst s5  }
0xe: {  	[smem:$0x3FAC] =	sst s6  }
0xf: {  	[smem:$0x3FAD] =	sst s7  }
0x10: {  	[smem:$0x3FAE] =	sst s8  }
0x11: {  	[smem:$0x3FAF] =	sst s9;
	s0 =	simm.s32 @!p0 $0x0  }
0x12: {  	s1 =	sld [smem:$0x3F95];
	s0 =	simm.s32 @p0 $0x1  }
0x13: {  	[smem:$0x3FB0] =	sst s0;
	s0 =	simm.s32 @!p1 $0x0  }
0x14: {  	s2 =	sld [smem:$0x3F94];
	s0 =	simm.s32 @p1 $0x1  }
0x15: {  	[smem:$0x3FB1] =	sst s0;
	s0 =	simm.s32 @!p2 $0x0  }
0x16: {  	s3 =	sld [smem:$0x3FDB];
	s0 =	simm.s32 @p2 $0x1  }
0x17: {  	s4 =	simm.s32 $0x1BF5;
	[smem:$0x3FB3] =	sst s0  }
0x18: {  	s0 =	sld [smem:$0x3F96];
	_ =	swait.ge [sflag:s4], $0x0  }
0x19: {  	s7 =	sld [smem:$0x3F97]  }
0x1a: {  	s8 =	sadd.s32 $0xFFFFE003, lr  }
0x1b: {  	s9 =	sadd.s32 $0xFFFFFEF7, lr;
	s5 =	simm.s32 $0xFFFFFFFF;
	p2 =	slt.u32 s8, $0xFFFFF086  }
0x1c: {  	p1 =	slt.u32 s9, $0xF7A;
	s5 =	simm.s32 @!p2 $0x0  }
0x1d: {  	s5 =	simm.s32 @p1 $0x1;
	p0 =	seq.s32 s7, s2  }
0x1e: {  	s7 =	smul.u32 @!p0 $0xF7A, s2;
	p2 =	seq.s32 @!p0 s5, $0x0  }
0x1f: {  	s9 =	smul.u32 $0xF7A, s1;
	s8 =	simm.s32 @!p0 $0x1BF5;
	p2 =	por !p2, p0  }
0x20: {  	[sflag:s8] =	ssyncset.s32 @!p0 $0xFFFFF086;
	s6 =	sadd.s32 @!p0 s3, s7;
	s7 =	simm.s32 @!p0 $0x108  }
0x21: {  	s3 =	sadd.s32 s3, s9;
	s6 =	sadd.s32 @!p0 $0x88, s6;
	s7 =	simm.s32 @p2 $0x1082  }
0x22: {  	[simem:s7], [sflag:s8] =	dma.local @!p0 [hbm:s6], $0xF7A  }
0x23: {  	s9 =	sor.u32 $0xD0000000, s2;
	s6 =	simm.s32 $0x108;
	_ =	swait.ge @!p0 [sflag:s8], $0x0  }
0x24: {  	s3 =	sadd.s32 $0x88, s3;
	s6 =	simm.s32 @!p1 $0x1082;
	[sflag:s4] =	ssyncset.s32 $0xFFFFF086  }
0x25: {  	[simem:s6], [sflag:s4] =	dma.local [hbm:s3], $0xF7A  }
0x26: {  	[smem:$0x3F97] =	sst s1;
	(tag) =	ssettag s2;
	_ =	strace s9  }
0x27: {  	s1 =	sld [smem:$0x3FA7]  }
0x28: {  	s2 =	sld [smem:$0x3FA8]  }
0x29: {  	s4 =	sld [smem:$0x3FAA]  }
0x2a: {  	p0 =	seq.s32 s5, $0x0;
	s5 =	sld [smem:$0x3FAB]  }
0x2b: {  	s6 =	sld [smem:$0x3FAC]  }
0x2c: {  	s7 =	sld [smem:$0x3FAD]  }
0x2d: {  	s3 =	simm.s32 $0x108;
	s8 =	sld [smem:$0x3FAE]  }
0x2e: {  	s3 =	simm.s32 @!p0 $0x1082;
	s9 =	sld [smem:$0x3FAF]  }
0x2f: {  	lr =	sadd.s32 s0, s3;
	s0 =	sld [smem:$0x3FA6]  }
0x30: {  	s3 =	sld [smem:$0x3FA9]  }
0x31: {  	[smem:$0x3FB2] =	sst s10  }
0x32: {  	s10 =	sld [smem:$0x3FB0];
	_ =	sdelay $0x3  }
0x33: {  	p0 =	seq.s32 s10, $0x1;
	s10 =	sld [smem:$0x3FB2];
	_ =	sdelay $0x3  }
0x34: {  	[smem:$0x3FB2] =	sst s10  }
0x35: {  	s10 =	sld [smem:$0x3FB1];
	_ =	sdelay $0x3  }
0x36: {  	p1 =	seq.s32 s10, $0x1;
	s10 =	sld [smem:$0x3FB2];
	_ =	sdelay $0x3  }
0x37: {  	[smem:$0x3FB2] =	sst s10  }
0x38: {  	s10 =	sld [smem:$0x3FB3]  }
0x39: {  	_ = 	snop;
	(pc) =	sbr.ind lr, $3  }
0x3a: {  	_ = 	snop  }
0x3b: {  	_ = 	snop  }
0x3c: {  	p2 =	seq.s32 s10, $0x1;
	s10 =	sld [smem:$0x3FB2]  }
0x3d: {  	_ =	shalt  }
0x3e: {  	_ =	shalt  }
0x3f: {  	_ =	shalt  }
0x40: {  	_ =	shalt  }
0x41: {  	_ =	shalt  }
0x42: {  	_ =	shalt  }
0x43: {  	_ =	shalt  }
0x44: {  	_ =	shalt  }
0x45: {  	_ =	shalt  }
0x46: {  	_ =	shalt  }
0x47: {  	_ =	shalt  }
0x48: {  	_ =	shalt  }
0x49: {  	_ =	shalt  }
0x4a: {  	_ =	shalt  }
0x4b: {  	_ =	shalt  }
0x4c: {  	_ =	shalt  }
0x4d: {  	_ =	shalt  }
0x4e: {  	_ =	shalt  }
0x4f: {  	_ =	shalt  }
0x50: {  	_ =	shalt  }
0x51: {  	_ =	shalt  }
0x52: {  	_ =	shalt  }
0x53: {  	_ =	shalt  }
0x54: {  	_ =	shalt  }
0x55: {  	_ =	shalt  }
0x56: {  	_ =	shalt  }
0x57: {  	_ =	shalt  }
0x58: {  	_ =	shalt  }
0x59: {  	_ =	shalt  }
0x5a: {  	_ =	shalt  }
0x5b: {  	_ =	shalt  }
0x5c: {  	_ =	shalt  }
0x5d: {  	_ =	shalt  }
0x5e: {  	_ =	shalt  }
0x5f: {  	_ =	shalt  }
0x60: {  	_ =	shalt  }
0x61: {  	_ =	shalt  }
0x62: {  	_ =	shalt  }
0x63: {  	_ =	shalt  }
0x64: {  	_ =	shalt  }
0x65: {  	_ =	shalt  }
0x66: {  	_ =	shalt  }
0x67: {  	_ =	shalt  }
0x68: {  	_ =	shalt  }
0x69: {  	_ =	shalt  }
0x6a: {  	_ =	shalt  }
0x6b: {  	_ =	shalt  }
0x6c: {  	_ =	shalt  }
0x6d: {  	_ =	shalt  }
0x6e: {  	_ =	shalt  }
0x6f: {  	_ =	shalt  }
0x70: {  	_ =	shalt  }
0x71: {  	_ =	shalt  }
0x72: {  	_ =	shalt  }
0x73: {  	_ =	shalt  }
0x74: {  	_ =	shalt  }
0x75: {  	_ =	shalt  }
0x76: {  	_ =	shalt  }
0x77: {  	_ =	shalt  }
0x78: {  	_ =	shalt  }
0x79: {  	_ =	shalt  }
0x7a: {  	_ =	shalt  }
0x7b: {  	_ =	shalt  }
0x7c: {  	_ =	shalt  }
0x7d: {  	_ =	shalt  }
0x7e: {  	_ =	shalt  }
0x7f: {  	_ =	shalt  }
0x80: {  	_ =	shalt  }
0x81: {  	_ =	shalt  }
0x82: {  	_ =	shalt  }
0x83: {  	_ =	shalt  }
0x84: {  	_ =	shalt  }
0x85: {  	_ =	shalt  }
0x86: {  	_ =	shalt  }
0x87: {  	_ =	shalt  }
.Lfunc_end0:
.L_simem_size_0:
called_computation.3_lowered:
.L_overlay_start_0:
0x88: {  	s2 =	sld [smem:$0x3FD9]  }
0x89: {  	s3 =	sld [smem:$0x3FFE];
	_ =	sdelay $0x1  }
0x8a: {  	s1 =	srdreg.scid  }
0x8b: {  	s0 =	sand.u32 $0x1, s1  }
0x8c: {  	s16 =	sshll.u32 s0, $0xA;
	s2 =	sadd.s32 s3, s2  }
0x8d: {  	s2 =	sadd.s32 s2, s16  }
0x8e: {  	[smem:$0x3FBE] =	sst s2  }
0x8f: {  	_ = 	snop  }
0x90: {  	(tm) =	ssettm $0x1  }
0x91: {  	s17 =	sld [smem:$0x3FFB];
	_ =	sdelay $0x3  }
0x92: {  	_ =	strace s17  }
0x93: {  	s2 =	sld [smem:$0x3FFC];
	_ =	sdelay $0x3  }
0x94: {  	_ =	strace s2  }
0x95: {  	s2 =	sld [smem:$0x3FFD];
	_ =	sdelay $0x3  }
0x96: {  	_ =	strace s2  }
0x97: {  	_ =	strace $0x8FFFFFFF  }
0x98: {  	s18 =	sld [smem:$0x3FDB];
	_ =	sdelay $0x1  }
0x99: {  	s19 =	simm.s32 $_scs_section_size  }
0x9a: {  	s4 =	simm.s32 $_size__tile_overlayer_lowered;
	s5 =	simm.s32 $_tile_overlayer_lowered  }
0x9b: {  	s22 =	simm.s32 $0x1BFF;
	s21 =	sshll.u32 s5, $0x1;
	s2 =	sadd.s32 s19, s18  }
0x9c: {  	s6 =	simm.s32 $0x0;
	s20 =	sshll.u32 s4, $0x1;
	s4 =	sadd.s32 s21, s2  }
0x9d: {  	[timem:s6], [sflag:s22] =	dma.local [hbm:s4], s20  }
0x9e: {  	_ =	swait.ge [sflag:s22], s20  }
0x9f: {  	s3 =	ssub.s32 $0x0, s20;
	[sflag:s22] =	ssyncset.done $0x0  }
0xa0: {  	[sflag:s22] =	ssyncadd.s32 s3;
	_ =	sdelay $0x1  }
0xa1: {  	s23 =	simm.s32 $0x1B8B  }
0xa2: {  	_ =	swait.ge [sflag:s23], $0x1  }
0xa3: {  	[sflag:s23] =	ssyncset.done $0x0  }
0xa4: {  	s25 =	simm.s32 $0x1B8E;
	s24 =	sld [smem:$0x3FFE];
	[sflag:s23] =	ssyncadd.s32 $0xFFFFFFFF  }
0xa5: {  	s26 =	simm.s32 $execute0_lowered;
	[smem:$0x3FD2] =	sst s25  }
0xa6: {  	s4 =	sshll.u32 s26, $0x1;
	_ =	strace $0x8000004F;
	[dreg:$0x1] =	wrdreg $0xFFFFFFFF  }
0xa7: {  	s28 =	simm.s32 $_size_execute0_lowered;
	s2 =	sadd.s32 s2, s4;
	[dreg:$0x0] =	wrdreg $0x0  }
0xa8: {  	s4 =	sshll.u32 s28, $0x1;
	[dreg:$0x2] =	wrdreg s2  }
0xa9: {  	[dreg:$0x3] =	wrdreg s4  }
0xaa: {  	[dreg:$0x4] =	wrdreg $0xC0  }
0xab: {  	_ =	task [dreg:s6], $0x5FFFF  }
0xac: {  	[dreg:$0x1] =	wrdreg $0xFFFFFFFF  }
0xad: {  	[dreg:$0x0] =	wrdreg $0x60  }
0xae: {  	[dreg:$0x2] =	wrdreg s24  }
0xaf: {  	[dreg:$0x3] =	wrdreg $0x9  }
0xb0: {  	_ =	task.clear_ibuf [dreg:s6], $0x4FFFF;
	_ =	strace $0x9000004F  }
0xb1: {  	s29 =	simm.s32 $0x9;
	_ =	strace $0x80000051  }
0xb2: {  	_ =	swait.ge [sflag:s29], $0x1  }
0xb3: {  	[sflag:s29] =	ssyncadd.s32 $0xFFFFFFFF  }
0xb4: {  	_ =	strace $0x90000051  }
0xb5: {  	_ =	sfence  }
0xb6: {  	s30 =	sld [smem:$0x0];
	_ =	sdelay $0x2  }
0xb7: {  	s31 =	sshll.u32 s1, $0xD;
	s1 =	sshrl.u32 s1, $0x2  }
0xb8: {  	s3 =	sand.u32 $0x4000, s31;
	s1 =	sadd.s32 s1, s30  }
0xb9: {  	s0 =	sor.u32 s3, s0;
	s1 =	sshll.u32 s1, $0x11  }
0xba: {  	s0 =	sor.u32 s1, s0  }
0xbb: {  	s0 =	sadd.s32 $0x8F2B, s0  }
0xbc: {  	[sflag:s0] =	ssyncadd.remote.s32 $0x1  }
0xbd: {  	_ =	sfence.sel $0xFFFF  }
0xbe: {  	[dreg:$0x0] =	wrdreg $0xFFFFFFFF;
	(pc) =	sbr.abs _section_cstart, $3  }
0xbf: {  	[dreg:$0x1] =	wrdreg $0xFFFFFFFF  }
0xc0: {  	_ =	task.clear_ibuf [dreg:s6], $0x2FFFF;
	_ =	strace $0x9FFFFFFF  }
0xc1: {  	(tm) =	ssettm $0x7FFFFFFF  }
tec
execute0_lowered:
.L_overlay_start_1:
0x0: {  	(tag) =	ssettag $0x1  }
0x1: {  	s5 =	rddreg [dreg:$0x0];
	s1 =	srdreg.scid  }
0x2: {  	s0 =	rddreg [dreg:$0x1];
	s2 =	simm.s32 $0x0;
	s11 =	simm.s32 $0x200  }
0x3: {  	s12 =	simm.s32 $0x2A00;
	s13 =	simm.s32 $0x80;
	s14 =	simm.s32 $0x5200  }
0x4: {  	s15 =	simm.s32 $0x180;
	s16 =	simm.s32 $0x7A00;
	s17 =	simm.s32 $0x1  }
0x5: {  	s18 =	simm.s32 $0x2;
	s21 =	simm.s32 $0x4;
	s22 =	simm.s32 $0x0  }
0x6: {  	s3 =	sand.u32 $0x1, s1;
	s1 =	stileid.u32;
	[smem:$0x7FF] =	sst s2  }
0x7: {  	s10 =	sadd.s32 $0x9CC00, s5;
	s20 =	sadd.s32 $0x3C6C00, s5;
	s6 =	smul.u32 $0x190000, s3  }
0x8: {  	s4 =	sshll.u32 s3, $0x4;
	s7 =	smul.u32 $0x19000, s1;
	_ =	strace $0x80000050  }
0x9: {  	s29 =	ssub.s32 $0x2, s3;
	s3 =	sadd.s32 $0x2A00, s5;
	s4 =	sor.u32 s1, s4  }
0xa: {  	s30 =	sshrl.u32 s29, $0x1;
	s8 =	smul.u32 $0x500, s4;
	s19 =	sadd.s32 s7, s6  }
0xb: {  	s6 =	ssub.s32 s29, s30;
	s7 =	simm.s32 $0x5;
	s9 =	sadd.s32 s19, s5  }
0xc: {  	s19 =	sadd.s32 s20, s19;
	s20 =	simm.s32 $0x3;
	s31 =	sadd.s32 s8, s5  }
0xd: {  	s5 =	smax.u32 s6, $0x1;
	s6 =	sadd.s32 $0xA6C00, s9;
	s8 =	sadd.s32 s8, s10  }
0xe: {  	s9 =	simm.s32 $0x100;
	s10 =	simm.s32 $0x50;
	s4 =	sadd.s32 $0x92C00, s31  }
.LBB2_1:
0xf: {  	s23 =	sadd.s32 $0x0, s4  }
0x10: {  	[tilespmem:s2], [sflag:$0x5] =	stream.linear.gather [hbm4b:s23+s2], $0x100, $0x38;
	[tilespmem:$0xA200] =	vst v63  }
0x11: {  	_ =	swait.ge [sflag:s7], $0x100  }
0x12: {  	[sflag:s7] =	ssyncset.done $0x0  }
0x13: {  	s29 =	sadd.s32 $0x0, s8;
	[sflag:s7] =	ssyncadd.s32 $0xFFFFFF00  }
0x14: {  	[tilespmem:s9], [sflag:$0x5] =	stream.linear.gather [hbm4b:s29+s2], $0x100, $0x38;
	[tilespmem:$0xA200] =	vst v63  }
0x15: {  	_ =	swait.ge [sflag:s7], $0x100  }
0x16: {  	[sflag:s7] =	ssyncset.done $0x0  }
0x17: {  	[sflag:s7] =	ssyncadd.s32 $0xFFFFFF00  }
0x18: {  	[tilespmem:s11], [sflag:$0x1] =	stream.indirect.gather [hbm4b:s3+s10], $0x80, s2, s10, $0xb8;
	[tilespmem:$0xA200] =	vst v63  }
0x19: {  	_ = 	snop  }
0x1a: {  	[tilespmem:s12], [sflag:$0x2] =	stream.indirect.gather [hbm4b:s3+s10], $0x80, s9, s10, $0xb8;
	[tilespmem:$0xA200] =	vst v63  }
0x1b: {  	_ = 	snop  }
0x1c: {  	[tilespmem:s14], [sflag:$0x3] =	stream.indirect.gather [hbm4b:s3+s10], $0x80, s13, s10, $0xb8;
	[tilespmem:$0xA200] =	vst v63  }
0x1d: {  	_ = 	snop  }
0x1e: {  	[tilespmem:s16], [sflag:$0x4] =	stream.indirect.gather [hbm4b:s3+s10], $0x80, s15, s10, $0xb8;
	[tilespmem:$0xA200] =	vst v63  }
0x1f: {  	_ =	swait.ge [sflag:s17], $0x2800  }
0x20: {  	[sflag:s17] =	ssyncset.done $0x0  }
0x21: {  	[sflag:s17] =	ssyncadd.s32 $0xFFFFD800  }
0x22: {  	_ =	swait.ge [sflag:s18], $0x2800  }
0x23: {  	[sflag:s18] =	ssyncset.done $0x0  }
0x24: {  	s30 =	sadd.s32 $0x0, s6;
	[sflag:s18] =	ssyncadd.s32 $0xFFFFD800  }
0x25: {  	[hbm4b:s30+s2] =	stream.linear.scatter [tilespmem:s11], [sflag:$0x1], $0x2800, $0x38;
	[tilespmem:$0xA200] =	vst v63  }
0x26: {  	s24 =	sadd.s32 $0x0, s19  }
0x27: {  	[hbm4b:s24+s2] =	stream.linear.scatter [tilespmem:s12], [sflag:$0x2], $0x2800, $0x38;
	[tilespmem:$0xA200] =	vst v63  }
0x28: {  	_ =	swait.ge [sflag:s20], $0x2800  }
0x29: {  	[sflag:s20] =	ssyncset.done $0x0  }
0x2a: {  	[sflag:s20] =	ssyncadd.s32 $0xFFFFD800  }
0x2b: {  	_ =	swait.ge [sflag:s21], $0x2800  }
0x2c: {  	[sflag:s21] =	ssyncset.done $0x0  }
0x2d: {  	s23 =	sadd.s32 $0x500, s30;
	[sflag:s21] =	ssyncadd.s32 $0xFFFFD800  }
0x2e: {  	[hbm4b:s23+s2] =	stream.linear.scatter [tilespmem:s14], [sflag:$0x3], $0x2800, $0x38;
	[tilespmem:$0xA200] =	vst v63  }
0x2f: {  	s31 =	sadd.s32 $0x500, s24  }
0x30: {  	[hbm4b:s31+s2] =	stream.linear.scatter [tilespmem:s16], [sflag:$0x4], $0x2800, $0x38;
	[tilespmem:$0xA200] =	vst v63  }
0x31: {  	_ =	swait.ge [sflag:s17], $0x2800  }
0x32: {  	[sflag:s17] =	ssyncset.done $0x0  }
0x33: {  	[sflag:s17] =	ssyncadd.s32 $0xFFFFD800  }
0x34: {  	_ =	swait.ge [sflag:s18], $0x2800  }
0x35: {  	[sflag:s18] =	ssyncset.done $0x0  }
0x36: {  	[sflag:s18] =	ssyncadd.s32 $0xFFFFD800  }
0x37: {  	_ =	swait.ge [sflag:s20], $0x2800  }
0x38: {  	[sflag:s20] =	ssyncset.done $0x0  }
0x39: {  	[sflag:s20] =	ssyncadd.s32 $0xFFFFD800  }
0x3a: {  	s25 =	simm.s32 $0x1400;
	_ =	swait.ge [sflag:s21], $0x2800  }
0x3b: {  	s24 =	simm.s32 $0x20;
	s23 =	simm.s32 $0xA00;
	[sflag:s21] =	ssyncset.done $0x0  }
.LBB2_2:
0x3c: {  	p0 =	sne.s32 s25, $0x18600;
	s26 =	sadd.s32 s24, s4;
	[sflag:s21] =	ssyncadd.s32 $0xFFFFD800  }
0x3d: {  	[tilespmem:s2], [sflag:$0x5] =	stream.linear.gather [hbm4b:s26+s2], $0x100, $0x38;
	[tilespmem:$0xA200] =	vst v63  }
0x3e: {  	s26 =	smov.u32 s25;
	s25 =	sadd.s32 $0xA00, s25;
	_ =	swait.ge [sflag:s7], $0x100  }
0x3f: {  	[sflag:s7] =	ssyncset.done $0x0  }
0x40: {  	s28 =	sadd.s32 s24, s8;
	[sflag:s7] =	ssyncadd.s32 $0xFFFFFF00  }
0x41: {  	[tilespmem:s9], [sflag:$0x5] =	stream.linear.gather [hbm4b:s28+s2], $0x100, $0x38;
	[tilespmem:$0xA200] =	vst v63  }
0x42: {  	_ =	swait.ge [sflag:s7], $0x100  }
0x43: {  	[sflag:s7] =	ssyncset.done $0x0  }
0x44: {  	[sflag:s7] =	ssyncadd.s32 $0xFFFFFF00  }
0x45: {  	[tilespmem:s11], [sflag:$0x1] =	stream.indirect.gather [hbm4b:s3+s10], $0x80, s2, s10, $0xb8;
	[tilespmem:$0xA200] =	vst v63  }
0x46: {  	_ = 	snop  }
0x47: {  	[tilespmem:s12], [sflag:$0x2] =	stream.indirect.gather [hbm4b:s3+s10], $0x80, s9, s10, $0xb8;
	[tilespmem:$0xA200] =	vst v63  }
0x48: {  	_ = 	snop  }
0x49: {  	[tilespmem:s14], [sflag:$0x3] =	stream.indirect.gather [hbm4b:s3+s10], $0x80, s13, s10, $0xb8;
	[tilespmem:$0xA200] =	vst v63  }
0x4a: {  	_ = 	snop  }
0x4b: {  	[tilespmem:s16], [sflag:$0x4] =	stream.indirect.gather [hbm4b:s3+s10], $0x80, s15, s10, $0xb8;
	[tilespmem:$0xA200] =	vst v63  }
0x4c: {  	_ =	swait.ge [sflag:s17], $0x2800  }
0x4d: {  	[sflag:s17] =	ssyncset.done $0x0  }
0x4e: {  	[sflag:s17] =	ssyncadd.s32 $0xFFFFD800  }
0x4f: {  	_ =	swait.ge [sflag:s18], $0x2800  }
0x50: {  	[sflag:s18] =	ssyncset.done $0x0  }
0x51: {  	s28 =	sadd.s32 s23, s6;
	[sflag:s18] =	ssyncadd.s32 $0xFFFFD800  }
0x52: {  	[hbm4b:s28+s2] =	stream.linear.scatter [tilespmem:s11], [sflag:$0x1], $0x2800, $0x38;
	[tilespmem:$0xA200] =	vst v63  }
0x53: {  	s29 =	sadd.s32 s23, s19;
	s23 =	smov.u32 s26  }
0x54: {  	[hbm4b:s29+s2] =	stream.linear.scatter [tilespmem:s12], [sflag:$0x2], $0x2800, $0x38;
	[tilespmem:$0xA200] =	vst v63  }
0x55: {  	_ =	swait.ge [sflag:s20], $0x2800  }
0x56: {  	[sflag:s20] =	ssyncset.done $0x0  }
0x57: {  	[sflag:s20] =	ssyncadd.s32 $0xFFFFD800  }
0x58: {  	_ =	swait.ge [sflag:s21], $0x2800  }
0x59: {  	[sflag:s21] =	ssyncset.done $0x0  }
0x5a: {  	s26 =	sadd.s32 $0x500, s28;
	[sflag:s21] =	ssyncadd.s32 $0xFFFFD800  }
0x5b: {  	[hbm4b:s26+s2] =	stream.linear.scatter [tilespmem:s14], [sflag:$0x3], $0x2800, $0x38;
	[tilespmem:$0xA200] =	vst v63  }
0x5c: {  	s26 =	sadd.s32 $0x500, s29  }
0x5d: {  	[hbm4b:s26+s2] =	stream.linear.scatter [tilespmem:s16], [sflag:$0x4], $0x2800, $0x38;
	[tilespmem:$0xA200] =	vst v63  }
0x5e: {  	_ =	swait.ge [sflag:s17], $0x2800  }
0x5f: {  	[sflag:s17] =	ssyncset.done $0x0  }
0x60: {  	[sflag:s17] =	ssyncadd.s32 $0xFFFFD800  }
0x61: {  	_ =	swait.ge [sflag:s18], $0x2800  }
0x62: {  	[sflag:s18] =	ssyncset.done $0x0  }
0x63: {  	[sflag:s18] =	ssyncadd.s32 $0xFFFFD800  }
.Ltmp0:
0x64: {  	_ =	swait.ge [sflag:s20], $0x2800;
	(pc) =	sbr.rel @p0 .LBB2_2-.Ltmp0, $4  }
0x65: {  	[sflag:s20] =	ssyncset.done $0x0  }
0x66: {  	[sflag:s20] =	ssyncadd.s32 $0xFFFFD800  }
0x67: {  	_ =	swait.ge [sflag:s21], $0x2800  }
0x68: {  	s24 =	sadd.s32 $0x20, s24;
	[sflag:s21] =	ssyncset.done $0x0  }
0x69: {  	s25 =	sadd.s32 s24, s4;
	[sflag:s21] =	ssyncadd.s32 $0xFFFFD800  }
0x6a: {  	[tilespmem:s2], [sflag:$0x5] =	stream.linear.gather [hbm4b:s25+s2], $0x100, $0x38;
	[tilespmem:$0xA200] =	vst v63  }
0x6b: {  	_ =	swait.ge [sflag:s7], $0x100  }
0x6c: {  	[sflag:s7] =	ssyncset.done $0x0  }
0x6d: {  	s29 =	sadd.s32 s24, s8;
	[sflag:s7] =	ssyncadd.s32 $0xFFFFFF00  }
0x6e: {  	[tilespmem:s9], [sflag:$0x5] =	stream.linear.gather [hbm4b:s29+s2], $0x100, $0x38;
	[tilespmem:$0xA200] =	vst v63  }
0x6f: {  	_ =	swait.ge [sflag:s7], $0x100  }
0x70: {  	[sflag:s7] =	ssyncset.done $0x0  }
0x71: {  	[sflag:s7] =	ssyncadd.s32 $0xFFFFFF00  }
0x72: {  	[tilespmem:s11], [sflag:$0x1] =	stream.indirect.gather [hbm4b:s3+s10], $0x80, s2, s10, $0xb8;
	[tilespmem:$0xA200] =	vst v63  }
0x73: {  	_ = 	snop  }
0x74: {  	[tilespmem:s12], [sflag:$0x2] =	stream.indirect.gather [hbm4b:s3+s10], $0x80, s9, s10, $0xb8;
	[tilespmem:$0xA200] =	vst v63  }
0x75: {  	_ = 	snop  }
0x76: {  	[tilespmem:s14], [sflag:$0x3] =	stream.indirect.gather [hbm4b:s3+s10], $0x80, s13, s10, $0xb8;
	[tilespmem:$0xA200] =	vst v63  }
0x77: {  	_ = 	snop  }
0x78: {  	[tilespmem:s16], [sflag:$0x4] =	stream.indirect.gather [hbm4b:s3+s10], $0x80, s15, s10, $0xb8;
	[tilespmem:$0xA200] =	vst v63  }
0x79: {  	_ =	swait.ge [sflag:s17], $0x2800  }
0x7a: {  	[sflag:s17] =	ssyncset.done $0x0  }
0x7b: {  	[sflag:s17] =	ssyncadd.s32 $0xFFFFD800  }
0x7c: {  	_ =	swait.ge [sflag:s18], $0x2800  }
0x7d: {  	[sflag:s18] =	ssyncset.done $0x0  }
0x7e: {  	s30 =	sadd.s32 s23, s6;
	[sflag:s18] =	ssyncadd.s32 $0xFFFFD800  }
0x7f: {  	[hbm4b:s30+s2] =	stream.linear.scatter [tilespmem:s11], [sflag:$0x1], $0x2800, $0x38;
	[tilespmem:$0xA200] =	vst v63  }
0x80: {  	s31 =	sadd.s32 s23, s19  }
0x81: {  	[hbm4b:s31+s2] =	stream.linear.scatter [tilespmem:s12], [sflag:$0x2], $0x2800, $0x38;
	[tilespmem:$0xA200] =	vst v63  }
0x82: {  	_ =	swait.ge [sflag:s20], $0x2800  }
0x83: {  	[sflag:s20] =	ssyncset.done $0x0  }
0x84: {  	[sflag:s20] =	ssyncadd.s32 $0xFFFFD800  }
0x85: {  	_ =	swait.ge [sflag:s21], $0x2800  }
0x86: {  	[sflag:s21] =	ssyncset.done $0x0  }
0x87: {  	s24 =	sadd.s32 $0x500, s30;
	[sflag:s21] =	ssyncadd.s32 $0xFFFFD800  }
0x88: {  	[hbm4b:s24+s2] =	stream.linear.scatter [tilespmem:s14], [sflag:$0x3], $0x2800, $0x38;
	[tilespmem:$0xA200] =	vst v63  }
0x89: {  	s23 =	sadd.s32 $0x500, s31  }
0x8a: {  	[hbm4b:s23+s2] =	stream.linear.scatter [tilespmem:s16], [sflag:$0x4], $0x2800, $0x38;
	[tilespmem:$0xA200] =	vst v63  }
0x8b: {  	_ =	swait.ge [sflag:s17], $0x2800  }
0x8c: {  	[sflag:s17] =	ssyncset.done $0x0  }
0x8d: {  	[sflag:s17] =	ssyncadd.s32 $0xFFFFD800  }
0x8e: {  	_ =	swait.ge [sflag:s18], $0x2800  }
0x8f: {  	[sflag:s18] =	ssyncset.done $0x0  }
0x90: {  	s22 =	sadd.s32 $0x1, s22;
	[sflag:s18] =	ssyncadd.s32 $0xFFFFD800  }
0x91: {  	p0 =	sne.s32 s22, s5;
	_ =	swait.ge [sflag:s20], $0x2800  }
.Ltmp1:
0x92: {  	[sflag:s20] =	ssyncset.done $0x0;
	(pc) =	sbr.rel @p0 .LBB2_1-.Ltmp1, $4  }
0x93: {  	[sflag:s20] =	ssyncadd.s32 $0xFFFFD800  }
0x94: {  	_ =	swait.ge [sflag:s21], $0x2800  }
0x95: {  	[sflag:s21] =	ssyncset.done $0x0  }
0x96: {  	[sflag:s21] =	ssyncadd.s32 $0xFFFFD800  }
0x97: {  	_ =	sfence.sel $0x180000  }
0x98: {  	[bflag:$0x0] =	sbarrier.arrive $0xFFFF  }
0x99: {  	p0 =	sne.s32 s1, $0x0;
	_ =	strace $0x90000050  }
0x9a: {  	s0 =	sadd.s32 @!p0 $0x100000, s0;
	[bflag:$0x2] =	sbarrier.arrive $0xFFFF  }
0x9b: {  	[sflag:s0] =	ssyncadd.tile.s32 @!p0 $0x1;
	_ =	shalt  }
.Lfunc_end2:
_tile_overlayer_lowered:
.L_overlay_start_2:
0x9c: {  	(tag) =	ssettag $0x2  }
0x9d: {  	s0 =	rddreg [dreg:$0x0];
	s2 =	stileid.u32  }
0x9e: {  	s1 =	rddreg [dreg:$0x1];
	p0 =	sne.s32 s2, $0x0  }
0x9f: {  	s3 =	rddreg [dreg:$0x2];
	[bflag:$0x3] =	sbarrier.arrive $0xFFFF;
	s2 =	simm.s32 @!p0 $0x1C05  }
0xa0: {  	[timem:s3], [sflag:s2] =	dma.local @!p0 [hbm:s0], s1  }
0xa1: {  	s0 =	simm.s32 @!p0 $0x5  }
0xa2: {  	_ =	swait.ge @!p0 [sflag:s0], s1  }
0xa3: {  	s1 =	ssub.s32 @!p0 $0x0, s1;
	[sflag:s0] =	ssyncset.done @!p0 $0x0  }
0xa4: {  	[sflag:s0] =	ssyncadd.s32 @!p0 s1  }
0xa5: {  	[bflag:$0x3] =	sbarrier.arrive $0xFFFF  }
0xa6: {  	_ =	shalt  }

</sc_bundles>
